<compile_context>
chip_gen: v7x
topology: tpu7x:2x2x1
jax: 0.10.2.dev20260603
libtpu: 0.0.44.dev20260713+nightly
codegen_flags: <defaults>
</compile_context>

<pallas_src>
import functools

import jax
import jax.numpy as jnp
from jax import lax
from jax.experimental import pallas as pl
from jax.experimental.pallas import tpu as pltpu
from jax.experimental.pallas import tpu_sc as plsc

N = 10000
E = 160000
F_IN = 256
H = 4
C = 256
G = 64

NP = 10240
NB = NP // 512
EP = 172032
EB = EP // 128
NW = 32
EPW = EP // NW
NBW = EPW // 128
DUMMY = NP
NR = 10368
RPT = NR // 16


def _mm1_body(x_ref, w_ref, a2_ref, hc_ref, asad_ref, amax_ref):
    nb, c = pl.program_id(0), pl.program_id(1)
    hblk = jnp.dot(x_ref[...], w_ref[...], preferred_element_type=jnp.float32)
    hc_ref[0] = hblk
    apart = jnp.dot(hblk, a2_ref[0], preferred_element_type=jnp.float32,
                    precision=lax.Precision.HIGHEST)

    @pl.when(c == 0)
    def _():
        asad_ref[...] = apart

    @pl.when(c > 0)
    def _():
        asad_ref[...] += apart

    @pl.when(c == 7)
    def _():
        bm = jnp.max(asad_ref[...], axis=0, keepdims=True)

        @pl.when(nb == 0)
        def _():
            amax_ref[...] = bm

        @pl.when(nb > 0)
        def _():
            amax_ref[...] = jnp.maximum(amax_ref[...], bm)


def _mm1(x_p, w, a2c):
    return pl.pallas_call(
        _mm1_body,
        grid=(NB, 8),
        in_specs=[
            pl.BlockSpec((512, F_IN), lambda nb, c: (nb, 0)),
            pl.BlockSpec((F_IN, 128), lambda nb, c: (0, c)),
            pl.BlockSpec((1, 128, 8), lambda nb, c: (c, 0, 0)),
        ],
        out_specs=[
            pl.BlockSpec((1, 512, 128), lambda nb, c: (c, nb, 0)),
            pl.BlockSpec((512, 8), lambda nb, c: (nb, 0)),
            pl.BlockSpec((1, 8), lambda nb, c: (0, 0)),
        ],
        out_shape=[
            jax.ShapeDtypeStruct((8, NP, 128), jnp.float32),
            jax.ShapeDtypeStruct((NP, 8), jnp.float32),
            jax.ShapeDtypeStruct((1, 8), jnp.float32),
        ],
    )(x_p, w, a2c)


def _rden_body(denp_ref, out_ref):
    den = denp_ref[0, :, :4] + denp_ref[1, :, :4]
    out_ref[...] = 1.0 / (den + 1e-16)


def _rden(denp):
    return pl.pallas_call(
        _rden_body,
        grid=(1,),
        in_specs=[pl.BlockSpec((2, NP, 16), lambda i: (0, 0, 0))],
        out_specs=pl.BlockSpec((NP, 4), lambda i: (0, 0)),
        out_shape=jax.ShapeDtypeStruct((NP, 4), jnp.float32),
    )(denp)


def _sel_col(rd4, kc):
    acc = rd4[:, 0:1] * (kc // 2 == 0).astype(jnp.float32)
    for j in range(1, 4):
        acc += rd4[:, j:j + 1] * (kc // 2 == j).astype(jnp.float32)
    return acc


def _mm2_body(hp_ref, rd_ref, b_ref, w_ref, a2_ref, h_ref, asad_ref, amax_ref):
    nb, kc = pl.program_id(0), pl.program_id(1)
    agg = hp_ref[0]
    x2 = jnp.maximum(agg * _sel_col(rd_ref[...], kc) + b_ref[0], 0.0)
    hpart = jnp.dot(x2, w_ref[0], preferred_element_type=jnp.float32)

    @pl.when(kc == 0)
    def _():
        h_ref[...] = hpart

    @pl.when(kc > 0)
    def _():
        h_ref[...] += hpart

    @pl.when(kc == 7)
    def _():
        asad = jnp.dot(h_ref[...], a2_ref[...], preferred_element_type=jnp.float32,
                       precision=lax.Precision.HIGHEST)
        asad_ref[...] = asad
        bm = jnp.max(asad, axis=0, keepdims=True)

        @pl.when(nb == 0)
        def _():
            amax_ref[...] = bm

        @pl.when(nb > 0)
        def _():
            amax_ref[...] = jnp.maximum(amax_ref[...], bm)


def _mm2(hp, rd4, b1c, w2c, a2_2):
    return pl.pallas_call(
        _mm2_body,
        grid=(NB, 8),
        in_specs=[
            pl.BlockSpec((1, 512, 128), lambda nb, kc: (kc, nb, 0)),
            pl.BlockSpec((512, 4), lambda nb, kc: (nb, 0)),
            pl.BlockSpec((1, 1, 128), lambda nb, kc: (kc, 0, 0)),
            pl.BlockSpec((1, 128, 1024), lambda nb, kc: (kc, 0, 0)),
            pl.BlockSpec((1024, 8), lambda nb, kc: (0, 0)),
        ],
        out_specs=[
            pl.BlockSpec((512, 1024), lambda nb, kc: (nb, 0)),
            pl.BlockSpec((512, 8), lambda nb, kc: (nb, 0)),
            pl.BlockSpec((1, 8), lambda nb, kc: (0, 0)),
        ],
        out_shape=[
            jax.ShapeDtypeStruct((NP, 1024), jnp.float32),
            jax.ShapeDtypeStruct((NP, 8), jnp.float32),
            jax.ShapeDtypeStruct((1, 8), jnp.float32),
        ],
    )(hp, rd4, b1c, w2c, a2_2)


def _relayout_body(h_ref, hc_ref):
    hc_ref[0] = h_ref[...]


def _relayout(h):
    return pl.pallas_call(
        _relayout_body,
        grid=(NB, 8),
        in_specs=[pl.BlockSpec((512, 128), lambda nb, c: (nb, c))],
        out_specs=pl.BlockSpec((1, 512, 128), lambda nb, c: (c, nb, 0)),
        out_shape=jax.ShapeDtypeStruct((8, NP, 128), jnp.float32),
    )(h)


def _unlayout_body(hc_ref, h_ref):
    h_ref[...] = hc_ref[0]


def _unlayout(hc):
    return pl.pallas_call(
        _unlayout_body,
        grid=(NB, 8),
        in_specs=[pl.BlockSpec((1, 512, 128), lambda nb, c: (c, nb, 0))],
        out_specs=pl.BlockSpec((512, 128), lambda nb, c: (nb, c)),
        out_shape=jax.ShapeDtypeStruct((NP, 1024), jnp.float32),
    )(hc)


def _pool_body(hp_ref, rd_ref, b_ref, batch_ref, g_ref):
    kc, nb = pl.program_id(0), pl.program_id(1)
    agg = hp_ref[0]
    x2 = jnp.maximum(agg * _sel_col(rd_ref[...], kc) + b_ref[0], 0.0)
    brow = batch_ref[...]
    oh = (lax.broadcasted_iota(jnp.int32, (G, 512), 0)
          == jnp.broadcast_to(brow, (G, 512))).astype(jnp.float32)
    gpart = jnp.dot(oh, x2, preferred_element_type=jnp.float32, precision=lax.Precision.HIGHEST)

    @pl.when(nb == 0)
    def _():
        g_ref[...] = gpart

    @pl.when(nb > 0)
    def _():
        g_ref[...] += gpart


def _pool(hp2, rd4, b2c, batch2d):
    return pl.pallas_call(
        _pool_body,
        grid=(8, NB),
        in_specs=[
            pl.BlockSpec((1, 512, 128), lambda kc, nb: (kc, nb, 0)),
            pl.BlockSpec((512, 4), lambda kc, nb: (nb, 0)),
            pl.BlockSpec((1, 1, 128), lambda kc, nb: (kc, 0, 0)),
            pl.BlockSpec((1, 512), lambda kc, nb: (0, nb)),
        ],
        out_specs=pl.BlockSpec((G, 128), lambda kc, nb: (0, kc)),
        out_shape=jax.ShapeDtypeStruct((G, 1024), jnp.float32),
    )(hp2, rd4, b2c, batch2d)


def _bn_in_kernel(x, g, b):
    m = jnp.mean(x, axis=0, keepdims=True)
    xm = x - m
    v = jnp.mean(xm * xm, axis=0, keepdims=True)
    return xm / jnp.sqrt(v + 1e-5) * g + b


def _mlp_body(g_ref, fc1w_ref, fc1b_ref, bn1g_ref, bn1b_ref, fc2w_ref,
              fc2b_ref, bn2g_ref, bn2b_ref, outw_ref, outb_ref, out_ref):
    g1 = jnp.dot(g_ref[...], fc1w_ref[...], preferred_element_type=jnp.float32)
    g1 = _bn_in_kernel(g1 + fc1b_ref[...], bn1g_ref[...], bn1b_ref[...])
    g1 = jnp.maximum(g1, 0.0)
    g2 = jnp.dot(g1, fc2w_ref[...], preferred_element_type=jnp.float32)
    g2 = _bn_in_kernel(g2 + fc2b_ref[...], bn2g_ref[...], bn2b_ref[...])
    g2 = jnp.maximum(g2, 0.0)
    out_ref[...] = (jnp.dot(g2, outw_ref[...], preferred_element_type=jnp.float32)
                    + outb_ref[...])


def _mlp(g, fc1_w, fc1_b, bn1_g, bn1_b, fc2_w, fc2_b, bn2_g, bn2_b, outw_p, out_b):
    return pl.pallas_call(
        _mlp_body,
        out_shape=jax.ShapeDtypeStruct((G, 128), jnp.float32),
    )(g, fc1_w, fc1_b.reshape(1, 128), bn1_g.reshape(1, 128),
      bn1_b.reshape(1, 128), fc2_w, fc2_b.reshape(1, 64),
      bn2_g.reshape(1, 64), bn2_b.reshape(1, 64), outw_p,
      out_b.reshape(1, 1))


def _sc_attn(srcb, dstb, pairA, pairB, amax_splat):
    mesh = plsc.VectorSubcoreMesh(core_axis_name="c", subcore_axis_name="s")

    @functools.partial(
        pl.kernel,
        out_type=[jax.ShapeDtypeStruct((NW, 192, 128), jnp.float32),
                  jax.ShapeDtypeStruct((2 * NR * 16,), jnp.float32)],
        mesh=mesh,
        compiler_params=pltpu.CompilerParams(needs_layout_passes=False),
        scratch_types=[
            pltpu.VMEM(((NP + 8) * 4,), jnp.float32),
            pltpu.VMEM((4, 16), jnp.float32),
            pltpu.VMEM((NBW, 128), jnp.int32),
            pltpu.VMEM((NBW, 128), jnp.int32),
            pltpu.VMEM((48, 128), jnp.float32),
            pltpu.VMEM((48, 128), jnp.float32),
            pltpu.VMEM((48, 128), jnp.float32),
            pltpu.VMEM((48, 128), jnp.float32),
            pltpu.VMEM((128, 16), jnp.float32),
            pltpu.VMEM((2048,), jnp.float32),
            pltpu.VMEM_SHARED((NR, 16), jnp.float32),
        ],
    )
    def k(src_hbm, dst_hbm, pairA_hbm, pairB_hbm, amax_hbm, p_hbm, denp_hbm,
          asad_v, amax_v, src_v, dst_v, p0_v, p1_v, p2_v, p3_v, prow_v,
          den1d_v, den_sh):
        pbufs = [p0_v, p1_v, p2_v, p3_v]
        pair_hbm = [pairA_hbm, pairB_hbm]
        cid = lax.axis_index("c")
        sid = lax.axis_index("s")
        wid = cid * 16 + sid

        def zp(i, _):
            prow_v[i] = jnp.zeros((16,), jnp.float32)
            return 0
        lax.fori_loop(0, 128, zp, 0)

        for z in range(5):
            pltpu.sync_copy(prow_v, den_sh.at[pl.ds(sid * RPT + z * 128, 128)])
        pltpu.sync_copy(prow_v.at[pl.ds(0, 8)], den_sh.at[pl.ds(sid * RPT + 640, 8)])
        pltpu.sync_copy(amax_hbm, amax_v)
        pltpu.sync_copy(src_hbm.at[wid], src_v)
        pltpu.sync_copy(dst_hbm.at[wid], dst_v)
        plsc.subcore_barrier()

        gm = [amax_v[hh] for hh in range(4)]

        for hp in range(2):
            pltpu.sync_copy(pair_hbm[hp], asad_v)
            if hp == 1:
                def zp2(i, _):
                    prow_v[i] = jnp.zeros((16,), jnp.float32)
                    return 0
                lax.fori_loop(0, 128, zp2, 0)

            def body(bi, _):
                for g in range(8):
                    sidx = src_v[bi, pl.ds(g * 16, 16)]
                    didx = dst_v[bi, pl.ds(g * 16, 16)]
                    ridx = jnp.full((16,), g * 16, jnp.int32) + lax.iota(jnp.int32, 16)
                    sidx4 = sidx * 4
                    didx4 = didx * 4
                    for hl in range(2):
                        hh = 2 * hp + hl
                        a_s = plsc.load_gather(asad_v, [sidx4 + hl])
                        a_d = plsc.load_gather(asad_v, [didx4 + 2 + hl])
                        e = a_s + a_d
                        e = jnp.where(e > 0.0, e, 0.2 * e)
                        t = a_d + gm[hh]
                        m = jnp.where(t > 0.0, t, 0.2 * t)
                        p = jnp.exp(e - m)
                        pbufs[hh][bi, pl.ds(g * 16, 16)] = p
                        plsc.store_scatter(prow_v, [ridx, jnp.full((16,), hh, jnp.int32)], p)
                return 0
            lax.fori_loop(0, NBW, body, 0)
            for hl in range(2):
                hh = 2 * hp + hl
                pltpu.sync_copy(pbufs[hh], p_hbm.at[wid, pl.ds(hh * 48, 48)])
        plsc.subcore_barrier()
        for z in range(5):
            pltpu.sync_copy(den_sh.at[pl.ds(sid * RPT + z * 128, 128)], prow_v)

            def repack(i, _):
                den1d_v[pl.ds(i * 16, 16)] = prow_v[i]
                return 0
            lax.fori_loop(0, 128, repack, 0)
            pltpu.sync_copy(
                den1d_v,
                denp_hbm.at[pl.ds(cid * NR * 16 + (sid * RPT + z * 128) * 16, 2048)])
        pltpu.sync_copy(den_sh.at[pl.ds(sid * RPT + 640, 8)], prow_v.at[pl.ds(0, 8)])

        def repack8(i, _):
            den1d_v[pl.ds(i * 16, 16)] = prow_v[i]
            return 0
        lax.fori_loop(0, 8, repack8, 0)
        pltpu.sync_copy(
            den1d_v.at[pl.ds(0, 128)],
            denp_hbm.at[pl.ds(cid * NR * 16 + (sid * RPT + 640) * 16, 128)])

    return k(srcb, dstb, pairA, pairB, amax_splat)


def _sc_agg(srcb, dstb, pb, hc):
    mesh = plsc.VectorSubcoreMesh(core_axis_name="c", subcore_axis_name="s")

    @functools.partial(
        pl.kernel,
        out_type=jax.ShapeDtypeStruct((2, 8, NR, 128), jnp.float32),
        mesh=mesh,
        compiler_params=pltpu.CompilerParams(needs_layout_passes=False),
        scratch_types=[
            pltpu.VMEM((NBW, 128), jnp.int32),
            pltpu.VMEM((NBW, 128), jnp.int32),
            pltpu.VMEM((48, 128), jnp.float32),
            pltpu.VMEM((128, 128), jnp.float32),
            pltpu.VMEM((64, 128), jnp.float32),
            pltpu.VMEM_SHARED((NR, 128), jnp.float32),
            pltpu.SemaphoreType.DMA,
        ],
    )
    def k(src_hbm, dst_hbm, p_hbm, h0, h1, h2, h3, h4, h5, h6, h7, out_hbm,
          src_v, dst_v, p_v, rows_v, zero_v, acc_sh, sem):
        htabs = [h0, h1, h2, h3, h4, h5, h6, h7]
        cid = lax.axis_index("c")
        sid = lax.axis_index("s")
        wid = cid * 16 + sid

        def zb(i, _):
            for kk in range(8):
                zero_v[i, pl.ds(kk * 16, 16)] = jnp.zeros((16,), jnp.float32)
            return 0
        lax.fori_loop(0, 64, zb, 0)
        pltpu.sync_copy(src_hbm.at[wid], src_v)
        pltpu.sync_copy(dst_hbm.at[wid], dst_v)

        for j in range(8):
            for z in range(10):
                pltpu.sync_copy(zero_v, acc_sh.at[pl.ds(sid * RPT + z * 64, 64)])
            pltpu.sync_copy(zero_v.at[pl.ds(0, 8)], acc_sh.at[pl.ds(sid * RPT + 640, 8)])
            if j % 2 == 0:
                pltpu.sync_copy(p_hbm.at[wid, pl.ds((j // 2) * 48, 48)], p_v)
            plsc.subcore_barrier()

            def body(bi, _):
                pltpu.async_copy(htabs[j].at[src_v.at[bi]], rows_v, sem).wait()

                def mul(i, _):
                    pv = plsc.load_gather(
                        p_v, [jnp.full((16,), bi, jnp.int32),
                              jnp.full((16,), i, jnp.int32)])
                    for kk in range(8):
                        rows_v[i, pl.ds(kk * 16, 16)] = rows_v[i, pl.ds(kk * 16, 16)] * pv
                    return 0
                lax.fori_loop(0, 128, mul, 0)
                for g in range(8):
                    didx = dst_v[bi, pl.ds(g * 16, 16)]
                    pltpu.sync_copy(rows_v.at[pl.ds(g * 16, 16)],
                                    acc_sh.at[didx], add=True)
                return 0
            lax.fori_loop(0, NBW, body, 0)
            plsc.subcore_barrier()
            for z in range(5):
                pltpu.sync_copy(acc_sh.at[pl.ds(sid * RPT + z * 128, 128)], rows_v)
                pltpu.sync_copy(rows_v, out_hbm.at[cid, j, pl.ds(sid * RPT + z * 128, 128)])
            pltpu.sync_copy(acc_sh.at[pl.ds(sid * RPT + 640, 8)], rows_v.at[pl.ds(0, 8)])
            pltpu.sync_copy(rows_v.at[pl.ds(0, 8)], out_hbm.at[cid, j, pl.ds(sid * RPT + 640, 8)])

    return k(srcb, dstb, pb, hc[0], hc[1], hc[2], hc[3], hc[4], hc[5],
             hc[6], hc[7])


def _edge_phase_jnp(srcb, dstb, asad, amax):
    src = srcb.reshape(EP)
    dst = dstb.reshape(EP)
    a_s = asad[src, :4]
    a_d = asad[dst, 4:]
    e = a_s + a_d
    e = jnp.where(e > 0, e, 0.2 * e)
    t = a_d + amax[0, :4]
    m = jnp.where(t > 0, t, 0.2 * t)
    p = jnp.exp(e - m)
    half = jnp.repeat(jnp.arange(2, dtype=jnp.int32), EP // 2)
    prow = jnp.pad(p, ((0, 0), (0, 12)))
    denp = jnp.zeros((2, NR, 16), jnp.float32)
    denp = denp.at[half, dst].add(prow)
    pb = p.T.reshape(4, EB, 128)
    return pb, denp


def _denp_jnp(dstb, pb):
    dst = dstb.reshape(EP)
    p = pb.reshape(NW, 4, 48, 128)[:, :, :NBW, :].reshape(NW, 4, EPW)
    p = p.transpose(1, 0, 2).reshape(4, EP)
    half = jnp.repeat(jnp.arange(2, dtype=jnp.int32), EP // 2)
    prow = jnp.pad(p.T, ((0, 0), (0, 12)))
    denp = jnp.zeros((2, NR, 16), jnp.float32)
    return denp.at[half, dst].add(prow)


def _agg_phase_jnp(srcb, dstb, pb, h):
    src = srcb.reshape(EP)
    dst = dstb.reshape(EP)
    p = pb.reshape(4, EP)
    pe = jnp.repeat(p.T, 256, axis=1)
    agg = jax.ops.segment_sum(h[src] * pe, dst, num_segments=NR)
    return agg[:NP]


def kernel(x, edge_index, batch, W1, att_src1, att_dst1, b1, W2, att_src2,
           att_dst2, b2, fc1_w, fc1_b, bn1_g, bn1_b, fc2_w, fc2_b, bn2_g,
           bn2_b, out_w, out_b):
    f32 = jnp.float32
    loop = jnp.arange(N, dtype=jnp.int32)
    src = jnp.concatenate([edge_index[0], loop])
    dst = jnp.concatenate([edge_index[1], loop])
    srcb = jnp.pad(src, (0, EP - E - N)).reshape(NW, NBW, 128)
    dstb = jnp.pad(dst, (0, EP - E - N), constant_values=DUMMY).reshape(NW, NBW, 128)
    x_p = jnp.pad(x, ((0, NP - N), (0, 0)))
    batch2d = jnp.pad(batch, (0, NP - N), constant_values=G).reshape(1, NP)

    def att_mat(att_s, att_d):
        a2 = jnp.zeros((H * C, 2 * H), f32)
        for hh in range(H):
            a2 = a2.at[hh * C:(hh + 1) * C, hh].set(att_s[0, hh])
            a2 = a2.at[hh * C:(hh + 1) * C, H + hh].set(att_d[0, hh])
        return a2

    a2c1 = att_mat(att_src1, att_dst1).reshape(8, 128, 8)
    a2_2 = att_mat(att_src2, att_dst2)
    w2c = W2.reshape(8, 128, 1024)
    b1c = b1.reshape(8, 1, 128)
    b2c = b2.reshape(8, 1, 128)
    outw_p = jnp.pad(out_w, ((0, 0), (0, 127)))

    hc1, asad1, amax1 = _mm1(x_p, W1, a2c1)
    h1full = _unlayout(hc1)
    p1, denp1 = _edge_phase_jnp(srcb, dstb, asad1, amax1)
    rd1 = _rden(denp1)
    hp1 = _relayout(_agg_phase_jnp(srcb, dstb, p1, h1full))

    h2, asad2, amax2 = _mm2(hp1, rd1, b1c, w2c, a2_2)
    hc2 = _relayout(h2)
    p2, denp2 = _edge_phase_jnp(srcb, dstb, asad2, amax2)
    rd2 = _rden(denp2)
    hp2 = _relayout(_agg_phase_jnp(srcb, dstb, p2, h2))

    g = _pool(hp2, rd2, b2c, batch2d)
    out = _mlp(g, fc1_w, fc1_b, bn1_g, bn1_b, fc2_w, fc2_b, bn2_g, bn2_b,
               outw_p, out_b)
    return out[:, :1]

# --- scband reference (transcript-rebuilt; emitter-appended) ---
"""Pipeline reference for scband-gatregression-2903397892408 (READ-ONLY COPY).

The authoritative reference and input builder live on the scoring server;
editing this copy changes nothing except your own understanding.
"""

import jax, jax.numpy as jnp
import numpy as np

N = 10000
E = 160000
F_IN = 256
H = 4
C = 256
G = 64


def _gat_conv(x, src, dst, W, att_src, att_dst, bias):
    # PyG-style GATConv (shared lin for src/dst, add self-loops done by caller)
    n = x.shape[0]
    h = (x @ W).reshape(n, H, C)
    a_s = jnp.sum(h * att_src, axis=-1)  # [N, H]
    a_d = jnp.sum(h * att_dst, axis=-1)  # [N, H]
    e = a_s[src] + a_d[dst]              # [E, H]
    e = jnp.where(e > 0, e, 0.2 * e)     # leaky_relu(0.2)
    emax = jax.ops.segment_max(e, dst, num_segments=n)
    e = jnp.exp(e - emax[dst])
    denom = jax.ops.segment_sum(e, dst, num_segments=n)
    alpha = e / (denom[dst] + 1e-16)
    out = jax.ops.segment_sum(alpha[:, :, None] * h[src], dst, num_segments=n)
    return out.reshape(n, H * C) + bias


def _bn(x, g, b):
    m = jnp.mean(x, axis=0)
    v = jnp.var(x, axis=0)
    return (x - m) / jnp.sqrt(v + 1e-5) * g + b


def setup_inputs(seed: int = 0) -> dict:
    key = jax.random.key(seed)
    ks = jax.random.split(key, 32)
    inp = {}
    inp['x'] = jax.random.normal(ks[0], (N, F_IN), dtype=jnp.float32)
    inp['edge_index'] = jax.random.randint(ks[1], (2, E), 0, N, dtype=jnp.int32)
    inp['batch'] = jnp.sort(jax.random.randint(ks[2], (N,), 0, G, dtype=jnp.int32))
    inp['W1'] = jax.random.normal(ks[3], (F_IN, H * C), dtype=jnp.float32) / float(np.sqrt(F_IN))
    inp['att_src1'] = jax.random.normal(ks[4], (1, H, C), dtype=jnp.float32) / float(np.sqrt(C))
    inp['att_dst1'] = jax.random.normal(ks[5], (1, H, C), dtype=jnp.float32) / float(np.sqrt(C))
    inp['b1'] = jnp.zeros((H * C,), dtype=jnp.float32)
    inp['W2'] = jax.random.normal(ks[6], (H * C, H * C), dtype=jnp.float32) / float(np.sqrt(H * C))
    inp['att_src2'] = jax.random.normal(ks[7], (1, H, C), dtype=jnp.float32) / float(np.sqrt(C))
    inp['att_dst2'] = jax.random.normal(ks[8], (1, H, C), dtype=jnp.float32) / float(np.sqrt(C))
    inp['b2'] = jnp.zeros((H * C,), dtype=jnp.float32)
    inp['fc1_w'] = jax.random.normal(ks[9], (H * C, 128), dtype=jnp.float32) / float(np.sqrt(H * C))
    inp['fc1_b'] = jnp.zeros((128,), dtype=jnp.float32)
    inp['bn1_g'] = jnp.ones((128,), dtype=jnp.float32)
    inp['bn1_b'] = jnp.zeros((128,), dtype=jnp.float32)
    inp['fc2_w'] = jax.random.normal(ks[10], (128, 64), dtype=jnp.float32) / float(np.sqrt(128))
    inp['fc2_b'] = jnp.zeros((64,), dtype=jnp.float32)
    inp['bn2_g'] = jnp.ones((64,), dtype=jnp.float32)
    inp['bn2_b'] = jnp.zeros((64,), dtype=jnp.float32)
    inp['out_w'] = jax.random.normal(ks[11], (64, 1), dtype=jnp.float32) / float(np.sqrt(64))
    inp['out_b'] = jnp.zeros((1,), dtype=jnp.float32)
    return inp


def reference(x, edge_index, batch, W1, att_src1, att_dst1, b1, W2, att_src2, att_dst2, b2,
              fc1_w, fc1_b, bn1_g, bn1_b, fc2_w, fc2_b, bn2_g, bn2_b, out_w, out_b):
    n = x.shape[0]
    loop = jnp.arange(n, dtype=edge_index.dtype)
    src = jnp.concatenate([edge_index[0], loop])
    dst = jnp.concatenate([edge_index[1], loop])
    h = _gat_conv(x, src, dst, W1, att_src1, att_dst1, b1)
    h = jax.nn.relu(h)
    # dropout is identity in eval mode
    h = _gat_conv(h, src, dst, W2, att_src2, att_dst2, b2)
    h = jax.nn.relu(h)
    g = jax.ops.segment_sum(h, batch, num_segments=G)  # global_add_pool
    g = _bn(g @ fc1_w + fc1_b, bn1_g, bn1_b)
    g = jax.nn.relu(g)
    g = _bn(g @ fc2_w + fc2_b, bn2_g, bn2_b)
    g = jax.nn.relu(g)
    return g @ out_w + out_b

if __name__ == "__main__":
    import jax
    _d = setup_inputs()
    print(jax.jit(kernel)(*tuple(_d.values())))

</pallas_src>

<mosaic_0001>
module attributes {stable_mosaic.version = 14 : i64} {
  func.func @_mm1_body(%arg0: i32, %arg1: i32, %arg2: memref<512x256xf32, #tpu.memory_space<vmem>>, %arg3: memref<256x128xf32, #tpu.memory_space<vmem>>, %arg4: memref<1x128x8xf32, #tpu.memory_space<vmem>>, %arg5: memref<1x512x128xf32, #tpu.memory_space<vmem>>, %arg6: memref<512x8xf32, #tpu.memory_space<vmem>>, %arg7: memref<1x8xf32, #tpu.memory_space<vmem>>) attributes {dimension_semantics = [#tpu.dimension_semantics<arbitrary>, #tpu.dimension_semantics<arbitrary>], iteration_bounds = array<i64: 20, 8>, scalar_prefetch = 0 : i64, scratch_operands = 0 : i64, tpu.core_type = #tpu.core_type<tc>, window_params = [{transform_indices = @transform_0, window_bounds = array<i64: 512, 256>}, {transform_indices = @transform_1, window_bounds = array<i64: 256, 128>}, {transform_indices = @transform_2, window_bounds = array<i64: 1, 128, 8>}, {transform_indices = @transform_3, window_bounds = array<i64: 1, 512, 128>}, {transform_indices = @transform_4, window_bounds = array<i64: 512, 8>}, {pipeline_mode = #tpu.pipeline_mode<synchronous>, transform_indices = @transform_5, window_bounds = array<i64: 1, 8>}]} {
    %get3A = arith.constant 0 : index
    %get3A_0 = arith.constant 0 : index
    %get3A_1 = vector.load %arg2[%get3A, %get3A_0] : memref<512x256xf32, #tpu.memory_space<vmem>>, vector<512x256xf32>
    %get3A_2 = arith.constant 0 : index
    %get3A_3 = arith.constant 0 : index
    %get3A_4 = vector.load %arg3[%get3A_2, %get3A_3] : memref<256x128xf32, #tpu.memory_space<vmem>>, vector<256x128xf32>
    %dot_general3A = arith.constant dense<0.000000e+00> : vector<512x128xf32>
    %dot_general3A_5 = tpu.matmul %get3A_1, %get3A_4, %dot_general3A {dimension_numbers = #tpu.dot_dimension_numbers<[1], [0], [0], [1], [0, 0, 1, 1], [], []>, transpose_lhs_hint = false} : vector<512x256xf32>, vector<256x128xf32>, vector<512x128xf32> -> vector<512x128xf32>
    %swap3A = arith.constant 0 : index
    %swap3A_6 = arith.constant 0 : index
    %swap3A_7 = arith.constant 0 : index
    %swap3A_8 = vector.load %arg5[%swap3A, %swap3A_6, %swap3A_7] : memref<1x512x128xf32, #tpu.memory_space<vmem>>, vector<1x512x128xf32>
    %swap3A_9 = vector.shape_cast %swap3A_8 : vector<1x512x128xf32> to vector<512x128xf32>
    %swap3A_10 = vector.shape_cast %dot_general3A_5 : vector<512x128xf32> to vector<1x512x128xf32>
    tpu.vector_store %arg5[%swap3A, %swap3A_6, %swap3A_7], %swap3A_10 {strides = array<i32>} : memref<1x512x128xf32, #tpu.memory_space<vmem>>, vector<1x512x128xf32>,
    %get3A_11 = arith.constant 0 : index
    %get3A_12 = arith.constant 0 : index
    %get3A_13 = arith.constant 0 : index
    %get3A_14 = vector.load %arg4[%get3A_11, %get3A_12, %get3A_13] : memref<1x128x8xf32, #tpu.memory_space<vmem>>, vector<1x128x8xf32>
    %get3A_15 = vector.shape_cast %get3A_14 : vector<1x128x8xf32> to vector<128x8xf32>
    %dot_general3A_16 = arith.constant dense<0.000000e+00> : vector<512x8xf32>
    %dot_general3A_17 = tpu.matmul %dot_general3A_5, %get3A_15, %dot_general3A_16 {dimension_numbers = #tpu.dot_dimension_numbers<[1], [0], [0], [1], [0, 0, 1, 1], [], []>, precision = #tpu.contract_precision<fp32>, transpose_lhs_hint = false} : vector<512x128xf32>, vector<128x8xf32>, vector<512x8xf32> -> vector<512x8xf32>
    %eq3A = arith.constant 0 : i32
    %eq3A_18 = arith.cmpi eq, %arg1, %eq3A : i32
    %convert_element_type3A = arith.extui %eq3A_18 : i1 to i32
    %cond3A = arith.constant 0 : i32
    %cond3A_19 = arith.cmpi ne, %convert_element_type3A, %cond3A : i32
    scf.if %cond3A_19 {
      %swap3A_29 = arith.constant 0 : index
      %swap3A_30 = arith.constant 0 : index
      %swap3A_31 = vector.load %arg6[%swap3A_29, %swap3A_30] : memref<512x8xf32, #tpu.memory_space<vmem>>, vector<512x8xf32>
      tpu.vector_store %arg6[%swap3A_29, %swap3A_30], %dot_general3A_17 {strides = array<i32>} : memref<512x8xf32, #tpu.memory_space<vmem>>, vector<512x8xf32>,
    } else {
    }
    %gt3A = arith.constant 0 : i32
    %gt3A_20 = arith.cmpi sgt, %arg1, %gt3A : i32
    %convert_element_type3A_21 = arith.extui %gt3A_20 : i1 to i32
    %cond3A_22 = arith.constant 0 : i32
    %cond3A_23 = arith.cmpi ne, %convert_element_type3A_21, %cond3A_22 : i32
    scf.if %cond3A_23 {
      %get3A_29 = arith.constant 0 : index
      %get3A_30 = arith.constant 0 : index
      %get3A_31 = vector.load %arg6[%get3A_29, %get3A_30] : memref<512x8xf32, #tpu.memory_space<vmem>>, vector<512x8xf32>
      %add3A = arith.addf %get3A_31, %dot_general3A_17 : vector<512x8xf32>
      %swap3A_32 = arith.constant 0 : index
      %swap3A_33 = arith.constant 0 : index
      %swap3A_34 = vector.load %arg6[%swap3A_32, %swap3A_33] : memref<512x8xf32, #tpu.memory_space<vmem>>, vector<512x8xf32>
      tpu.vector_store %arg6[%swap3A_32, %swap3A_33], %add3A {strides = array<i32>} : memref<512x8xf32, #tpu.memory_space<vmem>>, vector<512x8xf32>,
    } else {
    }
    %eq3A_24 = arith.constant 7 : i32
    %eq3A_25 = arith.cmpi eq, %arg1, %eq3A_24 : i32
    %convert_element_type3A_26 = arith.extui %eq3A_25 : i1 to i32
    %cond3A_27 = arith.constant 0 : i32
    %cond3A_28 = arith.cmpi ne, %convert_element_type3A_26, %cond3A_27 : i32
    scf.if %cond3A_28 {
      %get3A_29 = arith.constant 0 : index
      %get3A_30 = arith.constant 0 : index
      %get3A_31 = vector.load %arg6[%get3A_29, %get3A_30] : memref<512x8xf32, #tpu.memory_space<vmem>>, vector<512x8xf32>
      %reduce_max3A = arith.constant dense<0xFF800000> : vector<8xf32>
      %reduce_max3A_32 = vector.multi_reduction <maximumf>, %get3A_31, %reduce_max3A [0] : vector<512x8xf32> to vector<8xf32>
      %broadcast_in_dim3A = vector.shape_cast %reduce_max3A_32 : vector<8xf32> to vector<1x8xf32>
      %eq3A_33 = arith.constant 0 : i32
      %eq3A_34 = arith.cmpi eq, %arg0, %eq3A_33 : i32
      %convert_element_type3A_35 = arith.extui %eq3A_34 : i1 to i32
      %cond3A_36 = arith.constant 0 : i32
      %cond3A_37 = arith.cmpi ne, %convert_element_type3A_35, %cond3A_36 : i32
      scf.if %cond3A_37 {
        %swap3A_43 = arith.constant 0 : index
        %swap3A_44 = arith.constant 0 : index
        %swap3A_45 = vector.load %arg7[%swap3A_43, %swap3A_44] : memref<1x8xf32, #tpu.memory_space<vmem>>, vector<1x8xf32>
        tpu.vector_store %arg7[%swap3A_43, %swap3A_44], %broadcast_in_dim3A {strides = array<i32>} : memref<1x8xf32, #tpu.memory_space<vmem>>, vector<1x8xf32>,
      } else {
      }
      %gt3A_38 = arith.constant 0 : i32
      %gt3A_39 = arith.cmpi sgt, %arg0, %gt3A_38 : i32
      %convert_element_type3A_40 = arith.extui %gt3A_39 : i1 to i32
      %cond3A_41 = arith.constant 0 : i32
      %cond3A_42 = arith.cmpi ne, %convert_element_type3A_40, %cond3A_41 : i32
      scf.if %cond3A_42 {
        %get3A_43 = arith.constant 0 : index
        %get3A_44 = arith.constant 0 : index
        %get3A_45 = vector.load %arg7[%get3A_43, %get3A_44] : memref<1x8xf32, #tpu.memory_space<vmem>>, vector<1x8xf32>
        %max3A = arith.maximumf %get3A_45, %broadcast_in_dim3A : vector<1x8xf32>
        %swap3A_46 = arith.constant 0 : index
        %swap3A_47 = arith.constant 0 : index
        %swap3A_48 = vector.load %arg7[%swap3A_46, %swap3A_47] : memref<1x8xf32, #tpu.memory_space<vmem>>, vector<1x8xf32>
        tpu.vector_store %arg7[%swap3A_46, %swap3A_47], %max3A {strides = array<i32>} : memref<1x8xf32, #tpu.memory_space<vmem>>, vector<1x8xf32>,
      } else {
      }
    } else {
    }
    return
  }
  func.func @transform_0(%arg0: i32, %arg1: i32) -> (i32, i32) {
    %c0_i32 = arith.constant 0 : i32
    %c0_i32_0 = arith.constant 0 : i32
    return %arg0, %c0_i32 : i32, i32
  }
  func.func @transform_1(%arg0: i32, %arg1: i32) -> (i32, i32) {
    %c0_i32 = arith.constant 0 : i32
    %c0_i32_0 = arith.constant 0 : i32
    return %c0_i32, %arg1 : i32, i32
  }
  func.func @transform_2(%arg0: i32, %arg1: i32) -> (i32, i32, i32) {
    %c0_i32 = arith.constant 0 : i32
    %c0_i32_0 = arith.constant 0 : i32
    %c0_i32_1 = arith.constant 0 : i32
    return %arg1, %c0_i32, %c0_i32_0 : i32, i32, i32
  }
  func.func @transform_3(%arg0: i32, %arg1: i32) -> (i32, i32, i32) {
    %c0_i32 = arith.constant 0 : i32
    %c0_i32_0 = arith.constant 0 : i32
    return %arg1, %arg0, %c0_i32 : i32, i32, i32
  }
  func.func @transform_4(%arg0: i32, %arg1: i32) -> (i32, i32) {
    %c0_i32 = arith.constant 0 : i32
    %c0_i32_0 = arith.constant 0 : i32
    return %arg0, %c0_i32 : i32, i32
  }
  func.func @transform_5(%arg0: i32, %arg1: i32) -> (i32, i32) {
    %c0_i32 = arith.constant 0 : i32
    %c0_i32_0 = arith.constant 0 : i32
    %c0_i32_1 = arith.constant 0 : i32
    return %c0_i32, %c0_i32_0 : i32, i32
  }
}

module attributes {stable_mosaic.version = 14 : i64} {
  func.func @_unlayout_body(%arg0: i32, %arg1: i32, %arg2: memref<1x512x128xf32, #tpu.memory_space<vmem>>, %arg3: memref<512x128xf32, #tpu.memory_space<vmem>>) attributes {dimension_semantics = [#tpu.dimension_semantics<arbitrary>, #tpu.dimension_semantics<arbitrary>], iteration_bounds = array<i64: 20, 8>, scalar_prefetch = 0 : i64, scratch_operands = 0 : i64, tpu.core_type = #tpu.core_type<tc>, window_params = [{transform_indices = @transform_0, window_bounds = array<i64: 1, 512, 128>}, {transform_indices = @transform_1, window_bounds = array<i64: 512, 128>}]} {
    %get3A = arith.constant 0 : index
    %get3A_0 = arith.constant 0 : index
    %get3A_1 = arith.constant 0 : index
    %get3A_2 = vector.load %arg2[%get3A, %get3A_0, %get3A_1] : memref<1x512x128xf32, #tpu.memory_space<vmem>>, vector<1x512x128xf32>
    %get3A_3 = vector.shape_cast %get3A_2 : vector<1x512x128xf32> to vector<512x128xf32>
    %swap3A = arith.constant 0 : index
    %swap3A_4 = arith.constant 0 : index
    %swap3A_5 = vector.load %arg3[%swap3A, %swap3A_4] : memref<512x128xf32, #tpu.memory_space<vmem>>, vector<512x128xf32>
    tpu.vector_store %arg3[%swap3A, %swap3A_4], %get3A_3 {strides = array<i32>} : memref<512x128xf32, #tpu.memory_space<vmem>>, vector<512x128xf32>,
    return
  }
  func.func @transform_0(%arg0: i32, %arg1: i32) -> (i32, i32, i32) {
    %c0_i32 = arith.constant 0 : i32
    %c0_i32_0 = arith.constant 0 : i32
    return %arg1, %arg0, %c0_i32 : i32, i32, i32
  }
  func.func @transform_1(%arg0: i32, %arg1: i32) -> (i32, i32) {
    %c0_i32 = arith.constant 0 : i32
    return %arg0, %arg1 : i32, i32
  }
}

module attributes {stable_mosaic.version = 14 : i64} {
  func.func @_rden_body(%arg0: i32, %arg1: memref<2x10240x16xf32, #tpu.memory_space<vmem>>, %arg2: memref<10240x4xf32, #tpu.memory_space<vmem>>) attributes {dimension_semantics = [#tpu.dimension_semantics<arbitrary>], iteration_bounds = array<i64: 1>, scalar_prefetch = 0 : i64, scratch_operands = 0 : i64, tpu.core_type = #tpu.core_type<tc>, window_params = [{transform_indices = @transform_0, window_bounds = array<i64: 2, 10240, 16>}, {pipeline_mode = #tpu.pipeline_mode<synchronous>, transform_indices = @transform_1, window_bounds = array<i64: 10240, 4>}]} {
    %get3A = arith.constant 0 : index
    %get3A_0 = arith.constant 0 : index
    %get3A_1 = arith.constant 0 : index
    %get3A_2 = vector.load %arg1[%get3A, %get3A_0, %get3A_1] : memref<2x10240x16xf32, #tpu.memory_space<vmem>>, vector<1x10240x4xf32>
    %get3A_3 = vector.shape_cast %get3A_2 : vector<1x10240x4xf32> to vector<10240x4xf32>
    %get3A_4 = arith.constant 1 : index
    %get3A_5 = arith.constant 0 : index
    %get3A_6 = arith.constant 0 : index
    %get3A_7 = vector.load %arg1[%get3A_4, %get3A_5, %get3A_6] : memref<2x10240x16xf32, #tpu.memory_space<vmem>>, vector<1x10240x4xf32>
    %get3A_8 = vector.shape_cast %get3A_7 : vector<1x10240x4xf32> to vector<10240x4xf32>
    %add3A = arith.addf %get3A_3, %get3A_8 : vector<10240x4xf32>
    %add3A_9 = arith.constant 1.000000e-16 : f32
    %add3A_10 = vector.broadcast %add3A_9 : f32 to vector<10240x4xf32>
    %add3A_11 = arith.addf %add3A, %add3A_10 : vector<10240x4xf32>
    %div3A = arith.constant 1.000000e+00 : f32
    %div3A_12 = vector.broadcast %div3A : f32 to vector<10240x4xf32>
    %div3A_13 = arith.divf %div3A_12, %add3A_11 : vector<10240x4xf32>
    %swap3A = arith.constant 0 : index
    %swap3A_14 = arith.constant 0 : index
    %swap3A_15 = vector.load %arg2[%swap3A, %swap3A_14] : memref<10240x4xf32, #tpu.memory_space<vmem>>, vector<10240x4xf32>
    tpu.vector_store %arg2[%swap3A, %swap3A_14], %div3A_13 {strides = array<i32>} : memref<10240x4xf32, #tpu.memory_space<vmem>>, vector<10240x4xf32>,
    return
  }
  func.func @transform_0(%arg0: i32) -> (i32, i32, i32) {
    %c0_i32 = arith.constant 0 : i32
    %c0_i32_0 = arith.constant 0 : i32
    %c0_i32_1 = arith.constant 0 : i32
    %c0_i32_2 = arith.constant 0 : i32
    return %c0_i32, %c0_i32_0, %c0_i32_1 : i32, i32, i32
  }
  func.func @transform_1(%arg0: i32) -> (i32, i32) {
    %c0_i32 = arith.constant 0 : i32
    %c0_i32_0 = arith.constant 0 : i32
    %c0_i32_1 = arith.constant 0 : i32
    return %c0_i32, %c0_i32_0 : i32, i32
  }
}

module attributes {stable_mosaic.version = 14 : i64} {
  func.func @_relayout_body(%arg0: i32, %arg1: i32, %arg2: memref<512x128xf32, #tpu.memory_space<vmem>>, %arg3: memref<1x512x128xf32, #tpu.memory_space<vmem>>) attributes {dimension_semantics = [#tpu.dimension_semantics<arbitrary>, #tpu.dimension_semantics<arbitrary>], iteration_bounds = array<i64: 20, 8>, scalar_prefetch = 0 : i64, scratch_operands = 0 : i64, tpu.core_type = #tpu.core_type<tc>, window_params = [{transform_indices = @transform_0, window_bounds = array<i64: 512, 128>}, {transform_indices = @transform_1, window_bounds = array<i64: 1, 512, 128>}]} {
    %get3A = arith.constant 0 : index
    %get3A_0 = arith.constant 0 : index
    %get3A_1 = vector.load %arg2[%get3A, %get3A_0] : memref<512x128xf32, #tpu.memory_space<vmem>>, vector<512x128xf32>
    %swap3A = arith.constant 0 : index
    %swap3A_2 = arith.constant 0 : index
    %swap3A_3 = arith.constant 0 : index
    %swap3A_4 = vector.load %arg3[%swap3A, %swap3A_2, %swap3A_3] : memref<1x512x128xf32, #tpu.memory_space<vmem>>, vector<1x512x128xf32>
    %swap3A_5 = vector.shape_cast %swap3A_4 : vector<1x512x128xf32> to vector<512x128xf32>
    %swap3A_6 = vector.shape_cast %get3A_1 : vector<512x128xf32> to vector<1x512x128xf32>
    tpu.vector_store %arg3[%swap3A, %swap3A_2, %swap3A_3], %swap3A_6 {strides = array<i32>} : memref<1x512x128xf32, #tpu.memory_space<vmem>>, vector<1x512x128xf32>,
    return
  }
  func.func @transform_0(%arg0: i32, %arg1: i32) -> (i32, i32) {
    %c0_i32 = arith.constant 0 : i32
    return %arg0, %arg1 : i32, i32
  }
  func.func @transform_1(%arg0: i32, %arg1: i32) -> (i32, i32, i32) {
    %c0_i32 = arith.constant 0 : i32
    %c0_i32_0 = arith.constant 0 : i32
    return %arg1, %arg0, %c0_i32 : i32, i32, i32
  }
}

module attributes {stable_mosaic.version = 14 : i64} {
  func.func @_mm2_body(%arg0: i32, %arg1: i32, %arg2: memref<1x512x128xf32, #tpu.memory_space<vmem>>, %arg3: memref<512x4xf32, #tpu.memory_space<vmem>>, %arg4: memref<1x1x128xf32, #tpu.memory_space<vmem>>, %arg5: memref<1x128x1024xf32, #tpu.memory_space<vmem>>, %arg6: memref<1024x8xf32, #tpu.memory_space<vmem>>, %arg7: memref<512x1024xf32, #tpu.memory_space<vmem>>, %arg8: memref<512x8xf32, #tpu.memory_space<vmem>>, %arg9: memref<1x8xf32, #tpu.memory_space<vmem>>) attributes {dimension_semantics = [#tpu.dimension_semantics<arbitrary>, #tpu.dimension_semantics<arbitrary>], iteration_bounds = array<i64: 20, 8>, scalar_prefetch = 0 : i64, scratch_operands = 0 : i64, tpu.core_type = #tpu.core_type<tc>, window_params = [{transform_indices = @transform_0, window_bounds = array<i64: 1, 512, 128>}, {transform_indices = @transform_1, window_bounds = array<i64: 512, 4>}, {transform_indices = @transform_2, window_bounds = array<i64: 1, 1, 128>}, {transform_indices = @transform_3, window_bounds = array<i64: 1, 128, 1024>}, {pipeline_mode = #tpu.pipeline_mode<synchronous>, transform_indices = @transform_4, window_bounds = array<i64: 1024, 8>}, {transform_indices = @transform_5, window_bounds = array<i64: 512, 1024>}, {transform_indices = @transform_6, window_bounds = array<i64: 512, 8>}, {pipeline_mode = #tpu.pipeline_mode<synchronous>, transform_indices = @transform_7, window_bounds = array<i64: 1, 8>}]} {
    %get3A = arith.constant 0 : index
    %get3A_0 = arith.constant 0 : index
    %get3A_1 = arith.constant 0 : index
    %get3A_2 = vector.load %arg2[%get3A, %get3A_0, %get3A_1] : memref<1x512x128xf32, #tpu.memory_space<vmem>>, vector<1x512x128xf32>
    %get3A_3 = vector.shape_cast %get3A_2 : vector<1x512x128xf32> to vector<512x128xf32>
    %get3A_4 = arith.constant 0 : index
    %get3A_5 = arith.constant 0 : index
    %get3A_6 = vector.load %arg3[%get3A_4, %get3A_5] : memref<512x4xf32, #tpu.memory_space<vmem>>, vector<512x4xf32>
    %slice3A = vector.extract_strided_slice %get3A_6 {offsets = [0, 0], sizes = [512, 1], strides = [1, 1]} : vector<512x4xf32> to vector<512x1xf32>
    %jit3A = arith.constant 2 : i32
    %div3A = arith.divsi %arg1, %jit3A : i32
    %sign3A = arith.constant 0 : i32
    %sign3A_7 = arith.cmpi sgt, %arg1, %sign3A : i32
    %sign3A_8 = arith.extui %sign3A_7 : i1 to i32
    %sign3A_9 = arith.constant 0 : i32
    %sign3A_10 = arith.cmpi slt, %arg1, %sign3A_9 : i32
    %sign3A_11 = arith.extui %sign3A_10 : i1 to i32
    %sign3A_12 = arith.subi %sign3A_8, %sign3A_11 : i32
    %sign3A_13 = arith.constant 0 : i32
    %sign3A_14 = arith.cmpi sgt, %jit3A, %sign3A_13 : i32
    %sign3A_15 = arith.extui %sign3A_14 : i1 to i32
    %sign3A_16 = arith.constant 0 : i32
    %sign3A_17 = arith.cmpi slt, %jit3A, %sign3A_16 : i32
    %sign3A_18 = arith.extui %sign3A_17 : i1 to i32
    %sign3A_19 = arith.subi %sign3A_15, %sign3A_18 : i32
    %ne3A = arith.cmpi ne, %sign3A_12, %sign3A_19 : i32
    %rem3A = arith.remsi %arg1, %jit3A : i32
    %ne3A_20 = arith.constant 0 : i32
    %ne3A_21 = arith.cmpi ne, %rem3A, %ne3A_20 : i32
    %and3A = arith.andi %ne3A, %ne3A_21 : i1
    %sub3A = arith.constant 1 : i32
    %sub3A_22 = arith.subi %div3A, %sub3A : i32
    %select_n3A = arith.select %and3A, %sub3A_22, %div3A : i32
    %eq3A = arith.constant 0 : i32
    %eq3A_23 = arith.cmpi eq, %select_n3A, %eq3A : i32
    %convert_element_type3A = arith.extui %eq3A_23 : i1 to i32
    %convert_element_type3A_24 = arith.sitofp %convert_element_type3A : i32 to f32
    %mul3A = vector.broadcast %convert_element_type3A_24 : f32 to vector<512x1xf32>
    %mul3A_25 = arith.mulf %slice3A, %mul3A : vector<512x1xf32>
    %slice3A_26 = vector.extract_strided_slice %get3A_6 {offsets = [0, 1], sizes = [512, 1], strides = [1, 1]} : vector<512x4xf32> to vector<512x1xf32>
    %jit3A_27 = arith.constant 2 : i32
    %div3A_28 = arith.divsi %arg1, %jit3A_27 : i32
    %sign3A_29 = arith.constant 0 : i32
    %sign3A_30 = arith.cmpi sgt, %arg1, %sign3A_29 : i32
    %sign3A_31 = arith.extui %sign3A_30 : i1 to i32
    %sign3A_32 = arith.constant 0 : i32
    %sign3A_33 = arith.cmpi slt, %arg1, %sign3A_32 : i32
    %sign3A_34 = arith.extui %sign3A_33 : i1 to i32
    %sign3A_35 = arith.subi %sign3A_31, %sign3A_34 : i32
    %sign3A_36 = arith.constant 0 : i32
    %sign3A_37 = arith.cmpi sgt, %jit3A_27, %sign3A_36 : i32
    %sign3A_38 = arith.extui %sign3A_37 : i1 to i32
    %sign3A_39 = arith.constant 0 : i32
    %sign3A_40 = arith.cmpi slt, %jit3A_27, %sign3A_39 : i32
    %sign3A_41 = arith.extui %sign3A_40 : i1 to i32
    %sign3A_42 = arith.subi %sign3A_38, %sign3A_41 : i32
    %ne3A_43 = arith.cmpi ne, %sign3A_35, %sign3A_42 : i32
    %rem3A_44 = arith.remsi %arg1, %jit3A_27 : i32
    %ne3A_45 = arith.constant 0 : i32
    %ne3A_46 = arith.cmpi ne, %rem3A_44, %ne3A_45 : i32
    %and3A_47 = arith.andi %ne3A_43, %ne3A_46 : i1
    %sub3A_48 = arith.constant 1 : i32
    %sub3A_49 = arith.subi %div3A_28, %sub3A_48 : i32
    %select_n3A_50 = arith.select %and3A_47, %sub3A_49, %div3A_28 : i32
    %eq3A_51 = arith.constant 1 : i32
    %eq3A_52 = arith.cmpi eq, %select_n3A_50, %eq3A_51 : i32
    %convert_element_type3A_53 = arith.extui %eq3A_52 : i1 to i32
    %convert_element_type3A_54 = arith.sitofp %convert_element_type3A_53 : i32 to f32
    %mul3A_55 = vector.broadcast %convert_element_type3A_54 : f32 to vector<512x1xf32>
    %mul3A_56 = arith.mulf %slice3A_26, %mul3A_55 : vector<512x1xf32>
    %add3A = arith.addf %mul3A_25, %mul3A_56 : vector<512x1xf32>
    %slice3A_57 = vector.extract_strided_slice %get3A_6 {offsets = [0, 2], sizes = [512, 1], strides = [1, 1]} : vector<512x4xf32> to vector<512x1xf32>
    %jit3A_58 = arith.constant 2 : i32
    %div3A_59 = arith.divsi %arg1, %jit3A_58 : i32
    %sign3A_60 = arith.constant 0 : i32
    %sign3A_61 = arith.cmpi sgt, %arg1, %sign3A_60 : i32
    %sign3A_62 = arith.extui %sign3A_61 : i1 to i32
    %sign3A_63 = arith.constant 0 : i32
    %sign3A_64 = arith.cmpi slt, %arg1, %sign3A_63 : i32
    %sign3A_65 = arith.extui %sign3A_64 : i1 to i32
    %sign3A_66 = arith.subi %sign3A_62, %sign3A_65 : i32
    %sign3A_67 = arith.constant 0 : i32
    %sign3A_68 = arith.cmpi sgt, %jit3A_58, %sign3A_67 : i32
    %sign3A_69 = arith.extui %sign3A_68 : i1 to i32
    %sign3A_70 = arith.constant 0 : i32
    %sign3A_71 = arith.cmpi slt, %jit3A_58, %sign3A_70 : i32
    %sign3A_72 = arith.extui %sign3A_71 : i1 to i32
    %sign3A_73 = arith.subi %sign3A_69, %sign3A_72 : i32
    %ne3A_74 = arith.cmpi ne, %sign3A_66, %sign3A_73 : i32
    %rem3A_75 = arith.remsi %arg1, %jit3A_58 : i32
    %ne3A_76 = arith.constant 0 : i32
    %ne3A_77 = arith.cmpi ne, %rem3A_75, %ne3A_76 : i32
    %and3A_78 = arith.andi %ne3A_74, %ne3A_77 : i1
    %sub3A_79 = arith.constant 1 : i32
    %sub3A_80 = arith.subi %div3A_59, %sub3A_79 : i32
    %select_n3A_81 = arith.select %and3A_78, %sub3A_80, %div3A_59 : i32
    %eq3A_82 = arith.constant 2 : i32
    %eq3A_83 = arith.cmpi eq, %select_n3A_81, %eq3A_82 : i32
    %convert_element_type3A_84 = arith.extui %eq3A_83 : i1 to i32
    %convert_element_type3A_85 = arith.sitofp %convert_element_type3A_84 : i32 to f32
    %mul3A_86 = vector.broadcast %convert_element_type3A_85 : f32 to vector<512x1xf32>
    %mul3A_87 = arith.mulf %slice3A_57, %mul3A_86 : vector<512x1xf32>
    %add3A_88 = arith.addf %add3A, %mul3A_87 : vector<512x1xf32>
    %slice3A_89 = vector.extract_strided_slice %get3A_6 {offsets = [0, 3], sizes = [512, 1], strides = [1, 1]} : vector<512x4xf32> to vector<512x1xf32>
    %jit3A_90 = arith.constant 2 : i32
    %div3A_91 = arith.divsi %arg1, %jit3A_90 : i32
    %sign3A_92 = arith.constant 0 : i32
    %sign3A_93 = arith.cmpi sgt, %arg1, %sign3A_92 : i32
    %sign3A_94 = arith.extui %sign3A_93 : i1 to i32
    %sign3A_95 = arith.constant 0 : i32
    %sign3A_96 = arith.cmpi slt, %arg1, %sign3A_95 : i32
    %sign3A_97 = arith.extui %sign3A_96 : i1 to i32
    %sign3A_98 = arith.subi %sign3A_94, %sign3A_97 : i32
    %sign3A_99 = arith.constant 0 : i32
    %sign3A_100 = arith.cmpi sgt, %jit3A_90, %sign3A_99 : i32
    %sign3A_101 = arith.extui %sign3A_100 : i1 to i32
    %sign3A_102 = arith.constant 0 : i32
    %sign3A_103 = arith.cmpi slt, %jit3A_90, %sign3A_102 : i32
    %sign3A_104 = arith.extui %sign3A_103 : i1 to i32
    %sign3A_105 = arith.subi %sign3A_101, %sign3A_104 : i32
    %ne3A_106 = arith.cmpi ne, %sign3A_98, %sign3A_105 : i32
    %rem3A_107 = arith.remsi %arg1, %jit3A_90 : i32
    %ne3A_108 = arith.constant 0 : i32
    %ne3A_109 = arith.cmpi ne, %rem3A_107, %ne3A_108 : i32
    %and3A_110 = arith.andi %ne3A_106, %ne3A_109 : i1
    %sub3A_111 = arith.constant 1 : i32
    %sub3A_112 = arith.subi %div3A_91, %sub3A_111 : i32
    %select_n3A_113 = arith.select %and3A_110, %sub3A_112, %div3A_91 : i32
    %eq3A_114 = arith.constant 3 : i32
    %eq3A_115 = arith.cmpi eq, %select_n3A_113, %eq3A_114 : i32
    %convert_element_type3A_116 = arith.extui %eq3A_115 : i1 to i32
    %convert_element_type3A_117 = arith.sitofp %convert_element_type3A_116 : i32 to f32
    %mul3A_118 = vector.broadcast %convert_element_type3A_117 : f32 to vector<512x1xf32>
    %mul3A_119 = arith.mulf %slice3A_89, %mul3A_118 : vector<512x1xf32>
    %add3A_120 = arith.addf %add3A_88, %mul3A_119 : vector<512x1xf32>
    %mul3A_121 = vector.broadcast %add3A_120 : vector<512x1xf32> to vector<512x128xf32>
    %mul3A_122 = arith.mulf %get3A_3, %mul3A_121 : vector<512x128xf32>
    %get3A_123 = arith.constant 0 : index
    %get3A_124 = arith.constant 0 : index
    %get3A_125 = arith.constant 0 : index
    %get3A_126 = vector.load %arg4[%get3A_123, %get3A_124, %get3A_125] : memref<1x1x128xf32, #tpu.memory_space<vmem>>, vector<1x1x128xf32>
    %get3A_127 = vector.shape_cast %get3A_126 : vector<1x1x128xf32> to vector<1x128xf32>
    %add3A_128 = vector.broadcast %get3A_127 : vector<1x128xf32> to vector<512x128xf32>
    %add3A_129 = arith.addf %mul3A_122, %add3A_128 : vector<512x128xf32>
    %max3A = arith.constant 0.000000e+00 : f32
    %max3A_130 = vector.broadcast %max3A : f32 to vector<512x128xf32>
    %max3A_131 = arith.maximumf %add3A_129, %max3A_130 : vector<512x128xf32>
    %get3A_132 = arith.constant 0 : index
    %get3A_133 = arith.constant 0 : index
    %get3A_134 = arith.constant 0 : index
    %get3A_135 = vector.load %arg5[%get3A_132, %get3A_133, %get3A_134] : memref<1x128x1024xf32, #tpu.memory_space<vmem>>, vector<1x128x1024xf32>
    %get3A_136 = vector.shape_cast %get3A_135 : vector<1x128x1024xf32> to vector<128x1024xf32>
    %dot_general3A = arith.constant dense<0.000000e+00> : vector<512x1024xf32>
    %dot_general3A_137 = tpu.matmul %max3A_131, %get3A_136, %dot_general3A {dimension_numbers = #tpu.dot_dimension_numbers<[1], [0], [0], [1], [0, 0, 1, 1], [], []>, transpose_lhs_hint = false} : vector<512x128xf32>, vector<128x1024xf32>, vector<512x1024xf32> -> vector<512x1024xf32>
    %eq3A_138 = arith.constant 0 : i32
    %eq3A_139 = arith.cmpi eq, %arg1, %eq3A_138 : i32
    %convert_element_type3A_140 = arith.extui %eq3A_139 : i1 to i32
    %cond3A = arith.constant 0 : i32
    %cond3A_141 = arith.cmpi ne, %convert_element_type3A_140, %cond3A : i32
    scf.if %cond3A_141 {
      %swap3A = arith.constant 0 : index
      %swap3A_151 = arith.constant 0 : index
      %swap3A_152 = vector.load %arg7[%swap3A, %swap3A_151] : memref<512x1024xf32, #tpu.memory_space<vmem>>, vector<512x1024xf32>
      tpu.vector_store %arg7[%swap3A, %swap3A_151], %dot_general3A_137 {strides = array<i32>} : memref<512x1024xf32, #tpu.memory_space<vmem>>, vector<512x1024xf32>,
    } else {
    }
    %gt3A = arith.constant 0 : i32
    %gt3A_142 = arith.cmpi sgt, %arg1, %gt3A : i32
    %convert_element_type3A_143 = arith.extui %gt3A_142 : i1 to i32
    %cond3A_144 = arith.constant 0 : i32
    %cond3A_145 = arith.cmpi ne, %convert_element_type3A_143, %cond3A_144 : i32
    scf.if %cond3A_145 {
      %get3A_151 = arith.constant 0 : index
      %get3A_152 = arith.constant 0 : index
      %get3A_153 = vector.load %arg7[%get3A_151, %get3A_152] : memref<512x1024xf32, #tpu.memory_space<vmem>>, vector<512x1024xf32>
      %add3A_154 = arith.addf %get3A_153, %dot_general3A_137 : vector<512x1024xf32>
      %swap3A = arith.constant 0 : index
      %swap3A_155 = arith.constant 0 : index
      %swap3A_156 = vector.load %arg7[%swap3A, %swap3A_155] : memref<512x1024xf32, #tpu.memory_space<vmem>>, vector<512x1024xf32>
      tpu.vector_store %arg7[%swap3A, %swap3A_155], %add3A_154 {strides = array<i32>} : memref<512x1024xf32, #tpu.memory_space<vmem>>, vector<512x1024xf32>,
    } else {
    }
    %eq3A_146 = arith.constant 7 : i32
    %eq3A_147 = arith.cmpi eq, %arg1, %eq3A_146 : i32
    %convert_element_type3A_148 = arith.extui %eq3A_147 : i1 to i32
    %cond3A_149 = arith.constant 0 : i32
    %cond3A_150 = arith.cmpi ne, %convert_element_type3A_148, %cond3A_149 : i32
    scf.if %cond3A_150 {
      %get3A_151 = arith.constant 0 : index
      %get3A_152 = arith.constant 0 : index
      %get3A_153 = vector.load %arg7[%get3A_151, %get3A_152] : memref<512x1024xf32, #tpu.memory_space<vmem>>, vector<512x1024xf32>
      %get3A_154 = arith.constant 0 : index
      %get3A_155 = arith.constant 0 : index
      %get3A_156 = vector.load %arg6[%get3A_154, %get3A_155] : memref<1024x8xf32, #tpu.memory_space<vmem>>, vector<1024x8xf32>
      %dot_general3A_157 = arith.constant dense<0.000000e+00> : vector<512x8xf32>
      %dot_general3A_158 = tpu.matmul %get3A_153, %get3A_156, %dot_general3A_157 {dimension_numbers = #tpu.dot_dimension_numbers<[1], [0], [0], [1], [0, 0, 1, 1], [], []>, precision = #tpu.contract_precision<fp32>, transpose_lhs_hint = false} : vector<512x1024xf32>, vector<1024x8xf32>, vector<512x8xf32> -> vector<512x8xf32>
      %swap3A = arith.constant 0 : index
      %swap3A_159 = arith.constant 0 : index
      %swap3A_160 = vector.load %arg8[%swap3A, %swap3A_159] : memref<512x8xf32, #tpu.memory_space<vmem>>, vector<512x8xf32>
      tpu.vector_store %arg8[%swap3A, %swap3A_159], %dot_general3A_158 {strides = array<i32>} : memref<512x8xf32, #tpu.memory_space<vmem>>, vector<512x8xf32>,
      %reduce_max3A = arith.constant dense<0xFF800000> : vector<8xf32>
      %reduce_max3A_161 = vector.multi_reduction <maximumf>, %dot_general3A_158, %reduce_max3A [0] : vector<512x8xf32> to vector<8xf32>
      %broadcast_in_dim3A = vector.shape_cast %reduce_max3A_161 : vector<8xf32> to vector<1x8xf32>
      %eq3A_162 = arith.constant 0 : i32
      %eq3A_163 = arith.cmpi eq, %arg0, %eq3A_162 : i32
      %convert_element_type3A_164 = arith.extui %eq3A_163 : i1 to i32
      %cond3A_165 = arith.constant 0 : i32
      %cond3A_166 = arith.cmpi ne, %convert_element_type3A_164, %cond3A_165 : i32
      scf.if %cond3A_166 {
        %swap3A_172 = arith.constant 0 : index
        %swap3A_173 = arith.constant 0 : index
        %swap3A_174 = vector.load %arg9[%swap3A_172, %swap3A_173] : memref<1x8xf32, #tpu.memory_space<vmem>>, vector<1x8xf32>
        tpu.vector_store %arg9[%swap3A_172, %swap3A_173], %broadcast_in_dim3A {strides = array<i32>} : memref<1x8xf32, #tpu.memory_space<vmem>>, vector<1x8xf32>,
      } else {
      }
      %gt3A_167 = arith.constant 0 : i32
      %gt3A_168 = arith.cmpi sgt, %arg0, %gt3A_167 : i32
      %convert_element_type3A_169 = arith.extui %gt3A_168 : i1 to i32
      %cond3A_170 = arith.constant 0 : i32
      %cond3A_171 = arith.cmpi ne, %convert_element_type3A_169, %cond3A_170 : i32
      scf.if %cond3A_171 {
        %get3A_172 = arith.constant 0 : index
        %get3A_173 = arith.constant 0 : index
        %get3A_174 = vector.load %arg9[%get3A_172, %get3A_173] : memref<1x8xf32, #tpu.memory_space<vmem>>, vector<1x8xf32>
        %max3A_175 = arith.maximumf %get3A_174, %broadcast_in_dim3A : vector<1x8xf32>
        %swap3A_176 = arith.constant 0 : index
        %swap3A_177 = arith.constant 0 : index
        %swap3A_178 = vector.load %arg9[%swap3A_176, %swap3A_177] : memref<1x8xf32, #tpu.memory_space<vmem>>, vector<1x8xf32>
        tpu.vector_store %arg9[%swap3A_176, %swap3A_177], %max3A_175 {strides = array<i32>} : memref<1x8xf32, #tpu.memory_space<vmem>>, vector<1x8xf32>,
      } else {
      }
    } else {
    }
    return
  }
  func.func @transform_0(%arg0: i32, %arg1: i32) -> (i32, i32, i32) {
    %c0_i32 = arith.constant 0 : i32
    %c0_i32_0 = arith.constant 0 : i32
    return %arg1, %arg0, %c0_i32 : i32, i32, i32
  }
  func.func @transform_1(%arg0: i32, %arg1: i32) -> (i32, i32) {
    %c0_i32 = arith.constant 0 : i32
    %c0_i32_0 = arith.constant 0 : i32
    return %arg0, %c0_i32 : i32, i32
  }
  func.func @transform_2(%arg0: i32, %arg1: i32) -> (i32, i32, i32) {
    %c0_i32 = arith.constant 0 : i32
    %c0_i32_0 = arith.constant 0 : i32
    %c0_i32_1 = arith.constant 0 : i32
    return %arg1, %c0_i32, %c0_i32_0 : i32, i32, i32
  }
  func.func @transform_3(%arg0: i32, %arg1: i32) -> (i32, i32, i32) {
    %c0_i32 = arith.constant 0 : i32
    %c0_i32_0 = arith.constant 0 : i32
    %c0_i32_1 = arith.constant 0 : i32
    return %arg1, %c0_i32, %c0_i32_0 : i32, i32, i32
  }
  func.func @transform_4(%arg0: i32, %arg1: i32) -> (i32, i32) {
    %c0_i32 = arith.constant 0 : i32
    %c0_i32_0 = arith.constant 0 : i32
    %c0_i32_1 = arith.constant 0 : i32
    return %c0_i32, %c0_i32_0 : i32, i32
  }
  func.func @transform_5(%arg0: i32, %arg1: i32) -> (i32, i32) {
    %c0_i32 = arith.constant 0 : i32
    %c0_i32_0 = arith.constant 0 : i32
    return %arg0, %c0_i32 : i32, i32
  }
  func.func @transform_6(%arg0: i32, %arg1: i32) -> (i32, i32) {
    %c0_i32 = arith.constant 0 : i32
    %c0_i32_0 = arith.constant 0 : i32
    return %arg0, %c0_i32 : i32, i32
  }
  func.func @transform_7(%arg0: i32, %arg1: i32) -> (i32, i32) {
    %c0_i32 = arith.constant 0 : i32
    %c0_i32_0 = arith.constant 0 : i32
    %c0_i32_1 = arith.constant 0 : i32
    return %c0_i32, %c0_i32_0 : i32, i32
  }
}

module attributes {stable_mosaic.version = 14 : i64} {
  func.func @_pool_body(%arg0: i32, %arg1: i32, %arg2: memref<1x512x128xf32, #tpu.memory_space<vmem>>, %arg3: memref<512x4xf32, #tpu.memory_space<vmem>>, %arg4: memref<1x1x128xf32, #tpu.memory_space<vmem>>, %arg5: memref<1x512xi32, #tpu.memory_space<vmem>>, %arg6: memref<64x128xf32, #tpu.memory_space<vmem>>) attributes {dimension_semantics = [#tpu.dimension_semantics<arbitrary>, #tpu.dimension_semantics<arbitrary>], iteration_bounds = array<i64: 8, 20>, scalar_prefetch = 0 : i64, scratch_operands = 0 : i64, tpu.core_type = #tpu.core_type<tc>, window_params = [{transform_indices = @transform_0, window_bounds = array<i64: 1, 512, 128>}, {transform_indices = @transform_1, window_bounds = array<i64: 512, 4>}, {transform_indices = @transform_2, window_bounds = array<i64: 1, 1, 128>}, {transform_indices = @transform_3, window_bounds = array<i64: 1, 512>}, {transform_indices = @transform_4, window_bounds = array<i64: 64, 128>}]} {
    %get3A = arith.constant 0 : index
    %get3A_0 = arith.constant 0 : index
    %get3A_1 = arith.constant 0 : index
    %get3A_2 = vector.load %arg2[%get3A, %get3A_0, %get3A_1] : memref<1x512x128xf32, #tpu.memory_space<vmem>>, vector<1x512x128xf32>
    %get3A_3 = vector.shape_cast %get3A_2 : vector<1x512x128xf32> to vector<512x128xf32>
    %get3A_4 = arith.constant 0 : index
    %get3A_5 = arith.constant 0 : index
    %get3A_6 = vector.load %arg3[%get3A_4, %get3A_5] : memref<512x4xf32, #tpu.memory_space<vmem>>, vector<512x4xf32>
    %slice3A = vector.extract_strided_slice %get3A_6 {offsets = [0, 0], sizes = [512, 1], strides = [1, 1]} : vector<512x4xf32> to vector<512x1xf32>
    %jit3A = arith.constant 2 : i32
    %div3A = arith.divsi %arg0, %jit3A : i32
    %sign3A = arith.constant 0 : i32
    %sign3A_7 = arith.cmpi sgt, %arg0, %sign3A : i32
    %sign3A_8 = arith.extui %sign3A_7 : i1 to i32
    %sign3A_9 = arith.constant 0 : i32
    %sign3A_10 = arith.cmpi slt, %arg0, %sign3A_9 : i32
    %sign3A_11 = arith.extui %sign3A_10 : i1 to i32
    %sign3A_12 = arith.subi %sign3A_8, %sign3A_11 : i32
    %sign3A_13 = arith.constant 0 : i32
    %sign3A_14 = arith.cmpi sgt, %jit3A, %sign3A_13 : i32
    %sign3A_15 = arith.extui %sign3A_14 : i1 to i32
    %sign3A_16 = arith.constant 0 : i32
    %sign3A_17 = arith.cmpi slt, %jit3A, %sign3A_16 : i32
    %sign3A_18 = arith.extui %sign3A_17 : i1 to i32
    %sign3A_19 = arith.subi %sign3A_15, %sign3A_18 : i32
    %ne3A = arith.cmpi ne, %sign3A_12, %sign3A_19 : i32
    %rem3A = arith.remsi %arg0, %jit3A : i32
    %ne3A_20 = arith.constant 0 : i32
    %ne3A_21 = arith.cmpi ne, %rem3A, %ne3A_20 : i32
    %and3A = arith.andi %ne3A, %ne3A_21 : i1
    %sub3A = arith.constant 1 : i32
    %sub3A_22 = arith.subi %div3A, %sub3A : i32
    %select_n3A = arith.select %and3A, %sub3A_22, %div3A : i32
    %eq3A = arith.constant 0 : i32
    %eq3A_23 = arith.cmpi eq, %select_n3A, %eq3A : i32
    %convert_element_type3A = arith.extui %eq3A_23 : i1 to i32
    %convert_element_type3A_24 = arith.sitofp %convert_element_type3A : i32 to f32
    %mul3A = vector.broadcast %convert_element_type3A_24 : f32 to vector<512x1xf32>
    %mul3A_25 = arith.mulf %slice3A, %mul3A : vector<512x1xf32>
    %slice3A_26 = vector.extract_strided_slice %get3A_6 {offsets = [0, 1], sizes = [512, 1], strides = [1, 1]} : vector<512x4xf32> to vector<512x1xf32>
    %jit3A_27 = arith.constant 2 : i32
    %div3A_28 = arith.divsi %arg0, %jit3A_27 : i32
    %sign3A_29 = arith.constant 0 : i32
    %sign3A_30 = arith.cmpi sgt, %arg0, %sign3A_29 : i32
    %sign3A_31 = arith.extui %sign3A_30 : i1 to i32
    %sign3A_32 = arith.constant 0 : i32
    %sign3A_33 = arith.cmpi slt, %arg0, %sign3A_32 : i32
    %sign3A_34 = arith.extui %sign3A_33 : i1 to i32
    %sign3A_35 = arith.subi %sign3A_31, %sign3A_34 : i32
    %sign3A_36 = arith.constant 0 : i32
    %sign3A_37 = arith.cmpi sgt, %jit3A_27, %sign3A_36 : i32
    %sign3A_38 = arith.extui %sign3A_37 : i1 to i32
    %sign3A_39 = arith.constant 0 : i32
    %sign3A_40 = arith.cmpi slt, %jit3A_27, %sign3A_39 : i32
    %sign3A_41 = arith.extui %sign3A_40 : i1 to i32
    %sign3A_42 = arith.subi %sign3A_38, %sign3A_41 : i32
    %ne3A_43 = arith.cmpi ne, %sign3A_35, %sign3A_42 : i32
    %rem3A_44 = arith.remsi %arg0, %jit3A_27 : i32
    %ne3A_45 = arith.constant 0 : i32
    %ne3A_46 = arith.cmpi ne, %rem3A_44, %ne3A_45 : i32
    %and3A_47 = arith.andi %ne3A_43, %ne3A_46 : i1
    %sub3A_48 = arith.constant 1 : i32
    %sub3A_49 = arith.subi %div3A_28, %sub3A_48 : i32
    %select_n3A_50 = arith.select %and3A_47, %sub3A_49, %div3A_28 : i32
    %eq3A_51 = arith.constant 1 : i32
    %eq3A_52 = arith.cmpi eq, %select_n3A_50, %eq3A_51 : i32
    %convert_element_type3A_53 = arith.extui %eq3A_52 : i1 to i32
    %convert_element_type3A_54 = arith.sitofp %convert_element_type3A_53 : i32 to f32
    %mul3A_55 = vector.broadcast %convert_element_type3A_54 : f32 to vector<512x1xf32>
    %mul3A_56 = arith.mulf %slice3A_26, %mul3A_55 : vector<512x1xf32>
    %add3A = arith.addf %mul3A_25, %mul3A_56 : vector<512x1xf32>
    %slice3A_57 = vector.extract_strided_slice %get3A_6 {offsets = [0, 2], sizes = [512, 1], strides = [1, 1]} : vector<512x4xf32> to vector<512x1xf32>
    %jit3A_58 = arith.constant 2 : i32
    %div3A_59 = arith.divsi %arg0, %jit3A_58 : i32
    %sign3A_60 = arith.constant 0 : i32
    %sign3A_61 = arith.cmpi sgt, %arg0, %sign3A_60 : i32
    %sign3A_62 = arith.extui %sign3A_61 : i1 to i32
    %sign3A_63 = arith.constant 0 : i32
    %sign3A_64 = arith.cmpi slt, %arg0, %sign3A_63 : i32
    %sign3A_65 = arith.extui %sign3A_64 : i1 to i32
    %sign3A_66 = arith.subi %sign3A_62, %sign3A_65 : i32
    %sign3A_67 = arith.constant 0 : i32
    %sign3A_68 = arith.cmpi sgt, %jit3A_58, %sign3A_67 : i32
    %sign3A_69 = arith.extui %sign3A_68 : i1 to i32
    %sign3A_70 = arith.constant 0 : i32
    %sign3A_71 = arith.cmpi slt, %jit3A_58, %sign3A_70 : i32
    %sign3A_72 = arith.extui %sign3A_71 : i1 to i32
    %sign3A_73 = arith.subi %sign3A_69, %sign3A_72 : i32
    %ne3A_74 = arith.cmpi ne, %sign3A_66, %sign3A_73 : i32
    %rem3A_75 = arith.remsi %arg0, %jit3A_58 : i32
    %ne3A_76 = arith.constant 0 : i32
    %ne3A_77 = arith.cmpi ne, %rem3A_75, %ne3A_76 : i32
    %and3A_78 = arith.andi %ne3A_74, %ne3A_77 : i1
    %sub3A_79 = arith.constant 1 : i32
    %sub3A_80 = arith.subi %div3A_59, %sub3A_79 : i32
    %select_n3A_81 = arith.select %and3A_78, %sub3A_80, %div3A_59 : i32
    %eq3A_82 = arith.constant 2 : i32
    %eq3A_83 = arith.cmpi eq, %select_n3A_81, %eq3A_82 : i32
    %convert_element_type3A_84 = arith.extui %eq3A_83 : i1 to i32
    %convert_element_type3A_85 = arith.sitofp %convert_element_type3A_84 : i32 to f32
    %mul3A_86 = vector.broadcast %convert_element_type3A_85 : f32 to vector<512x1xf32>
    %mul3A_87 = arith.mulf %slice3A_57, %mul3A_86 : vector<512x1xf32>
    %add3A_88 = arith.addf %add3A, %mul3A_87 : vector<512x1xf32>
    %slice3A_89 = vector.extract_strided_slice %get3A_6 {offsets = [0, 3], sizes = [512, 1], strides = [1, 1]} : vector<512x4xf32> to vector<512x1xf32>
    %jit3A_90 = arith.constant 2 : i32
    %div3A_91 = arith.divsi %arg0, %jit3A_90 : i32
    %sign3A_92 = arith.constant 0 : i32
    %sign3A_93 = arith.cmpi sgt, %arg0, %sign3A_92 : i32
    %sign3A_94 = arith.extui %sign3A_93 : i1 to i32
    %sign3A_95 = arith.constant 0 : i32
    %sign3A_96 = arith.cmpi slt, %arg0, %sign3A_95 : i32
    %sign3A_97 = arith.extui %sign3A_96 : i1 to i32
    %sign3A_98 = arith.subi %sign3A_94, %sign3A_97 : i32
    %sign3A_99 = arith.constant 0 : i32
    %sign3A_100 = arith.cmpi sgt, %jit3A_90, %sign3A_99 : i32
    %sign3A_101 = arith.extui %sign3A_100 : i1 to i32
    %sign3A_102 = arith.constant 0 : i32
    %sign3A_103 = arith.cmpi slt, %jit3A_90, %sign3A_102 : i32
    %sign3A_104 = arith.extui %sign3A_103 : i1 to i32
    %sign3A_105 = arith.subi %sign3A_101, %sign3A_104 : i32
    %ne3A_106 = arith.cmpi ne, %sign3A_98, %sign3A_105 : i32
    %rem3A_107 = arith.remsi %arg0, %jit3A_90 : i32
    %ne3A_108 = arith.constant 0 : i32
    %ne3A_109 = arith.cmpi ne, %rem3A_107, %ne3A_108 : i32
    %and3A_110 = arith.andi %ne3A_106, %ne3A_109 : i1
    %sub3A_111 = arith.constant 1 : i32
    %sub3A_112 = arith.subi %div3A_91, %sub3A_111 : i32
    %select_n3A_113 = arith.select %and3A_110, %sub3A_112, %div3A_91 : i32
    %eq3A_114 = arith.constant 3 : i32
    %eq3A_115 = arith.cmpi eq, %select_n3A_113, %eq3A_114 : i32
    %convert_element_type3A_116 = arith.extui %eq3A_115 : i1 to i32
    %convert_element_type3A_117 = arith.sitofp %convert_element_type3A_116 : i32 to f32
    %mul3A_118 = vector.broadcast %convert_element_type3A_117 : f32 to vector<512x1xf32>
    %mul3A_119 = arith.mulf %slice3A_89, %mul3A_118 : vector<512x1xf32>
    %add3A_120 = arith.addf %add3A_88, %mul3A_119 : vector<512x1xf32>
    %mul3A_121 = vector.broadcast %add3A_120 : vector<512x1xf32> to vector<512x128xf32>
    %mul3A_122 = arith.mulf %get3A_3, %mul3A_121 : vector<512x128xf32>
    %get3A_123 = arith.constant 0 : index
    %get3A_124 = arith.constant 0 : index
    %get3A_125 = arith.constant 0 : index
    %get3A_126 = vector.load %arg4[%get3A_123, %get3A_124, %get3A_125] : memref<1x1x128xf32, #tpu.memory_space<vmem>>, vector<1x1x128xf32>
    %get3A_127 = vector.shape_cast %get3A_126 : vector<1x1x128xf32> to vector<1x128xf32>
    %add3A_128 = vector.broadcast %get3A_127 : vector<1x128xf32> to vector<512x128xf32>
    %add3A_129 = arith.addf %mul3A_122, %add3A_128 : vector<512x128xf32>
    %max3A = arith.constant 0.000000e+00 : f32
    %max3A_130 = vector.broadcast %max3A : f32 to vector<512x128xf32>
    %max3A_131 = arith.maximumf %add3A_129, %max3A_130 : vector<512x128xf32>
    %get3A_132 = arith.constant 0 : index
    %get3A_133 = arith.constant 0 : index
    %get3A_134 = vector.load %arg5[%get3A_132, %get3A_133] : memref<1x512xi32, #tpu.memory_space<vmem>>, vector<1x512xi32>
    %iota3A = tpu.iota {dimensions = array<i32: 0>} : vector<64x512xi32>
    %broadcast_in_dim3A = vector.shape_cast %get3A_134 : vector<1x512xi32> to vector<1x512xi32>
    %broadcast_in_dim3A_135 = vector.broadcast %broadcast_in_dim3A : vector<1x512xi32> to vector<64x512xi32>
    %eq3A_136 = arith.cmpi eq, %iota3A, %broadcast_in_dim3A_135 : vector<64x512xi32>
    %convert_element_type3A_137 = arith.extui %eq3A_136 : vector<64x512xi1> to vector<64x512xi32>
    %convert_element_type3A_138 = arith.sitofp %convert_element_type3A_137 : vector<64x512xi32> to vector<64x512xf32>
    %dot_general3A = arith.constant dense<0.000000e+00> : vector<64x128xf32>
    %dot_general3A_139 = tpu.matmul %convert_element_type3A_138, %max3A_131, %dot_general3A {dimension_numbers = #tpu.dot_dimension_numbers<[1], [0], [0], [1], [0, 0, 1, 1], [], []>, precision = #tpu.contract_precision<fp32>, transpose_lhs_hint = false} : vector<64x512xf32>, vector<512x128xf32>, vector<64x128xf32> -> vector<64x128xf32>
    %eq3A_140 = arith.constant 0 : i32
    %eq3A_141 = arith.cmpi eq, %arg1, %eq3A_140 : i32
    %convert_element_type3A_142 = arith.extui %eq3A_141 : i1 to i32
    %cond3A = arith.constant 0 : i32
    %cond3A_143 = arith.cmpi ne, %convert_element_type3A_142, %cond3A : i32
    scf.if %cond3A_143 {
      %swap3A = arith.constant 0 : index
      %swap3A_148 = arith.constant 0 : index
      %swap3A_149 = vector.load %arg6[%swap3A, %swap3A_148] : memref<64x128xf32, #tpu.memory_space<vmem>>, vector<64x128xf32>
      tpu.vector_store %arg6[%swap3A, %swap3A_148], %dot_general3A_139 {strides = array<i32>} : memref<64x128xf32, #tpu.memory_space<vmem>>, vector<64x128xf32>,
    } else {
    }
    %gt3A = arith.constant 0 : i32
    %gt3A_144 = arith.cmpi sgt, %arg1, %gt3A : i32
    %convert_element_type3A_145 = arith.extui %gt3A_144 : i1 to i32
    %cond3A_146 = arith.constant 0 : i32
    %cond3A_147 = arith.cmpi ne, %convert_element_type3A_145, %cond3A_146 : i32
    scf.if %cond3A_147 {
      %get3A_148 = arith.constant 0 : index
      %get3A_149 = arith.constant 0 : index
      %get3A_150 = vector.load %arg6[%get3A_148, %get3A_149] : memref<64x128xf32, #tpu.memory_space<vmem>>, vector<64x128xf32>
      %add3A_151 = arith.addf %get3A_150, %dot_general3A_139 : vector<64x128xf32>
      %swap3A = arith.constant 0 : index
      %swap3A_152 = arith.constant 0 : index
      %swap3A_153 = vector.load %arg6[%swap3A, %swap3A_152] : memref<64x128xf32, #tpu.memory_space<vmem>>, vector<64x128xf32>
      tpu.vector_store %arg6[%swap3A, %swap3A_152], %add3A_151 {strides = array<i32>} : memref<64x128xf32, #tpu.memory_space<vmem>>, vector<64x128xf32>,
    } else {
    }
    return
  }
  func.func @transform_0(%arg0: i32, %arg1: i32) -> (i32, i32, i32) {
    %c0_i32 = arith.constant 0 : i32
    %c0_i32_0 = arith.constant 0 : i32
    return %arg0, %arg1, %c0_i32 : i32, i32, i32
  }
  func.func @transform_1(%arg0: i32, %arg1: i32) -> (i32, i32) {
    %c0_i32 = arith.constant 0 : i32
    %c0_i32_0 = arith.constant 0 : i32
    return %arg1, %c0_i32 : i32, i32
  }
  func.func @transform_2(%arg0: i32, %arg1: i32) -> (i32, i32, i32) {
    %c0_i32 = arith.constant 0 : i32
    %c0_i32_0 = arith.constant 0 : i32
    %c0_i32_1 = arith.constant 0 : i32
    return %arg0, %c0_i32, %c0_i32_0 : i32, i32, i32
  }
  func.func @transform_3(%arg0: i32, %arg1: i32) -> (i32, i32) {
    %c0_i32 = arith.constant 0 : i32
    %c0_i32_0 = arith.constant 0 : i32
    return %c0_i32, %arg1 : i32, i32
  }
  func.func @transform_4(%arg0: i32, %arg1: i32) -> (i32, i32) {
    %c0_i32 = arith.constant 0 : i32
    %c0_i32_0 = arith.constant 0 : i32
    return %c0_i32, %arg0 : i32, i32
  }
}

module attributes {stable_mosaic.version = 14 : i64} {
  func.func @_mlp_body(%arg0: memref<64x1024xf32, #tpu.memory_space<vmem>>, %arg1: memref<1024x128xf32, #tpu.memory_space<vmem>>, %arg2: memref<1x128xf32, #tpu.memory_space<vmem>>, %arg3: memref<1x128xf32, #tpu.memory_space<vmem>>, %arg4: memref<1x128xf32, #tpu.memory_space<vmem>>, %arg5: memref<128x64xf32, #tpu.memory_space<vmem>>, %arg6: memref<1x64xf32, #tpu.memory_space<vmem>>, %arg7: memref<1x64xf32, #tpu.memory_space<vmem>>, %arg8: memref<1x64xf32, #tpu.memory_space<vmem>>, %arg9: memref<64x128xf32, #tpu.memory_space<vmem>>, %arg10: memref<1x1xf32, #tpu.memory_space<vmem>>, %arg11: memref<64x128xf32, #tpu.memory_space<vmem>>) attributes {dimension_semantics = [], scalar_prefetch = 0 : i64, scratch_operands = 0 : i64, tpu.core_type = #tpu.core_type<tc>} {
    %get3A = arith.constant 0 : index
    %get3A_0 = arith.constant 0 : index
    %get3A_1 = vector.load %arg0[%get3A, %get3A_0] : memref<64x1024xf32, #tpu.memory_space<vmem>>, vector<64x1024xf32>
    %get3A_2 = arith.constant 0 : index
    %get3A_3 = arith.constant 0 : index
    %get3A_4 = vector.load %arg1[%get3A_2, %get3A_3] : memref<1024x128xf32, #tpu.memory_space<vmem>>, vector<1024x128xf32>
    %dot_general3A = arith.constant dense<0.000000e+00> : vector<64x128xf32>
    %dot_general3A_5 = tpu.matmul %get3A_1, %get3A_4, %dot_general3A {dimension_numbers = #tpu.dot_dimension_numbers<[1], [0], [0], [1], [0, 0, 1, 1], [], []>, transpose_lhs_hint = false} : vector<64x1024xf32>, vector<1024x128xf32>, vector<64x128xf32> -> vector<64x128xf32>
    %get3A_6 = arith.constant 0 : index
    %get3A_7 = arith.constant 0 : index
    %get3A_8 = vector.load %arg2[%get3A_6, %get3A_7] : memref<1x128xf32, #tpu.memory_space<vmem>>, vector<1x128xf32>
    %add3A = vector.broadcast %get3A_8 : vector<1x128xf32> to vector<64x128xf32>
    %add3A_9 = arith.addf %dot_general3A_5, %add3A : vector<64x128xf32>
    %get3A_10 = arith.constant 0 : index
    %get3A_11 = arith.constant 0 : index
    %get3A_12 = vector.load %arg3[%get3A_10, %get3A_11] : memref<1x128xf32, #tpu.memory_space<vmem>>, vector<1x128xf32>
    %get3A_13 = arith.constant 0 : index
    %get3A_14 = arith.constant 0 : index
    %get3A_15 = vector.load %arg4[%get3A_13, %get3A_14] : memref<1x128xf32, #tpu.memory_space<vmem>>, vector<1x128xf32>
    %reduce_sum3A = arith.constant dense<0.000000e+00> : vector<128xf32>
    %reduce_sum3A_16 = vector.multi_reduction <add>, %add3A_9, %reduce_sum3A [0] : vector<64x128xf32> to vector<128xf32>
    %broadcast_in_dim3A = vector.shape_cast %reduce_sum3A_16 : vector<128xf32> to vector<1x128xf32>
    %div3A = arith.constant 6.400000e+01 : f32
    %div3A_17 = vector.broadcast %div3A : f32 to vector<1x128xf32>
    %div3A_18 = arith.divf %broadcast_in_dim3A, %div3A_17 : vector<1x128xf32>
    %sub3A = vector.broadcast %div3A_18 : vector<1x128xf32> to vector<64x128xf32>
    %sub3A_19 = arith.subf %add3A_9, %sub3A : vector<64x128xf32>
    %mul3A = arith.mulf %sub3A_19, %sub3A_19 : vector<64x128xf32>
    %reduce_sum3A_20 = arith.constant dense<0.000000e+00> : vector<128xf32>
    %reduce_sum3A_21 = vector.multi_reduction <add>, %mul3A, %reduce_sum3A_20 [0] : vector<64x128xf32> to vector<128xf32>
    %broadcast_in_dim3A_22 = vector.shape_cast %reduce_sum3A_21 : vector<128xf32> to vector<1x128xf32>
    %div3A_23 = arith.constant 6.400000e+01 : f32
    %div3A_24 = vector.broadcast %div3A_23 : f32 to vector<1x128xf32>
    %div3A_25 = arith.divf %broadcast_in_dim3A_22, %div3A_24 : vector<1x128xf32>
    %add3A_26 = arith.constant 9.99999974E-6 : f32
    %add3A_27 = vector.broadcast %add3A_26 : f32 to vector<1x128xf32>
    %add3A_28 = arith.addf %div3A_25, %add3A_27 : vector<1x128xf32>
    %sqrt3A = math.sqrt %add3A_28 : vector<1x128xf32>
    %div3A_29 = vector.broadcast %sqrt3A : vector<1x128xf32> to vector<64x128xf32>
    %div3A_30 = arith.divf %sub3A_19, %div3A_29 : vector<64x128xf32>
    %mul3A_31 = vector.broadcast %get3A_12 : vector<1x128xf32> to vector<64x128xf32>
    %mul3A_32 = arith.mulf %div3A_30, %mul3A_31 : vector<64x128xf32>
    %add3A_33 = vector.broadcast %get3A_15 : vector<1x128xf32> to vector<64x128xf32>
    %add3A_34 = arith.addf %mul3A_32, %add3A_33 : vector<64x128xf32>
    %max3A = arith.constant 0.000000e+00 : f32
    %max3A_35 = vector.broadcast %max3A : f32 to vector<64x128xf32>
    %max3A_36 = arith.maximumf %add3A_34, %max3A_35 : vector<64x128xf32>
    %get3A_37 = arith.constant 0 : index
    %get3A_38 = arith.constant 0 : index
    %get3A_39 = vector.load %arg5[%get3A_37, %get3A_38] : memref<128x64xf32, #tpu.memory_space<vmem>>, vector<128x64xf32>
    %dot_general3A_40 = arith.constant dense<0.000000e+00> : vector<64x64xf32>
    %dot_general3A_41 = tpu.matmul %max3A_36, %get3A_39, %dot_general3A_40 {dimension_numbers = #tpu.dot_dimension_numbers<[1], [0], [0], [1], [0, 0, 1, 1], [], []>, transpose_lhs_hint = false} : vector<64x128xf32>, vector<128x64xf32>, vector<64x64xf32> -> vector<64x64xf32>
    %get3A_42 = arith.constant 0 : index
    %get3A_43 = arith.constant 0 : index
    %get3A_44 = vector.load %arg6[%get3A_42, %get3A_43] : memref<1x64xf32, #tpu.memory_space<vmem>>, vector<1x64xf32>
    %add3A_45 = vector.broadcast %get3A_44 : vector<1x64xf32> to vector<64x64xf32>
    %add3A_46 = arith.addf %dot_general3A_41, %add3A_45 : vector<64x64xf32>
    %get3A_47 = arith.constant 0 : index
    %get3A_48 = arith.constant 0 : index
    %get3A_49 = vector.load %arg7[%get3A_47, %get3A_48] : memref<1x64xf32, #tpu.memory_space<vmem>>, vector<1x64xf32>
    %get3A_50 = arith.constant 0 : index
    %get3A_51 = arith.constant 0 : index
    %get3A_52 = vector.load %arg8[%get3A_50, %get3A_51] : memref<1x64xf32, #tpu.memory_space<vmem>>, vector<1x64xf32>
    %reduce_sum3A_53 = arith.constant dense<0.000000e+00> : vector<64xf32>
    %reduce_sum3A_54 = vector.multi_reduction <add>, %add3A_46, %reduce_sum3A_53 [0] : vector<64x64xf32> to vector<64xf32>
    %broadcast_in_dim3A_55 = vector.shape_cast %reduce_sum3A_54 : vector<64xf32> to vector<1x64xf32>
    %div3A_56 = arith.constant 6.400000e+01 : f32
    %div3A_57 = vector.broadcast %div3A_56 : f32 to vector<1x64xf32>
    %div3A_58 = arith.divf %broadcast_in_dim3A_55, %div3A_57 : vector<1x64xf32>
    %sub3A_59 = vector.broadcast %div3A_58 : vector<1x64xf32> to vector<64x64xf32>
    %sub3A_60 = arith.subf %add3A_46, %sub3A_59 : vector<64x64xf32>
    %mul3A_61 = arith.mulf %sub3A_60, %sub3A_60 : vector<64x64xf32>
    %reduce_sum3A_62 = arith.constant dense<0.000000e+00> : vector<64xf32>
    %reduce_sum3A_63 = vector.multi_reduction <add>, %mul3A_61, %reduce_sum3A_62 [0] : vector<64x64xf32> to vector<64xf32>
    %broadcast_in_dim3A_64 = vector.shape_cast %reduce_sum3A_63 : vector<64xf32> to vector<1x64xf32>
    %div3A_65 = arith.constant 6.400000e+01 : f32
    %div3A_66 = vector.broadcast %div3A_65 : f32 to vector<1x64xf32>
    %div3A_67 = arith.divf %broadcast_in_dim3A_64, %div3A_66 : vector<1x64xf32>
    %add3A_68 = arith.constant 9.99999974E-6 : f32
    %add3A_69 = vector.broadcast %add3A_68 : f32 to vector<1x64xf32>
    %add3A_70 = arith.addf %div3A_67, %add3A_69 : vector<1x64xf32>
    %sqrt3A_71 = math.sqrt %add3A_70 : vector<1x64xf32>
    %div3A_72 = vector.broadcast %sqrt3A_71 : vector<1x64xf32> to vector<64x64xf32>
    %div3A_73 = arith.divf %sub3A_60, %div3A_72 : vector<64x64xf32>
    %mul3A_74 = vector.broadcast %get3A_49 : vector<1x64xf32> to vector<64x64xf32>
    %mul3A_75 = arith.mulf %div3A_73, %mul3A_74 : vector<64x64xf32>
    %add3A_76 = vector.broadcast %get3A_52 : vector<1x64xf32> to vector<64x64xf32>
    %add3A_77 = arith.addf %mul3A_75, %add3A_76 : vector<64x64xf32>
    %max3A_78 = arith.constant 0.000000e+00 : f32
    %max3A_79 = vector.broadcast %max3A_78 : f32 to vector<64x64xf32>
    %max3A_80 = arith.maximumf %add3A_77, %max3A_79 : vector<64x64xf32>
    %get3A_81 = arith.constant 0 : index
    %get3A_82 = arith.constant 0 : index
    %get3A_83 = vector.load %arg9[%get3A_81, %get3A_82] : memref<64x128xf32, #tpu.memory_space<vmem>>, vector<64x128xf32>
    %dot_general3A_84 = arith.constant dense<0.000000e+00> : vector<64x128xf32>
    %dot_general3A_85 = tpu.matmul %max3A_80, %get3A_83, %dot_general3A_84 {dimension_numbers = #tpu.dot_dimension_numbers<[1], [0], [0], [1], [0, 0, 1, 1], [], []>, transpose_lhs_hint = false} : vector<64x64xf32>, vector<64x128xf32>, vector<64x128xf32> -> vector<64x128xf32>
    %get3A_86 = arith.constant 0 : index
    %get3A_87 = arith.constant 0 : index
    %get3A_88 = vector.load %arg10[%get3A_86, %get3A_87] : memref<1x1xf32, #tpu.memory_space<vmem>>, vector<1x1xf32>
    %add3A_89 = vector.broadcast %get3A_88 : vector<1x1xf32> to vector<64x128xf32>
    %add3A_90 = arith.addf %dot_general3A_85, %add3A_89 : vector<64x128xf32>
    %swap3A = arith.constant 0 : index
    %swap3A_91 = arith.constant 0 : index
    %swap3A_92 = vector.load %arg11[%swap3A, %swap3A_91] : memref<64x128xf32, #tpu.memory_space<vmem>>, vector<64x128xf32>
    tpu.vector_store %arg11[%swap3A, %swap3A_91], %add3A_90 {strides = array<i32>} : memref<64x128xf32, #tpu.memory_space<vmem>>, vector<64x128xf32>,
    return
  }
}

</mosaic_0001>

<sc_bundles>
// kernel: gather_offload_async_start.1
scs
__scs_entry_jumppad:
0x0: {  	(pc) =	sbr.rel $0x88, $3  }
0x1: {  	(tag) =	ssettag $0x0;
	lr =	simm.s32 $0x1  }
0x2: {  	[smem:$0x3F8C] =	sst lr;
	_ =	strace $0xD0000000  }
0x3: {  	_ = 	snop  }
0x4: {  	_ = 	snop  }
0x5: {  	_ = 	snop  }
0x6: {  	_ = 	snop  }
0x7: {  	_ = 	snop  }
__scs_overlays_trampoline_lowered:
0x8: {  	[smem:$0x3F9B] =	sst s0  }
0x9: {  	[smem:$0x3F9C] =	sst s1  }
0xa: {  	[smem:$0x3F9D] =	sst s2  }
0xb: {  	[smem:$0x3F9E] =	sst s3  }
0xc: {  	[smem:$0x3F9F] =	sst s4  }
0xd: {  	[smem:$0x3FA0] =	sst s5  }
0xe: {  	[smem:$0x3FA1] =	sst s6  }
0xf: {  	[smem:$0x3FA2] =	sst s7  }
0x10: {  	[smem:$0x3FA3] =	sst s8  }
0x11: {  	[smem:$0x3FA4] =	sst s9;
	s0 =	simm.s32 @!p0 $0x0  }
0x12: {  	s1 =	sld [smem:$0x3F8A];
	s0 =	simm.s32 @p0 $0x1  }
0x13: {  	[smem:$0x3FA5] =	sst s0;
	s0 =	simm.s32 @!p1 $0x0  }
0x14: {  	s2 =	sld [smem:$0x3F89];
	s0 =	simm.s32 @p1 $0x1  }
0x15: {  	[smem:$0x3FA6] =	sst s0;
	s0 =	simm.s32 @!p2 $0x0  }
0x16: {  	s3 =	sld [smem:$0x3FDB];
	s0 =	simm.s32 @p2 $0x1  }
0x17: {  	s4 =	simm.s32 $0x1BF5;
	[smem:$0x3FA8] =	sst s0  }
0x18: {  	s0 =	sld [smem:$0x3F8B];
	_ =	swait.ge [sflag:s4], $0x0  }
0x19: {  	s7 =	sld [smem:$0x3F8C]  }
0x1a: {  	s8 =	sadd.s32 $0xFFFFE003, lr  }
0x1b: {  	s9 =	sadd.s32 $0xFFFFFEF7, lr;
	s5 =	simm.s32 $0xFFFFFFFF;
	p2 =	slt.u32 s8, $0xFFFFF086  }
0x1c: {  	p1 =	slt.u32 s9, $0xF7A;
	s5 =	simm.s32 @!p2 $0x0  }
0x1d: {  	s5 =	simm.s32 @p1 $0x1;
	p0 =	seq.s32 s7, s2  }
0x1e: {  	s7 =	smul.u32 @!p0 $0xF7A, s2;
	p2 =	seq.s32 @!p0 s5, $0x0  }
0x1f: {  	s9 =	smul.u32 $0xF7A, s1;
	s8 =	simm.s32 @!p0 $0x1BF5;
	p2 =	por !p2, p0  }
0x20: {  	[sflag:s8] =	ssyncset.s32 @!p0 $0xFFFFF086;
	s6 =	sadd.s32 @!p0 s3, s7;
	s7 =	simm.s32 @!p0 $0x108  }
0x21: {  	s3 =	sadd.s32 s3, s9;
	s6 =	sadd.s32 @!p0 $0x88, s6;
	s7 =	simm.s32 @p2 $0x1082  }
0x22: {  	[simem:s7], [sflag:s8] =	dma.local @!p0 [hbm:s6], $0xF7A  }
0x23: {  	s9 =	sor.u32 $0xD0000000, s2;
	s6 =	simm.s32 $0x108;
	_ =	swait.ge @!p0 [sflag:s8], $0x0  }
0x24: {  	s3 =	sadd.s32 $0x88, s3;
	s6 =	simm.s32 @!p1 $0x1082;
	[sflag:s4] =	ssyncset.s32 $0xFFFFF086  }
0x25: {  	[simem:s6], [sflag:s4] =	dma.local [hbm:s3], $0xF7A  }
0x26: {  	[smem:$0x3F8C] =	sst s1;
	(tag) =	ssettag s2;
	_ =	strace s9  }
0x27: {  	s1 =	sld [smem:$0x3F9C]  }
0x28: {  	s2 =	sld [smem:$0x3F9D]  }
0x29: {  	s4 =	sld [smem:$0x3F9F]  }
0x2a: {  	p0 =	seq.s32 s5, $0x0;
	s5 =	sld [smem:$0x3FA0]  }
0x2b: {  	s6 =	sld [smem:$0x3FA1]  }
0x2c: {  	s7 =	sld [smem:$0x3FA2]  }
0x2d: {  	s3 =	simm.s32 $0x108;
	s8 =	sld [smem:$0x3FA3]  }
0x2e: {  	s3 =	simm.s32 @!p0 $0x1082;
	s9 =	sld [smem:$0x3FA4]  }
0x2f: {  	lr =	sadd.s32 s0, s3;
	s0 =	sld [smem:$0x3F9B]  }
0x30: {  	s3 =	sld [smem:$0x3F9E]  }
0x31: {  	[smem:$0x3FA7] =	sst s10  }
0x32: {  	s10 =	sld [smem:$0x3FA5];
	_ =	sdelay $0x3  }
0x33: {  	p0 =	seq.s32 s10, $0x1;
	s10 =	sld [smem:$0x3FA7];
	_ =	sdelay $0x3  }
0x34: {  	[smem:$0x3FA7] =	sst s10  }
0x35: {  	s10 =	sld [smem:$0x3FA6];
	_ =	sdelay $0x3  }
0x36: {  	p1 =	seq.s32 s10, $0x1;
	s10 =	sld [smem:$0x3FA7];
	_ =	sdelay $0x3  }
0x37: {  	[smem:$0x3FA7] =	sst s10  }
0x38: {  	s10 =	sld [smem:$0x3FA8]  }
0x39: {  	_ = 	snop;
	(pc) =	sbr.ind lr, $3  }
0x3a: {  	_ = 	snop  }
0x3b: {  	_ = 	snop  }
0x3c: {  	p2 =	seq.s32 s10, $0x1;
	s10 =	sld [smem:$0x3FA7]  }
0x3d: {  	_ =	shalt  }
0x3e: {  	_ =	shalt  }
0x3f: {  	_ =	shalt  }
0x40: {  	_ =	shalt  }
0x41: {  	_ =	shalt  }
0x42: {  	_ =	shalt  }
0x43: {  	_ =	shalt  }
0x44: {  	_ =	shalt  }
0x45: {  	_ =	shalt  }
0x46: {  	_ =	shalt  }
0x47: {  	_ =	shalt  }
0x48: {  	_ =	shalt  }
0x49: {  	_ =	shalt  }
0x4a: {  	_ =	shalt  }
0x4b: {  	_ =	shalt  }
0x4c: {  	_ =	shalt  }
0x4d: {  	_ =	shalt  }
0x4e: {  	_ =	shalt  }
0x4f: {  	_ =	shalt  }
0x50: {  	_ =	shalt  }
0x51: {  	_ =	shalt  }
0x52: {  	_ =	shalt  }
0x53: {  	_ =	shalt  }
0x54: {  	_ =	shalt  }
0x55: {  	_ =	shalt  }
0x56: {  	_ =	shalt  }
0x57: {  	_ =	shalt  }
0x58: {  	_ =	shalt  }
0x59: {  	_ =	shalt  }
0x5a: {  	_ =	shalt  }
0x5b: {  	_ =	shalt  }
0x5c: {  	_ =	shalt  }
0x5d: {  	_ =	shalt  }
0x5e: {  	_ =	shalt  }
0x5f: {  	_ =	shalt  }
0x60: {  	_ =	shalt  }
0x61: {  	_ =	shalt  }
0x62: {  	_ =	shalt  }
0x63: {  	_ =	shalt  }
0x64: {  	_ =	shalt  }
0x65: {  	_ =	shalt  }
0x66: {  	_ =	shalt  }
0x67: {  	_ =	shalt  }
0x68: {  	_ =	shalt  }
0x69: {  	_ =	shalt  }
0x6a: {  	_ =	shalt  }
0x6b: {  	_ =	shalt  }
0x6c: {  	_ =	shalt  }
0x6d: {  	_ =	shalt  }
0x6e: {  	_ =	shalt  }
0x6f: {  	_ =	shalt  }
0x70: {  	_ =	shalt  }
0x71: {  	_ =	shalt  }
0x72: {  	_ =	shalt  }
0x73: {  	_ =	shalt  }
0x74: {  	_ =	shalt  }
0x75: {  	_ =	shalt  }
0x76: {  	_ =	shalt  }
0x77: {  	_ =	shalt  }
0x78: {  	_ =	shalt  }
0x79: {  	_ =	shalt  }
0x7a: {  	_ =	shalt  }
0x7b: {  	_ =	shalt  }
0x7c: {  	_ =	shalt  }
0x7d: {  	_ =	shalt  }
0x7e: {  	_ =	shalt  }
0x7f: {  	_ =	shalt  }
0x80: {  	_ =	shalt  }
0x81: {  	_ =	shalt  }
0x82: {  	_ =	shalt  }
0x83: {  	_ =	shalt  }
0x84: {  	_ =	shalt  }
0x85: {  	_ =	shalt  }
0x86: {  	_ =	shalt  }
0x87: {  	_ =	shalt  }
.Lfunc_end0:
.L_simem_size_0:
called_computation.5_lowered:
.L_overlay_start_0:
0x88: {  	s2 =	sld [smem:$0x3FD9]  }
0x89: {  	s3 =	sld [smem:$0x3FFE];
	_ =	sdelay $0x1  }
0x8a: {  	s1 =	srdreg.scid  }
0x8b: {  	s0 =	sand.u32 $0x1, s1  }
0x8c: {  	s17 =	sshll.u32 s0, $0xA;
	s2 =	sadd.s32 s3, s2  }
0x8d: {  	s2 =	sadd.s32 s2, s17  }
0x8e: {  	[smem:$0x3FB3] =	sst s2  }
0x8f: {  	_ = 	snop  }
0x90: {  	(tm) =	ssettm $0x1  }
0x91: {  	s18 =	sld [smem:$0x3FFB];
	_ =	sdelay $0x3  }
0x92: {  	_ =	strace s18  }
0x93: {  	s2 =	sld [smem:$0x3FFC];
	_ =	sdelay $0x3  }
0x94: {  	_ =	strace s2  }
0x95: {  	s2 =	sld [smem:$0x3FFD];
	_ =	sdelay $0x3  }
0x96: {  	_ =	strace s2  }
0x97: {  	_ =	strace $0x8FFFFFFF  }
0x98: {  	s19 =	sld [smem:$0x3FDB];
	_ =	sdelay $0x1  }
0x99: {  	s20 =	simm.s32 $_scs_section_size  }
0x9a: {  	s4 =	simm.s32 $_size__tile_overlayer_lowered;
	s5 =	simm.s32 $_tile_overlayer_lowered  }
0x9b: {  	s6 =	simm.s32 $0x1BFF;
	s21 =	sshll.u32 s5, $0x1;
	s3 =	sadd.s32 s20, s19  }
0x9c: {  	s22 =	simm.s32 $0x0;
	s4 =	sshll.u32 s4, $0x1;
	s5 =	sadd.s32 s21, s3  }
0x9d: {  	[timem:s22], [sflag:s6] =	dma.local [hbm:s5], s4  }
0x9e: {  	_ =	swait.ge [sflag:s6], s4  }
0x9f: {  	s4 =	ssub.s32 $0x0, s4;
	[sflag:s6] =	ssyncset.done $0x0  }
0xa0: {  	[sflag:s6] =	ssyncadd.s32 s4;
	_ =	sdelay $0x1  }
0xa1: {  	s23 =	simm.s32 $0x1B8B  }
0xa2: {  	_ =	swait.ge [sflag:s23], $0x1  }
0xa3: {  	[sflag:s23] =	ssyncset.done $0x0  }
0xa4: {  	[sflag:s23] =	ssyncadd.s32 $0xFFFFFFFF  }
0xa5: {  	s4 =	sld [smem:$0x0]  }
0xa6: {  	s5 =	sand.u32 $0xFFFFFFFE, s1  }
0xa7: {  	p0 =	sne.s32 s1, s5  }
0xa8: {  	s5 =	sshll.u32 @p0 s5, $0xE  }
0xa9: {  	s5 =	sadd.s32 @p0 $0x11B8D, s5;
	s6 =	sshll.u32 @p0 s4, $0x11  }
0xaa: {  	s5 =	sor.u32 @p0 s6, s5  }
0xab: {  	[sflag:s5] =	ssyncadd.remote.s32 @p0 $0x1;
	_ =	sdelay $0x1  }
0xac: {  	s5 =	simm.s32 @p0 $0x1B8D  }
0xad: {  	_ =	swait.eq @p0 [sflag:s5], $0x1  }
0xae: {  	[sflag:s5] =	ssyncadd.s32 @p0 $0xFFFFFFFF  }
0xaf: {  	s6 =	sshll.u32 @!p0 s1, $0xE  }
0xb0: {  	s6 =	sor.u32 @!p0 $0x4000, s6;
	s5 =	simm.s32 @!p0 $0x1B8D  }
0xb1: {  	s4 =	sshll.u32 @!p0 s4, $0x11;
	s6 =	sadd.s32 @!p0 $0x11B8D, s6;
	_ =	swait.eq @!p0 [sflag:s5], $0x1  }
0xb2: {  	s4 =	sor.u32 @!p0 s4, s6;
	[sflag:s5] =	ssyncadd.s32 @!p0 $0xFFFFFFFF  }
0xb3: {  	s25 =	simm.s32 $0x1B8E;
	s24 =	sld [smem:$0x3FFE];
	[sflag:s4] =	ssyncadd.remote.s32 @!p0 $0x1  }
0xb4: {  	s26 =	simm.s32 $execute0_lowered;
	[smem:$0x3FD2] =	sst s25  }
0xb5: {  	s5 =	sshll.u32 s26, $0x1;
	_ =	strace $0x80000058;
	[dreg:$0x1] =	wrdreg $0xFFFFFFFF  }
0xb6: {  	s28 =	simm.s32 $_size_execute0_lowered;
	s3 =	sadd.s32 s3, s5;
	[dreg:$0x0] =	wrdreg $0x0  }
0xb7: {  	s5 =	sshll.u32 s28, $0x1;
	[dreg:$0x2] =	wrdreg s3  }
0xb8: {  	[dreg:$0x3] =	wrdreg s5  }
0xb9: {  	[dreg:$0x4] =	wrdreg $0xC0  }
0xba: {  	_ =	task [dreg:s22], $0x5FFFF  }
0xbb: {  	[dreg:$0x1] =	wrdreg $0xFFFFFFFF  }
0xbc: {  	[dreg:$0x0] =	wrdreg $0x60  }
0xbd: {  	[dreg:$0x2] =	wrdreg s24  }
0xbe: {  	[dreg:$0x3] =	wrdreg $0xB  }
0xbf: {  	_ =	task.clear_ibuf [dreg:s22], $0x4FFFF;
	_ =	strace $0x90000058  }
0xc0: {  	s29 =	simm.s32 $0xB;
	_ =	strace $0x8000005A  }
0xc1: {  	_ =	swait.ge [sflag:s29], $0x1  }
0xc2: {  	[sflag:s29] =	ssyncadd.s32 $0xFFFFFFFF  }
0xc3: {  	_ =	strace $0x9000005A  }
0xc4: {  	_ =	sfence  }
0xc5: {  	s30 =	sld [smem:$0x0];
	_ =	sdelay $0x2  }
0xc6: {  	s31 =	sshll.u32 s1, $0xD;
	s1 =	sshrl.u32 s1, $0x2  }
0xc7: {  	s4 =	sand.u32 $0x4000, s31;
	s1 =	sadd.s32 s1, s30  }
0xc8: {  	s0 =	sor.u32 s4, s0;
	s1 =	sshll.u32 s1, $0x11  }
0xc9: {  	s0 =	sor.u32 s1, s0  }
0xca: {  	s0 =	sadd.s32 $0x8F2B, s0  }
0xcb: {  	[sflag:s0] =	ssyncadd.remote.s32 $0x1  }
0xcc: {  	_ =	sfence.sel $0xFFFF  }
0xcd: {  	[dreg:$0x0] =	wrdreg $0xFFFFFFFF;
	(pc) =	sbr.abs _section_cstart, $3  }
0xce: {  	[dreg:$0x1] =	wrdreg $0xFFFFFFFF  }
0xcf: {  	_ =	task.clear_ibuf [dreg:s22], $0x2FFFF;
	_ =	strace $0x9FFFFFFF  }
0xd0: {  	(tm) =	ssettm $0x7FFFFFFF  }
0xd1: {  	_ =	shalt  }
tec
execute0_lowered:
.L_overlay_start_1:
0x0: {  	(tag) =	ssettag $0x1  }
0x1: {  	s8 =	rddreg [dreg:$0x0]  }
0x2: {  	s0 =	rddreg [dreg:$0x1];
	s1 =	srdreg.scid;
	_ =	strace $0x80000059  }
0x3: {  	s4 =	simm.s32 $0x1;
	s6 =	simm.s32 $0x2;
	s10 =	simm.s32 $0x3  }
0x4: {  	p3 =	por $0x0, $0x0;
	s11 =	simm.s32 $0x80;
	s3 =	sshll.u32 s1, $0x4  }
.Ltmp0:
0x5: {  	s1 =	stileid.u32;
	s5 =	sand.u32 $0x10, s3;
	(pc) =	sbr.rel .LBB2_1-.Ltmp0, $4  }
0x6: {  	s2 =	sadd.s32 $0x198200, s8;
	[sflag:s4] =	ssyncpa.u1 $0x0;
	s5 =	sor.u32 s1, s5  }
0x7: {  	s7 =	sadd.s32 $0x33BAA00, s8;
	[sflag:s6] =	ssyncpa.u1 $0x0;
	s5 =	smul.u32 $0x1500, s5  }
0x8: {  	s3 =	sadd.s32 $0xB800, s8;
	s8 =	sadd.s32 $0x10C00, s8;
	[sflag:s10] =	ssyncpa.u1 $0x0  }
0x9: {  	v0 =	vlaneseq.u32;
	s10 =	simm.s32 $0x0;
	s9 =	sadd.s32 $0x1500, s5;
	s12 =	smov.u32 s5  }
.LBB2_6:
0xa: {  	s15 =	sadd.s32 s17, s15  }
0xb: {  	v2 =	vld.msk [tilespmem:s15+$0x0 ss:$0x1], $0x1;
	_ =	sdelay $0x2  }
0xc: {  	(v2sf) =	vpush v1, $0x1  }
0xd: {  	(v2sf) =	vpush v1, $0x0  }
0xe: {  	(v2sf) =	vpush v2, $0x0;
	_ =	sdelay $0xc  }
0xf: {  	p0 =	seq.s32 s18, $0xDC;
	s15 =	simm.s32 $0x1;
	s18 =	spop (v2sf)  }
0x10: {  	s15 =	simm.s32 @!p0 $0x2;
	s18 =	simm.s32 @p1 $0xFFFFFFFF;
	s19 =	spop (v2sf)  }
0x11: {  	v1 =	vmov s15;
	p0 =	sne.s32 s19, s18;
	s18 =	simm.s32 $0x1;
	s28 =	spop (v2sf)  }
0x12: {  	vm0 =	vgt.u32 v1, v0;
	s18 =	simm.s32 @!p0 $0x0;
	s29 =	sshll.u32 s28, $0xA;
	s15 =	sshll.u32 s28, $0x7  }
0x13: {  	s16 =	sadd.s32 s18, s16;
	s19 =	sand.u32 $0xFFFFE000, s29;
	s15 =	sand.u32 $0x380, s15  }
0x14: {  	s16 =	sshll.u32 s16, $0xC;
	s15 =	sor.u32 s15, s19  }
0x15: {  	s16 =	sshra.s32 s16, $0x2;
	s15 =	sshrl.u32 s15, $0x3  }
0x16: {  	s13 =	sadd.s32 s17, s13;
	s14 =	sadd.s32 s16, s14;
	s15 =	sadd.s32 s7, s15  }
0x17: {  	[hbm:s15] =	stream.strided.scatter [tilespmem:s14], [sflag:$0x3], $0x400, s11, s11, $0x38;
	[tilespmem:$0x1C0E0] =	vst v63  }
0x18: {  	v1 =	vld.msk [tilespmem:s13+$0x0 ss:$0x1], vm0;
	_ =	sdelay $0x4  }
0x19: {  	(v2sf) =	vpush v1, $0x1  }
0x1a: {  	(v2sf) =	vpush v1, $0x0;
	_ =	sdelay $0xb  }
0x1b: {  	s13 =	sld [smem:$0x7FC];
	_ =	sdelay $0x1  }
0x1c: {  	s30 =	spop (v2sf)  }
0x1d: {  	p3 =	seq.s32 s13, $0x1;
	s31 =	spop (v2sf)  }
.LBB2_7:
0x1e: {  	p0 =	slt.u32 s10, $0x2;
	s10 =	sadd.s32 $0x1, s10  }
0x1f: {  	p2 =	sne.s32 s10, $0x62  }
.Ltmp1:
0x20: {  	_ = 	snop;
	(pc) =	sbr.rel @!p2 .LBB2_8-.Ltmp1, $4  }
0x21: {  	s13 =	simm.s32 @!p0 $0x3  }
0x22: {  	s14 =	sadd.s32 $0x38, s12;
	_ =	swait.ge @!p0 [sflag:s13], $0xE000  }
0x23: {  	s12 =	smov.u32 s5;
	p1 =	slt.s32 s14, s9;
	[sflag:s13] =	ssyncset.done @!p0 $0x0  }
0x24: {  	p3 =	por !p3, !p3;
	s12 =	smov.u32 @p1 s14;
	[sflag:s13] =	ssyncadd.s32 @!p0 $0xFFFF2000  }
.LBB2_1:
0x25: {  	p0 =	sgt.u32 s10, $0x5F  }
0x26: {  	s13 =	sxor.u32 @!p0 $0xFFFFFFFF, s10  }
0x27: {  	s13 =	sand.u32 @!p0 $0x1, s13  }
0x28: {  	s14 =	sshrl.u32 @!p0 s12, $0x3;
	s13 =	smul.u32 @!p0 $0x38, s13  }
0x29: {  	s16 =	sand.u32 @!p0 $0x7, s12;
	s15 =	sadd.s32 @!p0 s3, s14  }
0x2a: {  	[tilespmem:s13], [sflag:$0x2] =	stream.linear.gather @!p0 [hbm4b:s15+s16], $0x38, $0x38;
	[tilespmem:$0x1C0E0] =	vst v63  }
0x2b: {  	s31 =	sadd.s32 $0xFFFFFFFF, s10;
	s14 =	sadd.s32 @!p0 s8, s14;
	s13 =	sadd.s32 @!p0 $0x70, s13  }
0x2c: {  	[tilespmem:s13], [sflag:$0x2] =	stream.linear.gather @!p0 [hbm4b:s14+s16], $0x38, $0x38;
	[tilespmem:$0x1C0E0] =	vst v63  }
0x2d: {  	p0 =	sgt.u32 s31, $0x5F  }
.Ltmp2:
0x2e: {  	_ = 	snop;
	(pc) =	sbr.rel @p0 .LBB2_7-.Ltmp2, $1  }
0x2f: {  	_ =	sdelay $0x3  }
0x30: {  	p0 =	por $0x0, $0x0;
	s13 =	simm.s32 $0x1  }
0x31: {  	s13 =	simm.s32 @!p0 $0x2  }
0x32: {  	v1 =	vmov s13  }
0x33: {  	s14 =	simm.s32 @!p3 $0x0;
	s13 =	simm.s32 $0x1;
	vm0 =	vgt.u32 v1, v0  }
0x34: {  	s14 =	simm.s32 @p3 $0x1;
	s13 =	simm.s32 @!p3 $0x0  }
0x35: {  	[smem:$0x7FC] =	sst s14;
	s13 =	smul.u32 $0xE0, s13  }
0x36: {  	_ =	swait.ge [sflag:s6], $0x70  }
0x37: {  	[sflag:s6] =	ssyncset.done $0x0;
	s13 =	sshrl.u32 s13, $0x2  }
0x38: {  	[sflag:s6] =	ssyncadd.s32 $0xFFFFFF90;
	s26 =	sadd.s32 $0x0, s13  }
0x39: {  	v2 =	vld.msk [tilespmem:s26+$0x0 ss:$0x1], vm0;
	_ =	sdelay $0x4  }
0x3a: {  	(v2sf) =	vpush v2, $0x1  }
0x3b: {  	p1 =	por $0x0, $0x0;
	s14 =	simm.s32 $0x1;
	(v2sf) =	vpush v2, $0x0  }
0x3c: {  	s14 =	simm.s32 @!p1 $0x2  }
0x3d: {  	v1 =	vmov s14  }
0x3e: {  	vm12 =	vgt.u32 v1, v0;
	_ =	sdelay $0x3  }
0x3f: {  	p2 =	por $0x0, $0x0;
	s15 =	simm.s32 $0x1  }
0x40: {  	s15 =	simm.s32 @!p2 $0x2;
	s28 =	sadd.s32 $0x1, s13  }
0x41: {  	v1 =	vmov s15;
	v3 =	vld.msk [tilespmem:s28+$0x0 ss:$0x1], vm12  }
0x42: {  	vm13 =	vgt.u32 v1, v0;
	_ =	sdelay $0x2  }
0x43: {  	p0 =	por p0, p0  }
0x44: {  	p0 =	por p0, p0;
	(v2sf) =	vpush v3, $0x1;
	s14 =	spop (v2sf)  }
0x45: {  	s29 =	sadd.s32 $0x2, s13;
	s14 =	simm.s32 @p0 $0xFFFFFFFF;
	s16 =	spop (v2sf)  }
0x46: {  	v1 =	vld.msk [tilespmem:s29+$0x0 ss:$0x1], vm13;
	(v2sf) =	vpush v3, $0x0;
	p0 =	seq.s32 s16, s14  }
0x47: {  	vm0 =	vgt.s32 @!p0 v2, $0x0  }
0x48: {  	v2 =	vnsel @!p0 vm0, $0x0, v2  }
0x49: {  	v2 =	vmin.u32 @!p0 v2, $0x27FF  }
0x4a: {  	(v2sf) =	vpush @!p0 v2, $0x0  }
0x4b: {  	(v2sf) =	vpush v1, $0x1  }
0x4c: {  	s30 =	sand.u32 $0x1, s10;
	(v2sf) =	vpush v1, $0x0  }
0x4d: {  	p4 =	por $0x0, $0x0;
	s17 =	simm.s32 $0x0;
	s21 =	simm.s32 $0x14  }
0x4e: {  	s19 =	simm.s32 $0x18;
	s22 =	simm.s32 $0x1;
	s16 =	simm.s32 $0x1  }
0x4f: {  	p2 =	por p2, p2;
	p1 =	por p1, p1;
	s16 =	simm.s32 @!p4 $0x2  }
0x50: {  	p2 =	por p2, p2;
	p1 =	por p1, p1;
	s15 =	sadd.s32 $0x70, s13;
	v2 =	vmov s16  }
0x51: {  	s24 =	sadd.s32 $0x3, s13;
	s31 =	sadd.s32 $0x4, s13;
	s14 =	smul.u32 $0x38000, s30;
	vm14 =	vgt.u32 v2, v0  }
0x52: {  	s20 =	simm.s32 @!p0 $0x1;
	p5 =	por p0, p0;
	p4 =	por p4, p4  }
0x53: {  	s14 =	sshrl.u32 s14, $0x2;
	s20 =	smov.u32 @p0 s17;
	s16 =	spop (v2sf)  }
0x54: {  	s17 =	simm.s32 @!p0 $0x80;
	s16 =	simm.s32 @p1 $0xFFFFFFFF;
	p1 =	por $0x0, $0x0  }
0x55: {  	s14 =	sor.u32 $0xE0, s14;
	s22 =	simm.s32 @!p1 $0x2;
	s23 =	spop (v2sf)  }
0x56: {  	p5 =	por p5, p5;
	s18 =	sadd.s32 @!p0 $0x0, s14;
	v4 =	vmov s22;
	p3 =	seq.s32 s23, s16  }
0x57: {  	vm15 =	vgt.u32 v4, v0;
	v2 =	vld.msk [tilespmem:s24+$0x0 ss:$0x1], vm14;
	s24 =	simm.s32 $0x1C;
	s16 =	sadd.s32 @!p3 $0x1, s20;
	s22 =	sshll.u32 @!p3 s20, $0xC  }
0x58: {  	vm1 =	vgt.s32 @!p3 v3, $0x0;
	s22 =	sshra.s32 @!p3 s22, $0x2;
	s16 =	smov.u32 @p3 s20;
	s20 =	simm.s32 @!p3 $0x80  }
0x59: {  	v3 =	vnsel @!p3 vm1, $0x0, v3;
	s23 =	sadd.s32 @!p3 s22, s14;
	s22 =	spop @!p0 (v2sf);
	p0 =	por p3, p3  }
0x5a: {  	v3 =	vmin.u32 @!p3 v3, $0x27FF;
	s25 =	simm.s32 @!p0 $0x0;
	s26 =	spop (v2sf);
	s28 =	sshll.u32 @!p5 s22, $0x4  }
0x5b: {  	(v2sf) =	vpush @!p3 v3, $0x0;
	s25 =	simm.s32 @p0 $0x1;
	s26 =	simm.s32 @p2 $0xFFFFFFFF;
	s29 =	spop (v2sf)  }
0x5c: {  	(v2sf) =	vpush v2, $0x1;
	s28 =	sand.u32 @!p5 $0x70, s28;
	[smem:$0x7FD] =	sst s25;
	p6 =	seq.s32 s29, s26  }
0x5d: {  	(v2sf) =	vpush v2, $0x0;
	s26 =	sshll.u32 @!p5 s22, $0x7;
	s25 =	sadd.s32 @!p5 s2, s28;
	s22 =	smov.u32 s16;
	v3 =	vld.msk [tilespmem:s31+$0x0 ss:$0x1], vm15  }
.LBB2_3:
0x5e: {  	s28 =	simm.s32 @!p3 $0x0;
	s29 =	smov.u32 s19;
	s19 =	smov.u32 s24  }
0x5f: {  	s24 =	sadd.s32 $0x4, s24;
	s30 =	smov.u32 s23;
	p0 =	por p5, p5  }
0x60: {  	s31 =	sld [smem:$0x7FD];
	s28 =	simm.s32 @p3 $0x1;
	p3 =	por p6, p6  }
0x61: {  	p2 =	sne.s32 s24, $0xE0;
	[smem:$0x7FA] =	sst s28;
	s28 =	smov.u32 s16  }
0x62: {  	vm0 =	vgt.s32 @!p6 v1, $0x0;
	s16 =	sadd.s32 @!p6 $0x1, s16;
	p6 =	por p4, p4;
	s23 =	simm.s32 @!p2 $0x0  }
0x63: {  	p4 =	por p1, p1;
	p1 =	seq.s32 s21, $0xDC;
	s23 =	simm.s32 @p2 $0x1  }
0x64: {  	s22 =	sshll.u32 @!p3 s22, $0xC;
	[smem:$0x7FB] =	sst s23;
	s23 =	simm.s32 $0x1  }
0x65: {  	s16 =	smov.u32 @p3 s28;
	s28 =	simm.s32 @!p3 $0x80;
	s23 =	simm.s32 @!p1 $0x2  }
0x66: {  	p2 =	seq.s32 s31, $0x1;
	s31 =	sshra.s32 s21, $0x2;
	v5 =	vmov s23;
	s23 =	sand.u32 @!p0 $0x1FFC00, s26  }
0x67: {  	p5 =	por p2, p2;
	p2 =	por p3, p3;
	s25 =	sadd.s32 @!p0 s23, s25  }
0x68: {  	[tilespmem:s18], [sflag:$0x1] =	stream.strided.gather @!p0 [hbm:s25], $0x400, s17, s17, $0x38;
	[tilespmem:$0x1C0E0] =	vst v63  }
0x69: {  	s17 =	smov.u32 s20;
	s20 =	smov.u32 s28;
	s28 =	sld [smem:$0x7FA]  }
0x6a: {  	s26 =	sshra.s32 @!p3 s22, $0x2;
	s25 =	sadd.s32 s31, s13;
	s31 =	sld [smem:$0x7FB]  }
0x6b: {  	s23 =	sadd.s32 @!p3 s26, s14;
	s26 =	simm.s32 @!p2 $0x0  }
0x6c: {  	vm15 =	vgt.u32 v5, v0;
	s26 =	simm.s32 @p2 $0x1;
	p0 =	seq.s32 s28, $0x1  }
0x6d: {  	[smem:$0x7FD] =	sst s26;
	s26 =	spop @!p0 (v2sf);
	p0 =	seq.s32 s31, $0x1  }
.Ltmp3:
0x6e: {  	v4 =	vnsel @!p3 vm0, $0x0, v1;
	(pc) =	sbr.rel @p0 .LBB2_3-.Ltmp3, $4  }
0x6f: {  	v4 =	vmin.u32 @!p3 v4, $0x27FF;
	s21 =	smov.u32 s29;
	s22 =	smov.u32 s16  }
0x70: {  	(v2sf) =	vpush @!p3 v4, $0x0;
	s18 =	smov.u32 s30;
	s28 =	spop (v2sf);
	s29 =	sshll.u32 @!p5 s26, $0x4  }
0x71: {  	v1 =	vmov v2;
	v2 =	vmov v3;
	(v2sf) =	vpush v3, $0x1;
	s28 =	simm.s32 @p6 $0xFFFFFFFF;
	s30 =	spop (v2sf);
	s29 =	sand.u32 @!p5 $0x70, s29  }
0x72: {  	(v2sf) =	vpush v2, $0x0;
	v3 =	vld.msk [tilespmem:s25+$0x0 ss:$0x1], vm15;
	s26 =	sshll.u32 @!p5 s26, $0x7;
	p6 =	seq.s32 s30, s28;
	s25 =	sadd.s32 @!p5 s2, s29  }
0x73: {  	_ = 	snop  }
0x74: {  	vm0 =	vgt.s32 @!p6 v1, $0x0  }
0x75: {  	v1 =	vnsel @!p6 vm0, $0x0, v1  }
0x76: {  	v1 =	vmin.u32 @!p6 v1, $0x27FF  }
0x77: {  	(v2sf) =	vpush @!p6 v1, $0x0  }
0x78: {  	(v2sf) =	vpush v3, $0x1  }
0x79: {  	p0 =	seq.s32 s21, $0xDC;
	s24 =	simm.s32 $0x1;
	(v2sf) =	vpush v3, $0x0  }
0x7a: {  	s24 =	simm.s32 @!p0 $0x2  }
0x7b: {  	v1 =	vmov s24  }
0x7c: {  	vm14 =	vgt.u32 v1, v0;
	_ =	sdelay $0x1  }
0x7d: {  	p2 =	por p4, p4  }
0x7e: {  	s31 =	sshra.s32 s21, $0x2;
	p4 =	seq.s32 s19, $0xDC;
	s24 =	spop @!p3 (v2sf)  }
0x7f: {  	s29 =	simm.s32 $0x1;
	s21 =	sadd.s32 s31, s13;
	s28 =	spop (v2sf)  }
0x80: {  	s29 =	simm.s32 @!p4 $0x2;
	s28 =	simm.s32 @p2 $0xFFFFFFFF;
	s30 =	spop (v2sf)  }
0x81: {  	v4 =	vmov s29;
	v1 =	vld.msk [tilespmem:s21+$0x0 ss:$0x1], vm14;
	p3 =	seq.s32 s30, s28  }
0x82: {  	vm1 =	vgt.u32 v4, v0;
	vm0 =	vgt.s32 @!p3 v2, $0x0  }
0x83: {  	v2 =	vnsel @!p3 vm0, $0x0, v2  }
0x84: {  	v2 =	vmin.u32 @!p3 v2, $0x27FF  }
0x85: {  	p1 =	por p1, p1;
	s21 =	spop @!p6 (v2sf);
	(v2sf) =	vpush @!p3 v2, $0x0  }
0x86: {  	p1 =	por p1, p1;
	s30 =	sshra.s32 s19, $0x2;
	s28 =	spop (v2sf);
	(v2sf) =	vpush v1, $0x1  }
0x87: {  	s19 =	sadd.s32 s30, s13;
	s28 =	simm.s32 @p1 $0xFFFFFFFF;
	s31 =	spop (v2sf);
	(v2sf) =	vpush v1, $0x0  }
0x88: {  	v2 =	vld.msk [tilespmem:s19+$0x0 ss:$0x1], vm1;
	p1 =	seq.s32 s31, s28  }
0x89: {  	s30 =	sld [smem:$0x7FD];
	vm0 =	vgt.s32 @!p1 v3, $0x0  }
0x8a: {  	v3 =	vnsel @!p1 vm0, $0x0, v3  }
0x8b: {  	p2 =	por p5, p5;
	v3 =	vmin.u32 @!p1 v3, $0x27FF  }
0x8c: {  	s19 =	sand.u32 @!p2 $0x1FFC00, s26;
	p5 =	seq.s32 s30, $0x1;
	(v2sf) =	vpush @!p1 v3, $0x0  }
0x8d: {  	s19 =	sadd.s32 @!p2 s19, s25;
	p5 =	por p5, p5;
	(v2sf) =	vpush v2, $0x1  }
0x8e: {  	[tilespmem:s18], [sflag:$0x1] =	stream.strided.gather @!p2 [hbm:s19], $0x400, s17, s17, $0x38;
	(v2sf) =	vpush v2, $0x0;
	[tilespmem:$0x1C0E0] =	vst v63  }
0x8f: {  	p0 =	por p0, p0;
	s17 =	sshll.u32 @!p5 s24, $0x4  }
0x90: {  	s18 =	sshll.u32 @!p5 s24, $0x7;
	p2 =	por p5, p5;
	s17 =	sand.u32 @!p5 $0x70, s17  }
0x91: {  	p0 =	por p0, p0;
	s18 =	sand.u32 @!p2 $0x1FFC00, s18;
	s17 =	sadd.s32 @!p5 s2, s17  }
0x92: {  	p5 =	por p6, p6;
	s17 =	sadd.s32 @!p2 s18, s17;
	s18 =	sshll.u32 @!p6 s22, $0xC  }
0x93: {  	[tilespmem:s23], [sflag:$0x1] =	stream.strided.gather @!p2 [hbm:s17], $0x400, s20, s20, $0x38;
	[tilespmem:$0x1C0E0] =	vst v63  }
0x94: {  	s17 =	sadd.s32 @!p6 $0x1, s16;
	p2 =	por p5, p5;
	s20 =	spop @!p3 (v2sf)  }
0x95: {  	s19 =	sshll.u32 @!p2 s21, $0x4;
	s21 =	sshll.u32 @!p2 s21, $0x7;
	s22 =	spop (v2sf)  }
0x96: {  	s19 =	sand.u32 @!p2 $0x70, s19;
	s22 =	simm.s32 @p0 $0xFFFFFFFF;
	s31 =	spop (v2sf)  }
0x97: {  	s19 =	sadd.s32 @!p2 s2, s19;
	p0 =	por p2, p2;
	p2 =	seq.s32 s31, s22  }
0x98: {  	s17 =	smov.u32 @p6 s16;
	s16 =	sshra.s32 @!p6 s18, $0x2;
	s18 =	sand.u32 @!p0 $0x1FFC00, s21;
	vm0 =	vgt.s32 @!p2 v1, $0x0  }
0x99: {  	s16 =	sadd.s32 @!p6 s16, s14;
	s21 =	simm.s32 @!p6 $0x80;
	s18 =	sadd.s32 @!p0 s18, s19;
	v1 =	vnsel @!p2 vm0, $0x0, v1  }
0x9a: {  	[tilespmem:s16], [sflag:$0x1] =	stream.strided.gather @!p0 [hbm:s18], $0x400, s21, s21, $0x38;
	v1 =	vmin.u32 @!p2 v1, $0x27FF;
	[tilespmem:$0x1C0E0] =	vst v63  }
0x9b: {  	p4 =	por p4, p4;
	p5 =	por p3, p3;
	s18 =	spop @!p1 (v2sf);
	(v2sf) =	vpush @!p2 v1, $0x0  }
0x9c: {  	s16 =	sadd.s32 @!p3 $0x1, s17;
	p0 =	por p4, p4;
	s19 =	spop (v2sf)  }
0x9d: {  	s16 =	smov.u32 @p3 s17;
	s19 =	simm.s32 @p0 $0xFFFFFFFF;
	s24 =	spop (v2sf)  }
0x9e: {  	s17 =	sshll.u32 @!p3 s17, $0xC;
	p0 =	por p5, p5;
	p4 =	seq.s32 s24, s19  }
0x9f: {  	p6 =	por p1, p1;
	s17 =	sshra.s32 @!p3 s17, $0x2;
	s21 =	sshll.u32 @!p0 s20, $0x4;
	vm0 =	vgt.s32 @!p4 v2, $0x0  }
0xa0: {  	s20 =	sshll.u32 @!p0 s20, $0x7;
	p5 =	por p0, p0;
	s21 =	sand.u32 @!p0 $0x70, s21;
	v1 =	vnsel @!p4 vm0, $0x0, v2  }
0xa1: {  	s17 =	sadd.s32 @!p3 s17, s14;
	s20 =	sand.u32 @!p5 $0x1FFC00, s20;
	s21 =	sadd.s32 @!p0 s2, s21;
	v1 =	vmin.u32 @!p4 v1, $0x27FF  }
0xa2: {  	s19 =	simm.s32 @!p3 $0x80;
	p0 =	por p6, p6;
	s20 =	sadd.s32 @!p5 s20, s21;
	(v2sf) =	vpush @!p4 v1, $0x0  }
0xa3: {  	[tilespmem:s17], [sflag:$0x1] =	stream.strided.gather @!p5 [hbm:s20], $0x400, s19, s19, $0x38;
	[tilespmem:$0x1C0E0] =	vst v63  }
0xa4: {  	p3 =	por p0, p0;
	s19 =	sshll.u32 @!p0 s18, $0x4  }
0xa5: {  	s17 =	sshll.u32 @!p1 s16, $0xC;
	s18 =	sshll.u32 @!p0 s18, $0x7;
	s19 =	sand.u32 @!p0 $0x70, s19  }
0xa6: {  	s17 =	sshra.s32 @!p1 s17, $0x2;
	s18 =	sand.u32 @!p3 $0x1FFC00, s18;
	s19 =	sadd.s32 @!p0 s2, s19  }
0xa7: {  	s20 =	simm.s32 @!p1 $0x80;
	s17 =	sadd.s32 @!p1 s17, s14;
	s18 =	sadd.s32 @!p3 s18, s19  }
0xa8: {  	[tilespmem:s17], [sflag:$0x1] =	stream.strided.gather @!p3 [hbm:s18], $0x400, s20, s20, $0x38;
	[tilespmem:$0x1C0E0] =	vst v63  }
0xa9: {  	p5 =	por p2, p2;
	s17 =	sadd.s32 @!p1 $0x1, s16  }
0xaa: {  	p0 =	por p5, p5;
	s17 =	smov.u32 @p1 s16;
	s16 =	spop @!p2 (v2sf)  }
0xab: {  	p1 =	por p0, p0;
	s19 =	sshll.u32 @!p0 s16, $0x4  }
0xac: {  	s18 =	sshll.u32 @!p2 s17, $0xC;
	s16 =	sshll.u32 @!p0 s16, $0x7;
	s19 =	sand.u32 @!p0 $0x70, s19  }
0xad: {  	s18 =	sshra.s32 @!p2 s18, $0x2;
	s16 =	sand.u32 @!p1 $0x1FFC00, s16;
	s19 =	sadd.s32 @!p0 s2, s19  }
0xae: {  	s20 =	simm.s32 @!p2 $0x80;
	s18 =	sadd.s32 @!p2 s18, s14;
	s16 =	sadd.s32 @!p1 s16, s19  }
0xaf: {  	[tilespmem:s18], [sflag:$0x1] =	stream.strided.gather @!p1 [hbm:s16], $0x400, s20, s20, $0x38;
	[tilespmem:$0x1C0E0] =	vst v63  }
0xb0: {  	p6 =	por p4, p4;
	s16 =	sadd.s32 @!p2 $0x1, s17  }
0xb1: {  	p0 =	por p6, p6;
	s18 =	spop @!p4 (v2sf);
	s16 =	smov.u32 @p2 s17  }
0xb2: {  	s17 =	sshll.u32 @!p0 s18, $0x4;
	s19 =	sadd.s32 @!p4 $0x1, s16  }
0xb3: {  	s20 =	sshll.u32 @!p4 s16, $0xC;
	s18 =	sshll.u32 @!p0 s18, $0x7;
	s17 =	sand.u32 @!p0 $0x70, s17  }
0xb4: {  	s19 =	smov.u32 @p4 s16;
	s17 =	sadd.s32 @!p0 s2, s17;
	p0 =	por p0, p0  }
0xb5: {  	s16 =	sshra.s32 @!p4 s20, $0x2;
	s20 =	simm.s32 @!p4 $0x80;
	s18 =	sand.u32 @!p0 $0x1FFC00, s18  }
0xb6: {  	s16 =	sadd.s32 @!p4 s16, s14;
	s25 =	sshll.u32 s19, $0xA;
	s17 =	sadd.s32 @!p0 s18, s17  }
0xb7: {  	[tilespmem:s16], [sflag:$0x1] =	stream.strided.gather @!p0 [hbm:s17], $0x400, s20, s20, $0x38;
	[tilespmem:$0x1C0E0] =	vst v63  }
0xb8: {  	s16 =	sand.u32 $0x3FFFFC00, s25  }
0xb9: {  	_ =	swait.ge [sflag:s4], s16  }
0xba: {  	s16 =	ssub.s32 $0x0, s16;
	[sflag:s4] =	ssyncset.done $0x0  }
0xbb: {  	s26 =	sadd.s32 $0x0, s15;
	[sflag:s4] =	ssyncadd.s32 s16  }
0xbc: {  	v1 =	vld.msk [tilespmem:s26+$0x0 ss:$0x1], $0x1;
	_ =	sdelay $0x4  }
0xbd: {  	(v2sf) =	vpush v1, $0x0;
	_ =	sdelay $0xc  }
0xbe: {  	p0 =	por $0x0, $0x0;
	s16 =	simm.s32 $0x1  }
0xbf: {  	s16 =	simm.s32 @!p0 $0x2  }
0xc0: {  	v1 =	vmov s16;
	s28 =	spop (v2sf)  }
0xc1: {  	vm15 =	vgt.u32 v1, v0;
	s29 =	sshll.u32 s28, $0xA;
	s17 =	sshll.u32 s28, $0x7  }
0xc2: {  	s16 =	sand.u32 $0xFFFFE000, s29;
	s17 =	sand.u32 $0x380, s17  }
0xc3: {  	s16 =	sor.u32 s17, s16  }
0xc4: {  	s30 =	sadd.s32 $0x0, s14;
	s31 =	sadd.s32 $0x0, s13;
	s16 =	sshrl.u32 s16, $0x3  }
0xc5: {  	s19 =	simm.s32 $0x8;
	s18 =	simm.s32 $0x4;
	s16 =	sadd.s32 s7, s16  }
0xc6: {  	[hbm:s16] =	stream.strided.scatter [tilespmem:s30], [sflag:$0x3], $0x400, s11, s11, $0x38;
	[tilespmem:$0x1C0E0] =	vst v63  }
0xc7: {  	p1 =	por p0, p0;
	s17 =	simm.s32 $0x1;
	s16 =	simm.s32 $0x0;
	v1 =	vld.msk [tilespmem:s31+$0x0 ss:$0x1], vm15  }
.LBB2_5:
0xc8: {  	p2 =	sne.s32 s19, $0xDC;
	s20 =	sadd.s32 s17, s15  }
0xc9: {  	v2 =	vld.msk [tilespmem:s20+$0x0 ss:$0x1], $0x1;
	_ =	sdelay $0x3  }
0xca: {  	(v2sf) =	vpush v1, $0x1  }
0xcb: {  	(v2sf) =	vpush v1, $0x0  }
0xcc: {  	(v2sf) =	vpush v2, $0x0;
	_ =	sdelay $0xb  }
0xcd: {  	p0 =	seq.s32 s18, $0xDC;
	s18 =	smov.u32 s19;
	s20 =	simm.s32 $0x1  }
0xce: {  	s20 =	simm.s32 @!p0 $0x2;
	s21 =	spop (v2sf)  }
0xcf: {  	s21 =	simm.s32 @p1 $0xFFFFFFFF;
	s22 =	spop (v2sf);
	p1 =	por p0, p0  }
0xd0: {  	v1 =	vmov s20;
	s20 =	spop (v2sf);
	p0 =	sne.s32 s22, s21;
	s22 =	simm.s32 $0x1  }
0xd1: {  	vm0 =	vgt.u32 v1, v0;
	s21 =	sshll.u32 s20, $0xA;
	s20 =	sshll.u32 s20, $0x7;
	s22 =	simm.s32 @!p0 $0x0  }
0xd2: {  	s21 =	sand.u32 $0xFFFFE000, s21;
	s20 =	sand.u32 $0x380, s20;
	s16 =	sadd.s32 s22, s16  }
.Ltmp4:
0xd3: {  	s20 =	sor.u32 s20, s21;
	s21 =	sshll.u32 s16, $0xC;
	(pc) =	sbr.rel @p2 .LBB2_5-.Ltmp4, $4  }
0xd4: {  	s20 =	sshrl.u32 s20, $0x3;
	s21 =	sshra.s32 s21, $0x2  }
0xd5: {  	s22 =	sadd.s32 s17, s13;
	s21 =	sadd.s32 s21, s14;
	s20 =	sadd.s32 s7, s20  }
0xd6: {  	[hbm:s20] =	stream.strided.scatter [tilespmem:s21], [sflag:$0x3], $0x400, s11, s11, $0x38;
	[tilespmem:$0x1C0E0] =	vst v63  }
0xd7: {  	s19 =	sadd.s32 $0x4, s19;
	s17 =	sshra.s32 s18, $0x2;
	v1 =	vld.msk [tilespmem:s22+$0x0 ss:$0x1], vm0  }
.Ltmp5:
0xd8: {  	_ = 	snop;
	(pc) =	sbr.rel .LBB2_6-.Ltmp5, $1  }
0xd9: {  	_ =	sdelay $0x3  }
.LBB2_8:
0xda: {  	_ =	sfence.sel $0x180000  }
0xdb: {  	s2 =	simm.s32 $0x2;
	[bflag:$0x0] =	sbarrier.arrive $0xFFFF  }
0xdc: {  	s30 =	simm.s32 $0x3;
	[sflag:s2] =	ssyncpa.u1 $0x1  }
0xdd: {  	s31 =	simm.s32 $0x1;
	[sflag:s30] =	ssyncpa.u1 $0x1  }
0xde: {  	[sflag:s31] =	ssyncpa.u1 $0x1  }
0xdf: {  	p0 =	sne.s32 s1, $0x0;
	_ =	strace $0x90000059  }
0xe0: {  	s0 =	sadd.s32 @!p0 $0x100000, s0;
	[bflag:$0x2] =	sbarrier.arrive $0xFFFF  }
0xe1: {  	[sflag:s0] =	ssyncadd.tile.s32 @!p0 $0x1;
	_ =	shalt  }
.Lfunc_end2:
_tile_overlayer_lowered:
.L_overlay_start_2:
0xe2: {  	(tag) =	ssettag $0x2  }
0xe3: {  	s0 =	rddreg [dreg:$0x0];
	s2 =	stileid.u32  }
0xe4: {  	s1 =	rddreg [dreg:$0x1];
	p0 =	sne.s32 s2, $0x0  }
0xe5: {  	s3 =	rddreg [dreg:$0x2];
	[bflag:$0x3] =	sbarrier.arrive $0xFFFF;
	s2 =	simm.s32 @!p0 $0x1C01  }
0xe6: {  	[timem:s3], [sflag:s2] =	dma.local @!p0 [hbm:s0], s1  }
0xe7: {  	s0 =	simm.s32 @!p0 $0x1  }
0xe8: {  	_ =	swait.ge @!p0 [sflag:s0], s1  }
0xe9: {  	s1 =	ssub.s32 @!p0 $0x0, s1;
	[sflag:s0] =	ssyncset.done @!p0 $0x0  }
0xea: {  	[sflag:s0] =	ssyncadd.s32 @!p0 s1  }
0xeb: {  	[bflag:$0x3] =	sbarrier.arrive $0xFFFF  }
0xec: {  	_ =	shalt  }

// kernel: gather_offload_async_start
scs
__scs_entry_jumppad:
0x0: {  	(pc) =	sbr.rel $0x88, $3  }
0x1: {  	(tag) =	ssettag $0x0;
	lr =	simm.s32 $0x1  }
0x2: {  	[smem:$0x3F8C] =	sst lr;
	_ =	strace $0xD0000000  }
0x3: {  	_ = 	snop  }
0x4: {  	_ = 	snop  }
0x5: {  	_ = 	snop  }
0x6: {  	_ = 	snop  }
0x7: {  	_ = 	snop  }
__scs_overlays_trampoline_lowered:
0x8: {  	[smem:$0x3F9B] =	sst s0  }
0x9: {  	[smem:$0x3F9C] =	sst s1  }
0xa: {  	[smem:$0x3F9D] =	sst s2  }
0xb: {  	[smem:$0x3F9E] =	sst s3  }
0xc: {  	[smem:$0x3F9F] =	sst s4  }
0xd: {  	[smem:$0x3FA0] =	sst s5  }
0xe: {  	[smem:$0x3FA1] =	sst s6  }
0xf: {  	[smem:$0x3FA2] =	sst s7  }
0x10: {  	[smem:$0x3FA3] =	sst s8  }
0x11: {  	[smem:$0x3FA4] =	sst s9;
	s0 =	simm.s32 @!p0 $0x0  }
0x12: {  	s1 =	sld [smem:$0x3F8A];
	s0 =	simm.s32 @p0 $0x1  }
0x13: {  	[smem:$0x3FA5] =	sst s0;
	s0 =	simm.s32 @!p1 $0x0  }
0x14: {  	s2 =	sld [smem:$0x3F89];
	s0 =	simm.s32 @p1 $0x1  }
0x15: {  	[smem:$0x3FA6] =	sst s0;
	s0 =	simm.s32 @!p2 $0x0  }
0x16: {  	s3 =	sld [smem:$0x3FDB];
	s0 =	simm.s32 @p2 $0x1  }
0x17: {  	s4 =	simm.s32 $0x1BF5;
	[smem:$0x3FA8] =	sst s0  }
0x18: {  	s0 =	sld [smem:$0x3F8B];
	_ =	swait.ge [sflag:s4], $0x0  }
0x19: {  	s7 =	sld [smem:$0x3F8C]  }
0x1a: {  	s8 =	sadd.s32 $0xFFFFE003, lr  }
0x1b: {  	s9 =	sadd.s32 $0xFFFFFEF7, lr;
	s5 =	simm.s32 $0xFFFFFFFF;
	p2 =	slt.u32 s8, $0xFFFFF086  }
0x1c: {  	p1 =	slt.u32 s9, $0xF7A;
	s5 =	simm.s32 @!p2 $0x0  }
0x1d: {  	s5 =	simm.s32 @p1 $0x1;
	p0 =	seq.s32 s7, s2  }
0x1e: {  	s7 =	smul.u32 @!p0 $0xF7A, s2;
	p2 =	seq.s32 @!p0 s5, $0x0  }
0x1f: {  	s9 =	smul.u32 $0xF7A, s1;
	s8 =	simm.s32 @!p0 $0x1BF5;
	p2 =	por !p2, p0  }
0x20: {  	[sflag:s8] =	ssyncset.s32 @!p0 $0xFFFFF086;
	s6 =	sadd.s32 @!p0 s3, s7;
	s7 =	simm.s32 @!p0 $0x108  }
0x21: {  	s3 =	sadd.s32 s3, s9;
	s6 =	sadd.s32 @!p0 $0x88, s6;
	s7 =	simm.s32 @p2 $0x1082  }
0x22: {  	[simem:s7], [sflag:s8] =	dma.local @!p0 [hbm:s6], $0xF7A  }
0x23: {  	s9 =	sor.u32 $0xD0000000, s2;
	s6 =	simm.s32 $0x108;
	_ =	swait.ge @!p0 [sflag:s8], $0x0  }
0x24: {  	s3 =	sadd.s32 $0x88, s3;
	s6 =	simm.s32 @!p1 $0x1082;
	[sflag:s4] =	ssyncset.s32 $0xFFFFF086  }
0x25: {  	[simem:s6], [sflag:s4] =	dma.local [hbm:s3], $0xF7A  }
0x26: {  	[smem:$0x3F8C] =	sst s1;
	(tag) =	ssettag s2;
	_ =	strace s9  }
0x27: {  	s1 =	sld [smem:$0x3F9C]  }
0x28: {  	s2 =	sld [smem:$0x3F9D]  }
0x29: {  	s4 =	sld [smem:$0x3F9F]  }
0x2a: {  	p0 =	seq.s32 s5, $0x0;
	s5 =	sld [smem:$0x3FA0]  }
0x2b: {  	s6 =	sld [smem:$0x3FA1]  }
0x2c: {  	s7 =	sld [smem:$0x3FA2]  }
0x2d: {  	s3 =	simm.s32 $0x108;
	s8 =	sld [smem:$0x3FA3]  }
0x2e: {  	s3 =	simm.s32 @!p0 $0x1082;
	s9 =	sld [smem:$0x3FA4]  }
0x2f: {  	lr =	sadd.s32 s0, s3;
	s0 =	sld [smem:$0x3F9B]  }
0x30: {  	s3 =	sld [smem:$0x3F9E]  }
0x31: {  	[smem:$0x3FA7] =	sst s10  }
0x32: {  	s10 =	sld [smem:$0x3FA5];
	_ =	sdelay $0x3  }
0x33: {  	p0 =	seq.s32 s10, $0x1;
	s10 =	sld [smem:$0x3FA7];
	_ =	sdelay $0x3  }
0x34: {  	[smem:$0x3FA7] =	sst s10  }
0x35: {  	s10 =	sld [smem:$0x3FA6];
	_ =	sdelay $0x3  }
0x36: {  	p1 =	seq.s32 s10, $0x1;
	s10 =	sld [smem:$0x3FA7];
	_ =	sdelay $0x3  }
0x37: {  	[smem:$0x3FA7] =	sst s10  }
0x38: {  	s10 =	sld [smem:$0x3FA8]  }
0x39: {  	_ = 	snop;
	(pc) =	sbr.ind lr, $3  }
0x3a: {  	_ = 	snop  }
0x3b: {  	_ = 	snop  }
0x3c: {  	p2 =	seq.s32 s10, $0x1;
	s10 =	sld [smem:$0x3FA7]  }
0x3d: {  	_ =	shalt  }
0x3e: {  	_ =	shalt  }
0x3f: {  	_ =	shalt  }
0x40: {  	_ =	shalt  }
0x41: {  	_ =	shalt  }
0x42: {  	_ =	shalt  }
0x43: {  	_ =	shalt  }
0x44: {  	_ =	shalt  }
0x45: {  	_ =	shalt  }
0x46: {  	_ =	shalt  }
0x47: {  	_ =	shalt  }
0x48: {  	_ =	shalt  }
0x49: {  	_ =	shalt  }
0x4a: {  	_ =	shalt  }
0x4b: {  	_ =	shalt  }
0x4c: {  	_ =	shalt  }
0x4d: {  	_ =	shalt  }
0x4e: {  	_ =	shalt  }
0x4f: {  	_ =	shalt  }
0x50: {  	_ =	shalt  }
0x51: {  	_ =	shalt  }
0x52: {  	_ =	shalt  }
0x53: {  	_ =	shalt  }
0x54: {  	_ =	shalt  }
0x55: {  	_ =	shalt  }
0x56: {  	_ =	shalt  }
0x57: {  	_ =	shalt  }
0x58: {  	_ =	shalt  }
0x59: {  	_ =	shalt  }
0x5a: {  	_ =	shalt  }
0x5b: {  	_ =	shalt  }
0x5c: {  	_ =	shalt  }
0x5d: {  	_ =	shalt  }
0x5e: {  	_ =	shalt  }
0x5f: {  	_ =	shalt  }
0x60: {  	_ =	shalt  }
0x61: {  	_ =	shalt  }
0x62: {  	_ =	shalt  }
0x63: {  	_ =	shalt  }
0x64: {  	_ =	shalt  }
0x65: {  	_ =	shalt  }
0x66: {  	_ =	shalt  }
0x67: {  	_ =	shalt  }
0x68: {  	_ =	shalt  }
0x69: {  	_ =	shalt  }
0x6a: {  	_ =	shalt  }
0x6b: {  	_ =	shalt  }
0x6c: {  	_ =	shalt  }
0x6d: {  	_ =	shalt  }
0x6e: {  	_ =	shalt  }
0x6f: {  	_ =	shalt  }
0x70: {  	_ =	shalt  }
0x71: {  	_ =	shalt  }
0x72: {  	_ =	shalt  }
0x73: {  	_ =	shalt  }
0x74: {  	_ =	shalt  }
0x75: {  	_ =	shalt  }
0x76: {  	_ =	shalt  }
0x77: {  	_ =	shalt  }
0x78: {  	_ =	shalt  }
0x79: {  	_ =	shalt  }
0x7a: {  	_ =	shalt  }
0x7b: {  	_ =	shalt  }
0x7c: {  	_ =	shalt  }
0x7d: {  	_ =	shalt  }
0x7e: {  	_ =	shalt  }
0x7f: {  	_ =	shalt  }
0x80: {  	_ =	shalt  }
0x81: {  	_ =	shalt  }
0x82: {  	_ =	shalt  }
0x83: {  	_ =	shalt  }
0x84: {  	_ =	shalt  }
0x85: {  	_ =	shalt  }
0x86: {  	_ =	shalt  }
0x87: {  	_ =	shalt  }
.Lfunc_end0:
.L_simem_size_0:
called_computation.4_lowered:
.L_overlay_start_0:
0x88: {  	s2 =	sld [smem:$0x3FD9]  }
0x89: {  	s3 =	sld [smem:$0x3FFE];
	_ =	sdelay $0x1  }
0x8a: {  	s1 =	srdreg.scid  }
0x8b: {  	s0 =	sand.u32 $0x1, s1  }
0x8c: {  	s17 =	sshll.u32 s0, $0xA;
	s2 =	sadd.s32 s3, s2  }
0x8d: {  	s2 =	sadd.s32 s2, s17  }
0x8e: {  	[smem:$0x3FB3] =	sst s2  }
0x8f: {  	_ = 	snop  }
0x90: {  	(tm) =	ssettm $0x1  }
0x91: {  	s18 =	sld [smem:$0x3FFB];
	_ =	sdelay $0x3  }
0x92: {  	_ =	strace s18  }
0x93: {  	s2 =	sld [smem:$0x3FFC];
	_ =	sdelay $0x3  }
0x94: {  	_ =	strace s2  }
0x95: {  	s2 =	sld [smem:$0x3FFD];
	_ =	sdelay $0x3  }
0x96: {  	_ =	strace s2  }
0x97: {  	_ =	strace $0x8FFFFFFF  }
0x98: {  	s19 =	sld [smem:$0x3FDB];
	_ =	sdelay $0x1  }
0x99: {  	s20 =	simm.s32 $_scs_section_size  }
0x9a: {  	s4 =	simm.s32 $_size__tile_overlayer_lowered;
	s5 =	simm.s32 $_tile_overlayer_lowered  }
0x9b: {  	s6 =	simm.s32 $0x1BFF;
	s21 =	sshll.u32 s5, $0x1;
	s3 =	sadd.s32 s20, s19  }
0x9c: {  	s22 =	simm.s32 $0x0;
	s4 =	sshll.u32 s4, $0x1;
	s5 =	sadd.s32 s21, s3  }
0x9d: {  	[timem:s22], [sflag:s6] =	dma.local [hbm:s5], s4  }
0x9e: {  	_ =	swait.ge [sflag:s6], s4  }
0x9f: {  	s4 =	ssub.s32 $0x0, s4;
	[sflag:s6] =	ssyncset.done $0x0  }
0xa0: {  	[sflag:s6] =	ssyncadd.s32 s4;
	_ =	sdelay $0x1  }
0xa1: {  	s23 =	simm.s32 $0x1B8B  }
0xa2: {  	_ =	swait.ge [sflag:s23], $0x1  }
0xa3: {  	[sflag:s23] =	ssyncset.done $0x0  }
0xa4: {  	[sflag:s23] =	ssyncadd.s32 $0xFFFFFFFF  }
0xa5: {  	s4 =	sld [smem:$0x0]  }
0xa6: {  	s5 =	sand.u32 $0xFFFFFFFE, s1  }
0xa7: {  	p0 =	sne.s32 s1, s5  }
0xa8: {  	s5 =	sshll.u32 @p0 s5, $0xE  }
0xa9: {  	s5 =	sadd.s32 @p0 $0x11B8D, s5;
	s6 =	sshll.u32 @p0 s4, $0x11  }
0xaa: {  	s5 =	sor.u32 @p0 s6, s5  }
0xab: {  	[sflag:s5] =	ssyncadd.remote.s32 @p0 $0x1;
	_ =	sdelay $0x1  }
0xac: {  	s5 =	simm.s32 @p0 $0x1B8D  }
0xad: {  	_ =	swait.eq @p0 [sflag:s5], $0x1  }
0xae: {  	[sflag:s5] =	ssyncadd.s32 @p0 $0xFFFFFFFF  }
0xaf: {  	s6 =	sshll.u32 @!p0 s1, $0xE  }
0xb0: {  	s6 =	sor.u32 @!p0 $0x4000, s6;
	s5 =	simm.s32 @!p0 $0x1B8D  }
0xb1: {  	s4 =	sshll.u32 @!p0 s4, $0x11;
	s6 =	sadd.s32 @!p0 $0x11B8D, s6;
	_ =	swait.eq @!p0 [sflag:s5], $0x1  }
0xb2: {  	s4 =	sor.u32 @!p0 s4, s6;
	[sflag:s5] =	ssyncadd.s32 @!p0 $0xFFFFFFFF  }
0xb3: {  	s25 =	simm.s32 $0x1B8E;
	s24 =	sld [smem:$0x3FFE];
	[sflag:s4] =	ssyncadd.remote.s32 @!p0 $0x1  }
0xb4: {  	s26 =	simm.s32 $execute0_lowered;
	[smem:$0x3FD2] =	sst s25  }
0xb5: {  	s5 =	sshll.u32 s26, $0x1;
	_ =	strace $0x8000004F;
	[dreg:$0x1] =	wrdreg $0xFFFFFFFF  }
0xb6: {  	s28 =	simm.s32 $_size_execute0_lowered;
	s3 =	sadd.s32 s3, s5;
	[dreg:$0x0] =	wrdreg $0x0  }
0xb7: {  	s5 =	sshll.u32 s28, $0x1;
	[dreg:$0x2] =	wrdreg s3  }
0xb8: {  	[dreg:$0x3] =	wrdreg s5  }
0xb9: {  	[dreg:$0x4] =	wrdreg $0xC0  }
0xba: {  	_ =	task [dreg:s22], $0x5FFFF  }
0xbb: {  	[dreg:$0x1] =	wrdreg $0xFFFFFFFF  }
0xbc: {  	[dreg:$0x0] =	wrdreg $0x60  }
0xbd: {  	[dreg:$0x2] =	wrdreg s24  }
0xbe: {  	[dreg:$0x3] =	wrdreg $0xC  }
0xbf: {  	_ =	task.clear_ibuf [dreg:s22], $0x4FFFF;
	_ =	strace $0x9000004F  }
0xc0: {  	s29 =	simm.s32 $0xC;
	_ =	strace $0x80000051  }
0xc1: {  	_ =	swait.ge [sflag:s29], $0x1  }
0xc2: {  	[sflag:s29] =	ssyncadd.s32 $0xFFFFFFFF  }
0xc3: {  	_ =	strace $0x90000051  }
0xc4: {  	_ =	sfence  }
0xc5: {  	s30 =	sld [smem:$0x0];
	_ =	sdelay $0x2  }
0xc6: {  	s31 =	sshll.u32 s1, $0xD;
	s1 =	sshrl.u32 s1, $0x2  }
0xc7: {  	s4 =	sand.u32 $0x4000, s31;
	s1 =	sadd.s32 s1, s30  }
0xc8: {  	s0 =	sor.u32 s4, s0;
	s1 =	sshll.u32 s1, $0x11  }
0xc9: {  	s0 =	sor.u32 s1, s0  }
0xca: {  	s0 =	sadd.s32 $0x8F2B, s0  }
0xcb: {  	[sflag:s0] =	ssyncadd.remote.s32 $0x1  }
0xcc: {  	_ =	sfence.sel $0xFFFF  }
0xcd: {  	[dreg:$0x0] =	wrdreg $0xFFFFFFFF;
	(pc) =	sbr.abs _section_cstart, $3  }
0xce: {  	[dreg:$0x1] =	wrdreg $0xFFFFFFFF  }
0xcf: {  	_ =	task.clear_ibuf [dreg:s22], $0x2FFFF;
	_ =	strace $0x9FFFFFFF  }
0xd0: {  	(tm) =	ssettm $0x7FFFFFFF  }
0xd1: {  	_ =	shalt  }
tec
execute0_lowered:
.L_overlay_start_1:
0x0: {  	(tag) =	ssettag $0x1  }
0x1: {  	s8 =	rddreg [dreg:$0x0]  }
0x2: {  	s0 =	rddreg [dreg:$0x1];
	s1 =	srdreg.scid;
	_ =	strace $0x80000050  }
0x3: {  	s4 =	simm.s32 $0x1;
	s6 =	simm.s32 $0x2;
	s10 =	simm.s32 $0x3  }
0x4: {  	p3 =	por $0x0, $0x0;
	s11 =	simm.s32 $0x80;
	s3 =	sshll.u32 s1, $0x4  }
.Ltmp0:
0x5: {  	s1 =	stileid.u32;
	s5 =	sand.u32 $0x10, s3;
	(pc) =	sbr.rel .LBB2_1-.Ltmp0, $4  }
0x6: {  	s2 =	sadd.s32 $0x184600, s8;
	[sflag:s4] =	ssyncpa.u1 $0x0;
	s5 =	sor.u32 s1, s5  }
0x7: {  	s7 =	sadd.s32 $0x316BA00, s8;
	[sflag:s6] =	ssyncpa.u1 $0x0;
	s5 =	smul.u32 $0x1500, s5  }
0x8: {  	s3 =	sadd.s32 $0x44600, s8;
	s8 =	sadd.s32 $0x49A00, s8;
	[sflag:s10] =	ssyncpa.u1 $0x0  }
0x9: {  	v0 =	vlaneseq.u32;
	s10 =	simm.s32 $0x0;
	s9 =	sadd.s32 $0x1500, s5;
	s12 =	smov.u32 s5  }
.LBB2_6:
0xa: {  	s15 =	sadd.s32 s17, s15  }
0xb: {  	v2 =	vld.msk [tilespmem:s15+$0x0 ss:$0x1], $0x1;
	_ =	sdelay $0x2  }
0xc: {  	(v2sf) =	vpush v1, $0x1  }
0xd: {  	(v2sf) =	vpush v1, $0x0  }
0xe: {  	(v2sf) =	vpush v2, $0x0;
	_ =	sdelay $0xc  }
0xf: {  	p0 =	seq.s32 s18, $0xDC;
	s15 =	simm.s32 $0x1;
	s18 =	spop (v2sf)  }
0x10: {  	s15 =	simm.s32 @!p0 $0x2;
	s18 =	simm.s32 @p1 $0xFFFFFFFF;
	s19 =	spop (v2sf)  }
0x11: {  	v1 =	vmov s15;
	p0 =	sne.s32 s19, s18;
	s18 =	simm.s32 $0x1;
	s28 =	spop (v2sf)  }
0x12: {  	vm0 =	vgt.u32 v1, v0;
	s18 =	simm.s32 @!p0 $0x0;
	s29 =	sshll.u32 s28, $0xA;
	s15 =	sshll.u32 s28, $0x7  }
0x13: {  	s16 =	sadd.s32 s18, s16;
	s19 =	sand.u32 $0xFFFFE000, s29;
	s15 =	sand.u32 $0x380, s15  }
0x14: {  	s16 =	sshll.u32 s16, $0xC;
	s15 =	sor.u32 s15, s19  }
0x15: {  	s16 =	sshra.s32 s16, $0x2;
	s15 =	sshrl.u32 s15, $0x3  }
0x16: {  	s13 =	sadd.s32 s17, s13;
	s14 =	sadd.s32 s16, s14;
	s15 =	sadd.s32 s7, s15  }
0x17: {  	[hbm:s15] =	stream.strided.scatter [tilespmem:s14], [sflag:$0x3], $0x400, s11, s11, $0x38;
	[tilespmem:$0x1C0E0] =	vst v63  }
0x18: {  	v1 =	vld.msk [tilespmem:s13+$0x0 ss:$0x1], vm0;
	_ =	sdelay $0x4  }
0x19: {  	(v2sf) =	vpush v1, $0x1  }
0x1a: {  	(v2sf) =	vpush v1, $0x0;
	_ =	sdelay $0xb  }
0x1b: {  	s13 =	sld [smem:$0x7FC];
	_ =	sdelay $0x1  }
0x1c: {  	s30 =	spop (v2sf)  }
0x1d: {  	p3 =	seq.s32 s13, $0x1;
	s31 =	spop (v2sf)  }
.LBB2_7:
0x1e: {  	p0 =	slt.u32 s10, $0x2;
	s10 =	sadd.s32 $0x1, s10  }
0x1f: {  	p2 =	sne.s32 s10, $0x62  }
.Ltmp1:
0x20: {  	_ = 	snop;
	(pc) =	sbr.rel @!p2 .LBB2_8-.Ltmp1, $4  }
0x21: {  	s13 =	simm.s32 @!p0 $0x3  }
0x22: {  	s14 =	sadd.s32 $0x38, s12;
	_ =	swait.ge @!p0 [sflag:s13], $0xE000  }
0x23: {  	s12 =	smov.u32 s5;
	p1 =	slt.s32 s14, s9;
	[sflag:s13] =	ssyncset.done @!p0 $0x0  }
0x24: {  	p3 =	por !p3, !p3;
	s12 =	smov.u32 @p1 s14;
	[sflag:s13] =	ssyncadd.s32 @!p0 $0xFFFF2000  }
.LBB2_1:
0x25: {  	p0 =	sgt.u32 s10, $0x5F  }
0x26: {  	s13 =	sxor.u32 @!p0 $0xFFFFFFFF, s10  }
0x27: {  	s13 =	sand.u32 @!p0 $0x1, s13  }
0x28: {  	s14 =	sshrl.u32 @!p0 s12, $0x3;
	s13 =	smul.u32 @!p0 $0x38, s13  }
0x29: {  	s16 =	sand.u32 @!p0 $0x7, s12;
	s15 =	sadd.s32 @!p0 s3, s14  }
0x2a: {  	[tilespmem:s13], [sflag:$0x2] =	stream.linear.gather @!p0 [hbm4b:s15+s16], $0x38, $0x38;
	[tilespmem:$0x1C0E0] =	vst v63  }
0x2b: {  	s31 =	sadd.s32 $0xFFFFFFFF, s10;
	s14 =	sadd.s32 @!p0 s8, s14;
	s13 =	sadd.s32 @!p0 $0x70, s13  }
0x2c: {  	[tilespmem:s13], [sflag:$0x2] =	stream.linear.gather @!p0 [hbm4b:s14+s16], $0x38, $0x38;
	[tilespmem:$0x1C0E0] =	vst v63  }
0x2d: {  	p0 =	sgt.u32 s31, $0x5F  }
.Ltmp2:
0x2e: {  	_ = 	snop;
	(pc) =	sbr.rel @p0 .LBB2_7-.Ltmp2, $1  }
0x2f: {  	_ =	sdelay $0x3  }
0x30: {  	p0 =	por $0x0, $0x0;
	s13 =	simm.s32 $0x1  }
0x31: {  	s13 =	simm.s32 @!p0 $0x2  }
0x32: {  	v1 =	vmov s13  }
0x33: {  	s14 =	simm.s32 @!p3 $0x0;
	s13 =	simm.s32 $0x1;
	vm0 =	vgt.u32 v1, v0  }
0x34: {  	s14 =	simm.s32 @p3 $0x1;
	s13 =	simm.s32 @!p3 $0x0  }
0x35: {  	[smem:$0x7FC] =	sst s14;
	s13 =	smul.u32 $0xE0, s13  }
0x36: {  	_ =	swait.ge [sflag:s6], $0x70  }
0x37: {  	[sflag:s6] =	ssyncset.done $0x0;
	s13 =	sshrl.u32 s13, $0x2  }
0x38: {  	[sflag:s6] =	ssyncadd.s32 $0xFFFFFF90;
	s26 =	sadd.s32 $0x0, s13  }
0x39: {  	v2 =	vld.msk [tilespmem:s26+$0x0 ss:$0x1], vm0;
	_ =	sdelay $0x4  }
0x3a: {  	(v2sf) =	vpush v2, $0x1  }
0x3b: {  	p1 =	por $0x0, $0x0;
	s14 =	simm.s32 $0x1;
	(v2sf) =	vpush v2, $0x0  }
0x3c: {  	s14 =	simm.s32 @!p1 $0x2  }
0x3d: {  	v1 =	vmov s14  }
0x3e: {  	vm12 =	vgt.u32 v1, v0;
	_ =	sdelay $0x3  }
0x3f: {  	p2 =	por $0x0, $0x0;
	s15 =	simm.s32 $0x1  }
0x40: {  	s15 =	simm.s32 @!p2 $0x2;
	s28 =	sadd.s32 $0x1, s13  }
0x41: {  	v1 =	vmov s15;
	v3 =	vld.msk [tilespmem:s28+$0x0 ss:$0x1], vm12  }
0x42: {  	vm13 =	vgt.u32 v1, v0;
	_ =	sdelay $0x2  }
0x43: {  	p0 =	por p0, p0  }
0x44: {  	p0 =	por p0, p0;
	(v2sf) =	vpush v3, $0x1;
	s14 =	spop (v2sf)  }
0x45: {  	s29 =	sadd.s32 $0x2, s13;
	s14 =	simm.s32 @p0 $0xFFFFFFFF;
	s16 =	spop (v2sf)  }
0x46: {  	v1 =	vld.msk [tilespmem:s29+$0x0 ss:$0x1], vm13;
	(v2sf) =	vpush v3, $0x0;
	p0 =	seq.s32 s16, s14  }
0x47: {  	vm0 =	vgt.s32 @!p0 v2, $0x0  }
0x48: {  	v2 =	vnsel @!p0 vm0, $0x0, v2  }
0x49: {  	v2 =	vmin.u32 @!p0 v2, $0x27FF  }
0x4a: {  	(v2sf) =	vpush @!p0 v2, $0x0  }
0x4b: {  	(v2sf) =	vpush v1, $0x1  }
0x4c: {  	s30 =	sand.u32 $0x1, s10;
	(v2sf) =	vpush v1, $0x0  }
0x4d: {  	p4 =	por $0x0, $0x0;
	s17 =	simm.s32 $0x0;
	s21 =	simm.s32 $0x14  }
0x4e: {  	s19 =	simm.s32 $0x18;
	s22 =	simm.s32 $0x1;
	s16 =	simm.s32 $0x1  }
0x4f: {  	p2 =	por p2, p2;
	p1 =	por p1, p1;
	s16 =	simm.s32 @!p4 $0x2  }
0x50: {  	p2 =	por p2, p2;
	p1 =	por p1, p1;
	s15 =	sadd.s32 $0x70, s13;
	v2 =	vmov s16  }
0x51: {  	s24 =	sadd.s32 $0x3, s13;
	s31 =	sadd.s32 $0x4, s13;
	s14 =	smul.u32 $0x38000, s30;
	vm14 =	vgt.u32 v2, v0  }
0x52: {  	s20 =	simm.s32 @!p0 $0x1;
	p5 =	por p0, p0;
	p4 =	por p4, p4  }
0x53: {  	s14 =	sshrl.u32 s14, $0x2;
	s20 =	smov.u32 @p0 s17;
	s16 =	spop (v2sf)  }
0x54: {  	s17 =	simm.s32 @!p0 $0x80;
	s16 =	simm.s32 @p1 $0xFFFFFFFF;
	p1 =	por $0x0, $0x0  }
0x55: {  	s14 =	sor.u32 $0xE0, s14;
	s22 =	simm.s32 @!p1 $0x2;
	s23 =	spop (v2sf)  }
0x56: {  	p5 =	por p5, p5;
	s18 =	sadd.s32 @!p0 $0x0, s14;
	v4 =	vmov s22;
	p3 =	seq.s32 s23, s16  }
0x57: {  	vm15 =	vgt.u32 v4, v0;
	v2 =	vld.msk [tilespmem:s24+$0x0 ss:$0x1], vm14;
	s24 =	simm.s32 $0x1C;
	s16 =	sadd.s32 @!p3 $0x1, s20;
	s22 =	sshll.u32 @!p3 s20, $0xC  }
0x58: {  	vm1 =	vgt.s32 @!p3 v3, $0x0;
	s22 =	sshra.s32 @!p3 s22, $0x2;
	s16 =	smov.u32 @p3 s20;
	s20 =	simm.s32 @!p3 $0x80  }
0x59: {  	v3 =	vnsel @!p3 vm1, $0x0, v3;
	s23 =	sadd.s32 @!p3 s22, s14;
	s22 =	spop @!p0 (v2sf);
	p0 =	por p3, p3  }
0x5a: {  	v3 =	vmin.u32 @!p3 v3, $0x27FF;
	s25 =	simm.s32 @!p0 $0x0;
	s26 =	spop (v2sf);
	s28 =	sshll.u32 @!p5 s22, $0x4  }
0x5b: {  	(v2sf) =	vpush @!p3 v3, $0x0;
	s25 =	simm.s32 @p0 $0x1;
	s26 =	simm.s32 @p2 $0xFFFFFFFF;
	s29 =	spop (v2sf)  }
0x5c: {  	(v2sf) =	vpush v2, $0x1;
	s28 =	sand.u32 @!p5 $0x70, s28;
	[smem:$0x7FD] =	sst s25;
	p6 =	seq.s32 s29, s26  }
0x5d: {  	(v2sf) =	vpush v2, $0x0;
	s26 =	sshll.u32 @!p5 s22, $0x7;
	s25 =	sadd.s32 @!p5 s2, s28;
	s22 =	smov.u32 s16;
	v3 =	vld.msk [tilespmem:s31+$0x0 ss:$0x1], vm15  }
.LBB2_3:
0x5e: {  	s28 =	simm.s32 @!p3 $0x0;
	s29 =	smov.u32 s19;
	s19 =	smov.u32 s24  }
0x5f: {  	s24 =	sadd.s32 $0x4, s24;
	s30 =	smov.u32 s23;
	p0 =	por p5, p5  }
0x60: {  	s31 =	sld [smem:$0x7FD];
	s28 =	simm.s32 @p3 $0x1;
	p3 =	por p6, p6  }
0x61: {  	p2 =	sne.s32 s24, $0xE0;
	[smem:$0x7FA] =	sst s28;
	s28 =	smov.u32 s16  }
0x62: {  	vm0 =	vgt.s32 @!p6 v1, $0x0;
	s16 =	sadd.s32 @!p6 $0x1, s16;
	p6 =	por p4, p4;
	s23 =	simm.s32 @!p2 $0x0  }
0x63: {  	p4 =	por p1, p1;
	p1 =	seq.s32 s21, $0xDC;
	s23 =	simm.s32 @p2 $0x1  }
0x64: {  	s22 =	sshll.u32 @!p3 s22, $0xC;
	[smem:$0x7FB] =	sst s23;
	s23 =	simm.s32 $0x1  }
0x65: {  	s16 =	smov.u32 @p3 s28;
	s28 =	simm.s32 @!p3 $0x80;
	s23 =	simm.s32 @!p1 $0x2  }
0x66: {  	p2 =	seq.s32 s31, $0x1;
	s31 =	sshra.s32 s21, $0x2;
	v5 =	vmov s23;
	s23 =	sand.u32 @!p0 $0x1FFC00, s26  }
0x67: {  	p5 =	por p2, p2;
	p2 =	por p3, p3;
	s25 =	sadd.s32 @!p0 s23, s25  }
0x68: {  	[tilespmem:s18], [sflag:$0x1] =	stream.strided.gather @!p0 [hbm:s25], $0x400, s17, s17, $0x38;
	[tilespmem:$0x1C0E0] =	vst v63  }
0x69: {  	s17 =	smov.u32 s20;
	s20 =	smov.u32 s28;
	s28 =	sld [smem:$0x7FA]  }
0x6a: {  	s26 =	sshra.s32 @!p3 s22, $0x2;
	s25 =	sadd.s32 s31, s13;
	s31 =	sld [smem:$0x7FB]  }
0x6b: {  	s23 =	sadd.s32 @!p3 s26, s14;
	s26 =	simm.s32 @!p2 $0x0  }
0x6c: {  	vm15 =	vgt.u32 v5, v0;
	s26 =	simm.s32 @p2 $0x1;
	p0 =	seq.s32 s28, $0x1  }
0x6d: {  	[smem:$0x7FD] =	sst s26;
	s26 =	spop @!p0 (v2sf);
	p0 =	seq.s32 s31, $0x1  }
.Ltmp3:
0x6e: {  	v4 =	vnsel @!p3 vm0, $0x0, v1;
	(pc) =	sbr.rel @p0 .LBB2_3-.Ltmp3, $4  }
0x6f: {  	v4 =	vmin.u32 @!p3 v4, $0x27FF;
	s21 =	smov.u32 s29;
	s22 =	smov.u32 s16  }
0x70: {  	(v2sf) =	vpush @!p3 v4, $0x0;
	s18 =	smov.u32 s30;
	s28 =	spop (v2sf);
	s29 =	sshll.u32 @!p5 s26, $0x4  }
0x71: {  	v1 =	vmov v2;
	v2 =	vmov v3;
	(v2sf) =	vpush v3, $0x1;
	s28 =	simm.s32 @p6 $0xFFFFFFFF;
	s30 =	spop (v2sf);
	s29 =	sand.u32 @!p5 $0x70, s29  }
0x72: {  	(v2sf) =	vpush v2, $0x0;
	v3 =	vld.msk [tilespmem:s25+$0x0 ss:$0x1], vm15;
	s26 =	sshll.u32 @!p5 s26, $0x7;
	p6 =	seq.s32 s30, s28;
	s25 =	sadd.s32 @!p5 s2, s29  }
0x73: {  	_ = 	snop  }
0x74: {  	vm0 =	vgt.s32 @!p6 v1, $0x0  }
0x75: {  	v1 =	vnsel @!p6 vm0, $0x0, v1  }
0x76: {  	v1 =	vmin.u32 @!p6 v1, $0x27FF  }
0x77: {  	(v2sf) =	vpush @!p6 v1, $0x0  }
0x78: {  	(v2sf) =	vpush v3, $0x1  }
0x79: {  	p0 =	seq.s32 s21, $0xDC;
	s24 =	simm.s32 $0x1;
	(v2sf) =	vpush v3, $0x0  }
0x7a: {  	s24 =	simm.s32 @!p0 $0x2  }
0x7b: {  	v1 =	vmov s24  }
0x7c: {  	vm14 =	vgt.u32 v1, v0;
	_ =	sdelay $0x1  }
0x7d: {  	p2 =	por p4, p4  }
0x7e: {  	s31 =	sshra.s32 s21, $0x2;
	p4 =	seq.s32 s19, $0xDC;
	s24 =	spop @!p3 (v2sf)  }
0x7f: {  	s29 =	simm.s32 $0x1;
	s21 =	sadd.s32 s31, s13;
	s28 =	spop (v2sf)  }
0x80: {  	s29 =	simm.s32 @!p4 $0x2;
	s28 =	simm.s32 @p2 $0xFFFFFFFF;
	s30 =	spop (v2sf)  }
0x81: {  	v4 =	vmov s29;
	v1 =	vld.msk [tilespmem:s21+$0x0 ss:$0x1], vm14;
	p3 =	seq.s32 s30, s28  }
0x82: {  	vm1 =	vgt.u32 v4, v0;
	vm0 =	vgt.s32 @!p3 v2, $0x0  }
0x83: {  	v2 =	vnsel @!p3 vm0, $0x0, v2  }
0x84: {  	v2 =	vmin.u32 @!p3 v2, $0x27FF  }
0x85: {  	p1 =	por p1, p1;
	s21 =	spop @!p6 (v2sf);
	(v2sf) =	vpush @!p3 v2, $0x0  }
0x86: {  	p1 =	por p1, p1;
	s30 =	sshra.s32 s19, $0x2;
	s28 =	spop (v2sf);
	(v2sf) =	vpush v1, $0x1  }
0x87: {  	s19 =	sadd.s32 s30, s13;
	s28 =	simm.s32 @p1 $0xFFFFFFFF;
	s31 =	spop (v2sf);
	(v2sf) =	vpush v1, $0x0  }
0x88: {  	v2 =	vld.msk [tilespmem:s19+$0x0 ss:$0x1], vm1;
	p1 =	seq.s32 s31, s28  }
0x89: {  	s30 =	sld [smem:$0x7FD];
	vm0 =	vgt.s32 @!p1 v3, $0x0  }
0x8a: {  	v3 =	vnsel @!p1 vm0, $0x0, v3  }
0x8b: {  	p2 =	por p5, p5;
	v3 =	vmin.u32 @!p1 v3, $0x27FF  }
0x8c: {  	s19 =	sand.u32 @!p2 $0x1FFC00, s26;
	p5 =	seq.s32 s30, $0x1;
	(v2sf) =	vpush @!p1 v3, $0x0  }
0x8d: {  	s19 =	sadd.s32 @!p2 s19, s25;
	p5 =	por p5, p5;
	(v2sf) =	vpush v2, $0x1  }
0x8e: {  	[tilespmem:s18], [sflag:$0x1] =	stream.strided.gather @!p2 [hbm:s19], $0x400, s17, s17, $0x38;
	(v2sf) =	vpush v2, $0x0;
	[tilespmem:$0x1C0E0] =	vst v63  }
0x8f: {  	p0 =	por p0, p0;
	s17 =	sshll.u32 @!p5 s24, $0x4  }
0x90: {  	s18 =	sshll.u32 @!p5 s24, $0x7;
	p2 =	por p5, p5;
	s17 =	sand.u32 @!p5 $0x70, s17  }
0x91: {  	p0 =	por p0, p0;
	s18 =	sand.u32 @!p2 $0x1FFC00, s18;
	s17 =	sadd.s32 @!p5 s2, s17  }
0x92: {  	p5 =	por p6, p6;
	s17 =	sadd.s32 @!p2 s18, s17;
	s18 =	sshll.u32 @!p6 s22, $0xC  }
0x93: {  	[tilespmem:s23], [sflag:$0x1] =	stream.strided.gather @!p2 [hbm:s17], $0x400, s20, s20, $0x38;
	[tilespmem:$0x1C0E0] =	vst v63  }
0x94: {  	s17 =	sadd.s32 @!p6 $0x1, s16;
	p2 =	por p5, p5;
	s20 =	spop @!p3 (v2sf)  }
0x95: {  	s19 =	sshll.u32 @!p2 s21, $0x4;
	s21 =	sshll.u32 @!p2 s21, $0x7;
	s22 =	spop (v2sf)  }
0x96: {  	s19 =	sand.u32 @!p2 $0x70, s19;
	s22 =	simm.s32 @p0 $0xFFFFFFFF;
	s31 =	spop (v2sf)  }
0x97: {  	s19 =	sadd.s32 @!p2 s2, s19;
	p0 =	por p2, p2;
	p2 =	seq.s32 s31, s22  }
0x98: {  	s17 =	smov.u32 @p6 s16;
	s16 =	sshra.s32 @!p6 s18, $0x2;
	s18 =	sand.u32 @!p0 $0x1FFC00, s21;
	vm0 =	vgt.s32 @!p2 v1, $0x0  }
0x99: {  	s16 =	sadd.s32 @!p6 s16, s14;
	s21 =	simm.s32 @!p6 $0x80;
	s18 =	sadd.s32 @!p0 s18, s19;
	v1 =	vnsel @!p2 vm0, $0x0, v1  }
0x9a: {  	[tilespmem:s16], [sflag:$0x1] =	stream.strided.gather @!p0 [hbm:s18], $0x400, s21, s21, $0x38;
	v1 =	vmin.u32 @!p2 v1, $0x27FF;
	[tilespmem:$0x1C0E0] =	vst v63  }
0x9b: {  	p4 =	por p4, p4;
	p5 =	por p3, p3;
	s18 =	spop @!p1 (v2sf);
	(v2sf) =	vpush @!p2 v1, $0x0  }
0x9c: {  	s16 =	sadd.s32 @!p3 $0x1, s17;
	p0 =	por p4, p4;
	s19 =	spop (v2sf)  }
0x9d: {  	s16 =	smov.u32 @p3 s17;
	s19 =	simm.s32 @p0 $0xFFFFFFFF;
	s24 =	spop (v2sf)  }
0x9e: {  	s17 =	sshll.u32 @!p3 s17, $0xC;
	p0 =	por p5, p5;
	p4 =	seq.s32 s24, s19  }
0x9f: {  	p6 =	por p1, p1;
	s17 =	sshra.s32 @!p3 s17, $0x2;
	s21 =	sshll.u32 @!p0 s20, $0x4;
	vm0 =	vgt.s32 @!p4 v2, $0x0  }
0xa0: {  	s20 =	sshll.u32 @!p0 s20, $0x7;
	p5 =	por p0, p0;
	s21 =	sand.u32 @!p0 $0x70, s21;
	v1 =	vnsel @!p4 vm0, $0x0, v2  }
0xa1: {  	s17 =	sadd.s32 @!p3 s17, s14;
	s20 =	sand.u32 @!p5 $0x1FFC00, s20;
	s21 =	sadd.s32 @!p0 s2, s21;
	v1 =	vmin.u32 @!p4 v1, $0x27FF  }
0xa2: {  	s19 =	simm.s32 @!p3 $0x80;
	p0 =	por p6, p6;
	s20 =	sadd.s32 @!p5 s20, s21;
	(v2sf) =	vpush @!p4 v1, $0x0  }
0xa3: {  	[tilespmem:s17], [sflag:$0x1] =	stream.strided.gather @!p5 [hbm:s20], $0x400, s19, s19, $0x38;
	[tilespmem:$0x1C0E0] =	vst v63  }
0xa4: {  	p3 =	por p0, p0;
	s19 =	sshll.u32 @!p0 s18, $0x4  }
0xa5: {  	s17 =	sshll.u32 @!p1 s16, $0xC;
	s18 =	sshll.u32 @!p0 s18, $0x7;
	s19 =	sand.u32 @!p0 $0x70, s19  }
0xa6: {  	s17 =	sshra.s32 @!p1 s17, $0x2;
	s18 =	sand.u32 @!p3 $0x1FFC00, s18;
	s19 =	sadd.s32 @!p0 s2, s19  }
0xa7: {  	s20 =	simm.s32 @!p1 $0x80;
	s17 =	sadd.s32 @!p1 s17, s14;
	s18 =	sadd.s32 @!p3 s18, s19  }
0xa8: {  	[tilespmem:s17], [sflag:$0x1] =	stream.strided.gather @!p3 [hbm:s18], $0x400, s20, s20, $0x38;
	[tilespmem:$0x1C0E0] =	vst v63  }
0xa9: {  	p5 =	por p2, p2;
	s17 =	sadd.s32 @!p1 $0x1, s16  }
0xaa: {  	p0 =	por p5, p5;
	s17 =	smov.u32 @p1 s16;
	s16 =	spop @!p2 (v2sf)  }
0xab: {  	p1 =	por p0, p0;
	s19 =	sshll.u32 @!p0 s16, $0x4  }
0xac: {  	s18 =	sshll.u32 @!p2 s17, $0xC;
	s16 =	sshll.u32 @!p0 s16, $0x7;
	s19 =	sand.u32 @!p0 $0x70, s19  }
0xad: {  	s18 =	sshra.s32 @!p2 s18, $0x2;
	s16 =	sand.u32 @!p1 $0x1FFC00, s16;
	s19 =	sadd.s32 @!p0 s2, s19  }
0xae: {  	s20 =	simm.s32 @!p2 $0x80;
	s18 =	sadd.s32 @!p2 s18, s14;
	s16 =	sadd.s32 @!p1 s16, s19  }
0xaf: {  	[tilespmem:s18], [sflag:$0x1] =	stream.strided.gather @!p1 [hbm:s16], $0x400, s20, s20, $0x38;
	[tilespmem:$0x1C0E0] =	vst v63  }
0xb0: {  	p6 =	por p4, p4;
	s16 =	sadd.s32 @!p2 $0x1, s17  }
0xb1: {  	p0 =	por p6, p6;
	s18 =	spop @!p4 (v2sf);
	s16 =	smov.u32 @p2 s17  }
0xb2: {  	s17 =	sshll.u32 @!p0 s18, $0x4;
	s19 =	sadd.s32 @!p4 $0x1, s16  }
0xb3: {  	s20 =	sshll.u32 @!p4 s16, $0xC;
	s18 =	sshll.u32 @!p0 s18, $0x7;
	s17 =	sand.u32 @!p0 $0x70, s17  }
0xb4: {  	s19 =	smov.u32 @p4 s16;
	s17 =	sadd.s32 @!p0 s2, s17;
	p0 =	por p0, p0  }
0xb5: {  	s16 =	sshra.s32 @!p4 s20, $0x2;
	s20 =	simm.s32 @!p4 $0x80;
	s18 =	sand.u32 @!p0 $0x1FFC00, s18  }
0xb6: {  	s16 =	sadd.s32 @!p4 s16, s14;
	s25 =	sshll.u32 s19, $0xA;
	s17 =	sadd.s32 @!p0 s18, s17  }
0xb7: {  	[tilespmem:s16], [sflag:$0x1] =	stream.strided.gather @!p0 [hbm:s17], $0x400, s20, s20, $0x38;
	[tilespmem:$0x1C0E0] =	vst v63  }
0xb8: {  	s16 =	sand.u32 $0x3FFFFC00, s25  }
0xb9: {  	_ =	swait.ge [sflag:s4], s16  }
0xba: {  	s16 =	ssub.s32 $0x0, s16;
	[sflag:s4] =	ssyncset.done $0x0  }
0xbb: {  	s26 =	sadd.s32 $0x0, s15;
	[sflag:s4] =	ssyncadd.s32 s16  }
0xbc: {  	v1 =	vld.msk [tilespmem:s26+$0x0 ss:$0x1], $0x1;
	_ =	sdelay $0x4  }
0xbd: {  	(v2sf) =	vpush v1, $0x0;
	_ =	sdelay $0xc  }
0xbe: {  	p0 =	por $0x0, $0x0;
	s16 =	simm.s32 $0x1  }
0xbf: {  	s16 =	simm.s32 @!p0 $0x2  }
0xc0: {  	v1 =	vmov s16;
	s28 =	spop (v2sf)  }
0xc1: {  	vm15 =	vgt.u32 v1, v0;
	s29 =	sshll.u32 s28, $0xA;
	s17 =	sshll.u32 s28, $0x7  }
0xc2: {  	s16 =	sand.u32 $0xFFFFE000, s29;
	s17 =	sand.u32 $0x380, s17  }
0xc3: {  	s16 =	sor.u32 s17, s16  }
0xc4: {  	s30 =	sadd.s32 $0x0, s14;
	s31 =	sadd.s32 $0x0, s13;
	s16 =	sshrl.u32 s16, $0x3  }
0xc5: {  	s19 =	simm.s32 $0x8;
	s18 =	simm.s32 $0x4;
	s16 =	sadd.s32 s7, s16  }
0xc6: {  	[hbm:s16] =	stream.strided.scatter [tilespmem:s30], [sflag:$0x3], $0x400, s11, s11, $0x38;
	[tilespmem:$0x1C0E0] =	vst v63  }
0xc7: {  	p1 =	por p0, p0;
	s17 =	simm.s32 $0x1;
	s16 =	simm.s32 $0x0;
	v1 =	vld.msk [tilespmem:s31+$0x0 ss:$0x1], vm15  }
.LBB2_5:
0xc8: {  	p2 =	sne.s32 s19, $0xDC;
	s20 =	sadd.s32 s17, s15  }
0xc9: {  	v2 =	vld.msk [tilespmem:s20+$0x0 ss:$0x1], $0x1;
	_ =	sdelay $0x3  }
0xca: {  	(v2sf) =	vpush v1, $0x1  }
0xcb: {  	(v2sf) =	vpush v1, $0x0  }
0xcc: {  	(v2sf) =	vpush v2, $0x0;
	_ =	sdelay $0xb  }
0xcd: {  	p0 =	seq.s32 s18, $0xDC;
	s18 =	smov.u32 s19;
	s20 =	simm.s32 $0x1  }
0xce: {  	s20 =	simm.s32 @!p0 $0x2;
	s21 =	spop (v2sf)  }
0xcf: {  	s21 =	simm.s32 @p1 $0xFFFFFFFF;
	s22 =	spop (v2sf);
	p1 =	por p0, p0  }
0xd0: {  	v1 =	vmov s20;
	s20 =	spop (v2sf);
	p0 =	sne.s32 s22, s21;
	s22 =	simm.s32 $0x1  }
0xd1: {  	vm0 =	vgt.u32 v1, v0;
	s21 =	sshll.u32 s20, $0xA;
	s20 =	sshll.u32 s20, $0x7;
	s22 =	simm.s32 @!p0 $0x0  }
0xd2: {  	s21 =	sand.u32 $0xFFFFE000, s21;
	s20 =	sand.u32 $0x380, s20;
	s16 =	sadd.s32 s22, s16  }
.Ltmp4:
0xd3: {  	s20 =	sor.u32 s20, s21;
	s21 =	sshll.u32 s16, $0xC;
	(pc) =	sbr.rel @p2 .LBB2_5-.Ltmp4, $4  }
0xd4: {  	s20 =	sshrl.u32 s20, $0x3;
	s21 =	sshra.s32 s21, $0x2  }
0xd5: {  	s22 =	sadd.s32 s17, s13;
	s21 =	sadd.s32 s21, s14;
	s20 =	sadd.s32 s7, s20  }
0xd6: {  	[hbm:s20] =	stream.strided.scatter [tilespmem:s21], [sflag:$0x3], $0x400, s11, s11, $0x38;
	[tilespmem:$0x1C0E0] =	vst v63  }
0xd7: {  	s19 =	sadd.s32 $0x4, s19;
	s17 =	sshra.s32 s18, $0x2;
	v1 =	vld.msk [tilespmem:s22+$0x0 ss:$0x1], vm0  }
.Ltmp5:
0xd8: {  	_ = 	snop;
	(pc) =	sbr.rel .LBB2_6-.Ltmp5, $1  }
0xd9: {  	_ =	sdelay $0x3  }
.LBB2_8:
0xda: {  	_ =	sfence.sel $0x180000  }
0xdb: {  	s2 =	simm.s32 $0x2;
	[bflag:$0x0] =	sbarrier.arrive $0xFFFF  }
0xdc: {  	s30 =	simm.s32 $0x3;
	[sflag:s2] =	ssyncpa.u1 $0x1  }
0xdd: {  	s31 =	simm.s32 $0x1;
	[sflag:s30] =	ssyncpa.u1 $0x1  }
0xde: {  	[sflag:s31] =	ssyncpa.u1 $0x1  }
0xdf: {  	p0 =	sne.s32 s1, $0x0;
	_ =	strace $0x90000050  }
0xe0: {  	s0 =	sadd.s32 @!p0 $0x100000, s0;
	[bflag:$0x2] =	sbarrier.arrive $0xFFFF  }
0xe1: {  	[sflag:s0] =	ssyncadd.tile.s32 @!p0 $0x1;
	_ =	shalt  }
.Lfunc_end2:
_tile_overlayer_lowered:
.L_overlay_start_2:
0xe2: {  	(tag) =	ssettag $0x2  }
0xe3: {  	s0 =	rddreg [dreg:$0x0];
	s2 =	stileid.u32  }
0xe4: {  	s1 =	rddreg [dreg:$0x1];
	p0 =	sne.s32 s2, $0x0  }
0xe5: {  	s3 =	rddreg [dreg:$0x2];
	[bflag:$0x3] =	sbarrier.arrive $0xFFFF;
	s2 =	simm.s32 @!p0 $0x1C01  }
0xe6: {  	[timem:s3], [sflag:s2] =	dma.local @!p0 [hbm:s0], s1  }
0xe7: {  	s0 =	simm.s32 @!p0 $0x1  }
0xe8: {  	_ =	swait.ge @!p0 [sflag:s0], s1  }
0xe9: {  	s1 =	ssub.s32 @!p0 $0x0, s1;
	[sflag:s0] =	ssyncset.done @!p0 $0x0  }
0xea: {  	[sflag:s0] =	ssyncadd.s32 @!p0 s1  }
0xeb: {  	[bflag:$0x3] =	sbarrier.arrive $0xFFFF  }
0xec: {  	_ =	shalt  }

// kernel: scatter_offload_async_start.1
scs
__scs_entry_jumppad:
0x0: {  	(pc) =	sbr.rel $0x88, $3  }
0x1: {  	(tag) =	ssettag $0x0;
	lr =	simm.s32 $0x1  }
0x2: {  	[smem:$0x3F8C] =	sst lr;
	_ =	strace $0xD0000000  }
0x3: {  	_ = 	snop  }
0x4: {  	_ = 	snop  }
0x5: {  	_ = 	snop  }
0x6: {  	_ = 	snop  }
0x7: {  	_ = 	snop  }
__scs_overlays_trampoline_lowered:
0x8: {  	[smem:$0x3F9B] =	sst s0  }
0x9: {  	[smem:$0x3F9C] =	sst s1  }
0xa: {  	[smem:$0x3F9D] =	sst s2  }
0xb: {  	[smem:$0x3F9E] =	sst s3  }
0xc: {  	[smem:$0x3F9F] =	sst s4  }
0xd: {  	[smem:$0x3FA0] =	sst s5  }
0xe: {  	[smem:$0x3FA1] =	sst s6  }
0xf: {  	[smem:$0x3FA2] =	sst s7  }
0x10: {  	[smem:$0x3FA3] =	sst s8  }
0x11: {  	[smem:$0x3FA4] =	sst s9;
	s0 =	simm.s32 @!p0 $0x0  }
0x12: {  	s1 =	sld [smem:$0x3F8A];
	s0 =	simm.s32 @p0 $0x1  }
0x13: {  	[smem:$0x3FA5] =	sst s0;
	s0 =	simm.s32 @!p1 $0x0  }
0x14: {  	s2 =	sld [smem:$0x3F89];
	s0 =	simm.s32 @p1 $0x1  }
0x15: {  	[smem:$0x3FA6] =	sst s0;
	s0 =	simm.s32 @!p2 $0x0  }
0x16: {  	s3 =	sld [smem:$0x3FDB];
	s0 =	simm.s32 @p2 $0x1  }
0x17: {  	s4 =	simm.s32 $0x1BF5;
	[smem:$0x3FA8] =	sst s0  }
0x18: {  	s0 =	sld [smem:$0x3F8B];
	_ =	swait.ge [sflag:s4], $0x0  }
0x19: {  	s7 =	sld [smem:$0x3F8C]  }
0x1a: {  	s8 =	sadd.s32 $0xFFFFE003, lr  }
0x1b: {  	s9 =	sadd.s32 $0xFFFFFEF7, lr;
	s5 =	simm.s32 $0xFFFFFFFF;
	p2 =	slt.u32 s8, $0xFFFFF086  }
0x1c: {  	p1 =	slt.u32 s9, $0xF7A;
	s5 =	simm.s32 @!p2 $0x0  }
0x1d: {  	s5 =	simm.s32 @p1 $0x1;
	p0 =	seq.s32 s7, s2  }
0x1e: {  	s7 =	smul.u32 @!p0 $0xF7A, s2;
	p2 =	seq.s32 @!p0 s5, $0x0  }
0x1f: {  	s9 =	smul.u32 $0xF7A, s1;
	s8 =	simm.s32 @!p0 $0x1BF5;
	p2 =	por !p2, p0  }
0x20: {  	[sflag:s8] =	ssyncset.s32 @!p0 $0xFFFFF086;
	s6 =	sadd.s32 @!p0 s3, s7;
	s7 =	simm.s32 @!p0 $0x108  }
0x21: {  	s3 =	sadd.s32 s3, s9;
	s6 =	sadd.s32 @!p0 $0x88, s6;
	s7 =	simm.s32 @p2 $0x1082  }
0x22: {  	[simem:s7], [sflag:s8] =	dma.local @!p0 [hbm:s6], $0xF7A  }
0x23: {  	s9 =	sor.u32 $0xD0000000, s2;
	s6 =	simm.s32 $0x108;
	_ =	swait.ge @!p0 [sflag:s8], $0x0  }
0x24: {  	s3 =	sadd.s32 $0x88, s3;
	s6 =	simm.s32 @!p1 $0x1082;
	[sflag:s4] =	ssyncset.s32 $0xFFFFF086  }
0x25: {  	[simem:s6], [sflag:s4] =	dma.local [hbm:s3], $0xF7A  }
0x26: {  	[smem:$0x3F8C] =	sst s1;
	(tag) =	ssettag s2;
	_ =	strace s9  }
0x27: {  	s1 =	sld [smem:$0x3F9C]  }
0x28: {  	s2 =	sld [smem:$0x3F9D]  }
0x29: {  	s4 =	sld [smem:$0x3F9F]  }
0x2a: {  	p0 =	seq.s32 s5, $0x0;
	s5 =	sld [smem:$0x3FA0]  }
0x2b: {  	s6 =	sld [smem:$0x3FA1]  }
0x2c: {  	s7 =	sld [smem:$0x3FA2]  }
0x2d: {  	s3 =	simm.s32 $0x108;
	s8 =	sld [smem:$0x3FA3]  }
0x2e: {  	s3 =	simm.s32 @!p0 $0x1082;
	s9 =	sld [smem:$0x3FA4]  }
0x2f: {  	lr =	sadd.s32 s0, s3;
	s0 =	sld [smem:$0x3F9B]  }
0x30: {  	s3 =	sld [smem:$0x3F9E]  }
0x31: {  	[smem:$0x3FA7] =	sst s10  }
0x32: {  	s10 =	sld [smem:$0x3FA5];
	_ =	sdelay $0x3  }
0x33: {  	p0 =	seq.s32 s10, $0x1;
	s10 =	sld [smem:$0x3FA7];
	_ =	sdelay $0x3  }
0x34: {  	[smem:$0x3FA7] =	sst s10  }
0x35: {  	s10 =	sld [smem:$0x3FA6];
	_ =	sdelay $0x3  }
0x36: {  	p1 =	seq.s32 s10, $0x1;
	s10 =	sld [smem:$0x3FA7];
	_ =	sdelay $0x3  }
0x37: {  	[smem:$0x3FA7] =	sst s10  }
0x38: {  	s10 =	sld [smem:$0x3FA8]  }
0x39: {  	_ = 	snop;
	(pc) =	sbr.ind lr, $3  }
0x3a: {  	_ = 	snop  }
0x3b: {  	_ = 	snop  }
0x3c: {  	p2 =	seq.s32 s10, $0x1;
	s10 =	sld [smem:$0x3FA7]  }
0x3d: {  	_ =	shalt  }
0x3e: {  	_ =	shalt  }
0x3f: {  	_ =	shalt  }
0x40: {  	_ =	shalt  }
0x41: {  	_ =	shalt  }
0x42: {  	_ =	shalt  }
0x43: {  	_ =	shalt  }
0x44: {  	_ =	shalt  }
0x45: {  	_ =	shalt  }
0x46: {  	_ =	shalt  }
0x47: {  	_ =	shalt  }
0x48: {  	_ =	shalt  }
0x49: {  	_ =	shalt  }
0x4a: {  	_ =	shalt  }
0x4b: {  	_ =	shalt  }
0x4c: {  	_ =	shalt  }
0x4d: {  	_ =	shalt  }
0x4e: {  	_ =	shalt  }
0x4f: {  	_ =	shalt  }
0x50: {  	_ =	shalt  }
0x51: {  	_ =	shalt  }
0x52: {  	_ =	shalt  }
0x53: {  	_ =	shalt  }
0x54: {  	_ =	shalt  }
0x55: {  	_ =	shalt  }
0x56: {  	_ =	shalt  }
0x57: {  	_ =	shalt  }
0x58: {  	_ =	shalt  }
0x59: {  	_ =	shalt  }
0x5a: {  	_ =	shalt  }
0x5b: {  	_ =	shalt  }
0x5c: {  	_ =	shalt  }
0x5d: {  	_ =	shalt  }
0x5e: {  	_ =	shalt  }
0x5f: {  	_ =	shalt  }
0x60: {  	_ =	shalt  }
0x61: {  	_ =	shalt  }
0x62: {  	_ =	shalt  }
0x63: {  	_ =	shalt  }
0x64: {  	_ =	shalt  }
0x65: {  	_ =	shalt  }
0x66: {  	_ =	shalt  }
0x67: {  	_ =	shalt  }
0x68: {  	_ =	shalt  }
0x69: {  	_ =	shalt  }
0x6a: {  	_ =	shalt  }
0x6b: {  	_ =	shalt  }
0x6c: {  	_ =	shalt  }
0x6d: {  	_ =	shalt  }
0x6e: {  	_ =	shalt  }
0x6f: {  	_ =	shalt  }
0x70: {  	_ =	shalt  }
0x71: {  	_ =	shalt  }
0x72: {  	_ =	shalt  }
0x73: {  	_ =	shalt  }
0x74: {  	_ =	shalt  }
0x75: {  	_ =	shalt  }
0x76: {  	_ =	shalt  }
0x77: {  	_ =	shalt  }
0x78: {  	_ =	shalt  }
0x79: {  	_ =	shalt  }
0x7a: {  	_ =	shalt  }
0x7b: {  	_ =	shalt  }
0x7c: {  	_ =	shalt  }
0x7d: {  	_ =	shalt  }
0x7e: {  	_ =	shalt  }
0x7f: {  	_ =	shalt  }
0x80: {  	_ =	shalt  }
0x81: {  	_ =	shalt  }
0x82: {  	_ =	shalt  }
0x83: {  	_ =	shalt  }
0x84: {  	_ =	shalt  }
0x85: {  	_ =	shalt  }
0x86: {  	_ =	shalt  }
0x87: {  	_ =	shalt  }
.Lfunc_end0:
.L_simem_size_0:
called_computation.1_lowered:
.L_overlay_start_0:
0x88: {  	s2 =	sld [smem:$0x3FD9]  }
0x89: {  	s3 =	sld [smem:$0x3FFE];
	_ =	sdelay $0x1  }
0x8a: {  	s1 =	srdreg.scid  }
0x8b: {  	s0 =	sand.u32 $0x1, s1  }
0x8c: {  	s15 =	sshll.u32 s0, $0xA;
	s2 =	sadd.s32 s3, s2  }
0x8d: {  	s2 =	sadd.s32 s2, s15  }
0x8e: {  	[smem:$0x3FB3] =	sst s2  }
0x8f: {  	_ = 	snop  }
0x90: {  	(tm) =	ssettm $0x1  }
0x91: {  	s16 =	sld [smem:$0x3FFB];
	_ =	sdelay $0x3  }
0x92: {  	_ =	strace s16  }
0x93: {  	s2 =	sld [smem:$0x3FFC];
	_ =	sdelay $0x3  }
0x94: {  	_ =	strace s2  }
0x95: {  	s2 =	sld [smem:$0x3FFD];
	_ =	sdelay $0x3  }
0x96: {  	_ =	strace s2  }
0x97: {  	_ =	strace $0x8FFFFFFF  }
0x98: {  	s17 =	sld [smem:$0x3FDB];
	_ =	sdelay $0x1  }
0x99: {  	s18 =	simm.s32 $_scs_section_size  }
0x9a: {  	s4 =	simm.s32 $_size__tile_overlayer_lowered;
	s5 =	simm.s32 $_tile_overlayer_lowered  }
0x9b: {  	s21 =	simm.s32 $0x1BFF;
	s20 =	sshll.u32 s5, $0x1;
	s2 =	sadd.s32 s18, s17  }
0x9c: {  	s6 =	simm.s32 $0x0;
	s19 =	sshll.u32 s4, $0x1;
	s4 =	sadd.s32 s20, s2  }
0x9d: {  	[timem:s6], [sflag:s21] =	dma.local [hbm:s4], s19  }
0x9e: {  	_ =	swait.ge [sflag:s21], s19  }
0x9f: {  	s3 =	ssub.s32 $0x0, s19;
	[sflag:s21] =	ssyncset.done $0x0  }
0xa0: {  	[sflag:s21] =	ssyncadd.s32 s3;
	_ =	sdelay $0x1  }
0xa1: {  	s22 =	simm.s32 $0x1B8B  }
0xa2: {  	_ =	swait.ge [sflag:s22], $0x1  }
0xa3: {  	[sflag:s22] =	ssyncset.done $0x0  }
0xa4: {  	s23 =	sld [smem:$0x3FFE];
	[sflag:s22] =	ssyncadd.s32 $0xFFFFFFFF  }
0xa5: {  	s25 =	simm.s32 $0x1B8E;
	s24 =	sld [smem:$0x0]  }
0xa6: {  	s26 =	simm.s32 $execute0_lowered;
	[smem:$0x3FD2] =	sst s25  }
0xa7: {  	s5 =	sshll.u32 s26, $0x1;
	_ =	strace $0x80000052;
	[dreg:$0x1] =	wrdreg $0xFFFFFFFF  }
0xa8: {  	s28 =	simm.s32 $_size_execute0_lowered;
	s2 =	sadd.s32 s2, s5;
	[dreg:$0x0] =	wrdreg $0x0  }
0xa9: {  	s5 =	sshll.u32 s28, $0x1;
	[dreg:$0x2] =	wrdreg s2  }
0xaa: {  	[dreg:$0x3] =	wrdreg s5  }
0xab: {  	[dreg:$0x4] =	wrdreg $0xC0  }
0xac: {  	_ =	task [dreg:s6], $0x5FFFF  }
0xad: {  	[dreg:$0x1] =	wrdreg $0xFFFFFFFF  }
0xae: {  	[dreg:$0x0] =	wrdreg $0x60  }
0xaf: {  	[dreg:$0x2] =	wrdreg s23  }
0xb0: {  	[dreg:$0x3] =	wrdreg s1  }
0xb1: {  	[dreg:$0x4] =	wrdreg s24  }
0xb2: {  	[dreg:$0x5] =	wrdreg $0x9  }
0xb3: {  	_ =	task.clear_ibuf [dreg:s6], $0x6FFFF;
	_ =	strace $0x90000052  }
0xb4: {  	s29 =	simm.s32 $0x9;
	_ =	strace $0x80000054  }
0xb5: {  	_ =	swait.ge [sflag:s29], $0x1  }
0xb6: {  	[sflag:s29] =	ssyncadd.s32 $0xFFFFFFFF  }
0xb7: {  	_ =	strace $0x90000054  }
0xb8: {  	_ =	sfence  }
0xb9: {  	s30 =	sld [smem:$0x0];
	_ =	sdelay $0x2  }
0xba: {  	s31 =	sshll.u32 s1, $0xD;
	s1 =	sshrl.u32 s1, $0x2  }
0xbb: {  	s3 =	sand.u32 $0x4000, s31;
	s1 =	sadd.s32 s1, s30  }
0xbc: {  	s0 =	sor.u32 s3, s0;
	s1 =	sshll.u32 s1, $0x11  }
0xbd: {  	s0 =	sor.u32 s1, s0  }
0xbe: {  	s0 =	sadd.s32 $0x8F2B, s0  }
0xbf: {  	[sflag:s0] =	ssyncadd.remote.s32 $0x1  }
0xc0: {  	_ =	sfence.sel $0xFFFF  }
0xc1: {  	[dreg:$0x0] =	wrdreg $0xFFFFFFFF;
	(pc) =	sbr.abs _section_cstart, $3  }
0xc2: {  	[dreg:$0x1] =	wrdreg $0xFFFFFFFF  }
0xc3: {  	_ =	task.clear_ibuf [dreg:s6], $0x2FFFF;
	_ =	strace $0x9FFFFFFF  }
0xc4: {  	(tm) =	ssettm $0x7FFFFFFF  }
0xc5: {  	_ =	shalt  }
tec
execute0_lowered:
.L_overlay_start_1:
0x0: {  	(tag) =	ssettag $0x1  }
0x1: {  	s11 =	rddreg [dreg:$0x0]  }
0x2: {  	s2 =	rddreg [dreg:$0x1];
	_ =	strace $0x80000053;
	s12 =	simm.s32 $0x1  }
0x3: {  	v0 =	vimm.s32 $0x0;
	[sflag:s12] =	ssyncpa.u1 $0x0  }
0x4: {  	[tilespmem:$0x28] =	vst v0  }
0x5: {  	[tilespmem:$0x38] =	vst v0  }
0x6: {  	[tilespmem:$0x48] =	vst v0  }
0x7: {  	[tilespmem:$0x58] =	vst v0  }
0x8: {  	[tilespmem:$0x68] =	vst v0  }
0x9: {  	[tilespmem:$0x78] =	vst v0  }
0xa: {  	[tilespmem:$0x88] =	vst v0  }
0xb: {  	[tilespmem:$0x98] =	vst v0  }
0xc: {  	[tilespmem:$0xA8] =	vst v0  }
0xd: {  	[tilespmem:$0xB8] =	vst v0  }
0xe: {  	[tilespmem:$0xC8] =	vst v0  }
0xf: {  	[tilespmem:$0xD8] =	vst v0  }
0x10: {  	[tilespmem:$0xE8] =	vst v0  }
0x11: {  	[tilespmem:$0xF8] =	vst v0  }
0x12: {  	[tilespmem:$0x108] =	vst v0  }
0x13: {  	[tilespmem:$0x118] =	vst v0  }
0x14: {  	[tilespmem:$0x128] =	vst v0  }
0x15: {  	[tilespmem:$0x138] =	vst v0  }
0x16: {  	[tilespmem:$0x148] =	vst v0  }
0x17: {  	[tilespmem:$0x158] =	vst v0  }
0x18: {  	[tilespmem:$0x168] =	vst v0  }
0x19: {  	[tilespmem:$0x178] =	vst v0  }
0x1a: {  	[tilespmem:$0x188] =	vst v0  }
0x1b: {  	[tilespmem:$0x198] =	vst v0  }
0x1c: {  	[tilespmem:$0x1A8] =	vst v0  }
0x1d: {  	[tilespmem:$0x1B8] =	vst v0  }
0x1e: {  	[tilespmem:$0x1C8] =	vst v0  }
0x1f: {  	[tilespmem:$0x1D8] =	vst v0  }
0x20: {  	[tilespmem:$0x1E8] =	vst v0  }
0x21: {  	[tilespmem:$0x1F8] =	vst v0  }
0x22: {  	[tilespmem:$0x208] =	vst v0  }
0x23: {  	[tilespmem:$0x218] =	vst v0  }
0x24: {  	[tilespmem:$0x228] =	vst v0  }
0x25: {  	[tilespmem:$0x238] =	vst v0  }
0x26: {  	[tilespmem:$0x248] =	vst v0  }
0x27: {  	[tilespmem:$0x258] =	vst v0  }
0x28: {  	[tilespmem:$0x268] =	vst v0  }
0x29: {  	[tilespmem:$0x278] =	vst v0  }
0x2a: {  	[tilespmem:$0x288] =	vst v0  }
0x2b: {  	[tilespmem:$0x298] =	vst v0  }
0x2c: {  	[tilespmem:$0x2A8] =	vst v0  }
0x2d: {  	[tilespmem:$0x2B8] =	vst v0  }
0x2e: {  	[tilespmem:$0x2C8] =	vst v0  }
0x2f: {  	[tilespmem:$0x2D8] =	vst v0  }
0x30: {  	[tilespmem:$0x2E8] =	vst v0  }
0x31: {  	[tilespmem:$0x2F8] =	vst v0  }
0x32: {  	[tilespmem:$0x308] =	vst v0  }
0x33: {  	[tilespmem:$0x318] =	vst v0  }
0x34: {  	[tilespmem:$0x328] =	vst v0  }
0x35: {  	[tilespmem:$0x338] =	vst v0  }
0x36: {  	[tilespmem:$0x348] =	vst v0  }
0x37: {  	[tilespmem:$0x358] =	vst v0  }
0x38: {  	[tilespmem:$0x368] =	vst v0  }
0x39: {  	[tilespmem:$0x378] =	vst v0  }
0x3a: {  	[tilespmem:$0x388] =	vst v0  }
0x3b: {  	[tilespmem:$0x398] =	vst v0  }
0x3c: {  	[tilespmem:$0x3A8] =	vst v0  }
0x3d: {  	[tilespmem:$0x3B8] =	vst v0  }
0x3e: {  	[tilespmem:$0x3C8] =	vst v0  }
0x3f: {  	[tilespmem:$0x3D8] =	vst v0  }
0x40: {  	[tilespmem:$0x3E8] =	vst v0  }
0x41: {  	[tilespmem:$0x3F8] =	vst v0  }
0x42: {  	[tilespmem:$0x408] =	vst v0  }
0x43: {  	[tilespmem:$0x418] =	vst v0  }
0x44: {  	[tilespmem:$0x428] =	vst v0  }
0x45: {  	[tilespmem:$0x438] =	vst v0  }
0x46: {  	[tilespmem:$0x448] =	vst v0  }
0x47: {  	[tilespmem:$0x458] =	vst v0  }
0x48: {  	[tilespmem:$0x468] =	vst v0  }
0x49: {  	[tilespmem:$0x478] =	vst v0  }
0x4a: {  	[tilespmem:$0x488] =	vst v0  }
0x4b: {  	[tilespmem:$0x498] =	vst v0  }
0x4c: {  	[tilespmem:$0x4A8] =	vst v0  }
0x4d: {  	[tilespmem:$0x4B8] =	vst v0  }
0x4e: {  	[tilespmem:$0x4C8] =	vst v0  }
0x4f: {  	[tilespmem:$0x4D8] =	vst v0  }
0x50: {  	[tilespmem:$0x4E8] =	vst v0  }
0x51: {  	[tilespmem:$0x4F8] =	vst v0  }
0x52: {  	[tilespmem:$0x508] =	vst v0  }
0x53: {  	[tilespmem:$0x518] =	vst v0  }
0x54: {  	[tilespmem:$0x528] =	vst v0  }
0x55: {  	[tilespmem:$0x538] =	vst v0  }
0x56: {  	[tilespmem:$0x548] =	vst v0  }
0x57: {  	[tilespmem:$0x558] =	vst v0  }
0x58: {  	[tilespmem:$0x568] =	vst v0  }
0x59: {  	[tilespmem:$0x578] =	vst v0  }
0x5a: {  	[tilespmem:$0x588] =	vst v0  }
0x5b: {  	[tilespmem:$0x598] =	vst v0  }
0x5c: {  	[tilespmem:$0x5A8] =	vst v0  }
0x5d: {  	[tilespmem:$0x5B8] =	vst v0  }
0x5e: {  	[tilespmem:$0x5C8] =	vst v0  }
0x5f: {  	[tilespmem:$0x5D8] =	vst v0  }
0x60: {  	[tilespmem:$0x5E8] =	vst v0  }
0x61: {  	[tilespmem:$0x5F8] =	vst v0  }
0x62: {  	[tilespmem:$0x608] =	vst v0  }
0x63: {  	[tilespmem:$0x618] =	vst v0  }
0x64: {  	[tilespmem:$0x628] =	vst v0  }
0x65: {  	[tilespmem:$0x638] =	vst v0  }
0x66: {  	[tilespmem:$0x648] =	vst v0  }
0x67: {  	[tilespmem:$0x658] =	vst v0  }
0x68: {  	[tilespmem:$0x668] =	vst v0  }
0x69: {  	[tilespmem:$0x678] =	vst v0  }
0x6a: {  	[tilespmem:$0x688] =	vst v0  }
0x6b: {  	[tilespmem:$0x698] =	vst v0  }
0x6c: {  	[tilespmem:$0x6A8] =	vst v0  }
0x6d: {  	[tilespmem:$0x6B8] =	vst v0  }
0x6e: {  	[tilespmem:$0x6C8] =	vst v0  }
0x6f: {  	[tilespmem:$0x6D8] =	vst v0  }
0x70: {  	[tilespmem:$0x6E8] =	vst v0  }
0x71: {  	[tilespmem:$0x6F8] =	vst v0  }
0x72: {  	[tilespmem:$0x708] =	vst v0  }
0x73: {  	[tilespmem:$0x718] =	vst v0  }
0x74: {  	[tilespmem:$0x728] =	vst v0  }
0x75: {  	[tilespmem:$0x738] =	vst v0  }
0x76: {  	[tilespmem:$0x748] =	vst v0  }
0x77: {  	[tilespmem:$0x758] =	vst v0  }
0x78: {  	[tilespmem:$0x768] =	vst v0  }
0x79: {  	[tilespmem:$0x778] =	vst v0  }
0x7a: {  	[tilespmem:$0x788] =	vst v0  }
0x7b: {  	[tilespmem:$0x798] =	vst v0  }
0x7c: {  	[tilespmem:$0x7A8] =	vst v0  }
0x7d: {  	[tilespmem:$0x7B8] =	vst v0  }
0x7e: {  	[tilespmem:$0x7C8] =	vst v0  }
0x7f: {  	[tilespmem:$0x7D8] =	vst v0  }
0x80: {  	[tilespmem:$0x7E8] =	vst v0  }
0x81: {  	[tilespmem:$0x7F8] =	vst v0  }
0x82: {  	[tilespmem:$0x808] =	vst v0  }
0x83: {  	[tilespmem:$0x818] =	vst v0  }
0x84: {  	[tilespmem:$0x828] =	vst v0  }
0x85: {  	[tilespmem:$0x838] =	vst v0  }
0x86: {  	[tilespmem:$0x848] =	vst v0  }
0x87: {  	[tilespmem:$0x858] =	vst v0  }
0x88: {  	[tilespmem:$0x868] =	vst v0  }
0x89: {  	[tilespmem:$0x878] =	vst v0  }
0x8a: {  	[tilespmem:$0x888] =	vst v0  }
0x8b: {  	[tilespmem:$0x898] =	vst v0  }
0x8c: {  	[tilespmem:$0x8A8] =	vst v0  }
0x8d: {  	[tilespmem:$0x8B8] =	vst v0  }
0x8e: {  	[tilespmem:$0x8C8] =	vst v0  }
0x8f: {  	[tilespmem:$0x8D8] =	vst v0  }
0x90: {  	[tilespmem:$0x8E8] =	vst v0  }
0x91: {  	[tilespmem:$0x8F8] =	vst v0  }
0x92: {  	[tilespmem:$0x908] =	vst v0  }
0x93: {  	[tilespmem:$0x918] =	vst v0  }
0x94: {  	[tilespmem:$0x928] =	vst v0  }
0x95: {  	[tilespmem:$0x938] =	vst v0  }
0x96: {  	[tilespmem:$0x948] =	vst v0  }
0x97: {  	[tilespmem:$0x958] =	vst v0  }
0x98: {  	[tilespmem:$0x968] =	vst v0  }
0x99: {  	[tilespmem:$0x978] =	vst v0  }
0x9a: {  	[tilespmem:$0x988] =	vst v0  }
0x9b: {  	[tilespmem:$0x998] =	vst v0  }
0x9c: {  	[tilespmem:$0x9A8] =	vst v0  }
0x9d: {  	[tilespmem:$0x9B8] =	vst v0  }
0x9e: {  	[tilespmem:$0x9C8] =	vst v0  }
0x9f: {  	[tilespmem:$0x9D8] =	vst v0  }
0xa0: {  	[tilespmem:$0x9E8] =	vst v0  }
0xa1: {  	[tilespmem:$0x9F8] =	vst v0  }
0xa2: {  	[tilespmem:$0xA08] =	vst v0  }
0xa3: {  	[tilespmem:$0xA18] =	vst v0  }
0xa4: {  	[tilespmem:$0xA28] =	vst v0  }
0xa5: {  	[tilespmem:$0xA38] =	vst v0  }
0xa6: {  	[tilespmem:$0xA48] =	vst v0  }
0xa7: {  	[tilespmem:$0xA58] =	vst v0  }
0xa8: {  	[tilespmem:$0xA68] =	vst v0  }
0xa9: {  	[tilespmem:$0xA78] =	vst v0  }
0xaa: {  	[tilespmem:$0xA88] =	vst v0  }
0xab: {  	[tilespmem:$0xA98] =	vst v0  }
0xac: {  	[tilespmem:$0xAA8] =	vst v0  }
0xad: {  	[tilespmem:$0xAB8] =	vst v0  }
0xae: {  	[tilespmem:$0xAC8] =	vst v0  }
0xaf: {  	[tilespmem:$0xAD8] =	vst v0  }
0xb0: {  	[tilespmem:$0xAE8] =	vst v0  }
0xb1: {  	[tilespmem:$0xAF8] =	vst v0  }
0xb2: {  	[tilespmem:$0xB08] =	vst v0  }
0xb3: {  	[tilespmem:$0xB18] =	vst v0  }
0xb4: {  	[tilespmem:$0xB28] =	vst v0  }
0xb5: {  	[tilespmem:$0xB38] =	vst v0  }
0xb6: {  	[tilespmem:$0xB48] =	vst v0  }
0xb7: {  	[tilespmem:$0xB58] =	vst v0  }
0xb8: {  	[tilespmem:$0xB68] =	vst v0  }
0xb9: {  	[tilespmem:$0xB78] =	vst v0  }
0xba: {  	[tilespmem:$0xB88] =	vst v0  }
0xbb: {  	[tilespmem:$0xB98] =	vst v0  }
0xbc: {  	[tilespmem:$0xBA8] =	vst v0  }
0xbd: {  	[tilespmem:$0xBB8] =	vst v0  }
0xbe: {  	[tilespmem:$0xBC8] =	vst v0  }
0xbf: {  	[tilespmem:$0xBD8] =	vst v0  }
0xc0: {  	[tilespmem:$0xBE8] =	vst v0  }
0xc1: {  	[tilespmem:$0xBF8] =	vst v0  }
0xc2: {  	[tilespmem:$0xC08] =	vst v0  }
0xc3: {  	[tilespmem:$0xC18] =	vst v0  }
0xc4: {  	[tilespmem:$0xC28] =	vst v0  }
0xc5: {  	[tilespmem:$0xC38] =	vst v0  }
0xc6: {  	[tilespmem:$0xC48] =	vst v0  }
0xc7: {  	[tilespmem:$0xC58] =	vst v0  }
0xc8: {  	[tilespmem:$0xC68] =	vst v0  }
0xc9: {  	[tilespmem:$0xC78] =	vst v0  }
0xca: {  	[tilespmem:$0xC88] =	vst v0  }
0xcb: {  	[tilespmem:$0xC98] =	vst v0  }
0xcc: {  	[tilespmem:$0xCA8] =	vst v0  }
0xcd: {  	[tilespmem:$0xCB8] =	vst v0  }
0xce: {  	[tilespmem:$0xCC8] =	vst v0  }
0xcf: {  	[tilespmem:$0xCD8] =	vst v0  }
0xd0: {  	[tilespmem:$0xCE8] =	vst v0  }
0xd1: {  	[tilespmem:$0xCF8] =	vst v0  }
0xd2: {  	[tilespmem:$0xD08] =	vst v0  }
0xd3: {  	[tilespmem:$0xD18] =	vst v0  }
0xd4: {  	[tilespmem:$0xD28] =	vst v0  }
0xd5: {  	[tilespmem:$0xD38] =	vst v0  }
0xd6: {  	[tilespmem:$0xD48] =	vst v0  }
0xd7: {  	[tilespmem:$0xD58] =	vst v0  }
0xd8: {  	[tilespmem:$0xD68] =	vst v0  }
0xd9: {  	[tilespmem:$0xD78] =	vst v0  }
0xda: {  	[tilespmem:$0xD88] =	vst v0  }
0xdb: {  	[tilespmem:$0xD98] =	vst v0  }
0xdc: {  	[tilespmem:$0xDA8] =	vst v0  }
0xdd: {  	[tilespmem:$0xDB8] =	vst v0  }
0xde: {  	[tilespmem:$0xDC8] =	vst v0  }
0xdf: {  	[tilespmem:$0xDD8] =	vst v0  }
0xe0: {  	[tilespmem:$0xDE8] =	vst v0  }
0xe1: {  	[tilespmem:$0xDF8] =	vst v0  }
0xe2: {  	[tilespmem:$0xE08] =	vst v0  }
0xe3: {  	[tilespmem:$0xE18] =	vst v0  }
0xe4: {  	[tilespmem:$0xE28] =	vst v0  }
0xe5: {  	[tilespmem:$0xE38] =	vst v0  }
0xe6: {  	[tilespmem:$0xE48] =	vst v0  }
0xe7: {  	[tilespmem:$0xE58] =	vst v0  }
0xe8: {  	[tilespmem:$0xE68] =	vst v0  }
0xe9: {  	[tilespmem:$0xE78] =	vst v0  }
0xea: {  	[tilespmem:$0xE88] =	vst v0  }
0xeb: {  	[tilespmem:$0xE98] =	vst v0  }
0xec: {  	[tilespmem:$0xEA8] =	vst v0  }
0xed: {  	[tilespmem:$0xEB8] =	vst v0  }
0xee: {  	[tilespmem:$0xEC8] =	vst v0  }
0xef: {  	[tilespmem:$0xED8] =	vst v0  }
0xf0: {  	[tilespmem:$0xEE8] =	vst v0  }
0xf1: {  	[tilespmem:$0xEF8] =	vst v0  }
0xf2: {  	[tilespmem:$0xF08] =	vst v0  }
0xf3: {  	[tilespmem:$0xF18] =	vst v0  }
0xf4: {  	[tilespmem:$0xF28] =	vst v0  }
0xf5: {  	[tilespmem:$0xF38] =	vst v0  }
0xf6: {  	[tilespmem:$0xF48] =	vst v0  }
0xf7: {  	[tilespmem:$0xF58] =	vst v0  }
0xf8: {  	[tilespmem:$0xF68] =	vst v0  }
0xf9: {  	[tilespmem:$0xF78] =	vst v0  }
0xfa: {  	[tilespmem:$0xF88] =	vst v0  }
0xfb: {  	[tilespmem:$0xF98] =	vst v0  }
0xfc: {  	[tilespmem:$0xFA8] =	vst v0  }
0xfd: {  	[tilespmem:$0xFB8] =	vst v0  }
0xfe: {  	[tilespmem:$0xFC8] =	vst v0  }
0xff: {  	[tilespmem:$0xFD8] =	vst v0  }
0x100: {  	[tilespmem:$0xFE8] =	vst v0  }
0x101: {  	[tilespmem:$0xFF8] =	vst v0  }
0x102: {  	[tilespmem:$0x1028] =	vst v0  }
0x103: {  	[tilespmem:$0x10E8] =	vst v0  }
0x104: {  	[tilespmem:$0x1068] =	vst v0  }
0x105: {  	[tilespmem:$0x1B28] =	vst v0  }
0x106: {  	[tilespmem:$0x1B18] =	vst v0  }
0x107: {  	[tilespmem:$0x1B08] =	vst v0  }
0x108: {  	[tilespmem:$0x1AF8] =	vst v0  }
0x109: {  	[tilespmem:$0x1AE8] =	vst v0  }
0x10a: {  	[tilespmem:$0x1AD8] =	vst v0  }
0x10b: {  	[tilespmem:$0x1AC8] =	vst v0  }
0x10c: {  	[tilespmem:$0x1AB8] =	vst v0  }
0x10d: {  	[tilespmem:$0x1AA8] =	vst v0  }
0x10e: {  	[tilespmem:$0x1A98] =	vst v0  }
0x10f: {  	[tilespmem:$0x1A88] =	vst v0  }
0x110: {  	[tilespmem:$0x1A78] =	vst v0  }
0x111: {  	[tilespmem:$0x1A68] =	vst v0  }
0x112: {  	[tilespmem:$0x1A58] =	vst v0  }
0x113: {  	[tilespmem:$0x1A48] =	vst v0  }
0x114: {  	[tilespmem:$0x1A38] =	vst v0  }
0x115: {  	[tilespmem:$0x1A28] =	vst v0  }
0x116: {  	[tilespmem:$0x1A18] =	vst v0  }
0x117: {  	[tilespmem:$0x1A08] =	vst v0  }
0x118: {  	[tilespmem:$0x19F8] =	vst v0  }
0x119: {  	[tilespmem:$0x19E8] =	vst v0  }
0x11a: {  	[tilespmem:$0x19D8] =	vst v0  }
0x11b: {  	[tilespmem:$0x19C8] =	vst v0  }
0x11c: {  	[tilespmem:$0x19B8] =	vst v0  }
0x11d: {  	[tilespmem:$0x19A8] =	vst v0  }
0x11e: {  	[tilespmem:$0x1998] =	vst v0  }
0x11f: {  	[tilespmem:$0x1988] =	vst v0  }
0x120: {  	[tilespmem:$0x1978] =	vst v0  }
0x121: {  	[tilespmem:$0x1968] =	vst v0  }
0x122: {  	[tilespmem:$0x1958] =	vst v0  }
0x123: {  	[tilespmem:$0x1948] =	vst v0  }
0x124: {  	[tilespmem:$0x1938] =	vst v0  }
0x125: {  	[tilespmem:$0x1928] =	vst v0  }
0x126: {  	[tilespmem:$0x1918] =	vst v0  }
0x127: {  	[tilespmem:$0x1908] =	vst v0  }
0x128: {  	[tilespmem:$0x18F8] =	vst v0  }
0x129: {  	[tilespmem:$0x18E8] =	vst v0  }
0x12a: {  	[tilespmem:$0x18D8] =	vst v0  }
0x12b: {  	[tilespmem:$0x18C8] =	vst v0  }
0x12c: {  	[tilespmem:$0x18B8] =	vst v0  }
0x12d: {  	[tilespmem:$0x18A8] =	vst v0  }
0x12e: {  	[tilespmem:$0x1898] =	vst v0  }
0x12f: {  	[tilespmem:$0x1888] =	vst v0  }
0x130: {  	[tilespmem:$0x1878] =	vst v0  }
0x131: {  	[tilespmem:$0x1868] =	vst v0  }
0x132: {  	[tilespmem:$0x1858] =	vst v0  }
0x133: {  	[tilespmem:$0x1848] =	vst v0  }
0x134: {  	[tilespmem:$0x1838] =	vst v0  }
0x135: {  	[tilespmem:$0x1828] =	vst v0  }
0x136: {  	[tilespmem:$0x1818] =	vst v0  }
0x137: {  	[tilespmem:$0x1808] =	vst v0  }
0x138: {  	[tilespmem:$0x17F8] =	vst v0  }
0x139: {  	[tilespmem:$0x17E8] =	vst v0  }
0x13a: {  	[tilespmem:$0x17D8] =	vst v0  }
0x13b: {  	[tilespmem:$0x17C8] =	vst v0  }
0x13c: {  	[tilespmem:$0x17B8] =	vst v0  }
0x13d: {  	[tilespmem:$0x17A8] =	vst v0  }
0x13e: {  	[tilespmem:$0x1798] =	vst v0  }
0x13f: {  	[tilespmem:$0x1788] =	vst v0  }
0x140: {  	[tilespmem:$0x1778] =	vst v0  }
0x141: {  	[tilespmem:$0x1768] =	vst v0  }
0x142: {  	[tilespmem:$0x1758] =	vst v0  }
0x143: {  	[tilespmem:$0x1748] =	vst v0  }
0x144: {  	[tilespmem:$0x1738] =	vst v0  }
0x145: {  	[tilespmem:$0x1728] =	vst v0  }
0x146: {  	[tilespmem:$0x1718] =	vst v0  }
0x147: {  	[tilespmem:$0x1708] =	vst v0  }
0x148: {  	[tilespmem:$0x16F8] =	vst v0  }
0x149: {  	[tilespmem:$0x16E8] =	vst v0  }
0x14a: {  	[tilespmem:$0x16D8] =	vst v0  }
0x14b: {  	[tilespmem:$0x16C8] =	vst v0  }
0x14c: {  	[tilespmem:$0x16B8] =	vst v0  }
0x14d: {  	[tilespmem:$0x16A8] =	vst v0  }
0x14e: {  	[tilespmem:$0x1698] =	vst v0  }
0x14f: {  	[tilespmem:$0x1688] =	vst v0  }
0x150: {  	[tilespmem:$0x1678] =	vst v0  }
0x151: {  	[tilespmem:$0x1668] =	vst v0  }
0x152: {  	[tilespmem:$0x1658] =	vst v0  }
0x153: {  	[tilespmem:$0x1648] =	vst v0  }
0x154: {  	[tilespmem:$0x1638] =	vst v0  }
0x155: {  	[tilespmem:$0x1628] =	vst v0  }
0x156: {  	[tilespmem:$0x1618] =	vst v0  }
0x157: {  	[tilespmem:$0x1608] =	vst v0  }
0x158: {  	[tilespmem:$0x15F8] =	vst v0  }
0x159: {  	[tilespmem:$0x15E8] =	vst v0  }
0x15a: {  	[tilespmem:$0x15D8] =	vst v0  }
0x15b: {  	[tilespmem:$0x15C8] =	vst v0  }
0x15c: {  	[tilespmem:$0x15B8] =	vst v0  }
0x15d: {  	[tilespmem:$0x15A8] =	vst v0  }
0x15e: {  	[tilespmem:$0x1598] =	vst v0  }
0x15f: {  	[tilespmem:$0x1588] =	vst v0  }
0x160: {  	[tilespmem:$0x1578] =	vst v0  }
0x161: {  	[tilespmem:$0x1568] =	vst v0  }
0x162: {  	[tilespmem:$0x1558] =	vst v0  }
0x163: {  	[tilespmem:$0x1548] =	vst v0  }
0x164: {  	[tilespmem:$0x1538] =	vst v0  }
0x165: {  	[tilespmem:$0x1528] =	vst v0  }
0x166: {  	[tilespmem:$0x1518] =	vst v0  }
0x167: {  	[tilespmem:$0x1508] =	vst v0  }
0x168: {  	[tilespmem:$0x14F8] =	vst v0  }
0x169: {  	[tilespmem:$0x14E8] =	vst v0  }
0x16a: {  	[tilespmem:$0x14D8] =	vst v0  }
0x16b: {  	[tilespmem:$0x14C8] =	vst v0  }
0x16c: {  	[tilespmem:$0x14B8] =	vst v0  }
0x16d: {  	[tilespmem:$0x14A8] =	vst v0  }
0x16e: {  	[tilespmem:$0x1498] =	vst v0  }
0x16f: {  	[tilespmem:$0x1488] =	vst v0  }
0x170: {  	[tilespmem:$0x1478] =	vst v0  }
0x171: {  	[tilespmem:$0x1468] =	vst v0  }
0x172: {  	[tilespmem:$0x1458] =	vst v0  }
0x173: {  	[tilespmem:$0x1448] =	vst v0  }
0x174: {  	[tilespmem:$0x1438] =	vst v0  }
0x175: {  	[tilespmem:$0x1428] =	vst v0  }
0x176: {  	[tilespmem:$0x1418] =	vst v0  }
0x177: {  	[tilespmem:$0x1408] =	vst v0  }
0x178: {  	[tilespmem:$0x13F8] =	vst v0  }
0x179: {  	[tilespmem:$0x13E8] =	vst v0  }
0x17a: {  	[tilespmem:$0x13D8] =	vst v0  }
0x17b: {  	[tilespmem:$0x13C8] =	vst v0  }
0x17c: {  	[tilespmem:$0x13B8] =	vst v0  }
0x17d: {  	[tilespmem:$0x13A8] =	vst v0  }
0x17e: {  	[tilespmem:$0x1398] =	vst v0  }
0x17f: {  	[tilespmem:$0x1388] =	vst v0  }
0x180: {  	[tilespmem:$0x1378] =	vst v0  }
0x181: {  	[tilespmem:$0x1368] =	vst v0  }
0x182: {  	[tilespmem:$0x1358] =	vst v0  }
0x183: {  	[tilespmem:$0x1348] =	vst v0  }
0x184: {  	[tilespmem:$0x1338] =	vst v0  }
0x185: {  	[tilespmem:$0x1328] =	vst v0  }
0x186: {  	[tilespmem:$0x1318] =	vst v0  }
0x187: {  	[tilespmem:$0x1308] =	vst v0  }
0x188: {  	[tilespmem:$0x12F8] =	vst v0  }
0x189: {  	[tilespmem:$0x12E8] =	vst v0  }
0x18a: {  	[tilespmem:$0x12D8] =	vst v0  }
0x18b: {  	[tilespmem:$0x12C8] =	vst v0  }
0x18c: {  	[tilespmem:$0x12B8] =	vst v0  }
0x18d: {  	[tilespmem:$0x12A8] =	vst v0  }
0x18e: {  	[tilespmem:$0x1298] =	vst v0  }
0x18f: {  	[tilespmem:$0x1288] =	vst v0  }
0x190: {  	[tilespmem:$0x1278] =	vst v0  }
0x191: {  	[tilespmem:$0x1268] =	vst v0  }
0x192: {  	[tilespmem:$0x1258] =	vst v0  }
0x193: {  	[tilespmem:$0x1248] =	vst v0  }
0x194: {  	[tilespmem:$0x1238] =	vst v0  }
0x195: {  	[tilespmem:$0x1228] =	vst v0  }
0x196: {  	[tilespmem:$0x1218] =	vst v0  }
0x197: {  	[tilespmem:$0x1208] =	vst v0  }
0x198: {  	[tilespmem:$0x11F8] =	vst v0  }
0x199: {  	[tilespmem:$0x11E8] =	vst v0  }
0x19a: {  	[tilespmem:$0x11D8] =	vst v0  }
0x19b: {  	[tilespmem:$0x11C8] =	vst v0  }
0x19c: {  	[tilespmem:$0x11B8] =	vst v0  }
0x19d: {  	[tilespmem:$0x11A8] =	vst v0  }
0x19e: {  	[tilespmem:$0x1198] =	vst v0  }
0x19f: {  	[tilespmem:$0x1188] =	vst v0  }
0x1a0: {  	[tilespmem:$0x1178] =	vst v0  }
0x1a1: {  	[tilespmem:$0x1168] =	vst v0  }
0x1a2: {  	[tilespmem:$0x1158] =	vst v0  }
0x1a3: {  	[tilespmem:$0x1148] =	vst v0  }
0x1a4: {  	[tilespmem:$0x1138] =	vst v0  }
0x1a5: {  	[tilespmem:$0x1128] =	vst v0  }
0x1a6: {  	[tilespmem:$0x1118] =	vst v0  }
0x1a7: {  	s4 =	stileid.u32;
	[tilespmem:$0x1108] =	vst v0  }
0x1a8: {  	s0 =	smul.u32 $0xC, s4;
	[tilespmem:$0x10F8] =	vst v0  }
0x1a9: {  	s1 =	smin.u32 s4, $0x8;
	[tilespmem:$0x10C8] =	vst v0  }
0x1aa: {  	[tilespmem:$0x10D8] =	vst v0;
	s0 =	sadd.s32 s1, s0  }
0x1ab: {  	p0 =	slt.u32 s4, $0x8;
	[tilespmem:$0x10B8] =	vst v0;
	s1 =	simm.s32 $0x15F0;
	s6 =	smul.u32 $0x1B0, s0  }
0x1ac: {  	s1 =	simm.s32 @!p0 $0x1440;
	[tilespmem:$0x1038] =	vst v0  }
0x1ad: {  	[tilespmem:$0x10A8] =	vst v0;
	s0 =	sadd.s32 s1, s6  }
0x1ae: {  	s3 =	simm.s32 $0x2;
	s8 =	simm.s32 $0x9;
	[tilespmem:$0x1098] =	vst v0;
	s7 =	smin.u32 s0, $0x15000  }
0x1af: {  	s10 =	simm.s32 $0xA;
	s30 =	simm.s32 $0xB;
	[tilespmem:$0x1088] =	vst v0;
	s0 =	ssub.s32 s7, s6  }
0x1b0: {  	s16 =	simm.s32 $0x0;
	p4 =	por $0x0, $0x0;
	[tilespmem:$0x1078] =	vst v0;
	p0 =	sgt.s32 s0, $0x0  }
0x1b1: {  	s17 =	simm.s32 $0xC;
	s21 =	simm.s32 $0x0;
	[tilespmem:$0x1058] =	vst v0;
	s0 =	simm.s32 @!p0 $0x0  }
0x1b2: {  	s18 =	simm.s32 $0x0;
	s2 =	sand.u32 $0x1, s2;
	[tilespmem:$0x1048] =	vst v0;
	s29 =	smulhi.u32 $0x4BDA12F7, s0  }
0x1b3: {  	s20 =	simm.s32 $0x0;
	s31 =	sshll.u32 s4, $0x5;
	[tilespmem:$0x1018] =	vst v0;
	[dreg:$0x5] =	wrdreg s2  }
0x1b4: {  	s2 =	smul.u32 $0x2A00, s2;
	[tilespmem:$0x1008] =	vst v0;
	[sflag:s3] =	ssyncpa.u1 $0x0;
	s1 =	sshrl.u32 s29, $0x7  }
0x1b5: {  	v0 =	vimm.s32 $0xFFFFFFFF;
	s3 =	sadd.s32 $0x6C9A00, s11;
	[dreg:$0x4] =	wrdreg s31;
	s5 =	smul.u32 $0x1B0, s1  }
.Ltmp0:
0x1b6: {  	[tilespmem:$0x3648] =	vst v0;
	[sflag:s8] =	ssyncpa.u1 $0x0;
	s2 =	sadd.s32 s2, s11;
	(pc) =	sbr.rel .LBB2_1-.Ltmp0, $4  }
0x1b7: {  	[sflag:s10] =	ssyncpa.u1 $0x0;
	s11 =	sadd.s32 $0x71AA00, s11;
	p0 =	sne.s32 s0, s5  }
0x1b8: {  	[sflag:s30] =	ssyncpa.u1 $0x0;
	s14 =	sadd.s32 $0x6C4600, s2;
	s12 =	simm.s32 @!p0 $0x0  }
0x1b9: {  	s15 =	sadd.s32 $0x1D400, s2;
	s19 =	smov.u32 s6;
	s12 =	sadd.s32 s12, s1  }
0x1ba: {  	v0 =	vlaneseq.u32;
	[dreg:$0x6] =	wrdreg s6;
	p0 =	por $0x1, $0x1;
	s4 =	sadd.s32 $0x1, s12  }
.LBB2_18:
0x1bb: {  	s0 =	simm.s32 $0x2  }
0x1bc: {  	_ =	swait.ge [sflag:s0], $0x0  }
0x1bd: {  	[sflag:s0] =	ssyncset.done $0x0;
	s0 =	simm.s32 $0x0  }
.LBB2_19:
0x1be: {  	_ =	swait.ge [sflag:s17], s0  }
0x1bf: {  	s31 =	ssub.s32 $0x0, s0;
	v1 =	vmov s23;
	vm0 =	veq.s32 v0, $0x0;
	[sflag:s17] =	ssyncset.done $0x0  }
0x1c0: {  	vm15 =	veq.s32 v0, $0x2;
	v1 =	vsel vm0, s28, v1;
	[sflag:s17] =	ssyncadd.s32 s31  }
0x1c1: {  	v1 =	vsel vm15, s21, v1;
	[sflag:s17] =	ssyncpa.u1 $0x1  }
0x1c2: {  	[tilespmem:$0x3648] =	vst v1  }
.LBB2_20:
0x1c3: {  	s0 =	sadd.s32 $0x1B0, s19  }
0x1c4: {  	s1 =	smov.u32 s6;
	p1 =	slt.s32 s0, s7  }
0x1c5: {  	s1 =	smov.u32 @p1 s0;
	p1 =	sne.s32 s20, s4  }
.Ltmp1:
0x1c6: {  	_ = 	snop;
	(pc) =	sbr.rel @!p1 .LBB2_21-.Ltmp1, $4  }
0x1c7: {  	_ = 	snop  }
0x1c8: {  	s21 =	smov.u32 s18  }
0x1c9: {  	s31 =	sadd.s32 $0x1, s20;
	s18 =	smov.u32 s19;
	p0 =	por !p0, !p0  }
0x1ca: {  	p4 =	por !p4, !p4;
	s20 =	smov.u32 s31;
	s19 =	smov.u32 s1  }
.LBB2_1:
0x1cb: {  	p2 =	sge.u32 s20, s12  }
0x1cc: {  	s0 =	smulhi.u32 @!p2 $0xAAAAAAAB, s20  }
0x1cd: {  	s1 =	smov.u32 s19;
	p3 =	sgt.s32 @!p2 s19, $0x14E50  }
0x1ce: {  	s2 =	sshra.s32 @!p2 s19, $0x1F;
	p3 =	por !p3, p2;
	s0 =	sshrl.u32 @!p2 s0, $0x1  }
0x1cf: {  	s2 =	sand.u32 @!p2 s2, s19;
	s1 =	simm.s32 @p3 $0x14E50;
	s0 =	smul.u32 @!p2 $0x3, s0  }
0x1d0: {  	s1 =	ssub.s32 @!p2 s1, s2  }
0x1d1: {  	s23 =	sadd.s32 $0xFFFFFFFF, s20;
	s1 =	sadd.s32 @!p2 $0xFFFEB1B0, s1;
	s0 =	ssub.s32 @!p2 s20, s0  }
0x1d2: {  	s2 =	sshll.u32 @!p2 s1, $0x2;
	p3 =	sgt.s32 @!p2 s1, $0x1AF;
	s0 =	smul.u32 @!p2 $0x6C0, s0  }
0x1d3: {  	s5 =	sand.u32 @!p2 $0x7, s19;
	s1 =	ssub.s32 @!p2 $0x6C0, s2;
	p3 =	por !p3, p2  }
0x1d4: {  	s2 =	sshrl.u32 @!p2 s19, $0x3;
	s1 =	sshrl.u32 @!p2 s1, $0x2;
	s0 =	sshrl.u32 @!p2 s0, $0x2  }
0x1d5: {  	s2 =	sadd.s32 @!p2 s2, s14;
	s1 =	simm.s32 @!p3 $0x0;
	s0 =	sadd.s32 @!p2 $0x3888, s0  }
0x1d6: {  	[tilespmem:s0], [sflag:$0xA] =	stream.linear.gather @!p2 [hbm4b:s2+s5], s1, $0x38;
	[tilespmem:$0x1F0F8] =	vst v63  }
0x1d7: {  	p2 =	sge.u32 s23, s12  }
0x1d8: {  	p3 =	sgt.s32 @!p2 s18, $0x14E50  }
0x1d9: {  	s0 =	smov.u32 s18;
	s1 =	sshra.s32 @!p2 s18, $0x1F;
	p3 =	por !p3, p2  }
0x1da: {  	s1 =	sand.u32 @!p2 s1, s18;
	s0 =	simm.s32 @p3 $0x14E50  }
0x1db: {  	s0 =	ssub.s32 @!p2 s0, s1  }
0x1dc: {  	s0 =	sadd.s32 @!p2 $0xFFFEB1B0, s0  }
0x1dd: {  	s1 =	sshll.u32 @!p2 s0, $0x2  }
0x1de: {  	p3 =	sgt.s32 @!p2 s0, $0x1AF;
	s0 =	ssub.s32 @!p2 $0x6C0, s1  }
0x1df: {  	s22 =	ssub.s32 @!p2 $0x15000, s18;
	p3 =	por !p3, p2;
	s0 =	sshrl.u32 @!p2 s0, $0x2  }
0x1e0: {  	s1 =	sand.u32 @!p2 $0x1, s23;
	s0 =	simm.s32 @!p3 $0x0;
	p3 =	slt.s32 @!p2 s22, $0x1  }
0x1e1: {  	s2 =	simm.s32 @!p2 $0xA;
	s1 =	smul.u32 @!p2 $0x6C0, s1;
	p3 =	por p2, p3  }
.Ltmp2:
0x1e2: {  	_ =	swait.ge @!p2 [sflag:s2], s0;
	(pc) =	sbr.rel @p3 .LBB2_7-.Ltmp2, $4  }
0x1e3: {  	s5 =	ssub.s32 @!p2 $0x0, s0;
	[sflag:s2] =	ssyncset.done @!p2 $0x0  }
0x1e4: {  	s1 =	sshrl.u32 @!p2 s1, $0x2;
	[sflag:s2] =	ssyncadd.s32 @!p2 s5;
	s2 =	sshrl.u32 @!p2 s18, $0x3  }
0x1e5: {  	s1 =	sadd.s32 @!p2 $0x3D98, s1;
	s5 =	sand.u32 @!p2 $0x7, s18;
	s2 =	sadd.s32 @!p2 s2, s15  }
0x1e6: {  	[tilespmem:s1], [sflag:$0xB] =	stream.linear.gather @!p2 [hbm4b:s2+s5], s0, $0x38;
	[tilespmem:$0x1F0F8] =	vst v63  }
0x1e7: {  	s0 =	smulhi.u32 $0xAAAAAAAB, s23;
	_ =	sdelay $0x1  }
0x1e8: {  	s0 =	sshrl.u32 s0, $0x1  }
0x1e9: {  	s0 =	smul.u32 $0x3, s0;
	_ =	sdelay $0x1  }
0x1ea: {  	s0 =	ssub.s32 s23, s0  }
0x1eb: {  	s1 =	simm.s32 $0x1;
	s0 =	smul.u32 $0x6C0, s0  }
.Ltmp3:
0x1ec: {  	s1 =	simm.s32 @!p0 $0x0;
	(pc) =	sbr.rel .LBB2_4-.Ltmp3, $4  }
0x1ed: {  	s1 =	smul.u32 $0x36000, s1  }
0x1ee: {  	p3 =	slt.s32 @!p2 s22, $0x1B0;
	s0 =	sshrl.u32 s0, $0x2  }
0x1ef: {  	p2 =	por !p3, p2;
	s1 =	sshrl.u32 s1, $0x2;
	s0 =	sadd.s32 $0x3888, s0  }
0x1f0: {  	s24 =	simm.s32 $0x0;
	s22 =	simm.s32 @p2 $0x1B0;
	s23 =	sadd.s32 $0x40F8, s1;
	v1 =	vmov s0  }
.LBB2_3:
0x1f1: {  	p2 =	sge.s32 s24, s22  }
.Ltmp4:
0x1f2: {  	_ = 	snop;
	(pc) =	sbr.rel @p2 .LBB2_7-.Ltmp4, $2  }
0x1f3: {  	_ =	sdelay $0x2  }
0x1f4: {  	s23 =	sadd.s32 $0x800, s23  }
.LBB2_4:
0x1f5: {  	p2 =	sle.s32 s22, s24  }
.Ltmp5:
0x1f6: {  	_ = 	snop;
	(pc) =	sbr.rel @p2 .LBB2_3-.Ltmp5, $2  }
0x1f7: {  	_ =	sdelay $0x2  }
0x1f8: {  	s0 =	smov.u32 s24;
	s24 =	sadd.s32 $0x10, s24  }
0x1f9: {  	s1 =	ssub.s32 s22, s0  }
0x1fa: {  	p2 =	slt.s32 s1, $0x10  }
0x1fb: {  	s1 =	simm.s32 @!p2 $0x10  }
0x1fc: {  	v2 =	vmov s1  }
0x1fd: {  	vm0 =	vgt.s32 v2, v0;
	_ =	sdelay $0x5  }
0x1fe: {  	v2 =	vld.idx.msk [tilespmem:v1+s0+$0x0 ss:$0x1], vm0;
	_ =	sdelay $0x2  }
0x1ff: {  	p2 =	slt.s32 s24, s22;
	s1 =	smov.u32 s22  }
0x200: {  	s2 =	smov.u32 s23;
	s25 =	simm.s32 $0x0;
	s1 =	smov.u32 @p2 s24  }
.LBB2_6:
0x201: {  	(v2sf) =	vpush v2, s25;
	_ =	sdelay $0xc  }
0x202: {  	s25 =	sadd.s32 $0x1, s25  }
0x203: {  	s31 =	sadd.s32 s25, s0  }
0x204: {  	p2 =	slt.s32 s31, s1;
	s5 =	spop (v2sf)  }
.Ltmp6:
0x205: {  	s5 =	sshll.u32 s5, $0x4;
	(pc) =	sbr.rel @p2 .LBB2_6-.Ltmp6, $4  }
0x206: {  	s5 =	sand.u32 $0x1FFFFFF0, s5  }
0x207: {  	s5 =	sadd.s32 s11, s5  }
0x208: {  	[tilespmem:s2], [sflag:$0x9] =	stream.linear.gather [hbm4b:s5+s16], $0x10, $0x38;
	[tilespmem:$0x1F0F8] =	vst v63  }
0x209: {  	s2 =	sadd.s32 $0x80, s2  }
.Ltmp7:
0x20a: {  	_ = 	snop;
	(pc) =	sbr.rel .LBB2_3-.Ltmp7, $1  }
0x20b: {  	_ =	sdelay $0x3  }
.LBB2_7:
0x20c: {  	p2 =	slt.u32 s20, $0x2  }
.Ltmp8:
0x20d: {  	_ = 	snop;
	(pc) =	sbr.rel @p2 .LBB2_20-.Ltmp8, $1  }
0x20e: {  	_ =	sdelay $0x3  }
0x20f: {  	p2 =	sgt.s32 s21, $0x14E50  }
0x210: {  	s0 =	smov.u32 s21;
	s1 =	sshra.s32 s21, $0x1F;
	s2 =	ssub.s32 $0x15000, s21  }
0x211: {  	s0 =	simm.s32 @!p2 $0x14E50;
	s1 =	sand.u32 s1, s21;
	p2 =	slt.s32 s2, $0x1B0  }
0x212: {  	s0 =	ssub.s32 s0, s1;
	s2 =	simm.s32 @!p2 $0x1B0  }
0x213: {  	s0 =	sadd.s32 $0xFFFEB1B0, s0;
	s24 =	sshll.u32 s2, $0x4  }
0x214: {  	s28 =	simm.s32 $0x9;
	s25 =	sshll.u32 s0, $0x2;
	s1 =	sand.u32 $0x3FFFFFF0, s24  }
0x215: {  	p2 =	sgt.s32 s0, $0x1AF;
	s26 =	ssub.s32 $0x6C0, s25;
	_ =	swait.ge [sflag:s28], s1  }
0x216: {  	s1 =	ssub.s32 $0x0, s1;
	[sflag:s28] =	ssyncset.done $0x0;
	s0 =	sshrl.u32 s26, $0x2  }
0x217: {  	s30 =	simm.s32 $0xB;
	[sflag:s28] =	ssyncadd.s32 s1;
	s0 =	simm.s32 @p2 $0x0  }
0x218: {  	_ =	swait.ge [sflag:s30], s0  }
0x219: {  	s0 =	ssub.s32 $0x0, s0;
	[sflag:s30] =	ssyncset.done $0x0  }
0x21a: {  	[sflag:s30] =	ssyncadd.s32 s0  }
0x21b: {  	v1 =	vld [tilespmem:$0x3648];
	_ =	sdelay $0x4  }
0x21c: {  	(v2sf) =	vpush v1, $0x0  }
0x21d: {  	(v2sf) =	vpush v1, $0x1  }
0x21e: {  	(v2sf) =	vpush v1, $0x2;
	_ =	sdelay $0x3  }
0x21f: {  	s0 =	sadd.s32 $0x1B0, s21  }
0x220: {  	s1 =	ssub.s32 $0x2A000, s21;
	p2 =	slt.s32 s7, s0  }
0x221: {  	s0 =	smov.u32 @p2 s7;
	p2 =	sgt.s32 s1, $0x0  }
0x222: {  	s25 =	ssub.s32 s0, s21;
	s1 =	simm.s32 @!p2 $0x0  }
0x223: {  	p2 =	slt.s32 s1, s25  }
0x224: {  	s25 =	smov.u32 @p2 s1  }
0x225: {  	s24 =	simm.s32 $0x1;
	p2 =	slt.s32 s25, $0x1  }
.Ltmp9:
0x226: {  	s24 =	simm.s32 @!p4 $0x0;
	(pc) =	sbr.rel @p2 .LBB2_12-.Ltmp9, $4  }
0x227: {  	s31 =	smul.u32 $0x6C0, s24  }
0x228: {  	s26 =	spop (v2sf)  }
0x229: {  	s0 =	sshrl.u32 s31, $0x2;
	s29 =	spop (v2sf)  }
0x22a: {  	s22 =	sadd.s32 $0x3D98, s0;
	s21 =	spop (v2sf)  }
0x22b: {  	s0 =	smin.u32 s25, $0x10  }
0x22c: {  	v1 =	vmov s0  }
0x22d: {  	p3 =	sgt.s32 s25, $0x10;
	vm1 =	vgt.u32 v1, v0  }
.Ltmp10:
0x22e: {  	_ = 	snop;
	(pc) =	sbr.rel @!p3 .LBB2_11-.Ltmp10, $2  }
0x22f: {  	_ =	sdelay $0x2  }
0x230: {  	s23 =	simm.s32 $0x10;
	s28 =	sadd.s32 $0xFFFFFFF0, s25;
	s0 =	smov.u32 s22;
	vm0 =	vmmov vm1  }
.LBB2_10:
0x231: {  	s1 =	smin.u32 s28, $0x10;
	s23 =	sadd.s32 $0x10, s23;
	v1 =	vld.msk [tilespmem:s0+$0x0 ss:$0x1], vm1  }
0x232: {  	v2 =	vmov s1;
	p3 =	slt.s32 s23, s25  }
0x233: {  	vm1 =	vgt.u32 v2, v0  }
.Ltmp11:
0x234: {  	(pc) =	sbr.rel @p3 .LBB2_10-.Ltmp11, $3  }
0x235: {  	_ =	sdelay $0x1  }
0x236: {  	v1 =	vshll.u32 v1, $0x4  }
0x237: {  	s28 =	sadd.s32 $0xFFFFFFF0, s28;
	[tilespmem:s0+$0x0] =	vst.msk vm0, v1;
	s0 =	sadd.s32 $0x10, s0;
	vm0 =	vmmov vm1  }
.LBB2_11:
0x238: {  	_ =	sdelay $0x4  }
0x239: {  	v1 =	vld.msk [tilespmem:s0+$0x0 ss:$0x1], vm1;
	_ =	sdelay $0x4  }
0x23a: {  	v1 =	vshll.u32 v1, $0x4  }
0x23b: {  	[tilespmem:s0+$0x0] =	vst.msk vm0, v1  }
.LBB2_12:
0x23c: {  	s0 =	sand.u32 $0x1, s20  }
0x23d: {  	s0 =	smul.u32 $0x1B0, s0  }
0x23e: {  	p3 =	sne.s32 s29, $0xFFFFFFFF  }
0x23f: {  	v1 =	vld.msk @!p3 [tilespmem:s0+$0x3D98], $0x1;
	_ =	sdelay $0x4  }
0x240: {  	(v2sf) =	vpush @!p3 v1, $0x0;
	_ =	sdelay $0xc  }
.Ltmp12:
0x241: {  	_ = 	snop;
	(pc) =	sbr.rel @p2 .LBB2_18-.Ltmp12, $4  }
0x242: {  	_ = 	snop  }
0x243: {  	s28 =	spop @!p3 (v2sf)  }
0x244: {  	s21 =	simm.s32 @!p3 $0x0;
	s23 =	smov.u32 s28  }
0x245: {  	[sflag:s17] =	ssyncpa.u1 $0x0;
	s28 =	smov.u32 @p3 s26;
	s23 =	smov.u32 @p3 s29  }
0x246: {  	v1 =	vld.msk [tilespmem:s22+$0x0], $0x1;
	_ =	sdelay $0x4  }
0x247: {  	(v2sf) =	vpush v1, $0x0;
	_ =	sdelay $0xe  }
0x248: {  	s0 =	simm.s32 @!p4 $0x0;
	s26 =	smul.u32 $0x36000, s24;
	s31 =	spop (v2sf)  }
0x249: {  	s29 =	ssub.s32 $0x0, s25;
	s0 =	simm.s32 @p4 $0x1;
	p2 =	seq.s32 s28, s31  }
0x24a: {  	s1 =	smov.u32 s28;
	[smem:$0x7FD] =	sst s0;
	p3 =	sgt.s32 @!p2 s28, $0x0  }
0x24b: {  	s0 =	sshrl.u32 s26, $0x2;
	s26 =	sadd.s32 $0x1, s29;
	p3 =	por !p3, p2  }
0x24c: {  	s1 =	simm.s32 @p3 $0x0;
	p3 =	seq.s32 s26, $0x0  }
.Ltmp13:
0x24d: {  	_ = 	snop;
	(pc) =	sbr.rel @p3 .LBB2_15-.Ltmp13, $4  }
0x24e: {  	s6 =	smov.u32 s4;
	s25 =	simm.s32 $0x0  }
0x24f: {  	s24 =	sadd.s32 $0x40F8, s0;
	s0 =	simm.s32 @!p2 $0x1;
	s2 =	smin.u32 @!p2 s1, $0x50FFE  }
0x250: {  	s30 =	sadd.s32 $0x1, s22;
	s0 =	smov.u32 @p2 s25;
	s5 =	sand.u32 @!p2 $0x7FFF8, s2  }
0x251: {  	s1 =	simm.s32 @!p2 $0x1B38;
	s2 =	sand.u32 @!p2 $0x7, s2;
	s5 =	sadd.s32 @!p2 s3, s5  }
.LBB2_14:
0x252: {  	s4 =	smov.u32 s0  }
0x253: {  	[tilespmem:s1], [sflag:$0x2] =	stream.linear.gather @!p2 [hbm4b:s5+s2], $0x10, $0x38;
	[tilespmem:$0x1F0F8] =	vst v63  }
0x254: {  	s26 =	sadd.s32 $0x1, s26;
	s2 =	smov.u32 s31;
	v1 =	vld.msk [tilespmem:s30+$0x0], $0x1  }
0x255: {  	p3 =	seq.s32 s26, $0x0;
	_ =	sdelay $0x3  }
0x256: {  	(v2sf) =	vpush v1, $0x0;
	_ =	sdelay $0xe  }
0x257: {  	s31 =	spop (v2sf)  }
0x258: {  	p2 =	seq.s32 s2, s31  }
0x259: {  	p4 =	sgt.s32 @!p2 s2, $0x0;
	s1 =	sshll.u32 @!p2 s0, $0x6;
	s0 =	sadd.s32 @!p2 $0x1, s0  }
.Ltmp14:
0x25a: {  	p4 =	por !p4, p2;
	s1 =	sshra.s32 @!p2 s1, $0x2;
	(pc) =	sbr.rel @!p3 .LBB2_14-.Ltmp14, $4  }
0x25b: {  	s0 =	smov.u32 @p2 s4;
	s2 =	simm.s32 @p4 $0x0;
	s1 =	sadd.s32 @!p2 $0x1B38, s1  }
0x25c: {  	s2 =	smin.u32 @!p2 s2, $0x50FFE  }
0x25d: {  	s4 =	sand.u32 @!p2 $0x7FFF8, s2;
	s2 =	sand.u32 @!p2 $0x7, s2  }
0x25e: {  	s30 =	sadd.s32 $0x1, s30;
	s5 =	sadd.s32 @!p2 s3, s4  }
.LBB2_15:
0x25f: {  	[tilespmem:s1], [sflag:$0x2] =	stream.linear.gather @!p2 [hbm4b:s5+s2], $0x10, $0x38;
	[tilespmem:$0x1F0F8] =	vst v63  }
0x260: {  	s0 =	sshll.u32 s0, $0x4  }
0x261: {  	s31 =	simm.s32 $0x2;
	s0 =	sand.u32 $0x3FFFFFF0, s0  }
0x262: {  	_ =	swait.ge [sflag:s31], s0  }
0x263: {  	s0 =	ssub.s32 $0x0, s0;
	[sflag:s31] =	ssyncset.done $0x0  }
0x264: {  	[sflag:s31] =	ssyncadd.s32 s0  }
0x265: {  	v1 =	vld.msk [tilespmem:s22+$0x0], $0x1;
	_ =	sdelay $0x4  }
0x266: {  	(v2sf) =	vpush v1, $0x0;
	_ =	sdelay $0xe  }
0x267: {  	s26 =	spop (v2sf)  }
0x268: {  	p2 =	sne.s32 s28, s26  }
0x269: {  	p4 =	sne.s32 @p2 s28, s23  }
0x26a: {  	p3 =	por !p4, !p2  }
0x26b: {  	s0 =	simm.s32 @!p3 $0x0  }
0x26c: {  	v1 =	vld @!p3 [tilespmem:s0+$0x1B38]  }
0x26d: {  	p5 =	sgt.u32 @!p3 s28, $0x50FFE  }
0x26e: {  	s1 =	sshll.u32 @!p3 s21, $0x6;
	p6 =	por @p2 p5, !p4  }
0x26f: {  	s1 =	sshra.s32 @!p3 s1, $0x2;
	p1 =	por p6, !p2;
	p6 =	por p4, !p2  }
0x270: {  	s2 =	sadd.s32 @!p3 $0x28, s1;
	s4 =	sand.u32 @!p1 $0x7FFF8, s28;
	s5 =	sshll.u32 @!p6 s21, $0x6  }
0x271: {  	s28 =	sand.u32 @!p1 $0x7, s28;
	[tilespmem:s1+$0x28] =	vst.add.f32.msk @!p3 $0xffff, v1;
	s1 =	sadd.s32 @!p1 s3, s4;
	s4 =	sshra.s32 @!p6 s5, $0x2  }
0x272: {  	[hbm4b:s1+s28] =	stream.linear.scatter @!p1 [tilespmem:s2], [sflag:$0xC], $0x10, $0x38;
	[tilespmem:$0x1F0F8] =	vst v63  }
0x273: {  	s0 =	rddreg [dreg:$0x4];
	s1 =	sadd.s32 @!p6 $0x28, s4;
	s2 =	simm.s32 @!p6 $0x1  }
0x274: {  	[spmem:s0] =	stream.linear.scatter @!p6 [tilespmem:s1], [sflag:$0x1], $0x10, $0x38;
	[tilespmem:$0x1F0F8] =	vst v63  }
0x275: {  	s0 =	sadd.s32 @p2 $0x1, s21;
	_ =	swait.ge @!p6 [sflag:s2], $0x10  }
0x276: {  	s1 =	sshrl.u32 @p2 s0, $0x4;
	[sflag:s2] =	ssyncset.done @!p6 $0x0  }
0x277: {  	s1 =	smulhi.u32 @p2 $0x97B425F, s1;
	[sflag:s2] =	ssyncadd.s32 @!p6 $0xFFFFFFF0  }
0x278: {  	s28 =	sadd.s32 $0x1, s29;
	v1 =	vld @p2 [tilespmem:s24+$0x0]  }
0x279: {  	p1 =	por @p2 !p5, !p4;
	p4 =	seq.s32 s28, $0x0;
	s1 =	smul.u32 @p2 $0x1B0, s1  }
.Ltmp15:
0x27a: {  	p1 =	por !p1, !p2;
	s2 =	simm.s32 @!p3 $0x0;
	(pc) =	sbr.rel @p4 .LBB2_17-.Ltmp15, $4  }
0x27b: {  	s4 =	sshll.u32 @!p2 s21, $0x6;
	s2 =	simm.s32 @!p1 $0x40;
	s0 =	ssub.s32 @p2 s0, s1  }
0x27c: {  	s29 =	simm.s32 $0x0;
	s2 =	sadd.s32 @!p3 $0x0, s2;
	s5 =	sshll.u32 @p2 s0, $0x4  }
0x27d: {  	s30 =	sshra.s32 @!p2 s4, $0x2;
	s1 =	simm.s32 @p2 $0x1;
	s2 =	smov.u32 @p3 s25;
	[tilespmem:s5+$0x28] =	vst @p2 v1  }
0x27e: {  	s21 =	smov.u32 @p2 s0;
	s29 =	smov.u32 @p2 s2;
	s25 =	smov.u32 @p2 s1;
	v1 =	vld @!p2 [tilespmem:s24+$0x0]  }
.LBB2_16:
0x27f: {  	_ =	sdelay $0x3  }
0x280: {  	s22 =	sadd.s32 $0x1, s22;
	[tilespmem:s30+$0x28] =	vst.add.f32.msk @!p2 $0xffff, v1  }
0x281: {  	v1 =	vld.msk [tilespmem:s22+$0x0], $0x1;
	_ =	sdelay $0x4  }
0x282: {  	(v2sf) =	vpush v1, $0x0;
	_ =	sdelay $0xe  }
0x283: {  	s0 =	smov.u32 s26;
	s26 =	spop (v2sf)  }
0x284: {  	p2 =	sne.s32 s0, s26  }
0x285: {  	p5 =	sne.s32 @p2 s0, s23  }
0x286: {  	s4 =	sshll.u32 @!p2 s21, $0x6;
	p4 =	por !p5, !p2  }
0x287: {  	s30 =	sshra.s32 @!p2 s4, $0x2;
	s4 =	sshll.u32 @!p4 s25, $0x6  }
0x288: {  	s4 =	sshra.s32 @!p4 s4, $0x2  }
0x289: {  	p1 =	sgt.u32 @!p4 s0, $0x50FFE;
	v1 =	vld @!p4 [tilespmem:s4+$0x1B38]  }
0x28a: {  	s31 =	sshll.u32 @!p4 s21, $0x6;
	p6 =	por @p2 p1, !p5;
	p1 =	por @p2 !p1, !p5  }
0x28b: {  	s8 =	simm.s32 @!p4 $0x0;
	s31 =	sshra.s32 @!p4 s31, $0x2;
	p1 =	por !p1, !p2  }
0x28c: {  	p5 =	por p5, !p2;
	s8 =	simm.s32 @!p1 $0x40;
	p1 =	por p6, !p2  }
0x28d: {  	s4 =	sadd.s32 @!p4 $0x28, s31;
	s13 =	sshll.u32 @!p5 s21, $0x6;
	s10 =	sand.u32 @!p1 $0x7FFF8, s0  }
0x28e: {  	s13 =	sshra.s32 @!p5 s13, $0x2;
	s0 =	sand.u32 @!p1 $0x7, s0;
	s10 =	sadd.s32 @!p1 s3, s10;
	[tilespmem:s31+$0x28] =	vst.add.f32.msk @!p4 $0xffff, v1  }
0x28f: {  	[hbm4b:s10+s0] =	stream.linear.scatter @!p1 [tilespmem:s4], [sflag:$0xC], $0x10, $0x38;
	[tilespmem:$0x1F0F8] =	vst v63  }
0x290: {  	s1 =	rddreg [dreg:$0x4];
	s0 =	sadd.s32 @!p5 $0x28, s13;
	s4 =	simm.s32 @!p5 $0x1  }
0x291: {  	[spmem:s1] =	stream.linear.scatter @!p5 [tilespmem:s0], [sflag:$0x1], $0x10, $0x38;
	[tilespmem:$0x1F0F8] =	vst v63  }
0x292: {  	s2 =	sadd.s32 @p2 $0x1, s21;
	_ =	swait.ge @!p5 [sflag:s4], $0x10  }
0x293: {  	s5 =	sshrl.u32 @p2 s2, $0x4;
	[sflag:s4] =	ssyncset.done @!p5 $0x0  }
0x294: {  	s24 =	sadd.s32 $0x80, s24;
	s5 =	smulhi.u32 @p2 $0x97B425F, s5;
	[sflag:s4] =	ssyncadd.s32 @!p5 $0xFFFFFFF0  }
0x295: {  	s28 =	sadd.s32 $0x1, s28;
	v1 =	vld @p2 [tilespmem:s24+$0x0]  }
0x296: {  	p3 =	seq.s32 s28, $0x0;
	s5 =	smul.u32 @p2 $0x1B0, s5  }
.Ltmp16:
0x297: {  	_ = 	snop;
	(pc) =	sbr.rel @!p3 .LBB2_16-.Ltmp16, $4  }
0x298: {  	s2 =	ssub.s32 @p2 s2, s5  }
0x299: {  	s8 =	sadd.s32 @!p4 s8, s29;
	s5 =	sshll.u32 @p2 s2, $0x4  }
0x29a: {  	s9 =	sadd.s32 @p2 $0x1, s25;
	s8 =	smov.u32 @p4 s29;
	[tilespmem:s5+$0x28] =	vst @p2 v1  }
0x29b: {  	s25 =	smov.u32 @p2 s9;
	s21 =	smov.u32 @p2 s2;
	s29 =	smov.u32 @p2 s8;
	v1 =	vld @!p2 [tilespmem:s24+$0x0]  }
.LBB2_17:
.Ltmp17:
0x29c: {  	_ = 	snop;
	(pc) =	sbr.rel .LBB2_19-.Ltmp17, $3  }
0x29d: {  	s1 =	sld [smem:$0x7FD];
	_ =	sdelay $0x1  }
0x29e: {  	s0 =	sshrl.u32 s29, $0x2;
	s28 =	smov.u32 s26  }
0x29f: {  	s4 =	smov.u32 s6;
	s6 =	rddreg [dreg:$0x6];
	p4 =	seq.s32 s1, $0x1;
	[tilespmem:s30+$0x28] =	vst.add.f32.msk @!p2 $0xffff, v1  }
.LBB2_21:
0x2a0: {  	_ =	sfence.sel $0x180000  }
0x2a1: {  	s0 =	simm.s32 $0x9;
	[bflag:$0x0] =	sbarrier.arrive $0xFFFF  }
0x2a2: {  	s24 =	simm.s32 $0xA;
	[sflag:s0] =	ssyncpa.u1 $0x1  }
0x2a3: {  	s25 =	simm.s32 $0xB;
	[sflag:s24] =	ssyncpa.u1 $0x1  }
0x2a4: {  	s26 =	simm.s32 $0x2;
	[sflag:s25] =	ssyncpa.u1 $0x1  }
0x2a5: {  	[sflag:s26] =	ssyncpa.u1 $0x1  }
0x2a6: {  	v0 =	vld [tilespmem:$0x3648];
	_ =	sdelay $0x4  }
0x2a7: {  	(v2sf) =	vpush v0, $0x0  }
0x2a8: {  	(v2sf) =	vpush v0, $0x1;
	_ =	sdelay $0x1  }
0x2a9: {  	(v2sf) =	vpush v0, $0x2;
	_ =	sdelay $0xb  }
0x2aa: {  	s0 =	spop (v2sf)  }
0x2ab: {  	s1 =	spop (v2sf)  }
0x2ac: {  	s2 =	smov.u32 s0;
	p0 =	sne.s32 s0, s1  }
0x2ad: {  	s4 =	spop (v2sf);
	s2 =	simm.s32 @!p0 $0xFFFFFFFF  }
0x2ae: {  	v2 =	vimm.s32 $0x1;
	v3 =	vlaneseq.u32;
	p0 =	seq.s32 s4, $0xFFFFFFFF;
	v1 =	vmov s2  }
0x2af: {  	s16 =	stileid.u32;
	v0 =	vperm.xlane v0, v2;
	p1 =	sne.s32 @!p0 s0, s1;
	v1 =	vperm.xlane v1, v3  }
0x2b0: {  	vm0 =	vcmask $0x3F04;
	s6 =	simm.s32 $0x3648;
	s0 =	simm.s32 @!p0 $0x1;
	p1 =	por !p1, p0  }
0x2b1: {  	s2 =	sshll.u32 s16, $0x1;
	s1 =	sshll.u32 @!p0 s4, $0x6;
	s0 =	simm.s32 @p1 $0x0;
	v0 =	vsel vm0, v1, v0  }
0x2b2: {  	s5 =	sor.u32 $0x200, s2;
	s1 =	sshra.s32 @!p0 s1, $0x2;
	s0 =	sor.u32 @!p0 s0, s2;
	[tilespmem:$0x3648] =	vst v0  }
0x2b3: {  	[spmem:s5] =	stream.linear.scatter [tilespmem:s6], [sflag:$0x1], $0x2, $0x38;
	[tilespmem:$0x1F0F8] =	vst v63  }
0x2b4: {  	s1 =	sadd.s32 @!p0 $0x28, s1;
	s0 =	sshll.u32 @!p0 s0, $0x4  }
0x2b5: {  	[spmem:s0] =	stream.linear.scatter @!p0 [tilespmem:s1], [sflag:$0x1], $0x10, $0x38;
	[tilespmem:$0x1F0F8] =	vst v63  }
0x2b6: {  	s0 =	simm.s32 @!p0 $0x12  }
0x2b7: {  	s28 =	simm.s32 $0x1;
	s0 =	simm.s32 @p0 $0x2  }
0x2b8: {  	_ =	swait.ge [sflag:s28], s0  }
0x2b9: {  	s0 =	ssub.s32 $0x0, s0;
	[sflag:s28] =	ssyncset.done $0x0  }
0x2ba: {  	p0 =	sne.s32 s16, $0x0;
	[sflag:s28] =	ssyncadd.s32 s0  }
.Ltmp18:
0x2bb: {  	_ =	sfence.stream.spmem;
	(pc) =	sbr.rel @p0 .LBB2_38-.Ltmp18, $4  }
0x2bc: {  	s29 =	simm.s32 $0x3;
	[bflag:$0x0] =	sbarrier.arrive $0xFFFF  }
0x2bd: {  	s30 =	simm.s32 $0x4;
	[sflag:s29] =	ssyncpa.u1 $0x1  }
0x2be: {  	s31 =	simm.s32 $0x3C;
	[sflag:s30] =	ssyncpa.u1 $0x1  }
0x2bf: {  	s17 =	rddreg [dreg:$0x5];
	[sflag:s31] =	ssyncpa.u1 $0x1  }
0x2c0: {  	_ =	sfence.stream.spmem;
	s0 =	simm.s32 $0x5  }
0x2c1: {  	s1 =	simm.s32 $0x200;
	s2 =	simm.s32 $0x3658;
	[sflag:s0] =	ssyncpa.u1 $0x0  }
0x2c2: {  	[tilespmem:s2], [sflag:$0x5] =	stream.linear.gather [spmem:s1], $0x20, $0x38;
	[tilespmem:$0x1F0F8] =	vst v63  }
0x2c3: {  	s26 =	simm.s32 $0x0;
	s28 =	simm.s32 $0x3678  }
0x2c4: {  	[tilespmem:s28], [sflag:$0x5] =	stream.linear.gather [spmem:s26], $0x200, $0x38;
	[tilespmem:$0x1F0F8] =	vst v63  }
0x2c5: {  	_ =	swait.ge [sflag:s0], $0x220  }
0x2c6: {  	[sflag:s0] =	ssyncset.done $0x0  }
0x2c7: {  	s29 =	simm.s32 $0x0;
	[sflag:s0] =	ssyncadd.s32 $0xFFFFFDE0  }
0x2c8: {  	v0 =	vld.msk [tilespmem:s29+$0x3658], $0x1;
	_ =	sdelay $0x1  }
0x2c9: {  	s30 =	simm.s32 $0x1  }
0x2ca: {  	v1 =	vld.msk [tilespmem:s30+$0x3658], $0x1;
	_ =	sdelay $0x1  }
0x2cb: {  	(v2sf) =	vpush v0, $0x0;
	_ =	sdelay $0x2  }
0x2cc: {  	(v2sf) =	vpush v1, $0x0;
	_ =	sdelay $0x2  }
0x2cd: {  	s31 =	simm.s32 $0x2  }
0x2ce: {  	v0 =	vld.msk [tilespmem:s31+$0x3658], $0x1;
	_ =	sdelay $0x2  }
0x2cf: {  	s6 =	simm.s32 $0xFFFFFFFF;
	s1 =	simm.s32 $0xFFFFFFFF;
	s0 =	simm.s32 $0xC  }
.LBB2_23:
0x2d0: {  	s2 =	smov.u32 s6;
	s4 =	smov.u32 s1  }
0x2d1: {  	s1 =	sshra.s32 s0, $0x2;
	p1 =	sne.s32 s0, $0x7C;
	s0 =	sadd.s32 $0x4, s0;
	(v2sf) =	vpush v0, $0x0  }
0x2d2: {  	v0 =	vld.msk [tilespmem:s1+$0x3658], $0x1  }
.Ltmp19:
0x2d3: {  	(pc) =	sbr.rel @p1 .LBB2_23-.Ltmp19, $4  }
0x2d4: {  	s6 =	spop (v2sf)  }
0x2d5: {  	p2 =	sne.s32 s4, $0xFFFFFFFF;
	s1 =	smov.u32 s6  }
0x2d6: {  	p3 =	seq.s32 s6, $0xFFFFFFFF;
	s1 =	smov.u32 @p2 s4  }
0x2d7: {  	s6 =	smov.u32 @p3 s2;
	s1 =	smov.u32 @p3 s4  }
0x2d8: {  	(v2sf) =	vpush v0, $0x0;
	_ =	sdelay $0x8  }
0x2d9: {  	s0 =	spop (v2sf)  }
0x2da: {  	p1 =	sne.s32 s1, $0xFFFFFFFF;
	s2 =	smov.u32 s0  }
0x2db: {  	s9 =	simm.s32 $0x6;
	p2 =	seq.s32 s0, $0xFFFFFFFF;
	s2 =	smov.u32 @p1 s1  }
0x2dc: {  	s10 =	simm.s32 $0x3638;
	s2 =	smov.u32 @p2 s1;
	s1 =	spop (v2sf)  }
0x2dd: {  	s0 =	smov.u32 @p2 s6;
	p1 =	sne.s32 s2, $0xFFFFFFFF;
	s4 =	smov.u32 s1  }
.Ltmp20:
0x2de: {  	p2 =	seq.s32 s1, $0xFFFFFFFF;
	s4 =	smov.u32 @p1 s2;
	(pc) =	sbr.rel .LBB2_25-.Ltmp20, $4  }
0x2df: {  	s11 =	simm.s32 $0x0;
	s4 =	smov.u32 @p2 s2;
	s7 =	spop (v2sf)  }
0x2e0: {  	[sflag:s9] =	ssyncpa.u1 $0x0;
	p1 =	sne.s32 s4, $0xFFFFFFFF;
	s8 =	smov.u32 s7  }
0x2e1: {  	s1 =	smov.u32 @p2 s0;
	p2 =	seq.s32 s7, $0xFFFFFFFF;
	s8 =	smov.u32 @p1 s4  }
0x2e2: {  	s6 =	simm.s32 $0x0;
	s7 =	smov.u32 @p2 s1;
	s8 =	smov.u32 @p2 s4  }
.LBB2_30:
0x2e3: {  	p1 =	sgt.u32 s12, $0x50FFE  }
0x2e4: {  	p2 =	seq.s32 @!p1 s12, s8  }
0x2e5: {  	p1 =	por p1, p2  }
0x2e6: {  	p2 =	sne.s32 @!p1 s12, s7  }
0x2e7: {  	p1 =	por p1, !p2  }
0x2e8: {  	s0 =	sshll.u32 @p1 s11, $0x6  }
0x2e9: {  	s0 =	sand.u32 @!p1 $0x7FFF8, s12  }
0x2ea: {  	s1 =	sand.u32 @!p1 $0x7, s12;
	s0 =	sadd.s32 @!p1 s3, s0  }
0x2eb: {  	[tilespmem:s10], [sflag:$0x6] =	stream.linear.gather @!p1 [hbm4b:s0+s1], $0x10, $0x38;
	[tilespmem:$0x1F0F8] =	vst v63  }
0x2ec: {  	_ =	swait.ge @!p1 [sflag:s9], $0x10  }
0x2ed: {  	[sflag:s9] =	ssyncset.done @!p1 $0x0  }
0x2ee: {  	[sflag:s9] =	ssyncadd.s32 @!p1 $0xFFFFFFF0  }
0x2ef: {  	v1 =	vld @!p1 [tilespmem:$0x3638];
	_ =	sdelay $0x2  }
0x2f0: {  	s0 =	sshll.u32 @!p1 s11, $0x6  }
0x2f1: {  	s1 =	sshrl.u32 @!p1 s0, $0x2  }
0x2f2: {  	[tilespmem:s1+$0x3678] =	vst.add.f32.msk @!p1 $0xffff, v1  }
0x2f3: {  	s0 =	sshrl.u32 s0, $0x2;
	[tilespmem:s6+$0x3658] =	vst.msk $0x1, v0  }
0x2f4: {  	v0 =	vld [tilespmem:s0+$0x3678];
	_ =	sdelay $0x2  }
0x2f5: {  	s31 =	sshll.u32 s6, $0x6  }
0x2f6: {  	s0 =	sshra.s32 s31, $0x2  }
0x2f7: {  	s6 =	sadd.s32 $0x1, s6;
	[tilespmem:s0+$0x3678] =	vst v0  }
.LBB2_32:
0x2f8: {  	s11 =	sadd.s32 $0x1, s11  }
0x2f9: {  	p1 =	sne.s32 s11, $0x20  }
.Ltmp21:
0x2fa: {  	_ = 	snop;
	(pc) =	sbr.rel @!p1 .LBB2_33-.Ltmp21, $1  }
0x2fb: {  	_ =	sdelay $0x3  }
.LBB2_25:
0x2fc: {  	v0 =	vld.msk [tilespmem:s11+$0x3658], $0x1;
	_ =	sdelay $0x4  }
0x2fd: {  	(v2sf) =	vpush v0, $0x0;
	_ =	sdelay $0xe  }
0x2fe: {  	s12 =	spop (v2sf)  }
0x2ff: {  	p1 =	seq.s32 s12, $0xFFFFFFFF  }
.Ltmp22:
0x300: {  	_ = 	snop;
	(pc) =	sbr.rel @p1 .LBB2_32-.Ltmp22, $1  }
0x301: {  	_ =	sdelay $0x3  }
0x302: {  	p1 =	slt.s32 s6, $0x1  }
.Ltmp23:
0x303: {  	_ = 	snop;
	(pc) =	sbr.rel @p1 .LBB2_30-.Ltmp23, $1  }
0x304: {  	_ =	sdelay $0x3  }
0x305: {  	s13 =	simm.s32 $0x3658;
	p1 =	por $0x0, $0x0  }
0x306: {  	v1 =	vld.msk @!p1 [tilespmem:s13+$0x0], $0x1;
	_ =	sdelay $0x4  }
0x307: {  	(v2sf) =	vpush @!p1 v1, $0x0;
	_ =	sdelay $0xd  }
0x308: {  	p3 =	sne.s32 s6, $0x1  }
.Ltmp24:
0x309: {  	s0 =	spop @!p1 (v2sf);
	(pc) =	sbr.rel @!p3 .LBB2_29-.Ltmp24, $4  }
0x30a: {  	p2 =	seq.s32 @!p1 s12, s0  }
0x30b: {  	s14 =	simm.s32 $0x0;
	p2 =	por !p2, p1  }
0x30c: {  	s0 =	simm.s32 $0xFFFFFFFF;
	s14 =	simm.s32 @p2 $0xFFFFFFFF  }
0x30d: {  	s15 =	simm.s32 $0x1;
	s14 =	smov.u32 @p1 s0  }
.LBB2_28:
0x30e: {  	s0 =	smov.u32 s14;
	p1 =	sne.s32 s14, $0xFFFFFFFF  }
0x30f: {  	s13 =	sadd.s32 $0x1, s13;
	s14 =	smov.u32 s15;
	s15 =	sadd.s32 $0x1, s15  }
0x310: {  	p2 =	sne.s32 s6, s15;
	v1 =	vld.msk @!p1 [tilespmem:s13+$0x0], $0x1;
	_ =	sdelay $0x4  }
0x311: {  	(v2sf) =	vpush @!p1 v1, $0x0;
	_ =	sdelay $0xe  }
.Ltmp25:
0x312: {  	s1 =	spop @!p1 (v2sf);
	(pc) =	sbr.rel @p2 .LBB2_28-.Ltmp25, $4  }
0x313: {  	p3 =	seq.s32 @!p1 s12, s1  }
0x314: {  	p3 =	por !p3, p1  }
0x315: {  	s14 =	simm.s32 @p3 $0xFFFFFFFF  }
0x316: {  	s14 =	smov.u32 @p1 s0  }
.LBB2_29:
0x317: {  	p1 =	sne.s32 s14, $0xFFFFFFFF  }
.Ltmp26:
0x318: {  	_ = 	snop;
	(pc) =	sbr.rel @!p1 .LBB2_30-.Ltmp26, $1  }
0x319: {  	_ =	sdelay $0x3  }
0x31a: {  	s0 =	sshll.u32 s11, $0x4  }
0x31b: {  	s0 =	sand.u32 $0x3FFFFFF0, s0  }
0x31c: {  	v0 =	vld [tilespmem:s0+$0x3678]  }
.Ltmp27:
0x31d: {  	_ = 	snop;
	(pc) =	sbr.rel .LBB2_32-.Ltmp27, $4  }
0x31e: {  	_ = 	snop  }
0x31f: {  	s31 =	sshll.u32 s14, $0x6  }
0x320: {  	s0 =	sshra.s32 s31, $0x2  }
0x321: {  	[tilespmem:s0+$0x3678] =	vst.add.f32.msk $0xffff, v0  }
.LBB2_33:
0x322: {  	s0 =	simm.s32 $0x6;
	p1 =	seq.s32 s6, $0x0  }
0x323: {  	[sflag:s0] =	ssyncpa.u1 $0x1;
	v0 =	vimm.s32 @p1 $0xFFFFFFFF  }
0x324: {  	s9 =	sadd.s32 $0xFFFFFFFF, s6;
	[tilespmem:$0x3878] =	vst @p1 v0  }
0x325: {  	v0 =	vld.msk @!p1 [tilespmem:s9+$0x3658], $0x1;
	_ =	sdelay $0x1  }
0x326: {  	v1 =	vld.msk @!p1 [tilespmem:$0x3658], $0x1;
	_ =	sdelay $0x2  }
0x327: {  	p2 =	seq.s32 @!p1 s9, $0x0;
	v0 =	vbroadcast @!p1 v0, $0x0  }
0x328: {  	vm0 =	vmmov @!p1 $0x1;
	p2 =	por !p2, p1  }
0x329: {  	v1 =	vnsel @!p1 vm0, $0xFFFFFFFF, v1;
	vm0 =	vcmask @!p1 $0x308;
	v0 =	vpsel !p2, $0xFFFFFFFF, v0  }
0x32a: {  	p2 =	sne.s32 @!p1 s8, s7;
	v0 =	vsel @!p1 vm0, v1, v0  }
0x32b: {  	s0 =	simm.s32 @!p1 $0x3678;
	s1 =	simm.s32 @!p1 $0x0;
	p3 =	por !p2, p1;
	[tilespmem:$0x3878] =	vst @!p1 v0  }
0x32c: {  	[spmem:s1] =	stream.linear.scatter @!p1 [tilespmem:s0], [sflag:$0x1], $0x10, $0x38;
	[tilespmem:$0x1F0F8] =	vst v63  }
0x32d: {  	s0 =	sshll.u32 @!p3 s9, $0x6  }
0x32e: {  	s0 =	sshra.s32 @!p3 s0, $0x2  }
0x32f: {  	s1 =	simm.s32 @!p3 $0x10;
	s0 =	sadd.s32 @!p3 $0x3678, s0  }
0x330: {  	[spmem:s1] =	stream.linear.scatter @!p3 [tilespmem:s0], [sflag:$0x1], $0x10, $0x38;
	[tilespmem:$0x1F0F8] =	vst v63  }
0x331: {  	s0 =	simm.s32 @!p3 $0x1  }
0x332: {  	_ =	swait.ge @!p3 [sflag:s0], $0x20  }
0x333: {  	p1 =	por p2, p1;
	[sflag:s0] =	ssyncset.done @!p3 $0x0  }
0x334: {  	[sflag:s0] =	ssyncadd.s32 @!p3 $0xFFFFFFE0;
	s0 =	simm.s32 @!p1 $0x1  }
0x335: {  	_ =	swait.ge @!p1 [sflag:s0], $0x10  }
0x336: {  	s29 =	simm.s32 $0x3878;
	[sflag:s0] =	ssyncset.done @!p1 $0x0  }
0x337: {  	s30 =	simm.s32 $0x200;
	s31 =	simm.s32 $0x1;
	[sflag:s0] =	ssyncadd.s32 @!p1 $0xFFFFFFF0  }
0x338: {  	[spmem:s30] =	stream.linear.scatter [tilespmem:s29], [sflag:$0x1], $0x10, $0x38;
	[tilespmem:$0x1F0F8] =	vst v63  }
0x339: {  	_ =	swait.ge [sflag:s31], $0x10  }
0x33a: {  	[sflag:s31] =	ssyncset.done $0x0  }
0x33b: {  	p1 =	seq.s32 s17, $0x0;
	s8 =	rddreg [dreg:$0x1];
	[sflag:s31] =	ssyncadd.s32 $0xFFFFFFF0  }
0x33c: {  	s1 =	sshll.u32 @p1 s8, $0xE;
	s7 =	rddreg [dreg:$0x2]  }
0x33d: {  	s0 =	sadd.s32 @p1 $0x15C3C, s1;
	s1 =	sshll.u32 @p1 s7, $0x11  }
0x33e: {  	_ =	sfence.stream.spmem;
	s0 =	sor.u32 @p1 s1, s0  }
0x33f: {  	[sflag:s0] =	ssyncadd.remote.s32 @p1 $0x1;
	s0 =	simm.s32 @p1 $0x4  }
0x340: {  	s2 =	simm.s32 @!p1 $0x3C;
	s1 =	sand.u32 $0xFFFFFFFE, s8;
	_ =	swait.ge @p1 [sflag:s0], $0x6  }
0x341: {  	s4 =	simm.s32 @!p1 $0x0;
	s1 =	sadd.s32 @!p1 $0x4, s1;
	[sflag:s0] =	ssyncset.done @p1 $0x0  }
0x342: {  	s5 =	simm.s32 @!p1 $0x20;
	[sflag:s0] =	ssyncadd.s32 @p1 $0xFFFFFFFA;
	s0 =	sshll.u32 @!p1 s1, $0x1A  }
0x343: {  	s1 =	sshll.u32 @!p1 s1, $0xD;
	s0 =	sor.u32 @!p1 s0, s7;
	_ =	swait.eq @!p1 [sflag:s2], $0x1  }
0x344: {  	s1 =	sor.u32 @!p1 $0x1C04, s1;
	s2 =	simm.s32 @!p1 $0x1C03;
	s0 =	sor.u32 @!p1 $0x80004000, s0  }
0x345: {  	[spmem:s5], [sflag:s1] =	dma.general @!p1 [spmem:s4], [sflag:s2], length:$0x4, [dreg:$0x0], stride_count:$0x0, ici_dest:s0, dma_misc:DstOpCode:WRITE  }
0x346: {  	p2 =	slt.s32 s9, $0x2;
	s4 =	simm.s32 @!p1 $0x40;
	s5 =	simm.s32 @!p1 $0x42  }
0x347: {  	[spmem:s5], [sflag:s1] =	dma.general @!p1 [spmem:s4], [sflag:s2], length:$0x2, [dreg:$0x0], stride_count:$0x0, ici_dest:s0, dma_misc:DstOpCode:WRITE  }
.Ltmp28:
0x348: {  	s0 =	simm.s32 @!p1 $0x3;
	(pc) =	sbr.rel @p2 .LBB2_37-.Ltmp28, $4  }
0x349: {  	s1 =	sshll.u32 @!p1 s8, $0xE;
	_ =	swait.ge @!p1 [sflag:s0], $0x6  }
0x34a: {  	s2 =	sshll.u32 @!p1 s7, $0x11;
	s1 =	sadd.s32 @!p1 $0x11C3C, s1;
	[sflag:s0] =	ssyncset.done @!p1 $0x0  }
0x34b: {  	[sflag:s0] =	ssyncadd.s32 @!p1 $0xFFFFFFFA;
	s0 =	sor.u32 @!p1 s2, s1  }
0x34c: {  	[sflag:s0] =	ssyncadd.remote.s32 @!p1 $0xFFFFFFFF;
	s0 =	simm.s32 $0x0  }
0x34d: {  	s0 =	simm.s32 $0x3659  }
0x34e: {  	v0 =	vld.msk [tilespmem:s0+$0x0], $0x1;
	_ =	sdelay $0x4  }
0x34f: {  	(v2sf) =	vpush v0, $0x0;
	_ =	sdelay $0xd  }
0x350: {  	s2 =	sadd.s32 $0xFFFFFFFE, s6  }
0x351: {  	s2 =	sadd.s32 $0xFFFFFFFF, s2;
	s0 =	spop (v2sf)  }
0x352: {  	p2 =	sne.s32 s2, $0x0;
	p1 =	sgt.u32 s0, $0x50FFE  }
.Ltmp29:
0x353: {  	s4 =	sand.u32 @!p1 $0x7FFF8, s0;
	(pc) =	sbr.rel @!p2 .LBB2_36-.Ltmp29, $4  }
0x354: {  	s1 =	simm.s32 $0x3688;
	s0 =	sand.u32 @!p1 $0x7, s0;
	s4 =	sadd.s32 @!p1 s3, s4  }
0x355: {  	[hbm4b:s4+s0] =	stream.linear.scatter @!p1 [tilespmem:s1], [sflag:$0x5], $0x10, $0x38;
	[tilespmem:$0x1F0F8] =	vst v63  }
0x356: {  	s0 =	simm.s32 $0x0  }
0x357: {  	s6 =	simm.s32 $0x0;
	s7 =	simm.s32 $0x365A;
	s0 =	simm.s32 @!p1 $0x40  }
.LBB2_35:
0x358: {  	v0 =	vld.msk [tilespmem:s7+$0x0], $0x1;
	s2 =	sadd.s32 $0xFFFFFFFF, s2;
	s6 =	sadd.s32 s6, s0  }
0x359: {  	p1 =	sne.s32 s2, $0x0;
	_ =	sdelay $0x3  }
0x35a: {  	(v2sf) =	vpush v0, $0x0;
	_ =	sdelay $0xe  }
.Ltmp30:
0x35b: {  	s4 =	spop (v2sf);
	(pc) =	sbr.rel @p1 .LBB2_35-.Ltmp30, $4  }
0x35c: {  	s0 =	simm.s32 $0x0;
	p2 =	sgt.u32 s4, $0x50FFE  }
0x35d: {  	s1 =	sadd.s32 $0x10, s1;
	s0 =	simm.s32 @!p2 $0x40;
	s5 =	sand.u32 @!p2 $0x7FFF8, s4  }
0x35e: {  	s7 =	sadd.s32 $0x1, s7;
	s4 =	sand.u32 @!p2 $0x7, s4;
	s5 =	sadd.s32 @!p2 s3, s5  }
0x35f: {  	[hbm4b:s5+s4] =	stream.linear.scatter @!p2 [tilespmem:s1], [sflag:$0x5], $0x10, $0x38;
	[tilespmem:$0x1F0F8] =	vst v63  }
.LBB2_36:
0x360: {  	s0 =	sadd.s32 s6, s0  }
0x361: {  	s0 =	sshrl.u32 s0, $0x2  }
.LBB2_37:
0x362: {  	s1 =	simm.s32 $0x5  }
0x363: {  	_ =	swait.ge [sflag:s1], s0  }
0x364: {  	s31 =	ssub.s32 $0x0, s0;
	[sflag:s1] =	ssyncset.done $0x0  }
0x365: {  	[sflag:s1] =	ssyncadd.s32 s31  }
0x366: {  	[sflag:s1] =	ssyncpa.u1 $0x1  }
.LBB2_38:
0x367: {  	s0 =	sor.u32 s17, s16  }
0x368: {  	p1 =	sne.s32 s0, $0x0  }
.Ltmp31:
0x369: {  	_ = 	snop;
	(pc) =	sbr.rel @p1 .LBB2_53-.Ltmp31, $3  }
0x36a: {  	_ =	sdelay $0x1  }
0x36b: {  	[bflag:$0x0] =	sbarrier.arrive $0xFFFF  }
0x36c: {  	_ =	sfence  }
0x36d: {  	s0 =	simm.s32 $0x7  }
0x36e: {  	s1 =	simm.s32 $0x200;
	s2 =	simm.s32 $0x3658;
	[sflag:s0] =	ssyncpa.u1 $0x0  }
0x36f: {  	[tilespmem:s2], [sflag:$0x7] =	stream.linear.gather [spmem:s1], $0x20, $0x38;
	[tilespmem:$0x1F0F8] =	vst v63  }
0x370: {  	s30 =	simm.s32 $0x3678;
	s1 =	simm.s32 $0x0  }
0x371: {  	[tilespmem:s30], [sflag:$0x7] =	stream.linear.gather [spmem:s1], $0x200, $0x38;
	[tilespmem:$0x1F0F8] =	vst v63  }
.Ltmp32:
0x372: {  	_ = 	snop;
	(pc) =	sbr.rel .LBB2_40-.Ltmp32, $4  }
0x373: {  	_ =	swait.ge [sflag:s0], $0x220  }
0x374: {  	[sflag:s0] =	ssyncset.done $0x0  }
0x375: {  	s31 =	simm.s32 $0x8;
	[sflag:s0] =	ssyncadd.s32 $0xFFFFFDE0  }
0x376: {  	s2 =	simm.s32 $0x0;
	[sflag:s31] =	ssyncpa.u1 $0x0  }
.LBB2_45:
0x377: {  	p1 =	slt.u32 s4, $0x50FFF  }
0x378: {  	s0 =	sand.u32 @p1 $0x7FFF8, s4  }
0x379: {  	s4 =	sand.u32 @p1 $0x7, s4;
	s5 =	simm.s32 @p1 $0x3638;
	s0 =	sadd.s32 @p1 s3, s0  }
0x37a: {  	[tilespmem:s5], [sflag:$0x8] =	stream.linear.gather @p1 [hbm4b:s0+s4], $0x10, $0x38;
	[tilespmem:$0x1F0F8] =	vst v63  }
0x37b: {  	s0 =	simm.s32 @p1 $0x8  }
0x37c: {  	_ =	swait.ge @p1 [sflag:s0], $0x10  }
0x37d: {  	[sflag:s0] =	ssyncset.done @p1 $0x0  }
0x37e: {  	[sflag:s0] =	ssyncadd.s32 @p1 $0xFFFFFFF0  }
0x37f: {  	v1 =	vld @p1 [tilespmem:$0x3638];
	_ =	sdelay $0x2  }
0x380: {  	s0 =	sshll.u32 @p1 s2, $0x6  }
0x381: {  	s5 =	sshll.u32 @!p1 s2, $0x6;
	s4 =	sshrl.u32 @p1 s0, $0x2  }
0x382: {  	s5 =	smov.u32 @p1 s0;
	[tilespmem:s4+$0x3678] =	vst.add.f32.msk @p1 $0xffff, v1  }
0x383: {  	s0 =	sshrl.u32 s5, $0x2;
	[tilespmem:s1+$0x3658] =	vst.msk $0x1, v0  }
0x384: {  	v0 =	vld [tilespmem:s0+$0x3678];
	_ =	sdelay $0x2  }
0x385: {  	s31 =	sshll.u32 s1, $0x6  }
0x386: {  	s0 =	sshra.s32 s31, $0x2  }
0x387: {  	s1 =	sadd.s32 $0x1, s1;
	[tilespmem:s0+$0x3678] =	vst v0  }
.LBB2_47:
0x388: {  	s2 =	sadd.s32 $0x1, s2  }
0x389: {  	p1 =	sne.s32 s2, $0x20  }
.Ltmp33:
0x38a: {  	_ = 	snop;
	(pc) =	sbr.rel @!p1 .LBB2_48-.Ltmp33, $1  }
0x38b: {  	_ =	sdelay $0x3  }
.LBB2_40:
0x38c: {  	v0 =	vld.msk [tilespmem:s2+$0x3658], $0x1;
	_ =	sdelay $0x4  }
0x38d: {  	(v2sf) =	vpush v0, $0x0;
	_ =	sdelay $0xe  }
0x38e: {  	s4 =	spop (v2sf)  }
0x38f: {  	p1 =	seq.s32 s4, $0xFFFFFFFF  }
.Ltmp34:
0x390: {  	_ = 	snop;
	(pc) =	sbr.rel @p1 .LBB2_47-.Ltmp34, $1  }
0x391: {  	_ =	sdelay $0x3  }
0x392: {  	p1 =	slt.s32 s1, $0x1  }
.Ltmp35:
0x393: {  	_ = 	snop;
	(pc) =	sbr.rel @p1 .LBB2_45-.Ltmp35, $1  }
0x394: {  	_ =	sdelay $0x3  }
0x395: {  	s5 =	simm.s32 $0x3658;
	p1 =	por $0x0, $0x0  }
0x396: {  	v1 =	vld.msk @!p1 [tilespmem:s5+$0x0], $0x1;
	_ =	sdelay $0x4  }
0x397: {  	(v2sf) =	vpush @!p1 v1, $0x0;
	_ =	sdelay $0xd  }
0x398: {  	p3 =	sne.s32 s1, $0x1  }
.Ltmp36:
0x399: {  	s0 =	spop @!p1 (v2sf);
	(pc) =	sbr.rel @!p3 .LBB2_44-.Ltmp36, $4  }
0x39a: {  	p2 =	seq.s32 @!p1 s4, s0  }
0x39b: {  	s6 =	simm.s32 $0x0;
	p2 =	por !p2, p1  }
0x39c: {  	s0 =	simm.s32 $0xFFFFFFFF;
	s6 =	simm.s32 @p2 $0xFFFFFFFF  }
0x39d: {  	s7 =	simm.s32 $0x1;
	s6 =	smov.u32 @p1 s0  }
.LBB2_43:
0x39e: {  	s0 =	smov.u32 s6;
	p1 =	sne.s32 s6, $0xFFFFFFFF  }
0x39f: {  	s5 =	sadd.s32 $0x1, s5;
	s6 =	smov.u32 s7;
	s7 =	sadd.s32 $0x1, s7  }
0x3a0: {  	p2 =	sne.s32 s1, s7;
	v1 =	vld.msk @!p1 [tilespmem:s5+$0x0], $0x1;
	_ =	sdelay $0x4  }
0x3a1: {  	(v2sf) =	vpush @!p1 v1, $0x0;
	_ =	sdelay $0xe  }
.Ltmp37:
0x3a2: {  	s8 =	spop @!p1 (v2sf);
	(pc) =	sbr.rel @p2 .LBB2_43-.Ltmp37, $4  }
0x3a3: {  	p3 =	seq.s32 @!p1 s4, s8  }
0x3a4: {  	p3 =	por !p3, p1  }
0x3a5: {  	s6 =	simm.s32 @p3 $0xFFFFFFFF  }
0x3a6: {  	s6 =	smov.u32 @p1 s0  }
.LBB2_44:
0x3a7: {  	p1 =	sne.s32 s6, $0xFFFFFFFF  }
.Ltmp38:
0x3a8: {  	_ = 	snop;
	(pc) =	sbr.rel @!p1 .LBB2_45-.Ltmp38, $1  }
0x3a9: {  	_ =	sdelay $0x3  }
0x3aa: {  	s0 =	sshll.u32 s2, $0x4  }
0x3ab: {  	s0 =	sand.u32 $0x3FFFFFF0, s0  }
0x3ac: {  	v0 =	vld [tilespmem:s0+$0x3678]  }
.Ltmp39:
0x3ad: {  	_ = 	snop;
	(pc) =	sbr.rel .LBB2_47-.Ltmp39, $4  }
0x3ae: {  	_ = 	snop  }
0x3af: {  	s31 =	sshll.u32 s6, $0x6  }
0x3b0: {  	s0 =	sshra.s32 s31, $0x2  }
0x3b1: {  	[tilespmem:s0+$0x3678] =	vst.add.f32.msk $0xffff, v0  }
.LBB2_48:
0x3b2: {  	p1 =	slt.s32 s1, $0x1  }
.Ltmp40:
0x3b3: {  	_ = 	snop;
	(pc) =	sbr.rel @p1 .LBB2_52-.Ltmp40, $3  }
0x3b4: {  	_ =	sdelay $0x1  }
0x3b5: {  	s0 =	simm.s32 $0x8  }
0x3b6: {  	s2 =	simm.s32 $0x0;
	[sflag:s0] =	ssyncpa.u1 $0x1  }
0x3b7: {  	s0 =	simm.s32 $0x3658  }
0x3b8: {  	v0 =	vld.msk [tilespmem:s0+$0x0], $0x1;
	_ =	sdelay $0x4  }
0x3b9: {  	(v2sf) =	vpush v0, $0x0;
	_ =	sdelay $0xe  }
0x3ba: {  	s1 =	sadd.s32 $0xFFFFFFFF, s1;
	s0 =	spop (v2sf)  }
0x3bb: {  	p2 =	sne.s32 s1, $0x0;
	p1 =	sgt.u32 s0, $0x50FFE  }
.Ltmp41:
0x3bc: {  	s5 =	sand.u32 @!p1 $0x7FFF8, s0;
	(pc) =	sbr.rel @!p2 .LBB2_51-.Ltmp41, $4  }
0x3bd: {  	s4 =	simm.s32 $0x3678;
	s0 =	sand.u32 @!p1 $0x7, s0;
	s5 =	sadd.s32 @!p1 s3, s5  }
0x3be: {  	[hbm4b:s5+s0] =	stream.linear.scatter @!p1 [tilespmem:s4], [sflag:$0x7], $0x10, $0x38;
	[tilespmem:$0x1F0F8] =	vst v63  }
0x3bf: {  	s0 =	simm.s32 $0x0  }
0x3c0: {  	s5 =	simm.s32 $0x3659;
	s0 =	simm.s32 @!p1 $0x40  }
.LBB2_50:
0x3c1: {  	v0 =	vld.msk [tilespmem:s5+$0x0], $0x1;
	s1 =	sadd.s32 $0xFFFFFFFF, s1;
	s2 =	sadd.s32 s2, s0  }
0x3c2: {  	p1 =	sne.s32 s1, $0x0;
	_ =	sdelay $0x3  }
0x3c3: {  	(v2sf) =	vpush v0, $0x0;
	_ =	sdelay $0xe  }
.Ltmp42:
0x3c4: {  	s6 =	spop (v2sf);
	(pc) =	sbr.rel @p1 .LBB2_50-.Ltmp42, $4  }
0x3c5: {  	s0 =	simm.s32 $0x0;
	p2 =	sgt.u32 s6, $0x50FFE  }
0x3c6: {  	s4 =	sadd.s32 $0x10, s4;
	s0 =	simm.s32 @!p2 $0x40;
	s7 =	sand.u32 @!p2 $0x7FFF8, s6  }
0x3c7: {  	s5 =	sadd.s32 $0x1, s5;
	s6 =	sand.u32 @!p2 $0x7, s6;
	s7 =	sadd.s32 @!p2 s3, s7  }
0x3c8: {  	[hbm4b:s7+s6] =	stream.linear.scatter @!p2 [tilespmem:s4], [sflag:$0x7], $0x10, $0x38;
	[tilespmem:$0x1F0F8] =	vst v63  }
.LBB2_51:
0x3c9: {  	s0 =	sadd.s32 s2, s0  }
0x3ca: {  	s2 =	sshrl.u32 s0, $0x2  }
.LBB2_52:
0x3cb: {  	s0 =	simm.s32 $0x7  }
0x3cc: {  	_ =	swait.ge [sflag:s0], s2  }
0x3cd: {  	s1 =	ssub.s32 $0x0, s2;
	[sflag:s0] =	ssyncset.done $0x0  }
0x3ce: {  	[sflag:s0] =	ssyncadd.s32 s1  }
0x3cf: {  	[sflag:s0] =	ssyncpa.u1 $0x1  }
.LBB2_53:
0x3d0: {  	_ =	sfence;
	s0 =	simm.s32 $0x1  }
0x3d1: {  	[sflag:s0] =	ssyncpa.u1 $0x1  }
0x3d2: {  	_ =	strace $0x90000053  }
0x3d3: {  	[bflag:$0x2] =	sbarrier.arrive $0xFFFF  }
0x3d4: {  	s0 =	rddreg [dreg:$0x3]  }
0x3d5: {  	s0 =	sadd.s32 @!p0 $0x100000, s0  }
0x3d6: {  	[sflag:s0] =	ssyncadd.tile.s32 @!p0 $0x1;
	_ =	shalt  }
.Lfunc_end2:
_tile_overlayer_lowered:
.L_overlay_start_2:
0x3d7: {  	(tag) =	ssettag $0x2  }
0x3d8: {  	s0 =	rddreg [dreg:$0x0];
	s2 =	stileid.u32  }
0x3d9: {  	s1 =	rddreg [dreg:$0x1];
	p0 =	sne.s32 s2, $0x0  }
0x3da: {  	s3 =	rddreg [dreg:$0x2];
	[bflag:$0x3] =	sbarrier.arrive $0xFFFF;
	s2 =	simm.s32 @!p0 $0x1C01  }
0x3db: {  	[timem:s3], [sflag:s2] =	dma.local @!p0 [hbm:s0], s1  }
0x3dc: {  	s0 =	simm.s32 @!p0 $0x1  }
0x3dd: {  	_ =	swait.ge @!p0 [sflag:s0], s1  }
0x3de: {  	s1 =	ssub.s32 @!p0 $0x0, s1;
	[sflag:s0] =	ssyncset.done @!p0 $0x0  }
0x3df: {  	[sflag:s0] =	ssyncadd.s32 @!p0 s1  }
0x3e0: {  	[bflag:$0x3] =	sbarrier.arrive $0xFFFF  }
0x3e1: {  	_ =	shalt  }

// kernel: scatter_offload_async_start
scs
__scs_entry_jumppad:
0x0: {  	(pc) =	sbr.rel $0x88, $3  }
0x1: {  	(tag) =	ssettag $0x0;
	lr =	simm.s32 $0x1  }
0x2: {  	[smem:$0x3F8C] =	sst lr;
	_ =	strace $0xD0000000  }
0x3: {  	_ = 	snop  }
0x4: {  	_ = 	snop  }
0x5: {  	_ = 	snop  }
0x6: {  	_ = 	snop  }
0x7: {  	_ = 	snop  }
__scs_overlays_trampoline_lowered:
0x8: {  	[smem:$0x3F9B] =	sst s0  }
0x9: {  	[smem:$0x3F9C] =	sst s1  }
0xa: {  	[smem:$0x3F9D] =	sst s2  }
0xb: {  	[smem:$0x3F9E] =	sst s3  }
0xc: {  	[smem:$0x3F9F] =	sst s4  }
0xd: {  	[smem:$0x3FA0] =	sst s5  }
0xe: {  	[smem:$0x3FA1] =	sst s6  }
0xf: {  	[smem:$0x3FA2] =	sst s7  }
0x10: {  	[smem:$0x3FA3] =	sst s8  }
0x11: {  	[smem:$0x3FA4] =	sst s9;
	s0 =	simm.s32 @!p0 $0x0  }
0x12: {  	s1 =	sld [smem:$0x3F8A];
	s0 =	simm.s32 @p0 $0x1  }
0x13: {  	[smem:$0x3FA5] =	sst s0;
	s0 =	simm.s32 @!p1 $0x0  }
0x14: {  	s2 =	sld [smem:$0x3F89];
	s0 =	simm.s32 @p1 $0x1  }
0x15: {  	[smem:$0x3FA6] =	sst s0;
	s0 =	simm.s32 @!p2 $0x0  }
0x16: {  	s3 =	sld [smem:$0x3FDB];
	s0 =	simm.s32 @p2 $0x1  }
0x17: {  	s4 =	simm.s32 $0x1BF5;
	[smem:$0x3FA8] =	sst s0  }
0x18: {  	s0 =	sld [smem:$0x3F8B];
	_ =	swait.ge [sflag:s4], $0x0  }
0x19: {  	s7 =	sld [smem:$0x3F8C]  }
0x1a: {  	s8 =	sadd.s32 $0xFFFFE003, lr  }
0x1b: {  	s9 =	sadd.s32 $0xFFFFFEF7, lr;
	s5 =	simm.s32 $0xFFFFFFFF;
	p2 =	slt.u32 s8, $0xFFFFF086  }
0x1c: {  	p1 =	slt.u32 s9, $0xF7A;
	s5 =	simm.s32 @!p2 $0x0  }
0x1d: {  	s5 =	simm.s32 @p1 $0x1;
	p0 =	seq.s32 s7, s2  }
0x1e: {  	s7 =	smul.u32 @!p0 $0xF7A, s2;
	p2 =	seq.s32 @!p0 s5, $0x0  }
0x1f: {  	s9 =	smul.u32 $0xF7A, s1;
	s8 =	simm.s32 @!p0 $0x1BF5;
	p2 =	por !p2, p0  }
0x20: {  	[sflag:s8] =	ssyncset.s32 @!p0 $0xFFFFF086;
	s6 =	sadd.s32 @!p0 s3, s7;
	s7 =	simm.s32 @!p0 $0x108  }
0x21: {  	s3 =	sadd.s32 s3, s9;
	s6 =	sadd.s32 @!p0 $0x88, s6;
	s7 =	simm.s32 @p2 $0x1082  }
0x22: {  	[simem:s7], [sflag:s8] =	dma.local @!p0 [hbm:s6], $0xF7A  }
0x23: {  	s9 =	sor.u32 $0xD0000000, s2;
	s6 =	simm.s32 $0x108;
	_ =	swait.ge @!p0 [sflag:s8], $0x0  }
0x24: {  	s3 =	sadd.s32 $0x88, s3;
	s6 =	simm.s32 @!p1 $0x1082;
	[sflag:s4] =	ssyncset.s32 $0xFFFFF086  }
0x25: {  	[simem:s6], [sflag:s4] =	dma.local [hbm:s3], $0xF7A  }
0x26: {  	[smem:$0x3F8C] =	sst s1;
	(tag) =	ssettag s2;
	_ =	strace s9  }
0x27: {  	s1 =	sld [smem:$0x3F9C]  }
0x28: {  	s2 =	sld [smem:$0x3F9D]  }
0x29: {  	s4 =	sld [smem:$0x3F9F]  }
0x2a: {  	p0 =	seq.s32 s5, $0x0;
	s5 =	sld [smem:$0x3FA0]  }
0x2b: {  	s6 =	sld [smem:$0x3FA1]  }
0x2c: {  	s7 =	sld [smem:$0x3FA2]  }
0x2d: {  	s3 =	simm.s32 $0x108;
	s8 =	sld [smem:$0x3FA3]  }
0x2e: {  	s3 =	simm.s32 @!p0 $0x1082;
	s9 =	sld [smem:$0x3FA4]  }
0x2f: {  	lr =	sadd.s32 s0, s3;
	s0 =	sld [smem:$0x3F9B]  }
0x30: {  	s3 =	sld [smem:$0x3F9E]  }
0x31: {  	[smem:$0x3FA7] =	sst s10  }
0x32: {  	s10 =	sld [smem:$0x3FA5];
	_ =	sdelay $0x3  }
0x33: {  	p0 =	seq.s32 s10, $0x1;
	s10 =	sld [smem:$0x3FA7];
	_ =	sdelay $0x3  }
0x34: {  	[smem:$0x3FA7] =	sst s10  }
0x35: {  	s10 =	sld [smem:$0x3FA6];
	_ =	sdelay $0x3  }
0x36: {  	p1 =	seq.s32 s10, $0x1;
	s10 =	sld [smem:$0x3FA7];
	_ =	sdelay $0x3  }
0x37: {  	[smem:$0x3FA7] =	sst s10  }
0x38: {  	s10 =	sld [smem:$0x3FA8]  }
0x39: {  	_ = 	snop;
	(pc) =	sbr.ind lr, $3  }
0x3a: {  	_ = 	snop  }
0x3b: {  	_ = 	snop  }
0x3c: {  	p2 =	seq.s32 s10, $0x1;
	s10 =	sld [smem:$0x3FA7]  }
0x3d: {  	_ =	shalt  }
0x3e: {  	_ =	shalt  }
0x3f: {  	_ =	shalt  }
0x40: {  	_ =	shalt  }
0x41: {  	_ =	shalt  }
0x42: {  	_ =	shalt  }
0x43: {  	_ =	shalt  }
0x44: {  	_ =	shalt  }
0x45: {  	_ =	shalt  }
0x46: {  	_ =	shalt  }
0x47: {  	_ =	shalt  }
0x48: {  	_ =	shalt  }
0x49: {  	_ =	shalt  }
0x4a: {  	_ =	shalt  }
0x4b: {  	_ =	shalt  }
0x4c: {  	_ =	shalt  }
0x4d: {  	_ =	shalt  }
0x4e: {  	_ =	shalt  }
0x4f: {  	_ =	shalt  }
0x50: {  	_ =	shalt  }
0x51: {  	_ =	shalt  }
0x52: {  	_ =	shalt  }
0x53: {  	_ =	shalt  }
0x54: {  	_ =	shalt  }
0x55: {  	_ =	shalt  }
0x56: {  	_ =	shalt  }
0x57: {  	_ =	shalt  }
0x58: {  	_ =	shalt  }
0x59: {  	_ =	shalt  }
0x5a: {  	_ =	shalt  }
0x5b: {  	_ =	shalt  }
0x5c: {  	_ =	shalt  }
0x5d: {  	_ =	shalt  }
0x5e: {  	_ =	shalt  }
0x5f: {  	_ =	shalt  }
0x60: {  	_ =	shalt  }
0x61: {  	_ =	shalt  }
0x62: {  	_ =	shalt  }
0x63: {  	_ =	shalt  }
0x64: {  	_ =	shalt  }
0x65: {  	_ =	shalt  }
0x66: {  	_ =	shalt  }
0x67: {  	_ =	shalt  }
0x68: {  	_ =	shalt  }
0x69: {  	_ =	shalt  }
0x6a: {  	_ =	shalt  }
0x6b: {  	_ =	shalt  }
0x6c: {  	_ =	shalt  }
0x6d: {  	_ =	shalt  }
0x6e: {  	_ =	shalt  }
0x6f: {  	_ =	shalt  }
0x70: {  	_ =	shalt  }
0x71: {  	_ =	shalt  }
0x72: {  	_ =	shalt  }
0x73: {  	_ =	shalt  }
0x74: {  	_ =	shalt  }
0x75: {  	_ =	shalt  }
0x76: {  	_ =	shalt  }
0x77: {  	_ =	shalt  }
0x78: {  	_ =	shalt  }
0x79: {  	_ =	shalt  }
0x7a: {  	_ =	shalt  }
0x7b: {  	_ =	shalt  }
0x7c: {  	_ =	shalt  }
0x7d: {  	_ =	shalt  }
0x7e: {  	_ =	shalt  }
0x7f: {  	_ =	shalt  }
0x80: {  	_ =	shalt  }
0x81: {  	_ =	shalt  }
0x82: {  	_ =	shalt  }
0x83: {  	_ =	shalt  }
0x84: {  	_ =	shalt  }
0x85: {  	_ =	shalt  }
0x86: {  	_ =	shalt  }
0x87: {  	_ =	shalt  }
.Lfunc_end0:
.L_simem_size_0:
called_computation_lowered:
.L_overlay_start_0:
0x88: {  	s2 =	sld [smem:$0x3FD9]  }
0x89: {  	s3 =	sld [smem:$0x3FFE];
	_ =	sdelay $0x1  }
0x8a: {  	s1 =	srdreg.scid  }
0x8b: {  	s0 =	sand.u32 $0x1, s1  }
0x8c: {  	s15 =	sshll.u32 s0, $0xA;
	s2 =	sadd.s32 s3, s2  }
0x8d: {  	s2 =	sadd.s32 s2, s15  }
0x8e: {  	[smem:$0x3FB3] =	sst s2  }
0x8f: {  	_ = 	snop  }
0x90: {  	(tm) =	ssettm $0x1  }
0x91: {  	s16 =	sld [smem:$0x3FFB];
	_ =	sdelay $0x3  }
0x92: {  	_ =	strace s16  }
0x93: {  	s2 =	sld [smem:$0x3FFC];
	_ =	sdelay $0x3  }
0x94: {  	_ =	strace s2  }
0x95: {  	s2 =	sld [smem:$0x3FFD];
	_ =	sdelay $0x3  }
0x96: {  	_ =	strace s2  }
0x97: {  	_ =	strace $0x8FFFFFFF  }
0x98: {  	s17 =	sld [smem:$0x3FDB];
	_ =	sdelay $0x1  }
0x99: {  	s18 =	simm.s32 $_scs_section_size  }
0x9a: {  	s4 =	simm.s32 $_size__tile_overlayer_lowered;
	s5 =	simm.s32 $_tile_overlayer_lowered  }
0x9b: {  	s6 =	simm.s32 $0x1BFF;
	s19 =	sshll.u32 s5, $0x1;
	s3 =	sadd.s32 s18, s17  }
0x9c: {  	s20 =	simm.s32 $0x0;
	s4 =	sshll.u32 s4, $0x1;
	s5 =	sadd.s32 s19, s3  }
0x9d: {  	[timem:s20], [sflag:s6] =	dma.local [hbm:s5], s4  }
0x9e: {  	_ =	swait.ge [sflag:s6], s4  }
0x9f: {  	s4 =	ssub.s32 $0x0, s4;
	[sflag:s6] =	ssyncset.done $0x0  }
0xa0: {  	[sflag:s6] =	ssyncadd.s32 s4;
	_ =	sdelay $0x1  }
0xa1: {  	s21 =	simm.s32 $0x1B8B  }
0xa2: {  	_ =	swait.ge [sflag:s21], $0x1  }
0xa3: {  	[sflag:s21] =	ssyncset.done $0x0  }
0xa4: {  	s22 =	sld [smem:$0x3FFE];
	[sflag:s21] =	ssyncadd.s32 $0xFFFFFFFF  }
0xa5: {  	s24 =	simm.s32 $0x1B8E;
	s23 =	sld [smem:$0x0]  }
0xa6: {  	s25 =	simm.s32 $execute0_lowered;
	[smem:$0x3FD2] =	sst s24  }
0xa7: {  	s6 =	sshll.u32 s25, $0x1;
	_ =	strace $0x80000046;
	[dreg:$0x1] =	wrdreg $0xFFFFFFFF  }
0xa8: {  	s7 =	simm.s32 $_size_execute0_lowered;
	s6 =	sadd.s32 s3, s6;
	[dreg:$0x0] =	wrdreg $0x0  }
0xa9: {  	s7 =	sshll.u32 s7, $0x1;
	[dreg:$0x2] =	wrdreg s6  }
0xaa: {  	[dreg:$0x3] =	wrdreg s7  }
0xab: {  	[dreg:$0x4] =	wrdreg $0xC0  }
0xac: {  	s26 =	simm.s32 $execute1_lowered;
	_ =	task [dreg:s20], $0x5FFFF  }
0xad: {  	s6 =	sshll.u32 s26, $0x1;
	[dreg:$0x1] =	wrdreg $0xFFFFFFFF  }
0xae: {  	s3 =	sadd.s32 s3, s6;
	[dreg:$0x0] =	wrdreg $0x60  }
0xaf: {  	[dreg:$0x2] =	wrdreg s3  }
0xb0: {  	[dreg:$0x3] =	wrdreg s22  }
0xb1: {  	[dreg:$0x4] =	wrdreg $0x9  }
0xb2: {  	_ =	task.clear_ibuf [dreg:s20], $0x5FFFF;
	_ =	strace $0x90000046  }
0xb3: {  	s28 =	simm.s32 $0x9;
	_ =	strace $0x80000048  }
0xb4: {  	_ =	swait.ge [sflag:s28], $0x1  }
0xb5: {  	[sflag:s28] =	ssyncadd.s32 $0xFFFFFFFF  }
0xb6: {  	_ =	strace $0x90000048  }
0xb7: {  	s3 =	sld [smem:$0x0]  }
0xb8: {  	s6 =	sand.u32 $0xFFFFFFFE, s1  }
0xb9: {  	p0 =	sne.s32 s1, s6  }
0xba: {  	s6 =	sshll.u32 @p0 s6, $0xE  }
0xbb: {  	s6 =	sadd.s32 @p0 $0x11BF3, s6;
	s7 =	sshll.u32 @p0 s3, $0x11  }
0xbc: {  	s6 =	sor.u32 @p0 s7, s6  }
0xbd: {  	[sflag:s6] =	ssyncadd.remote.s32 @p0 $0x1;
	_ =	sdelay $0x1  }
0xbe: {  	s6 =	simm.s32 @p0 $0x1BF3  }
0xbf: {  	_ =	swait.eq @p0 [sflag:s6], $0x1  }
0xc0: {  	[sflag:s6] =	ssyncadd.s32 @p0 $0xFFFFFFFF  }
0xc1: {  	s7 =	sshll.u32 @!p0 s1, $0xE  }
0xc2: {  	s7 =	sor.u32 @!p0 $0x4000, s7;
	s6 =	simm.s32 @!p0 $0x1BF3  }
0xc3: {  	s3 =	sshll.u32 @!p0 s3, $0x11;
	s7 =	sadd.s32 @!p0 $0x11BF3, s7;
	_ =	swait.eq @!p0 [sflag:s6], $0x1  }
0xc4: {  	s3 =	sor.u32 @!p0 s3, s7;
	[sflag:s6] =	ssyncadd.s32 @!p0 $0xFFFFFFFF  }
0xc5: {  	[sflag:s3] =	ssyncadd.remote.s32 @!p0 $0x1  }
0xc6: {  	_ =	strace $0x80000049;
	[dreg:$0x1] =	wrdreg $0xFFFFFFFF  }
0xc7: {  	[dreg:$0x0] =	wrdreg $0x2030  }
0xc8: {  	[dreg:$0x2] =	wrdreg s22  }
0xc9: {  	[dreg:$0x3] =	wrdreg s1  }
0xca: {  	[dreg:$0x4] =	wrdreg s23  }
0xcb: {  	[dreg:$0x5] =	wrdreg $0xA  }
0xcc: {  	_ =	task.clear_ibuf [dreg:s20], $0x6FFFF;
	_ =	strace $0x90000049  }
0xcd: {  	s29 =	simm.s32 $0xA;
	_ =	strace $0x8000004B  }
0xce: {  	_ =	swait.ge [sflag:s29], $0x1  }
0xcf: {  	[sflag:s29] =	ssyncadd.s32 $0xFFFFFFFF  }
0xd0: {  	_ =	strace $0x9000004B  }
0xd1: {  	_ =	sfence  }
0xd2: {  	s30 =	sld [smem:$0x0];
	_ =	sdelay $0x2  }
0xd3: {  	s31 =	sshll.u32 s1, $0xD;
	s1 =	sshrl.u32 s1, $0x2  }
0xd4: {  	s4 =	sand.u32 $0x4000, s31;
	s1 =	sadd.s32 s1, s30  }
0xd5: {  	s0 =	sor.u32 s4, s0;
	s1 =	sshll.u32 s1, $0x11  }
0xd6: {  	s0 =	sor.u32 s1, s0  }
0xd7: {  	s0 =	sadd.s32 $0x8F2B, s0  }
0xd8: {  	[sflag:s0] =	ssyncadd.remote.s32 $0x1  }
0xd9: {  	_ =	sfence.sel $0xFFFF  }
0xda: {  	[dreg:$0x0] =	wrdreg $0xFFFFFFFF;
	(pc) =	sbr.abs _section_cstart, $3  }
0xdb: {  	[dreg:$0x1] =	wrdreg $0xFFFFFFFF  }
0xdc: {  	_ =	task.clear_ibuf [dreg:s20], $0x2FFFF;
	_ =	strace $0x9FFFFFFF  }
0xdd: {  	(tm) =	ssettm $0x7FFFFFFF  }
tec
execute0_lowered:
.L_overlay_start_1:
0x0: {  	(tag) =	ssettag $0x1  }
0x1: {  	s2 =	rddreg [dreg:$0x0]  }
0x2: {  	s5 =	rddreg [dreg:$0x1]  }
0x3: {  	s0 =	rddreg [dreg:$0x2];
	s3 =	stileid.u32;
	[bflag:$0x3] =	sbarrier.arrive $0xFFFF  }
0x4: {  	s1 =	simm.s32 $_size_execute1_lowered;
	s29 =	srdreg.scid;
	s31 =	simm.s32 $0x2  }
0x5: {  	s13 =	simm.s32 $0x0;
	s8 =	simm.s32 $0x20;
	p0 =	sne.s32 s3, $0x0  }
0x6: {  	s1 =	sshll.u32 s1, $0x1;
	s4 =	simm.s32 @!p0 $0x1C3F;
	s6 =	simm.s32 @!p0 $0x4060  }
0x7: {  	[timem:s6], [sflag:s4] =	dma.local @!p0 [hbm:s2], s1  }
0x8: {  	s9 =	simm.s32 $0x80;
	s11 =	simm.s32 $0x0;
	s2 =	sshll.u32 s29, $0x9  }
.Ltmp0:
0x9: {  	s3 =	sshll.u32 s3, $0xA;
	s30 =	sand.u32 $0x200, s2;
	(pc) =	sbr.rel .LBB2_1-.Ltmp0, $4  }
0xa: {  	s12 =	simm.s32 $0x0;
	_ =	strace $0x80000047;
	s3 =	sor.u32 s3, s30  }
0xb: {  	s4 =	simm.s32 $0x1;
	s2 =	sadd.s32 $0x6C9A00, s5;
	s7 =	ssub.s32 $0x5000, s3  }
0xc: {  	s5 =	sadd.s32 $0x71AA00, s5;
	[sflag:s4] =	ssyncpa.u1 $0x0;
	s6 =	sshrl.u32 s7, $0xE  }
0xd: {  	[sflag:s31] =	ssyncpa.u1 $0x0;
	s10 =	smov.u32 s3;
	s7 =	sor.u32 $0x2, s6  }
.LBB2_5:
0xe: {  	_ =	sdelay $0x3  }
0xf: {  	[tilespmem:v1+s16+$0x0 ss:$0x1] =	vst.idx.msk $0xffff, v2  }
.LBB2_6:
0x10: {  	s16 =	sand.u32 $0x1FFFFFF, s11  }
0x11: {  	s17 =	smulhi.u32 $0x1948B1, s16;
	_ =	sdelay $0x1  }
0x12: {  	s17 =	sshrl.u32 s17, $0x3  }
0x13: {  	s17 =	smul.u32 $0x5100, s17;
	_ =	sdelay $0x1  }
0x14: {  	s16 =	ssub.s32 s16, s17  }
0x15: {  	s16 =	sshll.u32 s16, $0x4  }
0x16: {  	s16 =	sadd.s32 s5, s16  }
0x17: {  	[hbm4b:s16+s8] =	stream.strided.scatter [tilespmem:s15], [sflag:$0x2], s14, s9, s8, $0x38;
	[tilespmem:$0x10000] =	vst v63  }
.LBB2_7:
0x18: {  	p1 =	slt.u32 s12, $0x2  }
0x19: {  	p2 =	sgt.s32 @!p1 s13, $0x4F00  }
0x1a: {  	s14 =	smov.u32 s13;
	s15 =	sshra.s32 @!p1 s13, $0x1F;
	p2 =	por !p2, p1  }
0x1b: {  	s13 =	sand.u32 @!p1 s15, s13;
	s14 =	simm.s32 @p2 $0x4F00  }
0x1c: {  	s13 =	ssub.s32 @!p1 s14, s13  }
0x1d: {  	s13 =	sadd.s32 @!p1 $0xFFFFB100, s13  }
0x1e: {  	s14 =	sshll.u32 @!p1 s13, $0x7  }
0x1f: {  	p2 =	sgt.s32 @!p1 s13, $0x1FF;
	s13 =	ssub.s32 @!p1 $0x10000, s14  }
0x20: {  	s15 =	sadd.s32 $0x4000, s10;
	p2 =	por !p2, p1;
	s13 =	sshrl.u32 @!p1 s13, $0x2  }
0x21: {  	s13 =	simm.s32 @!p2 $0x0;
	p2 =	sgt.s32 s15, $0x50FF  }
0x22: {  	s15 =	smov.u32 @p2 s3;
	p2 =	sne.s32 s12, s7  }
.Ltmp1:
0x23: {  	_ = 	snop;
	(pc) =	sbr.rel @!p2 .LBB2_8-.Ltmp1, $4  }
0x24: {  	s14 =	simm.s32 @!p1 $0x2  }
0x25: {  	_ =	swait.ge @!p1 [sflag:s14], s13;
	s16 =	ssub.s32 @!p1 $0x0, s13  }
0x26: {  	s13 =	smov.u32 s11;
	s12 =	sadd.s32 $0x1, s12;
	[sflag:s14] =	ssyncset.done @!p1 $0x0  }
0x27: {  	s11 =	smov.u32 s10;
	s10 =	smov.u32 s15;
	[sflag:s14] =	ssyncadd.s32 @!p1 s16  }
.LBB2_1:
0x28: {  	p1 =	sgt.u32 s12, s6  }
0x29: {  	s15 =	smov.u32 s10;
	p2 =	sgt.s32 @!p1 s10, $0x4F00  }
0x2a: {  	s14 =	sand.u32 @!p1 $0x1FFFFFF, s10;
	s16 =	sshra.s32 @!p1 s10, $0x1F;
	p2 =	por !p2, p1  }
0x2b: {  	s17 =	smulhi.u32 @!p1 $0x1948B1, s14;
	s16 =	sand.u32 @!p1 s16, s10;
	s15 =	simm.s32 @p2 $0x4F00  }
0x2c: {  	s15 =	ssub.s32 @!p1 s15, s16  }
0x2d: {  	s16 =	sshrl.u32 @!p1 s17, $0x3;
	s15 =	sadd.s32 @!p1 $0xFFFFB100, s15  }
0x2e: {  	s17 =	sxor.u32 @!p1 $0xFFFFFFFF, s12;
	s16 =	smul.u32 @!p1 $0x5100, s16;
	s18 =	sshll.u32 @!p1 s15, $0x7  }
0x2f: {  	s17 =	sshll.u32 @!p1 s17, $0xE;
	p2 =	sgt.s32 @!p1 s15, $0x1FF;
	s15 =	ssub.s32 @!p1 $0x10000, s18  }
0x30: {  	s14 =	ssub.s32 @!p1 s14, s16;
	p2 =	por !p2, p1;
	s16 =	sand.u32 @!p1 $0x4000, s17  }
0x31: {  	s17 =	simm.s32 @!p1 $0x20;
	s15 =	sshrl.u32 @!p1 s15, $0x2;
	s14 =	sshll.u32 @!p1 s14, $0x4  }
0x32: {  	s18 =	simm.s32 @!p1 $0x80;
	s15 =	simm.s32 @!p2 $0x0;
	s14 =	sadd.s32 @!p1 s2, s14  }
0x33: {  	[tilespmem:s16], [sflag:$0x1] =	stream.strided.gather @!p1 [hbm4b:s14+s17], s15, s18, s17, $0x38;
	[tilespmem:$0x10000] =	vst v63  }
0x34: {  	p1 =	seq.s32 s12, $0x0  }
0x35: {  	p2 =	sge.u32 @!p1 s12, s7  }
0x36: {  	p1 =	por p1, p2  }
.Ltmp2:
0x37: {  	_ = 	snop;
	(pc) =	sbr.rel @p1 .LBB2_7-.Ltmp2, $1  }
0x38: {  	_ =	sdelay $0x3  }
0x39: {  	p1 =	sgt.s32 s11, $0x4F00;
	s14 =	smov.u32 s11;
	s15 =	sshra.s32 s11, $0x1F  }
0x3a: {  	s14 =	simm.s32 @!p1 $0x4F00;
	s15 =	sand.u32 s15, s11  }
0x3b: {  	s14 =	ssub.s32 s14, s15  }
0x3c: {  	s14 =	sadd.s32 $0xFFFFB100, s14  }
0x3d: {  	s31 =	sshll.u32 s14, $0x7  }
0x3e: {  	s15 =	ssub.s32 $0x10000, s31  }
0x3f: {  	p1 =	sgt.s32 s14, $0x1FF;
	s14 =	sshrl.u32 s15, $0x2;
	s15 =	sadd.s32 $0x200, s11  }
0x40: {  	s14 =	simm.s32 @p1 $0x0;
	p1 =	slt.s32 s15, $0x5100  }
0x41: {  	s15 =	simm.s32 @!p1 $0x5100  }
0x42: {  	s17 =	ssub.s32 s15, s11  }
0x43: {  	p1 =	slt.s32 s17, $0x1  }
.Ltmp3:
0x44: {  	_ = 	snop;
	(pc) =	sbr.rel @p1 .LBB2_6-.Ltmp3, $4  }
0x45: {  	_ = 	snop  }
0x46: {  	s16 =	sshll.u32 s12, $0xE;
	_ =	swait.ge [sflag:s4], s14  }
0x47: {  	s16 =	sand.u32 $0x4000, s16;
	s18 =	ssub.s32 $0x0, s14;
	[sflag:s4] =	ssyncset.done $0x0  }
0x48: {  	s15 =	sor.u32 $0x8000, s16;
	[sflag:s4] =	ssyncadd.s32 s18  }
0x49: {  	v0 =	vmov s16;
	_ =	sdelay $0x2  }
0x4a: {  	s31 =	simm.s32 $0x0;
	p1 =	sne.s32 s17, $0x1  }
.Ltmp4:
0x4b: {  	s16 =	sand.u32 $0x3FE0, s31;
	(pc) =	sbr.rel @!p1 .LBB2_5-.Ltmp4, $2  }
0x4c: {  	v1 =	vmov s15;
	v2 =	vld.idx.msk [tilespmem:v0+s16+$0x0 ss:$0x1], $0xffff;
	_ =	sdelay $0x2  }
0x4d: {  	s17 =	sadd.s32 $0xFFFFFFFF, s17;
	s18 =	simm.s32 $0x20  }
.LBB2_4:
0x4e: {  	s19 =	sand.u32 $0x3FE0, s18;
	p1 =	sne.s32 s17, $0x1;
	s17 =	sadd.s32 $0xFFFFFFFF, s17  }
.Ltmp5:
0x4f: {  	[tilespmem:v1+s16+$0x0 ss:$0x1] =	vst.idx.msk $0xffff, v2;
	v2 =	vld.idx.msk [tilespmem:v0+s19+$0x0 ss:$0x1], $0xffff;
	s16 =	smov.u32 s19;
	(pc) =	sbr.rel @p1 .LBB2_4-.Ltmp5, $2  }
0x50: {  	_ =	sdelay $0x2  }
0x51: {  	s18 =	sadd.s32 $0x20, s18  }
.Ltmp6:
0x52: {  	_ = 	snop;
	(pc) =	sbr.rel .LBB2_5-.Ltmp6, $1  }
0x53: {  	_ =	sdelay $0x3  }
.LBB2_8:
0x54: {  	_ =	sfence.sel $0x180000  }
0x55: {  	s2 =	simm.s32 $0x1;
	[bflag:$0x0] =	sbarrier.arrive $0xFFFF  }
0x56: {  	s31 =	simm.s32 $0x2;
	[sflag:s2] =	ssyncpa.u1 $0x1  }
0x57: {  	[sflag:s31] =	ssyncpa.u1 $0x1  }
0x58: {  	_ =	strace $0x90000047  }
0x59: {  	s0 =	sadd.s32 @!p0 $0x100000, s0;
	[bflag:$0x2] =	sbarrier.arrive $0xFFFF  }
0x5a: {  	[sflag:s0] =	ssyncadd.tile.s32 @!p0 $0x1;
	s0 =	simm.s32 @!p0 $0x3F  }
0x5b: {  	_ =	swait.ge @!p0 [sflag:s0], s1  }
0x5c: {  	s1 =	ssub.s32 @!p0 $0x0, s1;
	[sflag:s0] =	ssyncset.done @!p0 $0x0  }
0x5d: {  	[sflag:s0] =	ssyncadd.s32 @!p0 s1  }
0x5e: {  	[bflag:$0x3] =	sbarrier.arrive $0xFFFF  }
0x5f: {  	_ =	shalt  }
.Lfunc_end2:
execute1_lowered:
.L_overlay_start_2:
0x60: {  	(tag) =	ssettag $0x2  }
0x61: {  	s11 =	rddreg [dreg:$0x0]  }
0x62: {  	s2 =	rddreg [dreg:$0x1];
	_ =	strace $0x8000004A;
	s12 =	simm.s32 $0x1  }
0x63: {  	v0 =	vimm.s32 $0x0;
	[sflag:s12] =	ssyncpa.u1 $0x0  }
0x64: {  	[tilespmem:$0x28] =	vst v0  }
0x65: {  	[tilespmem:$0x38] =	vst v0  }
0x66: {  	[tilespmem:$0x48] =	vst v0  }
0x67: {  	[tilespmem:$0x58] =	vst v0  }
0x68: {  	[tilespmem:$0x68] =	vst v0  }
0x69: {  	[tilespmem:$0x78] =	vst v0  }
0x6a: {  	[tilespmem:$0x88] =	vst v0  }
0x6b: {  	[tilespmem:$0x98] =	vst v0  }
0x6c: {  	[tilespmem:$0xA8] =	vst v0  }
0x6d: {  	[tilespmem:$0xB8] =	vst v0  }
0x6e: {  	[tilespmem:$0xC8] =	vst v0  }
0x6f: {  	[tilespmem:$0xD8] =	vst v0  }
0x70: {  	[tilespmem:$0xE8] =	vst v0  }
0x71: {  	[tilespmem:$0xF8] =	vst v0  }
0x72: {  	[tilespmem:$0x108] =	vst v0  }
0x73: {  	[tilespmem:$0x118] =	vst v0  }
0x74: {  	[tilespmem:$0x128] =	vst v0  }
0x75: {  	[tilespmem:$0x138] =	vst v0  }
0x76: {  	[tilespmem:$0x148] =	vst v0  }
0x77: {  	[tilespmem:$0x158] =	vst v0  }
0x78: {  	[tilespmem:$0x168] =	vst v0  }
0x79: {  	[tilespmem:$0x178] =	vst v0  }
0x7a: {  	[tilespmem:$0x188] =	vst v0  }
0x7b: {  	[tilespmem:$0x198] =	vst v0  }
0x7c: {  	[tilespmem:$0x1A8] =	vst v0  }
0x7d: {  	[tilespmem:$0x1B8] =	vst v0  }
0x7e: {  	[tilespmem:$0x1C8] =	vst v0  }
0x7f: {  	[tilespmem:$0x1D8] =	vst v0  }
0x80: {  	[tilespmem:$0x1E8] =	vst v0  }
0x81: {  	[tilespmem:$0x1F8] =	vst v0  }
0x82: {  	[tilespmem:$0x208] =	vst v0  }
0x83: {  	[tilespmem:$0x218] =	vst v0  }
0x84: {  	[tilespmem:$0x228] =	vst v0  }
0x85: {  	[tilespmem:$0x238] =	vst v0  }
0x86: {  	[tilespmem:$0x248] =	vst v0  }
0x87: {  	[tilespmem:$0x258] =	vst v0  }
0x88: {  	[tilespmem:$0x268] =	vst v0  }
0x89: {  	[tilespmem:$0x278] =	vst v0  }
0x8a: {  	[tilespmem:$0x288] =	vst v0  }
0x8b: {  	[tilespmem:$0x298] =	vst v0  }
0x8c: {  	[tilespmem:$0x2A8] =	vst v0  }
0x8d: {  	[tilespmem:$0x2B8] =	vst v0  }
0x8e: {  	[tilespmem:$0x2C8] =	vst v0  }
0x8f: {  	[tilespmem:$0x2D8] =	vst v0  }
0x90: {  	[tilespmem:$0x2E8] =	vst v0  }
0x91: {  	[tilespmem:$0x2F8] =	vst v0  }
0x92: {  	[tilespmem:$0x308] =	vst v0  }
0x93: {  	[tilespmem:$0x318] =	vst v0  }
0x94: {  	[tilespmem:$0x328] =	vst v0  }
0x95: {  	[tilespmem:$0x338] =	vst v0  }
0x96: {  	[tilespmem:$0x348] =	vst v0  }
0x97: {  	[tilespmem:$0x358] =	vst v0  }
0x98: {  	[tilespmem:$0x368] =	vst v0  }
0x99: {  	[tilespmem:$0x378] =	vst v0  }
0x9a: {  	[tilespmem:$0x388] =	vst v0  }
0x9b: {  	[tilespmem:$0x398] =	vst v0  }
0x9c: {  	[tilespmem:$0x3A8] =	vst v0  }
0x9d: {  	[tilespmem:$0x3B8] =	vst v0  }
0x9e: {  	[tilespmem:$0x3C8] =	vst v0  }
0x9f: {  	[tilespmem:$0x3D8] =	vst v0  }
0xa0: {  	[tilespmem:$0x3E8] =	vst v0  }
0xa1: {  	[tilespmem:$0x3F8] =	vst v0  }
0xa2: {  	[tilespmem:$0x408] =	vst v0  }
0xa3: {  	[tilespmem:$0x418] =	vst v0  }
0xa4: {  	[tilespmem:$0x428] =	vst v0  }
0xa5: {  	[tilespmem:$0x438] =	vst v0  }
0xa6: {  	[tilespmem:$0x448] =	vst v0  }
0xa7: {  	[tilespmem:$0x458] =	vst v0  }
0xa8: {  	[tilespmem:$0x468] =	vst v0  }
0xa9: {  	[tilespmem:$0x478] =	vst v0  }
0xaa: {  	[tilespmem:$0x488] =	vst v0  }
0xab: {  	[tilespmem:$0x498] =	vst v0  }
0xac: {  	[tilespmem:$0x4A8] =	vst v0  }
0xad: {  	[tilespmem:$0x4B8] =	vst v0  }
0xae: {  	[tilespmem:$0x4C8] =	vst v0  }
0xaf: {  	[tilespmem:$0x4D8] =	vst v0  }
0xb0: {  	[tilespmem:$0x4E8] =	vst v0  }
0xb1: {  	[tilespmem:$0x4F8] =	vst v0  }
0xb2: {  	[tilespmem:$0x508] =	vst v0  }
0xb3: {  	[tilespmem:$0x518] =	vst v0  }
0xb4: {  	[tilespmem:$0x528] =	vst v0  }
0xb5: {  	[tilespmem:$0x538] =	vst v0  }
0xb6: {  	[tilespmem:$0x548] =	vst v0  }
0xb7: {  	[tilespmem:$0x558] =	vst v0  }
0xb8: {  	[tilespmem:$0x568] =	vst v0  }
0xb9: {  	[tilespmem:$0x578] =	vst v0  }
0xba: {  	[tilespmem:$0x588] =	vst v0  }
0xbb: {  	[tilespmem:$0x598] =	vst v0  }
0xbc: {  	[tilespmem:$0x5A8] =	vst v0  }
0xbd: {  	[tilespmem:$0x5B8] =	vst v0  }
0xbe: {  	[tilespmem:$0x5C8] =	vst v0  }
0xbf: {  	[tilespmem:$0x5D8] =	vst v0  }
0xc0: {  	[tilespmem:$0x5E8] =	vst v0  }
0xc1: {  	[tilespmem:$0x5F8] =	vst v0  }
0xc2: {  	[tilespmem:$0x608] =	vst v0  }
0xc3: {  	[tilespmem:$0x618] =	vst v0  }
0xc4: {  	[tilespmem:$0x628] =	vst v0  }
0xc5: {  	[tilespmem:$0x638] =	vst v0  }
0xc6: {  	[tilespmem:$0x648] =	vst v0  }
0xc7: {  	[tilespmem:$0x658] =	vst v0  }
0xc8: {  	[tilespmem:$0x668] =	vst v0  }
0xc9: {  	[tilespmem:$0x678] =	vst v0  }
0xca: {  	[tilespmem:$0x688] =	vst v0  }
0xcb: {  	[tilespmem:$0x698] =	vst v0  }
0xcc: {  	[tilespmem:$0x6A8] =	vst v0  }
0xcd: {  	[tilespmem:$0x6B8] =	vst v0  }
0xce: {  	[tilespmem:$0x6C8] =	vst v0  }
0xcf: {  	[tilespmem:$0x6D8] =	vst v0  }
0xd0: {  	[tilespmem:$0x6E8] =	vst v0  }
0xd1: {  	[tilespmem:$0x6F8] =	vst v0  }
0xd2: {  	[tilespmem:$0x708] =	vst v0  }
0xd3: {  	[tilespmem:$0x718] =	vst v0  }
0xd4: {  	[tilespmem:$0x728] =	vst v0  }
0xd5: {  	[tilespmem:$0x738] =	vst v0  }
0xd6: {  	[tilespmem:$0x748] =	vst v0  }
0xd7: {  	[tilespmem:$0x758] =	vst v0  }
0xd8: {  	[tilespmem:$0x768] =	vst v0  }
0xd9: {  	[tilespmem:$0x778] =	vst v0  }
0xda: {  	[tilespmem:$0x788] =	vst v0  }
0xdb: {  	[tilespmem:$0x798] =	vst v0  }
0xdc: {  	[tilespmem:$0x7A8] =	vst v0  }
0xdd: {  	[tilespmem:$0x7B8] =	vst v0  }
0xde: {  	[tilespmem:$0x7C8] =	vst v0  }
0xdf: {  	[tilespmem:$0x7D8] =	vst v0  }
0xe0: {  	[tilespmem:$0x7E8] =	vst v0  }
0xe1: {  	[tilespmem:$0x7F8] =	vst v0  }
0xe2: {  	[tilespmem:$0x808] =	vst v0  }
0xe3: {  	[tilespmem:$0x818] =	vst v0  }
0xe4: {  	[tilespmem:$0x828] =	vst v0  }
0xe5: {  	[tilespmem:$0x838] =	vst v0  }
0xe6: {  	[tilespmem:$0x848] =	vst v0  }
0xe7: {  	[tilespmem:$0x858] =	vst v0  }
0xe8: {  	[tilespmem:$0x868] =	vst v0  }
0xe9: {  	[tilespmem:$0x878] =	vst v0  }
0xea: {  	[tilespmem:$0x888] =	vst v0  }
0xeb: {  	[tilespmem:$0x898] =	vst v0  }
0xec: {  	[tilespmem:$0x8A8] =	vst v0  }
0xed: {  	[tilespmem:$0x8B8] =	vst v0  }
0xee: {  	[tilespmem:$0x8C8] =	vst v0  }
0xef: {  	[tilespmem:$0x8D8] =	vst v0  }
0xf0: {  	[tilespmem:$0x8E8] =	vst v0  }
0xf1: {  	[tilespmem:$0x8F8] =	vst v0  }
0xf2: {  	[tilespmem:$0x908] =	vst v0  }
0xf3: {  	[tilespmem:$0x918] =	vst v0  }
0xf4: {  	[tilespmem:$0x928] =	vst v0  }
0xf5: {  	[tilespmem:$0x938] =	vst v0  }
0xf6: {  	[tilespmem:$0x948] =	vst v0  }
0xf7: {  	[tilespmem:$0x958] =	vst v0  }
0xf8: {  	[tilespmem:$0x968] =	vst v0  }
0xf9: {  	[tilespmem:$0x978] =	vst v0  }
0xfa: {  	[tilespmem:$0x988] =	vst v0  }
0xfb: {  	[tilespmem:$0x998] =	vst v0  }
0xfc: {  	[tilespmem:$0x9A8] =	vst v0  }
0xfd: {  	[tilespmem:$0x9B8] =	vst v0  }
0xfe: {  	[tilespmem:$0x9C8] =	vst v0  }
0xff: {  	[tilespmem:$0x9D8] =	vst v0  }
0x100: {  	[tilespmem:$0x9E8] =	vst v0  }
0x101: {  	[tilespmem:$0x9F8] =	vst v0  }
0x102: {  	[tilespmem:$0xA08] =	vst v0  }
0x103: {  	[tilespmem:$0xA18] =	vst v0  }
0x104: {  	[tilespmem:$0xA28] =	vst v0  }
0x105: {  	[tilespmem:$0xA38] =	vst v0  }
0x106: {  	[tilespmem:$0xA48] =	vst v0  }
0x107: {  	[tilespmem:$0xA58] =	vst v0  }
0x108: {  	[tilespmem:$0xA68] =	vst v0  }
0x109: {  	[tilespmem:$0xA78] =	vst v0  }
0x10a: {  	[tilespmem:$0xA88] =	vst v0  }
0x10b: {  	[tilespmem:$0xA98] =	vst v0  }
0x10c: {  	[tilespmem:$0xAA8] =	vst v0  }
0x10d: {  	[tilespmem:$0xAB8] =	vst v0  }
0x10e: {  	[tilespmem:$0xAC8] =	vst v0  }
0x10f: {  	[tilespmem:$0xAD8] =	vst v0  }
0x110: {  	[tilespmem:$0xAE8] =	vst v0  }
0x111: {  	[tilespmem:$0xAF8] =	vst v0  }
0x112: {  	[tilespmem:$0xB08] =	vst v0  }
0x113: {  	[tilespmem:$0xB18] =	vst v0  }
0x114: {  	[tilespmem:$0xB28] =	vst v0  }
0x115: {  	[tilespmem:$0xB38] =	vst v0  }
0x116: {  	[tilespmem:$0xB48] =	vst v0  }
0x117: {  	[tilespmem:$0xB58] =	vst v0  }
0x118: {  	[tilespmem:$0xB68] =	vst v0  }
0x119: {  	[tilespmem:$0xB78] =	vst v0  }
0x11a: {  	[tilespmem:$0xB88] =	vst v0  }
0x11b: {  	[tilespmem:$0xB98] =	vst v0  }
0x11c: {  	[tilespmem:$0xBA8] =	vst v0  }
0x11d: {  	[tilespmem:$0xBB8] =	vst v0  }
0x11e: {  	[tilespmem:$0xBC8] =	vst v0  }
0x11f: {  	[tilespmem:$0xBD8] =	vst v0  }
0x120: {  	[tilespmem:$0xBE8] =	vst v0  }
0x121: {  	[tilespmem:$0xBF8] =	vst v0  }
0x122: {  	[tilespmem:$0xC08] =	vst v0  }
0x123: {  	[tilespmem:$0xC18] =	vst v0  }
0x124: {  	[tilespmem:$0xC28] =	vst v0  }
0x125: {  	[tilespmem:$0xC38] =	vst v0  }
0x126: {  	[tilespmem:$0xC48] =	vst v0  }
0x127: {  	[tilespmem:$0xC58] =	vst v0  }
0x128: {  	[tilespmem:$0xC68] =	vst v0  }
0x129: {  	[tilespmem:$0xC78] =	vst v0  }
0x12a: {  	[tilespmem:$0xC88] =	vst v0  }
0x12b: {  	[tilespmem:$0xC98] =	vst v0  }
0x12c: {  	[tilespmem:$0xCA8] =	vst v0  }
0x12d: {  	[tilespmem:$0xCB8] =	vst v0  }
0x12e: {  	[tilespmem:$0xCC8] =	vst v0  }
0x12f: {  	[tilespmem:$0xCD8] =	vst v0  }
0x130: {  	[tilespmem:$0xCE8] =	vst v0  }
0x131: {  	[tilespmem:$0xCF8] =	vst v0  }
0x132: {  	[tilespmem:$0xD08] =	vst v0  }
0x133: {  	[tilespmem:$0xD18] =	vst v0  }
0x134: {  	[tilespmem:$0xD28] =	vst v0  }
0x135: {  	[tilespmem:$0xD38] =	vst v0  }
0x136: {  	[tilespmem:$0xD48] =	vst v0  }
0x137: {  	[tilespmem:$0xD58] =	vst v0  }
0x138: {  	[tilespmem:$0xD68] =	vst v0  }
0x139: {  	[tilespmem:$0xD78] =	vst v0  }
0x13a: {  	[tilespmem:$0xD88] =	vst v0  }
0x13b: {  	[tilespmem:$0xD98] =	vst v0  }
0x13c: {  	[tilespmem:$0xDA8] =	vst v0  }
0x13d: {  	[tilespmem:$0xDB8] =	vst v0  }
0x13e: {  	[tilespmem:$0xDC8] =	vst v0  }
0x13f: {  	[tilespmem:$0xDD8] =	vst v0  }
0x140: {  	[tilespmem:$0xDE8] =	vst v0  }
0x141: {  	[tilespmem:$0xDF8] =	vst v0  }
0x142: {  	[tilespmem:$0xE08] =	vst v0  }
0x143: {  	[tilespmem:$0xE18] =	vst v0  }
0x144: {  	[tilespmem:$0xE28] =	vst v0  }
0x145: {  	[tilespmem:$0xE38] =	vst v0  }
0x146: {  	[tilespmem:$0xE48] =	vst v0  }
0x147: {  	[tilespmem:$0xE58] =	vst v0  }
0x148: {  	[tilespmem:$0xE68] =	vst v0  }
0x149: {  	[tilespmem:$0xE78] =	vst v0  }
0x14a: {  	[tilespmem:$0xE88] =	vst v0  }
0x14b: {  	[tilespmem:$0xE98] =	vst v0  }
0x14c: {  	[tilespmem:$0xEA8] =	vst v0  }
0x14d: {  	[tilespmem:$0xEB8] =	vst v0  }
0x14e: {  	[tilespmem:$0xEC8] =	vst v0  }
0x14f: {  	[tilespmem:$0xED8] =	vst v0  }
0x150: {  	[tilespmem:$0xEE8] =	vst v0  }
0x151: {  	[tilespmem:$0xEF8] =	vst v0  }
0x152: {  	[tilespmem:$0xF08] =	vst v0  }
0x153: {  	[tilespmem:$0xF18] =	vst v0  }
0x154: {  	[tilespmem:$0xF28] =	vst v0  }
0x155: {  	[tilespmem:$0xF38] =	vst v0  }
0x156: {  	[tilespmem:$0xF48] =	vst v0  }
0x157: {  	[tilespmem:$0xF58] =	vst v0  }
0x158: {  	[tilespmem:$0xF68] =	vst v0  }
0x159: {  	[tilespmem:$0xF78] =	vst v0  }
0x15a: {  	[tilespmem:$0xF88] =	vst v0  }
0x15b: {  	[tilespmem:$0xF98] =	vst v0  }
0x15c: {  	[tilespmem:$0xFA8] =	vst v0  }
0x15d: {  	[tilespmem:$0xFB8] =	vst v0  }
0x15e: {  	[tilespmem:$0xFC8] =	vst v0  }
0x15f: {  	[tilespmem:$0xFD8] =	vst v0  }
0x160: {  	[tilespmem:$0xFE8] =	vst v0  }
0x161: {  	[tilespmem:$0xFF8] =	vst v0  }
0x162: {  	[tilespmem:$0x1028] =	vst v0  }
0x163: {  	[tilespmem:$0x10E8] =	vst v0  }
0x164: {  	[tilespmem:$0x1068] =	vst v0  }
0x165: {  	[tilespmem:$0x1B28] =	vst v0  }
0x166: {  	[tilespmem:$0x1B18] =	vst v0  }
0x167: {  	[tilespmem:$0x1B08] =	vst v0  }
0x168: {  	[tilespmem:$0x1AF8] =	vst v0  }
0x169: {  	[tilespmem:$0x1AE8] =	vst v0  }
0x16a: {  	[tilespmem:$0x1AD8] =	vst v0  }
0x16b: {  	[tilespmem:$0x1AC8] =	vst v0  }
0x16c: {  	[tilespmem:$0x1AB8] =	vst v0  }
0x16d: {  	[tilespmem:$0x1AA8] =	vst v0  }
0x16e: {  	[tilespmem:$0x1A98] =	vst v0  }
0x16f: {  	[tilespmem:$0x1A88] =	vst v0  }
0x170: {  	[tilespmem:$0x1A78] =	vst v0  }
0x171: {  	[tilespmem:$0x1A68] =	vst v0  }
0x172: {  	[tilespmem:$0x1A58] =	vst v0  }
0x173: {  	[tilespmem:$0x1A48] =	vst v0  }
0x174: {  	[tilespmem:$0x1A38] =	vst v0  }
0x175: {  	[tilespmem:$0x1A28] =	vst v0  }
0x176: {  	[tilespmem:$0x1A18] =	vst v0  }
0x177: {  	[tilespmem:$0x1A08] =	vst v0  }
0x178: {  	[tilespmem:$0x19F8] =	vst v0  }
0x179: {  	[tilespmem:$0x19E8] =	vst v0  }
0x17a: {  	[tilespmem:$0x19D8] =	vst v0  }
0x17b: {  	[tilespmem:$0x19C8] =	vst v0  }
0x17c: {  	[tilespmem:$0x19B8] =	vst v0  }
0x17d: {  	[tilespmem:$0x19A8] =	vst v0  }
0x17e: {  	[tilespmem:$0x1998] =	vst v0  }
0x17f: {  	[tilespmem:$0x1988] =	vst v0  }
0x180: {  	[tilespmem:$0x1978] =	vst v0  }
0x181: {  	[tilespmem:$0x1968] =	vst v0  }
0x182: {  	[tilespmem:$0x1958] =	vst v0  }
0x183: {  	[tilespmem:$0x1948] =	vst v0  }
0x184: {  	[tilespmem:$0x1938] =	vst v0  }
0x185: {  	[tilespmem:$0x1928] =	vst v0  }
0x186: {  	[tilespmem:$0x1918] =	vst v0  }
0x187: {  	[tilespmem:$0x1908] =	vst v0  }
0x188: {  	[tilespmem:$0x18F8] =	vst v0  }
0x189: {  	[tilespmem:$0x18E8] =	vst v0  }
0x18a: {  	[tilespmem:$0x18D8] =	vst v0  }
0x18b: {  	[tilespmem:$0x18C8] =	vst v0  }
0x18c: {  	[tilespmem:$0x18B8] =	vst v0  }
0x18d: {  	[tilespmem:$0x18A8] =	vst v0  }
0x18e: {  	[tilespmem:$0x1898] =	vst v0  }
0x18f: {  	[tilespmem:$0x1888] =	vst v0  }
0x190: {  	[tilespmem:$0x1878] =	vst v0  }
0x191: {  	[tilespmem:$0x1868] =	vst v0  }
0x192: {  	[tilespmem:$0x1858] =	vst v0  }
0x193: {  	[tilespmem:$0x1848] =	vst v0  }
0x194: {  	[tilespmem:$0x1838] =	vst v0  }
0x195: {  	[tilespmem:$0x1828] =	vst v0  }
0x196: {  	[tilespmem:$0x1818] =	vst v0  }
0x197: {  	[tilespmem:$0x1808] =	vst v0  }
0x198: {  	[tilespmem:$0x17F8] =	vst v0  }
0x199: {  	[tilespmem:$0x17E8] =	vst v0  }
0x19a: {  	[tilespmem:$0x17D8] =	vst v0  }
0x19b: {  	[tilespmem:$0x17C8] =	vst v0  }
0x19c: {  	[tilespmem:$0x17B8] =	vst v0  }
0x19d: {  	[tilespmem:$0x17A8] =	vst v0  }
0x19e: {  	[tilespmem:$0x1798] =	vst v0  }
0x19f: {  	[tilespmem:$0x1788] =	vst v0  }
0x1a0: {  	[tilespmem:$0x1778] =	vst v0  }
0x1a1: {  	[tilespmem:$0x1768] =	vst v0  }
0x1a2: {  	[tilespmem:$0x1758] =	vst v0  }
0x1a3: {  	[tilespmem:$0x1748] =	vst v0  }
0x1a4: {  	[tilespmem:$0x1738] =	vst v0  }
0x1a5: {  	[tilespmem:$0x1728] =	vst v0  }
0x1a6: {  	[tilespmem:$0x1718] =	vst v0  }
0x1a7: {  	[tilespmem:$0x1708] =	vst v0  }
0x1a8: {  	[tilespmem:$0x16F8] =	vst v0  }
0x1a9: {  	[tilespmem:$0x16E8] =	vst v0  }
0x1aa: {  	[tilespmem:$0x16D8] =	vst v0  }
0x1ab: {  	[tilespmem:$0x16C8] =	vst v0  }
0x1ac: {  	[tilespmem:$0x16B8] =	vst v0  }
0x1ad: {  	[tilespmem:$0x16A8] =	vst v0  }
0x1ae: {  	[tilespmem:$0x1698] =	vst v0  }
0x1af: {  	[tilespmem:$0x1688] =	vst v0  }
0x1b0: {  	[tilespmem:$0x1678] =	vst v0  }
0x1b1: {  	[tilespmem:$0x1668] =	vst v0  }
0x1b2: {  	[tilespmem:$0x1658] =	vst v0  }
0x1b3: {  	[tilespmem:$0x1648] =	vst v0  }
0x1b4: {  	[tilespmem:$0x1638] =	vst v0  }
0x1b5: {  	[tilespmem:$0x1628] =	vst v0  }
0x1b6: {  	[tilespmem:$0x1618] =	vst v0  }
0x1b7: {  	[tilespmem:$0x1608] =	vst v0  }
0x1b8: {  	[tilespmem:$0x15F8] =	vst v0  }
0x1b9: {  	[tilespmem:$0x15E8] =	vst v0  }
0x1ba: {  	[tilespmem:$0x15D8] =	vst v0  }
0x1bb: {  	[tilespmem:$0x15C8] =	vst v0  }
0x1bc: {  	[tilespmem:$0x15B8] =	vst v0  }
0x1bd: {  	[tilespmem:$0x15A8] =	vst v0  }
0x1be: {  	[tilespmem:$0x1598] =	vst v0  }
0x1bf: {  	[tilespmem:$0x1588] =	vst v0  }
0x1c0: {  	[tilespmem:$0x1578] =	vst v0  }
0x1c1: {  	[tilespmem:$0x1568] =	vst v0  }
0x1c2: {  	[tilespmem:$0x1558] =	vst v0  }
0x1c3: {  	[tilespmem:$0x1548] =	vst v0  }
0x1c4: {  	[tilespmem:$0x1538] =	vst v0  }
0x1c5: {  	[tilespmem:$0x1528] =	vst v0  }
0x1c6: {  	[tilespmem:$0x1518] =	vst v0  }
0x1c7: {  	[tilespmem:$0x1508] =	vst v0  }
0x1c8: {  	[tilespmem:$0x14F8] =	vst v0  }
0x1c9: {  	[tilespmem:$0x14E8] =	vst v0  }
0x1ca: {  	[tilespmem:$0x14D8] =	vst v0  }
0x1cb: {  	[tilespmem:$0x14C8] =	vst v0  }
0x1cc: {  	[tilespmem:$0x14B8] =	vst v0  }
0x1cd: {  	[tilespmem:$0x14A8] =	vst v0  }
0x1ce: {  	[tilespmem:$0x1498] =	vst v0  }
0x1cf: {  	[tilespmem:$0x1488] =	vst v0  }
0x1d0: {  	[tilespmem:$0x1478] =	vst v0  }
0x1d1: {  	[tilespmem:$0x1468] =	vst v0  }
0x1d2: {  	[tilespmem:$0x1458] =	vst v0  }
0x1d3: {  	[tilespmem:$0x1448] =	vst v0  }
0x1d4: {  	[tilespmem:$0x1438] =	vst v0  }
0x1d5: {  	[tilespmem:$0x1428] =	vst v0  }
0x1d6: {  	[tilespmem:$0x1418] =	vst v0  }
0x1d7: {  	[tilespmem:$0x1408] =	vst v0  }
0x1d8: {  	[tilespmem:$0x13F8] =	vst v0  }
0x1d9: {  	[tilespmem:$0x13E8] =	vst v0  }
0x1da: {  	[tilespmem:$0x13D8] =	vst v0  }
0x1db: {  	[tilespmem:$0x13C8] =	vst v0  }
0x1dc: {  	[tilespmem:$0x13B8] =	vst v0  }
0x1dd: {  	[tilespmem:$0x13A8] =	vst v0  }
0x1de: {  	[tilespmem:$0x1398] =	vst v0  }
0x1df: {  	[tilespmem:$0x1388] =	vst v0  }
0x1e0: {  	[tilespmem:$0x1378] =	vst v0  }
0x1e1: {  	[tilespmem:$0x1368] =	vst v0  }
0x1e2: {  	[tilespmem:$0x1358] =	vst v0  }
0x1e3: {  	[tilespmem:$0x1348] =	vst v0  }
0x1e4: {  	[tilespmem:$0x1338] =	vst v0  }
0x1e5: {  	[tilespmem:$0x1328] =	vst v0  }
0x1e6: {  	[tilespmem:$0x1318] =	vst v0  }
0x1e7: {  	[tilespmem:$0x1308] =	vst v0  }
0x1e8: {  	[tilespmem:$0x12F8] =	vst v0  }
0x1e9: {  	[tilespmem:$0x12E8] =	vst v0  }
0x1ea: {  	[tilespmem:$0x12D8] =	vst v0  }
0x1eb: {  	[tilespmem:$0x12C8] =	vst v0  }
0x1ec: {  	[tilespmem:$0x12B8] =	vst v0  }
0x1ed: {  	[tilespmem:$0x12A8] =	vst v0  }
0x1ee: {  	[tilespmem:$0x1298] =	vst v0  }
0x1ef: {  	[tilespmem:$0x1288] =	vst v0  }
0x1f0: {  	[tilespmem:$0x1278] =	vst v0  }
0x1f1: {  	[tilespmem:$0x1268] =	vst v0  }
0x1f2: {  	[tilespmem:$0x1258] =	vst v0  }
0x1f3: {  	[tilespmem:$0x1248] =	vst v0  }
0x1f4: {  	[tilespmem:$0x1238] =	vst v0  }
0x1f5: {  	[tilespmem:$0x1228] =	vst v0  }
0x1f6: {  	[tilespmem:$0x1218] =	vst v0  }
0x1f7: {  	[tilespmem:$0x1208] =	vst v0  }
0x1f8: {  	[tilespmem:$0x11F8] =	vst v0  }
0x1f9: {  	[tilespmem:$0x11E8] =	vst v0  }
0x1fa: {  	[tilespmem:$0x11D8] =	vst v0  }
0x1fb: {  	[tilespmem:$0x11C8] =	vst v0  }
0x1fc: {  	[tilespmem:$0x11B8] =	vst v0  }
0x1fd: {  	[tilespmem:$0x11A8] =	vst v0  }
0x1fe: {  	[tilespmem:$0x1198] =	vst v0  }
0x1ff: {  	[tilespmem:$0x1188] =	vst v0  }
0x200: {  	[tilespmem:$0x1178] =	vst v0  }
0x201: {  	[tilespmem:$0x1168] =	vst v0  }
0x202: {  	[tilespmem:$0x1158] =	vst v0  }
0x203: {  	[tilespmem:$0x1148] =	vst v0  }
0x204: {  	[tilespmem:$0x1138] =	vst v0  }
0x205: {  	[tilespmem:$0x1128] =	vst v0  }
0x206: {  	[tilespmem:$0x1118] =	vst v0  }
0x207: {  	s4 =	stileid.u32;
	[tilespmem:$0x1108] =	vst v0  }
0x208: {  	s0 =	smul.u32 $0xC, s4;
	[tilespmem:$0x10F8] =	vst v0  }
0x209: {  	s1 =	smin.u32 s4, $0x8;
	[tilespmem:$0x10C8] =	vst v0  }
0x20a: {  	[tilespmem:$0x10D8] =	vst v0;
	s0 =	sadd.s32 s1, s0  }
0x20b: {  	p0 =	slt.u32 s4, $0x8;
	[tilespmem:$0x10B8] =	vst v0;
	s1 =	simm.s32 $0x15F0;
	s6 =	smul.u32 $0x1B0, s0  }
0x20c: {  	s1 =	simm.s32 @!p0 $0x1440;
	[tilespmem:$0x1038] =	vst v0  }
0x20d: {  	[tilespmem:$0x10A8] =	vst v0;
	s0 =	sadd.s32 s1, s6  }
0x20e: {  	s3 =	simm.s32 $0x2;
	s8 =	simm.s32 $0x9;
	[tilespmem:$0x1098] =	vst v0;
	s7 =	smin.u32 s0, $0x15000  }
0x20f: {  	s10 =	simm.s32 $0xA;
	s30 =	simm.s32 $0xB;
	[tilespmem:$0x1088] =	vst v0;
	s0 =	ssub.s32 s7, s6  }
0x210: {  	s16 =	simm.s32 $0x0;
	p4 =	por $0x0, $0x0;
	[tilespmem:$0x1078] =	vst v0;
	p0 =	sgt.s32 s0, $0x0  }
0x211: {  	s17 =	simm.s32 $0xC;
	s21 =	simm.s32 $0x0;
	[tilespmem:$0x1058] =	vst v0;
	s0 =	simm.s32 @!p0 $0x0  }
0x212: {  	s18 =	simm.s32 $0x0;
	s2 =	sand.u32 $0x1, s2;
	[tilespmem:$0x1048] =	vst v0;
	s29 =	smulhi.u32 $0x4BDA12F7, s0  }
0x213: {  	s20 =	simm.s32 $0x0;
	s31 =	sshll.u32 s4, $0x5;
	[tilespmem:$0x1018] =	vst v0;
	[dreg:$0x5] =	wrdreg s2  }
0x214: {  	s2 =	smul.u32 $0x2A00, s2;
	[tilespmem:$0x1008] =	vst v0;
	[sflag:s3] =	ssyncpa.u1 $0x0;
	s1 =	sshrl.u32 s29, $0x7  }
0x215: {  	v0 =	vimm.s32 $0xFFFFFFFF;
	s3 =	sadd.s32 $0x71AA00, s11;
	[dreg:$0x4] =	wrdreg s31;
	s5 =	smul.u32 $0x1B0, s1  }
.Ltmp7:
0x216: {  	[tilespmem:$0x3648] =	vst v0;
	[sflag:s8] =	ssyncpa.u1 $0x0;
	s2 =	sadd.s32 s2, s11;
	(pc) =	sbr.rel .LBB3_1-.Ltmp7, $4  }
0x217: {  	[sflag:s10] =	ssyncpa.u1 $0x0;
	s11 =	sadd.s32 $0x424600, s11;
	p0 =	sne.s32 s0, s5  }
0x218: {  	[sflag:s30] =	ssyncpa.u1 $0x0;
	s14 =	sadd.s32 $0x6C4600, s2;
	s12 =	simm.s32 @!p0 $0x0  }
0x219: {  	s15 =	sadd.s32 $0x1D400, s2;
	s19 =	smov.u32 s6;
	s12 =	sadd.s32 s12, s1  }
0x21a: {  	v0 =	vlaneseq.u32;
	[dreg:$0x6] =	wrdreg s6;
	p0 =	por $0x1, $0x1;
	s4 =	sadd.s32 $0x1, s12  }
.LBB3_18:
0x21b: {  	s0 =	simm.s32 $0x2  }
0x21c: {  	_ =	swait.ge [sflag:s0], $0x0  }
0x21d: {  	[sflag:s0] =	ssyncset.done $0x0;
	s0 =	simm.s32 $0x0  }
.LBB3_19:
0x21e: {  	_ =	swait.ge [sflag:s17], s0  }
0x21f: {  	s31 =	ssub.s32 $0x0, s0;
	v1 =	vmov s23;
	vm0 =	veq.s32 v0, $0x0;
	[sflag:s17] =	ssyncset.done $0x0  }
0x220: {  	vm15 =	veq.s32 v0, $0x2;
	v1 =	vsel vm0, s28, v1;
	[sflag:s17] =	ssyncadd.s32 s31  }
0x221: {  	v1 =	vsel vm15, s21, v1;
	[sflag:s17] =	ssyncpa.u1 $0x1  }
0x222: {  	[tilespmem:$0x3648] =	vst v1  }
.LBB3_20:
0x223: {  	s0 =	sadd.s32 $0x1B0, s19  }
0x224: {  	s1 =	smov.u32 s6;
	p1 =	slt.s32 s0, s7  }
0x225: {  	s1 =	smov.u32 @p1 s0;
	p1 =	sne.s32 s20, s4  }
.Ltmp8:
0x226: {  	_ = 	snop;
	(pc) =	sbr.rel @!p1 .LBB3_21-.Ltmp8, $4  }
0x227: {  	_ = 	snop  }
0x228: {  	s21 =	smov.u32 s18  }
0x229: {  	s31 =	sadd.s32 $0x1, s20;
	s18 =	smov.u32 s19;
	p0 =	por !p0, !p0  }
0x22a: {  	p4 =	por !p4, !p4;
	s20 =	smov.u32 s31;
	s19 =	smov.u32 s1  }
.LBB3_1:
0x22b: {  	p2 =	sge.u32 s20, s12  }
0x22c: {  	s0 =	smulhi.u32 @!p2 $0xAAAAAAAB, s20  }
0x22d: {  	s1 =	smov.u32 s19;
	p3 =	sgt.s32 @!p2 s19, $0x14E50  }
0x22e: {  	s2 =	sshra.s32 @!p2 s19, $0x1F;
	p3 =	por !p3, p2;
	s0 =	sshrl.u32 @!p2 s0, $0x1  }
0x22f: {  	s2 =	sand.u32 @!p2 s2, s19;
	s1 =	simm.s32 @p3 $0x14E50;
	s0 =	smul.u32 @!p2 $0x3, s0  }
0x230: {  	s1 =	ssub.s32 @!p2 s1, s2  }
0x231: {  	s23 =	sadd.s32 $0xFFFFFFFF, s20;
	s1 =	sadd.s32 @!p2 $0xFFFEB1B0, s1;
	s0 =	ssub.s32 @!p2 s20, s0  }
0x232: {  	s2 =	sshll.u32 @!p2 s1, $0x2;
	p3 =	sgt.s32 @!p2 s1, $0x1AF;
	s0 =	smul.u32 @!p2 $0x6C0, s0  }
0x233: {  	s5 =	sand.u32 @!p2 $0x7, s19;
	s1 =	ssub.s32 @!p2 $0x6C0, s2;
	p3 =	por !p3, p2  }
0x234: {  	s2 =	sshrl.u32 @!p2 s19, $0x3;
	s1 =	sshrl.u32 @!p2 s1, $0x2;
	s0 =	sshrl.u32 @!p2 s0, $0x2  }
0x235: {  	s2 =	sadd.s32 @!p2 s2, s14;
	s1 =	simm.s32 @!p3 $0x0;
	s0 =	sadd.s32 @!p2 $0x3888, s0  }
0x236: {  	[tilespmem:s0], [sflag:$0xA] =	stream.linear.gather @!p2 [hbm4b:s2+s5], s1, $0x38;
	[tilespmem:$0x1F0F8] =	vst v63  }
0x237: {  	p2 =	sge.u32 s23, s12  }
0x238: {  	p3 =	sgt.s32 @!p2 s18, $0x14E50  }
0x239: {  	s0 =	smov.u32 s18;
	s1 =	sshra.s32 @!p2 s18, $0x1F;
	p3 =	por !p3, p2  }
0x23a: {  	s1 =	sand.u32 @!p2 s1, s18;
	s0 =	simm.s32 @p3 $0x14E50  }
0x23b: {  	s0 =	ssub.s32 @!p2 s0, s1  }
0x23c: {  	s0 =	sadd.s32 @!p2 $0xFFFEB1B0, s0  }
0x23d: {  	s1 =	sshll.u32 @!p2 s0, $0x2  }
0x23e: {  	p3 =	sgt.s32 @!p2 s0, $0x1AF;
	s0 =	ssub.s32 @!p2 $0x6C0, s1  }
0x23f: {  	s22 =	ssub.s32 @!p2 $0x15000, s18;
	p3 =	por !p3, p2;
	s0 =	sshrl.u32 @!p2 s0, $0x2  }
0x240: {  	s1 =	sand.u32 @!p2 $0x1, s23;
	s0 =	simm.s32 @!p3 $0x0;
	p3 =	slt.s32 @!p2 s22, $0x1  }
0x241: {  	s2 =	simm.s32 @!p2 $0xA;
	s1 =	smul.u32 @!p2 $0x6C0, s1;
	p3 =	por p2, p3  }
.Ltmp9:
0x242: {  	_ =	swait.ge @!p2 [sflag:s2], s0;
	(pc) =	sbr.rel @p3 .LBB3_7-.Ltmp9, $4  }
0x243: {  	s5 =	ssub.s32 @!p2 $0x0, s0;
	[sflag:s2] =	ssyncset.done @!p2 $0x0  }
0x244: {  	s1 =	sshrl.u32 @!p2 s1, $0x2;
	[sflag:s2] =	ssyncadd.s32 @!p2 s5;
	s2 =	sshrl.u32 @!p2 s18, $0x3  }
0x245: {  	s1 =	sadd.s32 @!p2 $0x3D98, s1;
	s5 =	sand.u32 @!p2 $0x7, s18;
	s2 =	sadd.s32 @!p2 s2, s15  }
0x246: {  	[tilespmem:s1], [sflag:$0xB] =	stream.linear.gather @!p2 [hbm4b:s2+s5], s0, $0x38;
	[tilespmem:$0x1F0F8] =	vst v63  }
0x247: {  	s0 =	smulhi.u32 $0xAAAAAAAB, s23;
	_ =	sdelay $0x1  }
0x248: {  	s0 =	sshrl.u32 s0, $0x1  }
0x249: {  	s0 =	smul.u32 $0x3, s0;
	_ =	sdelay $0x1  }
0x24a: {  	s0 =	ssub.s32 s23, s0  }
0x24b: {  	s1 =	simm.s32 $0x1;
	s0 =	smul.u32 $0x6C0, s0  }
.Ltmp10:
0x24c: {  	s1 =	simm.s32 @!p0 $0x0;
	(pc) =	sbr.rel .LBB3_4-.Ltmp10, $4  }
0x24d: {  	s1 =	smul.u32 $0x36000, s1  }
0x24e: {  	p3 =	slt.s32 @!p2 s22, $0x1B0;
	s0 =	sshrl.u32 s0, $0x2  }
0x24f: {  	p2 =	por !p3, p2;
	s1 =	sshrl.u32 s1, $0x2;
	s0 =	sadd.s32 $0x3888, s0  }
0x250: {  	s24 =	simm.s32 $0x0;
	s22 =	simm.s32 @p2 $0x1B0;
	s23 =	sadd.s32 $0x40F8, s1;
	v1 =	vmov s0  }
.LBB3_3:
0x251: {  	p2 =	sge.s32 s24, s22  }
.Ltmp11:
0x252: {  	_ = 	snop;
	(pc) =	sbr.rel @p2 .LBB3_7-.Ltmp11, $2  }
0x253: {  	_ =	sdelay $0x2  }
0x254: {  	s23 =	sadd.s32 $0x800, s23  }
.LBB3_4:
0x255: {  	p2 =	sle.s32 s22, s24  }
.Ltmp12:
0x256: {  	_ = 	snop;
	(pc) =	sbr.rel @p2 .LBB3_3-.Ltmp12, $2  }
0x257: {  	_ =	sdelay $0x2  }
0x258: {  	s0 =	smov.u32 s24;
	s24 =	sadd.s32 $0x10, s24  }
0x259: {  	s1 =	ssub.s32 s22, s0  }
0x25a: {  	p2 =	slt.s32 s1, $0x10  }
0x25b: {  	s1 =	simm.s32 @!p2 $0x10  }
0x25c: {  	v2 =	vmov s1  }
0x25d: {  	vm0 =	vgt.s32 v2, v0;
	_ =	sdelay $0x5  }
0x25e: {  	v2 =	vld.idx.msk [tilespmem:v1+s0+$0x0 ss:$0x1], vm0;
	_ =	sdelay $0x2  }
0x25f: {  	p2 =	slt.s32 s24, s22;
	s1 =	smov.u32 s22  }
0x260: {  	s2 =	smov.u32 s23;
	s25 =	simm.s32 $0x0;
	s1 =	smov.u32 @p2 s24  }
.LBB3_6:
0x261: {  	(v2sf) =	vpush v2, s25;
	_ =	sdelay $0xc  }
0x262: {  	s25 =	sadd.s32 $0x1, s25  }
0x263: {  	s31 =	sadd.s32 s25, s0  }
0x264: {  	p2 =	slt.s32 s31, s1;
	s5 =	spop (v2sf)  }
.Ltmp13:
0x265: {  	s5 =	sshll.u32 s5, $0x4;
	(pc) =	sbr.rel @p2 .LBB3_6-.Ltmp13, $4  }
0x266: {  	s5 =	sand.u32 $0x1FFFFFF0, s5  }
0x267: {  	s5 =	sadd.s32 s11, s5  }
0x268: {  	[tilespmem:s2], [sflag:$0x9] =	stream.linear.gather [hbm4b:s5+s16], $0x10, $0x38;
	[tilespmem:$0x1F0F8] =	vst v63  }
0x269: {  	s2 =	sadd.s32 $0x80, s2  }
.Ltmp14:
0x26a: {  	_ = 	snop;
	(pc) =	sbr.rel .LBB3_3-.Ltmp14, $1  }
0x26b: {  	_ =	sdelay $0x3  }
.LBB3_7:
0x26c: {  	p2 =	slt.u32 s20, $0x2  }
.Ltmp15:
0x26d: {  	_ = 	snop;
	(pc) =	sbr.rel @p2 .LBB3_20-.Ltmp15, $1  }
0x26e: {  	_ =	sdelay $0x3  }
0x26f: {  	p2 =	sgt.s32 s21, $0x14E50  }
0x270: {  	s0 =	smov.u32 s21;
	s1 =	sshra.s32 s21, $0x1F;
	s2 =	ssub.s32 $0x15000, s21  }
0x271: {  	s0 =	simm.s32 @!p2 $0x14E50;
	s1 =	sand.u32 s1, s21;
	p2 =	slt.s32 s2, $0x1B0  }
0x272: {  	s0 =	ssub.s32 s0, s1;
	s2 =	simm.s32 @!p2 $0x1B0  }
0x273: {  	s0 =	sadd.s32 $0xFFFEB1B0, s0;
	s24 =	sshll.u32 s2, $0x4  }
0x274: {  	s28 =	simm.s32 $0x9;
	s25 =	sshll.u32 s0, $0x2;
	s1 =	sand.u32 $0x3FFFFFF0, s24  }
0x275: {  	p2 =	sgt.s32 s0, $0x1AF;
	s26 =	ssub.s32 $0x6C0, s25;
	_ =	swait.ge [sflag:s28], s1  }
0x276: {  	s1 =	ssub.s32 $0x0, s1;
	[sflag:s28] =	ssyncset.done $0x0;
	s0 =	sshrl.u32 s26, $0x2  }
0x277: {  	s30 =	simm.s32 $0xB;
	[sflag:s28] =	ssyncadd.s32 s1;
	s0 =	simm.s32 @p2 $0x0  }
0x278: {  	_ =	swait.ge [sflag:s30], s0  }
0x279: {  	s0 =	ssub.s32 $0x0, s0;
	[sflag:s30] =	ssyncset.done $0x0  }
0x27a: {  	[sflag:s30] =	ssyncadd.s32 s0  }
0x27b: {  	v1 =	vld [tilespmem:$0x3648];
	_ =	sdelay $0x4  }
0x27c: {  	(v2sf) =	vpush v1, $0x0  }
0x27d: {  	(v2sf) =	vpush v1, $0x1  }
0x27e: {  	(v2sf) =	vpush v1, $0x2;
	_ =	sdelay $0x3  }
0x27f: {  	s0 =	sadd.s32 $0x1B0, s21  }
0x280: {  	s1 =	ssub.s32 $0x2A000, s21;
	p2 =	slt.s32 s7, s0  }
0x281: {  	s0 =	smov.u32 @p2 s7;
	p2 =	sgt.s32 s1, $0x0  }
0x282: {  	s25 =	ssub.s32 s0, s21;
	s1 =	simm.s32 @!p2 $0x0  }
0x283: {  	p2 =	slt.s32 s1, s25  }
0x284: {  	s25 =	smov.u32 @p2 s1  }
0x285: {  	s24 =	simm.s32 $0x1;
	p2 =	slt.s32 s25, $0x1  }
.Ltmp16:
0x286: {  	s24 =	simm.s32 @!p4 $0x0;
	(pc) =	sbr.rel @p2 .LBB3_12-.Ltmp16, $4  }
0x287: {  	s31 =	smul.u32 $0x6C0, s24  }
0x288: {  	s26 =	spop (v2sf)  }
0x289: {  	s0 =	sshrl.u32 s31, $0x2;
	s29 =	spop (v2sf)  }
0x28a: {  	s22 =	sadd.s32 $0x3D98, s0;
	s21 =	spop (v2sf)  }
0x28b: {  	s0 =	smin.u32 s25, $0x10  }
0x28c: {  	v1 =	vmov s0  }
0x28d: {  	p3 =	sgt.s32 s25, $0x10;
	vm1 =	vgt.u32 v1, v0  }
.Ltmp17:
0x28e: {  	_ = 	snop;
	(pc) =	sbr.rel @!p3 .LBB3_11-.Ltmp17, $2  }
0x28f: {  	_ =	sdelay $0x2  }
0x290: {  	s23 =	simm.s32 $0x10;
	s28 =	sadd.s32 $0xFFFFFFF0, s25;
	s0 =	smov.u32 s22;
	vm0 =	vmmov vm1  }
.LBB3_10:
0x291: {  	s1 =	smin.u32 s28, $0x10;
	s23 =	sadd.s32 $0x10, s23;
	v1 =	vld.msk [tilespmem:s0+$0x0 ss:$0x1], vm1  }
0x292: {  	v2 =	vmov s1;
	p3 =	slt.s32 s23, s25  }
0x293: {  	vm1 =	vgt.u32 v2, v0  }
.Ltmp18:
0x294: {  	(pc) =	sbr.rel @p3 .LBB3_10-.Ltmp18, $3  }
0x295: {  	_ =	sdelay $0x1  }
0x296: {  	v1 =	vshll.u32 v1, $0x4  }
0x297: {  	s28 =	sadd.s32 $0xFFFFFFF0, s28;
	[tilespmem:s0+$0x0] =	vst.msk vm0, v1;
	s0 =	sadd.s32 $0x10, s0;
	vm0 =	vmmov vm1  }
.LBB3_11:
0x298: {  	_ =	sdelay $0x4  }
0x299: {  	v1 =	vld.msk [tilespmem:s0+$0x0 ss:$0x1], vm1;
	_ =	sdelay $0x4  }
0x29a: {  	v1 =	vshll.u32 v1, $0x4  }
0x29b: {  	[tilespmem:s0+$0x0] =	vst.msk vm0, v1  }
.LBB3_12:
0x29c: {  	s0 =	sand.u32 $0x1, s20  }
0x29d: {  	s0 =	smul.u32 $0x1B0, s0  }
0x29e: {  	p3 =	sne.s32 s29, $0xFFFFFFFF  }
0x29f: {  	v1 =	vld.msk @!p3 [tilespmem:s0+$0x3D98], $0x1;
	_ =	sdelay $0x4  }
0x2a0: {  	(v2sf) =	vpush @!p3 v1, $0x0;
	_ =	sdelay $0xc  }
.Ltmp19:
0x2a1: {  	_ = 	snop;
	(pc) =	sbr.rel @p2 .LBB3_18-.Ltmp19, $4  }
0x2a2: {  	_ = 	snop  }
0x2a3: {  	s28 =	spop @!p3 (v2sf)  }
0x2a4: {  	s21 =	simm.s32 @!p3 $0x0;
	s23 =	smov.u32 s28  }
0x2a5: {  	[sflag:s17] =	ssyncpa.u1 $0x0;
	s28 =	smov.u32 @p3 s26;
	s23 =	smov.u32 @p3 s29  }
0x2a6: {  	v1 =	vld.msk [tilespmem:s22+$0x0], $0x1;
	_ =	sdelay $0x4  }
0x2a7: {  	(v2sf) =	vpush v1, $0x0;
	_ =	sdelay $0xe  }
0x2a8: {  	s0 =	simm.s32 @!p4 $0x0;
	s26 =	smul.u32 $0x36000, s24;
	s31 =	spop (v2sf)  }
0x2a9: {  	s29 =	ssub.s32 $0x0, s25;
	s0 =	simm.s32 @p4 $0x1;
	p2 =	seq.s32 s28, s31  }
0x2aa: {  	s1 =	smov.u32 s28;
	[smem:$0x7FD] =	sst s0;
	p3 =	sgt.s32 @!p2 s28, $0x0  }
0x2ab: {  	s0 =	sshrl.u32 s26, $0x2;
	s26 =	sadd.s32 $0x1, s29;
	p3 =	por !p3, p2  }
0x2ac: {  	s1 =	simm.s32 @p3 $0x0;
	p3 =	seq.s32 s26, $0x0  }
.Ltmp20:
0x2ad: {  	_ = 	snop;
	(pc) =	sbr.rel @p3 .LBB3_15-.Ltmp20, $4  }
0x2ae: {  	s6 =	smov.u32 s4;
	s25 =	simm.s32 $0x0  }
0x2af: {  	s24 =	sadd.s32 $0x40F8, s0;
	s0 =	simm.s32 @!p2 $0x1;
	s2 =	smin.u32 @!p2 s1, $0x50FFE  }
0x2b0: {  	s30 =	sadd.s32 $0x1, s22;
	s0 =	smov.u32 @p2 s25;
	s5 =	sand.u32 @!p2 $0x7FFF8, s2  }
0x2b1: {  	s1 =	simm.s32 @!p2 $0x1B38;
	s2 =	sand.u32 @!p2 $0x7, s2;
	s5 =	sadd.s32 @!p2 s3, s5  }
.LBB3_14:
0x2b2: {  	s4 =	smov.u32 s0  }
0x2b3: {  	[tilespmem:s1], [sflag:$0x2] =	stream.linear.gather @!p2 [hbm4b:s5+s2], $0x10, $0x38;
	[tilespmem:$0x1F0F8] =	vst v63  }
0x2b4: {  	s26 =	sadd.s32 $0x1, s26;
	s2 =	smov.u32 s31;
	v1 =	vld.msk [tilespmem:s30+$0x0], $0x1  }
0x2b5: {  	p3 =	seq.s32 s26, $0x0;
	_ =	sdelay $0x3  }
0x2b6: {  	(v2sf) =	vpush v1, $0x0;
	_ =	sdelay $0xe  }
0x2b7: {  	s31 =	spop (v2sf)  }
0x2b8: {  	p2 =	seq.s32 s2, s31  }
0x2b9: {  	p4 =	sgt.s32 @!p2 s2, $0x0;
	s1 =	sshll.u32 @!p2 s0, $0x6;
	s0 =	sadd.s32 @!p2 $0x1, s0  }
.Ltmp21:
0x2ba: {  	p4 =	por !p4, p2;
	s1 =	sshra.s32 @!p2 s1, $0x2;
	(pc) =	sbr.rel @!p3 .LBB3_14-.Ltmp21, $4  }
0x2bb: {  	s0 =	smov.u32 @p2 s4;
	s2 =	simm.s32 @p4 $0x0;
	s1 =	sadd.s32 @!p2 $0x1B38, s1  }
0x2bc: {  	s2 =	smin.u32 @!p2 s2, $0x50FFE  }
0x2bd: {  	s4 =	sand.u32 @!p2 $0x7FFF8, s2;
	s2 =	sand.u32 @!p2 $0x7, s2  }
0x2be: {  	s30 =	sadd.s32 $0x1, s30;
	s5 =	sadd.s32 @!p2 s3, s4  }
.LBB3_15:
0x2bf: {  	[tilespmem:s1], [sflag:$0x2] =	stream.linear.gather @!p2 [hbm4b:s5+s2], $0x10, $0x38;
	[tilespmem:$0x1F0F8] =	vst v63  }
0x2c0: {  	s0 =	sshll.u32 s0, $0x4  }
0x2c1: {  	s31 =	simm.s32 $0x2;
	s0 =	sand.u32 $0x3FFFFFF0, s0  }
0x2c2: {  	_ =	swait.ge [sflag:s31], s0  }
0x2c3: {  	s0 =	ssub.s32 $0x0, s0;
	[sflag:s31] =	ssyncset.done $0x0  }
0x2c4: {  	[sflag:s31] =	ssyncadd.s32 s0  }
0x2c5: {  	v1 =	vld.msk [tilespmem:s22+$0x0], $0x1;
	_ =	sdelay $0x4  }
0x2c6: {  	(v2sf) =	vpush v1, $0x0;
	_ =	sdelay $0xe  }
0x2c7: {  	s26 =	spop (v2sf)  }
0x2c8: {  	p2 =	sne.s32 s28, s26  }
0x2c9: {  	p4 =	sne.s32 @p2 s28, s23  }
0x2ca: {  	p3 =	por !p4, !p2  }
0x2cb: {  	s0 =	simm.s32 @!p3 $0x0  }
0x2cc: {  	v1 =	vld @!p3 [tilespmem:s0+$0x1B38]  }
0x2cd: {  	p5 =	sgt.u32 @!p3 s28, $0x50FFE  }
0x2ce: {  	s1 =	sshll.u32 @!p3 s21, $0x6;
	p6 =	por @p2 p5, !p4  }
0x2cf: {  	s1 =	sshra.s32 @!p3 s1, $0x2;
	p1 =	por p6, !p2;
	p6 =	por p4, !p2  }
0x2d0: {  	s2 =	sadd.s32 @!p3 $0x28, s1;
	s4 =	sand.u32 @!p1 $0x7FFF8, s28;
	s5 =	sshll.u32 @!p6 s21, $0x6  }
0x2d1: {  	s28 =	sand.u32 @!p1 $0x7, s28;
	[tilespmem:s1+$0x28] =	vst.add.f32.msk @!p3 $0xffff, v1;
	s1 =	sadd.s32 @!p1 s3, s4;
	s4 =	sshra.s32 @!p6 s5, $0x2  }
0x2d2: {  	[hbm4b:s1+s28] =	stream.linear.scatter @!p1 [tilespmem:s2], [sflag:$0xC], $0x10, $0x38;
	[tilespmem:$0x1F0F8] =	vst v63  }
0x2d3: {  	s0 =	rddreg [dreg:$0x4];
	s1 =	sadd.s32 @!p6 $0x28, s4;
	s2 =	simm.s32 @!p6 $0x1  }
0x2d4: {  	[spmem:s0] =	stream.linear.scatter @!p6 [tilespmem:s1], [sflag:$0x1], $0x10, $0x38;
	[tilespmem:$0x1F0F8] =	vst v63  }
0x2d5: {  	s0 =	sadd.s32 @p2 $0x1, s21;
	_ =	swait.ge @!p6 [sflag:s2], $0x10  }
0x2d6: {  	s1 =	sshrl.u32 @p2 s0, $0x4;
	[sflag:s2] =	ssyncset.done @!p6 $0x0  }
0x2d7: {  	s1 =	smulhi.u32 @p2 $0x97B425F, s1;
	[sflag:s2] =	ssyncadd.s32 @!p6 $0xFFFFFFF0  }
0x2d8: {  	s28 =	sadd.s32 $0x1, s29;
	v1 =	vld @p2 [tilespmem:s24+$0x0]  }
0x2d9: {  	p1 =	por @p2 !p5, !p4;
	p4 =	seq.s32 s28, $0x0;
	s1 =	smul.u32 @p2 $0x1B0, s1  }
.Ltmp22:
0x2da: {  	p1 =	por !p1, !p2;
	s2 =	simm.s32 @!p3 $0x0;
	(pc) =	sbr.rel @p4 .LBB3_17-.Ltmp22, $4  }
0x2db: {  	s4 =	sshll.u32 @!p2 s21, $0x6;
	s2 =	simm.s32 @!p1 $0x40;
	s0 =	ssub.s32 @p2 s0, s1  }
0x2dc: {  	s29 =	simm.s32 $0x0;
	s2 =	sadd.s32 @!p3 $0x0, s2;
	s5 =	sshll.u32 @p2 s0, $0x4  }
0x2dd: {  	s30 =	sshra.s32 @!p2 s4, $0x2;
	s1 =	simm.s32 @p2 $0x1;
	s2 =	smov.u32 @p3 s25;
	[tilespmem:s5+$0x28] =	vst @p2 v1  }
0x2de: {  	s21 =	smov.u32 @p2 s0;
	s29 =	smov.u32 @p2 s2;
	s25 =	smov.u32 @p2 s1;
	v1 =	vld @!p2 [tilespmem:s24+$0x0]  }
.LBB3_16:
0x2df: {  	_ =	sdelay $0x3  }
0x2e0: {  	s22 =	sadd.s32 $0x1, s22;
	[tilespmem:s30+$0x28] =	vst.add.f32.msk @!p2 $0xffff, v1  }
0x2e1: {  	v1 =	vld.msk [tilespmem:s22+$0x0], $0x1;
	_ =	sdelay $0x4  }
0x2e2: {  	(v2sf) =	vpush v1, $0x0;
	_ =	sdelay $0xe  }
0x2e3: {  	s0 =	smov.u32 s26;
	s26 =	spop (v2sf)  }
0x2e4: {  	p2 =	sne.s32 s0, s26  }
0x2e5: {  	p5 =	sne.s32 @p2 s0, s23  }
0x2e6: {  	s4 =	sshll.u32 @!p2 s21, $0x6;
	p4 =	por !p5, !p2  }
0x2e7: {  	s30 =	sshra.s32 @!p2 s4, $0x2;
	s4 =	sshll.u32 @!p4 s25, $0x6  }
0x2e8: {  	s4 =	sshra.s32 @!p4 s4, $0x2  }
0x2e9: {  	p1 =	sgt.u32 @!p4 s0, $0x50FFE;
	v1 =	vld @!p4 [tilespmem:s4+$0x1B38]  }
0x2ea: {  	s31 =	sshll.u32 @!p4 s21, $0x6;
	p6 =	por @p2 p1, !p5;
	p1 =	por @p2 !p1, !p5  }
0x2eb: {  	s8 =	simm.s32 @!p4 $0x0;
	s31 =	sshra.s32 @!p4 s31, $0x2;
	p1 =	por !p1, !p2  }
0x2ec: {  	p5 =	por p5, !p2;
	s8 =	simm.s32 @!p1 $0x40;
	p1 =	por p6, !p2  }
0x2ed: {  	s4 =	sadd.s32 @!p4 $0x28, s31;
	s13 =	sshll.u32 @!p5 s21, $0x6;
	s10 =	sand.u32 @!p1 $0x7FFF8, s0  }
0x2ee: {  	s13 =	sshra.s32 @!p5 s13, $0x2;
	s0 =	sand.u32 @!p1 $0x7, s0;
	s10 =	sadd.s32 @!p1 s3, s10;
	[tilespmem:s31+$0x28] =	vst.add.f32.msk @!p4 $0xffff, v1  }
0x2ef: {  	[hbm4b:s10+s0] =	stream.linear.scatter @!p1 [tilespmem:s4], [sflag:$0xC], $0x10, $0x38;
	[tilespmem:$0x1F0F8] =	vst v63  }
0x2f0: {  	s1 =	rddreg [dreg:$0x4];
	s0 =	sadd.s32 @!p5 $0x28, s13;
	s4 =	simm.s32 @!p5 $0x1  }
0x2f1: {  	[spmem:s1] =	stream.linear.scatter @!p5 [tilespmem:s0], [sflag:$0x1], $0x10, $0x38;
	[tilespmem:$0x1F0F8] =	vst v63  }
0x2f2: {  	s2 =	sadd.s32 @p2 $0x1, s21;
	_ =	swait.ge @!p5 [sflag:s4], $0x10  }
0x2f3: {  	s5 =	sshrl.u32 @p2 s2, $0x4;
	[sflag:s4] =	ssyncset.done @!p5 $0x0  }
0x2f4: {  	s24 =	sadd.s32 $0x80, s24;
	s5 =	smulhi.u32 @p2 $0x97B425F, s5;
	[sflag:s4] =	ssyncadd.s32 @!p5 $0xFFFFFFF0  }
0x2f5: {  	s28 =	sadd.s32 $0x1, s28;
	v1 =	vld @p2 [tilespmem:s24+$0x0]  }
0x2f6: {  	p3 =	seq.s32 s28, $0x0;
	s5 =	smul.u32 @p2 $0x1B0, s5  }
.Ltmp23:
0x2f7: {  	_ = 	snop;
	(pc) =	sbr.rel @!p3 .LBB3_16-.Ltmp23, $4  }
0x2f8: {  	s2 =	ssub.s32 @p2 s2, s5  }
0x2f9: {  	s8 =	sadd.s32 @!p4 s8, s29;
	s5 =	sshll.u32 @p2 s2, $0x4  }
0x2fa: {  	s9 =	sadd.s32 @p2 $0x1, s25;
	s8 =	smov.u32 @p4 s29;
	[tilespmem:s5+$0x28] =	vst @p2 v1  }
0x2fb: {  	s25 =	smov.u32 @p2 s9;
	s21 =	smov.u32 @p2 s2;
	s29 =	smov.u32 @p2 s8;
	v1 =	vld @!p2 [tilespmem:s24+$0x0]  }
.LBB3_17:
.Ltmp24:
0x2fc: {  	_ = 	snop;
	(pc) =	sbr.rel .LBB3_19-.Ltmp24, $3  }
0x2fd: {  	s1 =	sld [smem:$0x7FD];
	_ =	sdelay $0x1  }
0x2fe: {  	s0 =	sshrl.u32 s29, $0x2;
	s28 =	smov.u32 s26  }
0x2ff: {  	s4 =	smov.u32 s6;
	s6 =	rddreg [dreg:$0x6];
	p4 =	seq.s32 s1, $0x1;
	[tilespmem:s30+$0x28] =	vst.add.f32.msk @!p2 $0xffff, v1  }
.LBB3_21:
0x300: {  	_ =	sfence.sel $0x180000  }
0x301: {  	s0 =	simm.s32 $0x9;
	[bflag:$0x0] =	sbarrier.arrive $0xFFFF  }
0x302: {  	s24 =	simm.s32 $0xA;
	[sflag:s0] =	ssyncpa.u1 $0x1  }
0x303: {  	s25 =	simm.s32 $0xB;
	[sflag:s24] =	ssyncpa.u1 $0x1  }
0x304: {  	s26 =	simm.s32 $0x2;
	[sflag:s25] =	ssyncpa.u1 $0x1  }
0x305: {  	[sflag:s26] =	ssyncpa.u1 $0x1  }
0x306: {  	v0 =	vld [tilespmem:$0x3648];
	_ =	sdelay $0x4  }
0x307: {  	(v2sf) =	vpush v0, $0x0  }
0x308: {  	(v2sf) =	vpush v0, $0x1;
	_ =	sdelay $0x1  }
0x309: {  	(v2sf) =	vpush v0, $0x2;
	_ =	sdelay $0xb  }
0x30a: {  	s0 =	spop (v2sf)  }
0x30b: {  	s1 =	spop (v2sf)  }
0x30c: {  	s2 =	smov.u32 s0;
	p0 =	sne.s32 s0, s1  }
0x30d: {  	s4 =	spop (v2sf);
	s2 =	simm.s32 @!p0 $0xFFFFFFFF  }
0x30e: {  	v2 =	vimm.s32 $0x1;
	v3 =	vlaneseq.u32;
	p0 =	seq.s32 s4, $0xFFFFFFFF;
	v1 =	vmov s2  }
0x30f: {  	s16 =	stileid.u32;
	v0 =	vperm.xlane v0, v2;
	p1 =	sne.s32 @!p0 s0, s1;
	v1 =	vperm.xlane v1, v3  }
0x310: {  	vm0 =	vcmask $0x3F04;
	s6 =	simm.s32 $0x3648;
	s0 =	simm.s32 @!p0 $0x1;
	p1 =	por !p1, p0  }
0x311: {  	s2 =	sshll.u32 s16, $0x1;
	s1 =	sshll.u32 @!p0 s4, $0x6;
	s0 =	simm.s32 @p1 $0x0;
	v0 =	vsel vm0, v1, v0  }
0x312: {  	s5 =	sor.u32 $0x200, s2;
	s1 =	sshra.s32 @!p0 s1, $0x2;
	s0 =	sor.u32 @!p0 s0, s2;
	[tilespmem:$0x3648] =	vst v0  }
0x313: {  	[spmem:s5] =	stream.linear.scatter [tilespmem:s6], [sflag:$0x1], $0x2, $0x38;
	[tilespmem:$0x1F0F8] =	vst v63  }
0x314: {  	s1 =	sadd.s32 @!p0 $0x28, s1;
	s0 =	sshll.u32 @!p0 s0, $0x4  }
0x315: {  	[spmem:s0] =	stream.linear.scatter @!p0 [tilespmem:s1], [sflag:$0x1], $0x10, $0x38;
	[tilespmem:$0x1F0F8] =	vst v63  }
0x316: {  	s0 =	simm.s32 @!p0 $0x12  }
0x317: {  	s28 =	simm.s32 $0x1;
	s0 =	simm.s32 @p0 $0x2  }
0x318: {  	_ =	swait.ge [sflag:s28], s0  }
0x319: {  	s0 =	ssub.s32 $0x0, s0;
	[sflag:s28] =	ssyncset.done $0x0  }
0x31a: {  	p0 =	sne.s32 s16, $0x0;
	[sflag:s28] =	ssyncadd.s32 s0  }
.Ltmp25:
0x31b: {  	_ =	sfence.stream.spmem;
	(pc) =	sbr.rel @p0 .LBB3_38-.Ltmp25, $4  }
0x31c: {  	s29 =	simm.s32 $0x3;
	[bflag:$0x0] =	sbarrier.arrive $0xFFFF  }
0x31d: {  	s30 =	simm.s32 $0x4;
	[sflag:s29] =	ssyncpa.u1 $0x1  }
0x31e: {  	s31 =	simm.s32 $0x3C;
	[sflag:s30] =	ssyncpa.u1 $0x1  }
0x31f: {  	s17 =	rddreg [dreg:$0x5];
	[sflag:s31] =	ssyncpa.u1 $0x1  }
0x320: {  	_ =	sfence.stream.spmem;
	s0 =	simm.s32 $0x5  }
0x321: {  	s1 =	simm.s32 $0x200;
	s2 =	simm.s32 $0x3658;
	[sflag:s0] =	ssyncpa.u1 $0x0  }
0x322: {  	[tilespmem:s2], [sflag:$0x5] =	stream.linear.gather [spmem:s1], $0x20, $0x38;
	[tilespmem:$0x1F0F8] =	vst v63  }
0x323: {  	s26 =	simm.s32 $0x0;
	s28 =	simm.s32 $0x3678  }
0x324: {  	[tilespmem:s28], [sflag:$0x5] =	stream.linear.gather [spmem:s26], $0x200, $0x38;
	[tilespmem:$0x1F0F8] =	vst v63  }
0x325: {  	_ =	swait.ge [sflag:s0], $0x220  }
0x326: {  	[sflag:s0] =	ssyncset.done $0x0  }
0x327: {  	s29 =	simm.s32 $0x0;
	[sflag:s0] =	ssyncadd.s32 $0xFFFFFDE0  }
0x328: {  	v0 =	vld.msk [tilespmem:s29+$0x3658], $0x1;
	_ =	sdelay $0x1  }
0x329: {  	s30 =	simm.s32 $0x1  }
0x32a: {  	v1 =	vld.msk [tilespmem:s30+$0x3658], $0x1;
	_ =	sdelay $0x1  }
0x32b: {  	(v2sf) =	vpush v0, $0x0;
	_ =	sdelay $0x2  }
0x32c: {  	(v2sf) =	vpush v1, $0x0;
	_ =	sdelay $0x2  }
0x32d: {  	s31 =	simm.s32 $0x2  }
0x32e: {  	v0 =	vld.msk [tilespmem:s31+$0x3658], $0x1;
	_ =	sdelay $0x2  }
0x32f: {  	s6 =	simm.s32 $0xFFFFFFFF;
	s1 =	simm.s32 $0xFFFFFFFF;
	s0 =	simm.s32 $0xC  }
.LBB3_23:
0x330: {  	s2 =	smov.u32 s6;
	s4 =	smov.u32 s1  }
0x331: {  	s1 =	sshra.s32 s0, $0x2;
	p1 =	sne.s32 s0, $0x7C;
	s0 =	sadd.s32 $0x4, s0;
	(v2sf) =	vpush v0, $0x0  }
0x332: {  	v0 =	vld.msk [tilespmem:s1+$0x3658], $0x1  }
.Ltmp26:
0x333: {  	(pc) =	sbr.rel @p1 .LBB3_23-.Ltmp26, $4  }
0x334: {  	s6 =	spop (v2sf)  }
0x335: {  	p2 =	sne.s32 s4, $0xFFFFFFFF;
	s1 =	smov.u32 s6  }
0x336: {  	p3 =	seq.s32 s6, $0xFFFFFFFF;
	s1 =	smov.u32 @p2 s4  }
0x337: {  	s6 =	smov.u32 @p3 s2;
	s1 =	smov.u32 @p3 s4  }
0x338: {  	(v2sf) =	vpush v0, $0x0;
	_ =	sdelay $0x8  }
0x339: {  	s0 =	spop (v2sf)  }
0x33a: {  	p1 =	sne.s32 s1, $0xFFFFFFFF;
	s2 =	smov.u32 s0  }
0x33b: {  	s9 =	simm.s32 $0x6;
	p2 =	seq.s32 s0, $0xFFFFFFFF;
	s2 =	smov.u32 @p1 s1  }
0x33c: {  	s10 =	simm.s32 $0x3638;
	s2 =	smov.u32 @p2 s1;
	s1 =	spop (v2sf)  }
0x33d: {  	s0 =	smov.u32 @p2 s6;
	p1 =	sne.s32 s2, $0xFFFFFFFF;
	s4 =	smov.u32 s1  }
.Ltmp27:
0x33e: {  	p2 =	seq.s32 s1, $0xFFFFFFFF;
	s4 =	smov.u32 @p1 s2;
	(pc) =	sbr.rel .LBB3_25-.Ltmp27, $4  }
0x33f: {  	s11 =	simm.s32 $0x0;
	s4 =	smov.u32 @p2 s2;
	s7 =	spop (v2sf)  }
0x340: {  	[sflag:s9] =	ssyncpa.u1 $0x0;
	p1 =	sne.s32 s4, $0xFFFFFFFF;
	s8 =	smov.u32 s7  }
0x341: {  	s1 =	smov.u32 @p2 s0;
	p2 =	seq.s32 s7, $0xFFFFFFFF;
	s8 =	smov.u32 @p1 s4  }
0x342: {  	s6 =	simm.s32 $0x0;
	s7 =	smov.u32 @p2 s1;
	s8 =	smov.u32 @p2 s4  }
.LBB3_30:
0x343: {  	p1 =	sgt.u32 s12, $0x50FFE  }
0x344: {  	p2 =	seq.s32 @!p1 s12, s8  }
0x345: {  	p1 =	por p1, p2  }
0x346: {  	p2 =	sne.s32 @!p1 s12, s7  }
0x347: {  	p1 =	por p1, !p2  }
0x348: {  	s0 =	sshll.u32 @p1 s11, $0x6  }
0x349: {  	s0 =	sand.u32 @!p1 $0x7FFF8, s12  }
0x34a: {  	s1 =	sand.u32 @!p1 $0x7, s12;
	s0 =	sadd.s32 @!p1 s3, s0  }
0x34b: {  	[tilespmem:s10], [sflag:$0x6] =	stream.linear.gather @!p1 [hbm4b:s0+s1], $0x10, $0x38;
	[tilespmem:$0x1F0F8] =	vst v63  }
0x34c: {  	_ =	swait.ge @!p1 [sflag:s9], $0x10  }
0x34d: {  	[sflag:s9] =	ssyncset.done @!p1 $0x0  }
0x34e: {  	[sflag:s9] =	ssyncadd.s32 @!p1 $0xFFFFFFF0  }
0x34f: {  	v1 =	vld @!p1 [tilespmem:$0x3638];
	_ =	sdelay $0x2  }
0x350: {  	s0 =	sshll.u32 @!p1 s11, $0x6  }
0x351: {  	s1 =	sshrl.u32 @!p1 s0, $0x2  }
0x352: {  	[tilespmem:s1+$0x3678] =	vst.add.f32.msk @!p1 $0xffff, v1  }
0x353: {  	s0 =	sshrl.u32 s0, $0x2;
	[tilespmem:s6+$0x3658] =	vst.msk $0x1, v0  }
0x354: {  	v0 =	vld [tilespmem:s0+$0x3678];
	_ =	sdelay $0x2  }
0x355: {  	s31 =	sshll.u32 s6, $0x6  }
0x356: {  	s0 =	sshra.s32 s31, $0x2  }
0x357: {  	s6 =	sadd.s32 $0x1, s6;
	[tilespmem:s0+$0x3678] =	vst v0  }
.LBB3_32:
0x358: {  	s11 =	sadd.s32 $0x1, s11  }
0x359: {  	p1 =	sne.s32 s11, $0x20  }
.Ltmp28:
0x35a: {  	_ = 	snop;
	(pc) =	sbr.rel @!p1 .LBB3_33-.Ltmp28, $1  }
0x35b: {  	_ =	sdelay $0x3  }
.LBB3_25:
0x35c: {  	v0 =	vld.msk [tilespmem:s11+$0x3658], $0x1;
	_ =	sdelay $0x4  }
0x35d: {  	(v2sf) =	vpush v0, $0x0;
	_ =	sdelay $0xe  }
0x35e: {  	s12 =	spop (v2sf)  }
0x35f: {  	p1 =	seq.s32 s12, $0xFFFFFFFF  }
.Ltmp29:
0x360: {  	_ = 	snop;
	(pc) =	sbr.rel @p1 .LBB3_32-.Ltmp29, $1  }
0x361: {  	_ =	sdelay $0x3  }
0x362: {  	p1 =	slt.s32 s6, $0x1  }
.Ltmp30:
0x363: {  	_ = 	snop;
	(pc) =	sbr.rel @p1 .LBB3_30-.Ltmp30, $1  }
0x364: {  	_ =	sdelay $0x3  }
0x365: {  	s13 =	simm.s32 $0x3658;
	p1 =	por $0x0, $0x0  }
0x366: {  	v1 =	vld.msk @!p1 [tilespmem:s13+$0x0], $0x1;
	_ =	sdelay $0x4  }
0x367: {  	(v2sf) =	vpush @!p1 v1, $0x0;
	_ =	sdelay $0xd  }
0x368: {  	p3 =	sne.s32 s6, $0x1  }
.Ltmp31:
0x369: {  	s0 =	spop @!p1 (v2sf);
	(pc) =	sbr.rel @!p3 .LBB3_29-.Ltmp31, $4  }
0x36a: {  	p2 =	seq.s32 @!p1 s12, s0  }
0x36b: {  	s14 =	simm.s32 $0x0;
	p2 =	por !p2, p1  }
0x36c: {  	s0 =	simm.s32 $0xFFFFFFFF;
	s14 =	simm.s32 @p2 $0xFFFFFFFF  }
0x36d: {  	s15 =	simm.s32 $0x1;
	s14 =	smov.u32 @p1 s0  }
.LBB3_28:
0x36e: {  	s0 =	smov.u32 s14;
	p1 =	sne.s32 s14, $0xFFFFFFFF  }
0x36f: {  	s13 =	sadd.s32 $0x1, s13;
	s14 =	smov.u32 s15;
	s15 =	sadd.s32 $0x1, s15  }
0x370: {  	p2 =	sne.s32 s6, s15;
	v1 =	vld.msk @!p1 [tilespmem:s13+$0x0], $0x1;
	_ =	sdelay $0x4  }
0x371: {  	(v2sf) =	vpush @!p1 v1, $0x0;
	_ =	sdelay $0xe  }
.Ltmp32:
0x372: {  	s1 =	spop @!p1 (v2sf);
	(pc) =	sbr.rel @p2 .LBB3_28-.Ltmp32, $4  }
0x373: {  	p3 =	seq.s32 @!p1 s12, s1  }
0x374: {  	p3 =	por !p3, p1  }
0x375: {  	s14 =	simm.s32 @p3 $0xFFFFFFFF  }
0x376: {  	s14 =	smov.u32 @p1 s0  }
.LBB3_29:
0x377: {  	p1 =	sne.s32 s14, $0xFFFFFFFF  }
.Ltmp33:
0x378: {  	_ = 	snop;
	(pc) =	sbr.rel @!p1 .LBB3_30-.Ltmp33, $1  }
0x379: {  	_ =	sdelay $0x3  }
0x37a: {  	s0 =	sshll.u32 s11, $0x4  }
0x37b: {  	s0 =	sand.u32 $0x3FFFFFF0, s0  }
0x37c: {  	v0 =	vld [tilespmem:s0+$0x3678]  }
.Ltmp34:
0x37d: {  	_ = 	snop;
	(pc) =	sbr.rel .LBB3_32-.Ltmp34, $4  }
0x37e: {  	_ = 	snop  }
0x37f: {  	s31 =	sshll.u32 s14, $0x6  }
0x380: {  	s0 =	sshra.s32 s31, $0x2  }
0x381: {  	[tilespmem:s0+$0x3678] =	vst.add.f32.msk $0xffff, v0  }
.LBB3_33:
0x382: {  	s0 =	simm.s32 $0x6;
	p1 =	seq.s32 s6, $0x0  }
0x383: {  	[sflag:s0] =	ssyncpa.u1 $0x1;
	v0 =	vimm.s32 @p1 $0xFFFFFFFF  }
0x384: {  	s9 =	sadd.s32 $0xFFFFFFFF, s6;
	[tilespmem:$0x3878] =	vst @p1 v0  }
0x385: {  	v0 =	vld.msk @!p1 [tilespmem:s9+$0x3658], $0x1;
	_ =	sdelay $0x1  }
0x386: {  	v1 =	vld.msk @!p1 [tilespmem:$0x3658], $0x1;
	_ =	sdelay $0x2  }
0x387: {  	p2 =	seq.s32 @!p1 s9, $0x0;
	v0 =	vbroadcast @!p1 v0, $0x0  }
0x388: {  	vm0 =	vmmov @!p1 $0x1;
	p2 =	por !p2, p1  }
0x389: {  	v1 =	vnsel @!p1 vm0, $0xFFFFFFFF, v1;
	vm0 =	vcmask @!p1 $0x308;
	v0 =	vpsel !p2, $0xFFFFFFFF, v0  }
0x38a: {  	p2 =	sne.s32 @!p1 s8, s7;
	v0 =	vsel @!p1 vm0, v1, v0  }
0x38b: {  	s0 =	simm.s32 @!p1 $0x3678;
	s1 =	simm.s32 @!p1 $0x0;
	p3 =	por !p2, p1;
	[tilespmem:$0x3878] =	vst @!p1 v0  }
0x38c: {  	[spmem:s1] =	stream.linear.scatter @!p1 [tilespmem:s0], [sflag:$0x1], $0x10, $0x38;
	[tilespmem:$0x1F0F8] =	vst v63  }
0x38d: {  	s0 =	sshll.u32 @!p3 s9, $0x6  }
0x38e: {  	s0 =	sshra.s32 @!p3 s0, $0x2  }
0x38f: {  	s1 =	simm.s32 @!p3 $0x10;
	s0 =	sadd.s32 @!p3 $0x3678, s0  }
0x390: {  	[spmem:s1] =	stream.linear.scatter @!p3 [tilespmem:s0], [sflag:$0x1], $0x10, $0x38;
	[tilespmem:$0x1F0F8] =	vst v63  }
0x391: {  	s0 =	simm.s32 @!p3 $0x1  }
0x392: {  	_ =	swait.ge @!p3 [sflag:s0], $0x20  }
0x393: {  	p1 =	por p2, p1;
	[sflag:s0] =	ssyncset.done @!p3 $0x0  }
0x394: {  	[sflag:s0] =	ssyncadd.s32 @!p3 $0xFFFFFFE0;
	s0 =	simm.s32 @!p1 $0x1  }
0x395: {  	_ =	swait.ge @!p1 [sflag:s0], $0x10  }
0x396: {  	s29 =	simm.s32 $0x3878;
	[sflag:s0] =	ssyncset.done @!p1 $0x0  }
0x397: {  	s30 =	simm.s32 $0x200;
	s31 =	simm.s32 $0x1;
	[sflag:s0] =	ssyncadd.s32 @!p1 $0xFFFFFFF0  }
0x398: {  	[spmem:s30] =	stream.linear.scatter [tilespmem:s29], [sflag:$0x1], $0x10, $0x38;
	[tilespmem:$0x1F0F8] =	vst v63  }
0x399: {  	_ =	swait.ge [sflag:s31], $0x10  }
0x39a: {  	[sflag:s31] =	ssyncset.done $0x0  }
0x39b: {  	p1 =	seq.s32 s17, $0x0;
	s8 =	rddreg [dreg:$0x1];
	[sflag:s31] =	ssyncadd.s32 $0xFFFFFFF0  }
0x39c: {  	s1 =	sshll.u32 @p1 s8, $0xE;
	s7 =	rddreg [dreg:$0x2]  }
0x39d: {  	s0 =	sadd.s32 @p1 $0x15C3C, s1;
	s1 =	sshll.u32 @p1 s7, $0x11  }
0x39e: {  	_ =	sfence.stream.spmem;
	s0 =	sor.u32 @p1 s1, s0  }
0x39f: {  	[sflag:s0] =	ssyncadd.remote.s32 @p1 $0x1;
	s0 =	simm.s32 @p1 $0x4  }
0x3a0: {  	s2 =	simm.s32 @!p1 $0x3C;
	s1 =	sand.u32 $0xFFFFFFFE, s8;
	_ =	swait.ge @p1 [sflag:s0], $0x6  }
0x3a1: {  	s4 =	simm.s32 @!p1 $0x0;
	s1 =	sadd.s32 @!p1 $0x4, s1;
	[sflag:s0] =	ssyncset.done @p1 $0x0  }
0x3a2: {  	s5 =	simm.s32 @!p1 $0x20;
	[sflag:s0] =	ssyncadd.s32 @p1 $0xFFFFFFFA;
	s0 =	sshll.u32 @!p1 s1, $0x1A  }
0x3a3: {  	s1 =	sshll.u32 @!p1 s1, $0xD;
	s0 =	sor.u32 @!p1 s0, s7;
	_ =	swait.eq @!p1 [sflag:s2], $0x1  }
0x3a4: {  	s1 =	sor.u32 @!p1 $0x1C04, s1;
	s2 =	simm.s32 @!p1 $0x1C03;
	s0 =	sor.u32 @!p1 $0x80004000, s0  }
0x3a5: {  	[spmem:s5], [sflag:s1] =	dma.general @!p1 [spmem:s4], [sflag:s2], length:$0x4, [dreg:$0x0], stride_count:$0x0, ici_dest:s0, dma_misc:DstOpCode:WRITE  }
0x3a6: {  	p2 =	slt.s32 s9, $0x2;
	s4 =	simm.s32 @!p1 $0x40;
	s5 =	simm.s32 @!p1 $0x42  }
0x3a7: {  	[spmem:s5], [sflag:s1] =	dma.general @!p1 [spmem:s4], [sflag:s2], length:$0x2, [dreg:$0x0], stride_count:$0x0, ici_dest:s0, dma_misc:DstOpCode:WRITE  }
.Ltmp35:
0x3a8: {  	s0 =	simm.s32 @!p1 $0x3;
	(pc) =	sbr.rel @p2 .LBB3_37-.Ltmp35, $4  }
0x3a9: {  	s1 =	sshll.u32 @!p1 s8, $0xE;
	_ =	swait.ge @!p1 [sflag:s0], $0x6  }
0x3aa: {  	s2 =	sshll.u32 @!p1 s7, $0x11;
	s1 =	sadd.s32 @!p1 $0x11C3C, s1;
	[sflag:s0] =	ssyncset.done @!p1 $0x0  }
0x3ab: {  	[sflag:s0] =	ssyncadd.s32 @!p1 $0xFFFFFFFA;
	s0 =	sor.u32 @!p1 s2, s1  }
0x3ac: {  	[sflag:s0] =	ssyncadd.remote.s32 @!p1 $0xFFFFFFFF;
	s0 =	simm.s32 $0x0  }
0x3ad: {  	s0 =	simm.s32 $0x3659  }
0x3ae: {  	v0 =	vld.msk [tilespmem:s0+$0x0], $0x1;
	_ =	sdelay $0x4  }
0x3af: {  	(v2sf) =	vpush v0, $0x0;
	_ =	sdelay $0xd  }
0x3b0: {  	s2 =	sadd.s32 $0xFFFFFFFE, s6  }
0x3b1: {  	s2 =	sadd.s32 $0xFFFFFFFF, s2;
	s0 =	spop (v2sf)  }
0x3b2: {  	p2 =	sne.s32 s2, $0x0;
	p1 =	sgt.u32 s0, $0x50FFE  }
.Ltmp36:
0x3b3: {  	s4 =	sand.u32 @!p1 $0x7FFF8, s0;
	(pc) =	sbr.rel @!p2 .LBB3_36-.Ltmp36, $4  }
0x3b4: {  	s1 =	simm.s32 $0x3688;
	s0 =	sand.u32 @!p1 $0x7, s0;
	s4 =	sadd.s32 @!p1 s3, s4  }
0x3b5: {  	[hbm4b:s4+s0] =	stream.linear.scatter @!p1 [tilespmem:s1], [sflag:$0x5], $0x10, $0x38;
	[tilespmem:$0x1F0F8] =	vst v63  }
0x3b6: {  	s0 =	simm.s32 $0x0  }
0x3b7: {  	s6 =	simm.s32 $0x0;
	s7 =	simm.s32 $0x365A;
	s0 =	simm.s32 @!p1 $0x40  }
.LBB3_35:
0x3b8: {  	v0 =	vld.msk [tilespmem:s7+$0x0], $0x1;
	s2 =	sadd.s32 $0xFFFFFFFF, s2;
	s6 =	sadd.s32 s6, s0  }
0x3b9: {  	p1 =	sne.s32 s2, $0x0;
	_ =	sdelay $0x3  }
0x3ba: {  	(v2sf) =	vpush v0, $0x0;
	_ =	sdelay $0xe  }
.Ltmp37:
0x3bb: {  	s4 =	spop (v2sf);
	(pc) =	sbr.rel @p1 .LBB3_35-.Ltmp37, $4  }
0x3bc: {  	s0 =	simm.s32 $0x0;
	p2 =	sgt.u32 s4, $0x50FFE  }
0x3bd: {  	s1 =	sadd.s32 $0x10, s1;
	s0 =	simm.s32 @!p2 $0x40;
	s5 =	sand.u32 @!p2 $0x7FFF8, s4  }
0x3be: {  	s7 =	sadd.s32 $0x1, s7;
	s4 =	sand.u32 @!p2 $0x7, s4;
	s5 =	sadd.s32 @!p2 s3, s5  }
0x3bf: {  	[hbm4b:s5+s4] =	stream.linear.scatter @!p2 [tilespmem:s1], [sflag:$0x5], $0x10, $0x38;
	[tilespmem:$0x1F0F8] =	vst v63  }
.LBB3_36:
0x3c0: {  	s0 =	sadd.s32 s6, s0  }
0x3c1: {  	s0 =	sshrl.u32 s0, $0x2  }
.LBB3_37:
0x3c2: {  	s1 =	simm.s32 $0x5  }
0x3c3: {  	_ =	swait.ge [sflag:s1], s0  }
0x3c4: {  	s31 =	ssub.s32 $0x0, s0;
	[sflag:s1] =	ssyncset.done $0x0  }
0x3c5: {  	[sflag:s1] =	ssyncadd.s32 s31  }
0x3c6: {  	[sflag:s1] =	ssyncpa.u1 $0x1  }
.LBB3_38:
0x3c7: {  	s0 =	sor.u32 s17, s16  }
0x3c8: {  	p1 =	sne.s32 s0, $0x0  }
.Ltmp38:
0x3c9: {  	_ = 	snop;
	(pc) =	sbr.rel @p1 .LBB3_53-.Ltmp38, $3  }
0x3ca: {  	_ =	sdelay $0x1  }
0x3cb: {  	[bflag:$0x0] =	sbarrier.arrive $0xFFFF  }
0x3cc: {  	_ =	sfence  }
0x3cd: {  	s0 =	simm.s32 $0x7  }
0x3ce: {  	s1 =	simm.s32 $0x200;
	s2 =	simm.s32 $0x3658;
	[sflag:s0] =	ssyncpa.u1 $0x0  }
0x3cf: {  	[tilespmem:s2], [sflag:$0x7] =	stream.linear.gather [spmem:s1], $0x20, $0x38;
	[tilespmem:$0x1F0F8] =	vst v63  }
0x3d0: {  	s30 =	simm.s32 $0x3678;
	s1 =	simm.s32 $0x0  }
0x3d1: {  	[tilespmem:s30], [sflag:$0x7] =	stream.linear.gather [spmem:s1], $0x200, $0x38;
	[tilespmem:$0x1F0F8] =	vst v63  }
.Ltmp39:
0x3d2: {  	_ = 	snop;
	(pc) =	sbr.rel .LBB3_40-.Ltmp39, $4  }
0x3d3: {  	_ =	swait.ge [sflag:s0], $0x220  }
0x3d4: {  	[sflag:s0] =	ssyncset.done $0x0  }
0x3d5: {  	s31 =	simm.s32 $0x8;
	[sflag:s0] =	ssyncadd.s32 $0xFFFFFDE0  }
0x3d6: {  	s2 =	simm.s32 $0x0;
	[sflag:s31] =	ssyncpa.u1 $0x0  }
.LBB3_45:
0x3d7: {  	p1 =	slt.u32 s4, $0x50FFF  }
0x3d8: {  	s0 =	sand.u32 @p1 $0x7FFF8, s4  }
0x3d9: {  	s4 =	sand.u32 @p1 $0x7, s4;
	s5 =	simm.s32 @p1 $0x3638;
	s0 =	sadd.s32 @p1 s3, s0  }
0x3da: {  	[tilespmem:s5], [sflag:$0x8] =	stream.linear.gather @p1 [hbm4b:s0+s4], $0x10, $0x38;
	[tilespmem:$0x1F0F8] =	vst v63  }
0x3db: {  	s0 =	simm.s32 @p1 $0x8  }
0x3dc: {  	_ =	swait.ge @p1 [sflag:s0], $0x10  }
0x3dd: {  	[sflag:s0] =	ssyncset.done @p1 $0x0  }
0x3de: {  	[sflag:s0] =	ssyncadd.s32 @p1 $0xFFFFFFF0  }
0x3df: {  	v1 =	vld @p1 [tilespmem:$0x3638];
	_ =	sdelay $0x2  }
0x3e0: {  	s0 =	sshll.u32 @p1 s2, $0x6  }
0x3e1: {  	s5 =	sshll.u32 @!p1 s2, $0x6;
	s4 =	sshrl.u32 @p1 s0, $0x2  }
0x3e2: {  	s5 =	smov.u32 @p1 s0;
	[tilespmem:s4+$0x3678] =	vst.add.f32.msk @p1 $0xffff, v1  }
0x3e3: {  	s0 =	sshrl.u32 s5, $0x2;
	[tilespmem:s1+$0x3658] =	vst.msk $0x1, v0  }
0x3e4: {  	v0 =	vld [tilespmem:s0+$0x3678];
	_ =	sdelay $0x2  }
0x3e5: {  	s31 =	sshll.u32 s1, $0x6  }
0x3e6: {  	s0 =	sshra.s32 s31, $0x2  }
0x3e7: {  	s1 =	sadd.s32 $0x1, s1;
	[tilespmem:s0+$0x3678] =	vst v0  }
.LBB3_47:
0x3e8: {  	s2 =	sadd.s32 $0x1, s2  }
0x3e9: {  	p1 =	sne.s32 s2, $0x20  }
.Ltmp40:
0x3ea: {  	_ = 	snop;
	(pc) =	sbr.rel @!p1 .LBB3_48-.Ltmp40, $1  }
0x3eb: {  	_ =	sdelay $0x3  }
.LBB3_40:
0x3ec: {  	v0 =	vld.msk [tilespmem:s2+$0x3658], $0x1;
	_ =	sdelay $0x4  }
0x3ed: {  	(v2sf) =	vpush v0, $0x0;
	_ =	sdelay $0xe  }
0x3ee: {  	s4 =	spop (v2sf)  }
0x3ef: {  	p1 =	seq.s32 s4, $0xFFFFFFFF  }
.Ltmp41:
0x3f0: {  	_ = 	snop;
	(pc) =	sbr.rel @p1 .LBB3_47-.Ltmp41, $1  }
0x3f1: {  	_ =	sdelay $0x3  }
0x3f2: {  	p1 =	slt.s32 s1, $0x1  }
.Ltmp42:
0x3f3: {  	_ = 	snop;
	(pc) =	sbr.rel @p1 .LBB3_45-.Ltmp42, $1  }
0x3f4: {  	_ =	sdelay $0x3  }
0x3f5: {  	s5 =	simm.s32 $0x3658;
	p1 =	por $0x0, $0x0  }
0x3f6: {  	v1 =	vld.msk @!p1 [tilespmem:s5+$0x0], $0x1;
	_ =	sdelay $0x4  }
0x3f7: {  	(v2sf) =	vpush @!p1 v1, $0x0;
	_ =	sdelay $0xd  }
0x3f8: {  	p3 =	sne.s32 s1, $0x1  }
.Ltmp43:
0x3f9: {  	s0 =	spop @!p1 (v2sf);
	(pc) =	sbr.rel @!p3 .LBB3_44-.Ltmp43, $4  }
0x3fa: {  	p2 =	seq.s32 @!p1 s4, s0  }
0x3fb: {  	s6 =	simm.s32 $0x0;
	p2 =	por !p2, p1  }
0x3fc: {  	s0 =	simm.s32 $0xFFFFFFFF;
	s6 =	simm.s32 @p2 $0xFFFFFFFF  }
0x3fd: {  	s7 =	simm.s32 $0x1;
	s6 =	smov.u32 @p1 s0  }
.LBB3_43:
0x3fe: {  	s0 =	smov.u32 s6;
	p1 =	sne.s32 s6, $0xFFFFFFFF  }
0x3ff: {  	s5 =	sadd.s32 $0x1, s5;
	s6 =	smov.u32 s7;
	s7 =	sadd.s32 $0x1, s7  }
0x400: {  	p2 =	sne.s32 s1, s7;
	v1 =	vld.msk @!p1 [tilespmem:s5+$0x0], $0x1;
	_ =	sdelay $0x4  }
0x401: {  	(v2sf) =	vpush @!p1 v1, $0x0;
	_ =	sdelay $0xe  }
.Ltmp44:
0x402: {  	s8 =	spop @!p1 (v2sf);
	(pc) =	sbr.rel @p2 .LBB3_43-.Ltmp44, $4  }
0x403: {  	p3 =	seq.s32 @!p1 s4, s8  }
0x404: {  	p3 =	por !p3, p1  }
0x405: {  	s6 =	simm.s32 @p3 $0xFFFFFFFF  }
0x406: {  	s6 =	smov.u32 @p1 s0  }
.LBB3_44:
0x407: {  	p1 =	sne.s32 s6, $0xFFFFFFFF  }
.Ltmp45:
0x408: {  	_ = 	snop;
	(pc) =	sbr.rel @!p1 .LBB3_45-.Ltmp45, $1  }
0x409: {  	_ =	sdelay $0x3  }
0x40a: {  	s0 =	sshll.u32 s2, $0x4  }
0x40b: {  	s0 =	sand.u32 $0x3FFFFFF0, s0  }
0x40c: {  	v0 =	vld [tilespmem:s0+$0x3678]  }
.Ltmp46:
0x40d: {  	_ = 	snop;
	(pc) =	sbr.rel .LBB3_47-.Ltmp46, $4  }
0x40e: {  	_ = 	snop  }
0x40f: {  	s31 =	sshll.u32 s6, $0x6  }
0x410: {  	s0 =	sshra.s32 s31, $0x2  }
0x411: {  	[tilespmem:s0+$0x3678] =	vst.add.f32.msk $0xffff, v0  }
.LBB3_48:
0x412: {  	p1 =	slt.s32 s1, $0x1  }
.Ltmp47:
0x413: {  	_ = 	snop;
	(pc) =	sbr.rel @p1 .LBB3_52-.Ltmp47, $3  }
0x414: {  	_ =	sdelay $0x1  }
0x415: {  	s0 =	simm.s32 $0x8  }
0x416: {  	s2 =	simm.s32 $0x0;
	[sflag:s0] =	ssyncpa.u1 $0x1  }
0x417: {  	s0 =	simm.s32 $0x3658  }
0x418: {  	v0 =	vld.msk [tilespmem:s0+$0x0], $0x1;
	_ =	sdelay $0x4  }
0x419: {  	(v2sf) =	vpush v0, $0x0;
	_ =	sdelay $0xe  }
0x41a: {  	s1 =	sadd.s32 $0xFFFFFFFF, s1;
	s0 =	spop (v2sf)  }
0x41b: {  	p2 =	sne.s32 s1, $0x0;
	p1 =	sgt.u32 s0, $0x50FFE  }
.Ltmp48:
0x41c: {  	s5 =	sand.u32 @!p1 $0x7FFF8, s0;
	(pc) =	sbr.rel @!p2 .LBB3_51-.Ltmp48, $4  }
0x41d: {  	s4 =	simm.s32 $0x3678;
	s0 =	sand.u32 @!p1 $0x7, s0;
	s5 =	sadd.s32 @!p1 s3, s5  }
0x41e: {  	[hbm4b:s5+s0] =	stream.linear.scatter @!p1 [tilespmem:s4], [sflag:$0x7], $0x10, $0x38;
	[tilespmem:$0x1F0F8] =	vst v63  }
0x41f: {  	s0 =	simm.s32 $0x0  }
0x420: {  	s5 =	simm.s32 $0x3659;
	s0 =	simm.s32 @!p1 $0x40  }
.LBB3_50:
0x421: {  	v0 =	vld.msk [tilespmem:s5+$0x0], $0x1;
	s1 =	sadd.s32 $0xFFFFFFFF, s1;
	s2 =	sadd.s32 s2, s0  }
0x422: {  	p1 =	sne.s32 s1, $0x0;
	_ =	sdelay $0x3  }
0x423: {  	(v2sf) =	vpush v0, $0x0;
	_ =	sdelay $0xe  }
.Ltmp49:
0x424: {  	s6 =	spop (v2sf);
	(pc) =	sbr.rel @p1 .LBB3_50-.Ltmp49, $4  }
0x425: {  	s0 =	simm.s32 $0x0;
	p2 =	sgt.u32 s6, $0x50FFE  }
0x426: {  	s4 =	sadd.s32 $0x10, s4;
	s0 =	simm.s32 @!p2 $0x40;
	s7 =	sand.u32 @!p2 $0x7FFF8, s6  }
0x427: {  	s5 =	sadd.s32 $0x1, s5;
	s6 =	sand.u32 @!p2 $0x7, s6;
	s7 =	sadd.s32 @!p2 s3, s7  }
0x428: {  	[hbm4b:s7+s6] =	stream.linear.scatter @!p2 [tilespmem:s4], [sflag:$0x7], $0x10, $0x38;
	[tilespmem:$0x1F0F8] =	vst v63  }
.LBB3_51:
0x429: {  	s0 =	sadd.s32 s2, s0  }
0x42a: {  	s2 =	sshrl.u32 s0, $0x2  }
.LBB3_52:
0x42b: {  	s0 =	simm.s32 $0x7  }
0x42c: {  	_ =	swait.ge [sflag:s0], s2  }
0x42d: {  	s1 =	ssub.s32 $0x0, s2;
	[sflag:s0] =	ssyncset.done $0x0  }
0x42e: {  	[sflag:s0] =	ssyncadd.s32 s1  }
0x42f: {  	[sflag:s0] =	ssyncpa.u1 $0x1  }
.LBB3_53:
0x430: {  	_ =	sfence;
	s0 =	simm.s32 $0x1  }
0x431: {  	[sflag:s0] =	ssyncpa.u1 $0x1  }
0x432: {  	_ =	strace $0x9000004A  }
0x433: {  	[bflag:$0x2] =	sbarrier.arrive $0xFFFF  }
0x434: {  	s0 =	rddreg [dreg:$0x3]  }
0x435: {  	s0 =	sadd.s32 @!p0 $0x100000, s0  }
0x436: {  	[sflag:s0] =	ssyncadd.tile.s32 @!p0 $0x1;
	_ =	shalt  }
.Lfunc_end3:
_tile_overlayer_lowered:
.L_overlay_start_3:
0x437: {  	(tag) =	ssettag $0x3  }
0x438: {  	s0 =	rddreg [dreg:$0x0];
	s2 =	stileid.u32  }
0x439: {  	s1 =	rddreg [dreg:$0x1];
	p0 =	sne.s32 s2, $0x0  }
0x43a: {  	s3 =	rddreg [dreg:$0x2];
	[bflag:$0x3] =	sbarrier.arrive $0xFFFF;
	s2 =	simm.s32 @!p0 $0x1C01  }
0x43b: {  	[timem:s3], [sflag:s2] =	dma.local @!p0 [hbm:s0], s1  }
0x43c: {  	s0 =	simm.s32 @!p0 $0x1  }
0x43d: {  	_ =	swait.ge @!p0 [sflag:s0], s1  }
0x43e: {  	s1 =	ssub.s32 @!p0 $0x0, s1;
	[sflag:s0] =	ssyncset.done @!p0 $0x0  }
0x43f: {  	[sflag:s0] =	ssyncadd.s32 @!p0 s1  }
0x440: {  	[bflag:$0x3] =	sbarrier.arrive $0xFFFF  }
0x441: {  	_ =	shalt  }

// kernel: sparse-core-data-format-call.1.cloned.1.call-start
scs
called_computation.3_lowered:
.L_overlay_start_0:
0x0: {  	s2 =	sld [smem:$0x3FD9]  }
0x1: {  	s3 =	sld [smem:$0x3FFE];
	_ =	sdelay $0x1  }
0x2: {  	s1 =	srdreg.scid  }
0x3: {  	s0 =	sand.u32 $0x1, s1  }
0x4: {  	s18 =	sshll.u32 s0, $0xA;
	s2 =	sadd.s32 s3, s2  }
0x5: {  	s2 =	sadd.s32 s2, s18  }
0x6: {  	[smem:$0x3FB3] =	sst s2  }
0x7: {  	_ = 	snop  }
0x8: {  	(tm) =	ssettm $0x1  }
0x9: {  	s19 =	sld [smem:$0x3FFB];
	_ =	sdelay $0x3  }
0xa: {  	_ =	strace s19  }
0xb: {  	s2 =	sld [smem:$0x3FFC];
	_ =	sdelay $0x3  }
0xc: {  	_ =	strace s2  }
0xd: {  	s2 =	sld [smem:$0x3FFD];
	_ =	sdelay $0x3  }
0xe: {  	_ =	strace s2  }
0xf: {  	_ =	strace $0x8FFFFFFF  }
0x10: {  	s20 =	sld [smem:$0x3FDB];
	_ =	sdelay $0x1  }
0x11: {  	s21 =	simm.s32 $_scs_section_size  }
0x12: {  	s4 =	simm.s32 $_size__tile_overlayer_lowered;
	s5 =	simm.s32 $_tile_overlayer_lowered  }
0x13: {  	s6 =	simm.s32 $0x1BFF;
	s22 =	sshll.u32 s5, $0x1;
	s3 =	sadd.s32 s21, s20  }
0x14: {  	s23 =	simm.s32 $0x0;
	s4 =	sshll.u32 s4, $0x1;
	s5 =	sadd.s32 s22, s3  }
0x15: {  	[timem:s23], [sflag:s6] =	dma.local [hbm:s5], s4  }
0x16: {  	_ =	swait.ge [sflag:s6], s4  }
0x17: {  	s4 =	ssub.s32 $0x0, s4;
	[sflag:s6] =	ssyncset.done $0x0  }
0x18: {  	[sflag:s6] =	ssyncadd.s32 s4;
	_ =	sdelay $0x1  }
0x19: {  	s24 =	simm.s32 $0x1B8B  }
0x1a: {  	_ =	swait.ge [sflag:s24], $0x1  }
0x1b: {  	[sflag:s24] =	ssyncset.done $0x0  }
0x1c: {  	[sflag:s24] =	ssyncadd.s32 $0xFFFFFFFF  }
0x1d: {  	s4 =	sld [smem:$0x0]  }
0x1e: {  	s5 =	sand.u32 $0xFFFFFFFE, s1  }
0x1f: {  	p0 =	sne.s32 s1, s5  }
0x20: {  	s5 =	sshll.u32 @p0 s5, $0xE  }
0x21: {  	s5 =	sadd.s32 @p0 $0x11B8D, s5;
	s6 =	sshll.u32 @p0 s4, $0x11  }
0x22: {  	s5 =	sor.u32 @p0 s6, s5  }
0x23: {  	[sflag:s5] =	ssyncadd.remote.s32 @p0 $0x1;
	_ =	sdelay $0x1  }
0x24: {  	s5 =	simm.s32 @p0 $0x1B8D  }
0x25: {  	_ =	swait.eq @p0 [sflag:s5], $0x1  }
0x26: {  	[sflag:s5] =	ssyncadd.s32 @p0 $0xFFFFFFFF  }
0x27: {  	s6 =	sshll.u32 @!p0 s1, $0xE  }
0x28: {  	s6 =	sor.u32 @!p0 $0x4000, s6;
	s5 =	simm.s32 @!p0 $0x1B8D  }
0x29: {  	s4 =	sshll.u32 @!p0 s4, $0x11;
	s6 =	sadd.s32 @!p0 $0x11B8D, s6;
	_ =	swait.eq @!p0 [sflag:s5], $0x1  }
0x2a: {  	s4 =	sor.u32 @!p0 s4, s6;
	[sflag:s5] =	ssyncadd.s32 @!p0 $0xFFFFFFFF  }
0x2b: {  	s26 =	simm.s32 $0x1B8E;
	s25 =	sld [smem:$0x3FFE];
	[sflag:s4] =	ssyncadd.remote.s32 @!p0 $0x1  }
0x2c: {  	s27 =	simm.s32 $execute0_lowered;
	[smem:$0x3FD2] =	sst s26  }
0x2d: {  	s5 =	sshll.u32 s27, $0x1;
	_ =	strace $0x8000004C;
	[dreg:$0x1] =	wrdreg $0xFFFFFFFF  }
0x2e: {  	s28 =	simm.s32 $_size_execute0_lowered;
	s3 =	sadd.s32 s3, s5;
	[dreg:$0x0] =	wrdreg $0x0  }
0x2f: {  	s5 =	sshll.u32 s28, $0x1;
	[dreg:$0x2] =	wrdreg s3  }
0x30: {  	[dreg:$0x3] =	wrdreg s5  }
0x31: {  	[dreg:$0x4] =	wrdreg $0xC0  }
0x32: {  	_ =	task [dreg:s23], $0x5FFFF  }
0x33: {  	[dreg:$0x1] =	wrdreg $0xFFFFFFFF  }
0x34: {  	[dreg:$0x0] =	wrdreg $0x60  }
0x35: {  	[dreg:$0x2] =	wrdreg s25  }
0x36: {  	[dreg:$0x3] =	wrdreg $0xB  }
0x37: {  	_ =	task.clear_ibuf [dreg:s23], $0x4FFFF;
	_ =	strace $0x9000004C  }
0x38: {  	s29 =	simm.s32 $0xB;
	_ =	strace $0x8000004E  }
0x39: {  	_ =	swait.ge [sflag:s29], $0x1  }
0x3a: {  	[sflag:s29] =	ssyncadd.s32 $0xFFFFFFFF  }
0x3b: {  	_ =	strace $0x9000004E  }
0x3c: {  	_ =	sfence  }
0x3d: {  	s30 =	sld [smem:$0x0];
	_ =	sdelay $0x2  }
0x3e: {  	s31 =	sshll.u32 s1, $0xD;
	s1 =	sshrl.u32 s1, $0x2  }
0x3f: {  	s4 =	sand.u32 $0x4000, s31;
	s1 =	sadd.s32 s1, s30  }
0x40: {  	s0 =	sor.u32 s4, s0;
	s1 =	sshll.u32 s1, $0x11  }
0x41: {  	s0 =	sor.u32 s1, s0  }
0x42: {  	s0 =	sadd.s32 $0x8F2B, s0  }
0x43: {  	[sflag:s0] =	ssyncadd.remote.s32 $0x1  }
0x44: {  	_ =	sfence.sel $0xFFFF  }
0x45: {  	[dreg:$0x0] =	wrdreg $0xFFFFFFFF;
	(pc) =	sbr.abs _section_cstart, $3  }
0x46: {  	[dreg:$0x1] =	wrdreg $0xFFFFFFFF  }
0x47: {  	_ =	task.clear_ibuf [dreg:s23], $0x2FFFF;
	_ =	strace $0x9FFFFFFF  }
0x48: {  	(tm) =	ssettm $0x7FFFFFFF  }
0x49: {  	_ =	shalt  }
tec
execute0_lowered:
.L_overlay_start_1:
0x0: {  	(tag) =	ssettag $0x1  }
0x1: {  	s0 =	srdreg.scid  }
0x2: {  	s1 =	sshll.u32 s0, $0x4  }
0x3: {  	s4 =	rddreg [dreg:$0x0];
	s0 =	stileid.u32;
	s1 =	sand.u32 $0x10, s1  }
0x4: {  	s7 =	simm.s32 $0x1;
	s8 =	simm.s32 $0x2;
	s2 =	sor.u32 s0, s1  }
0x5: {  	s9 =	simm.s32 $0x0;
	s12 =	simm.s32 $0x0;
	s2 =	sshll.u32 s2, $0x1  }
0x6: {  	s11 =	simm.s32 $0x0;
	s3 =	sadd.s32 $0x76BA00, s4;
	s6 =	ssub.s32 $0x5400, s2  }
.Ltmp0:
0x7: {  	s4 =	sadd.s32 $0x1C6BA00, s4;
	s5 =	sand.u32 $0x3E, s6;
	(pc) =	sbr.rel .LBB1_1-.Ltmp0, $4  }
0x8: {  	s1 =	rddreg [dreg:$0x1];
	_ =	strace $0x8000004D;
	p0 =	sne.s32 s5, $0x0  }
0x9: {  	s6 =	sshrl.u32 s6, $0x6;
	s5 =	simm.s32 $0x1;
	s7 =	simm.s32 @!p0 $0x0  }
0xa: {  	s10 =	smov.u32 s2;
	[sflag:s5] =	ssyncpa.u1 $0x0;
	s6 =	sadd.s32 s7, s6  }
0xb: {  	[sflag:s8] =	ssyncpa.u1 $0x0;
	s8 =	simm.s32 $0x0;
	s7 =	sadd.s32 $0x1, s6  }
.LBB1_9:
0xc: {  	s14 =	sadd.s32 $0x40, s10  }
0xd: {  	p1 =	sgt.s32 s14, $0x53FF  }
0xe: {  	s14 =	smov.u32 @p1 s2;
	p1 =	sne.s32 s11, s7  }
.Ltmp1:
0xf: {  	p0 =	slt.u32 s11, $0x2;
	(pc) =	sbr.rel @!p1 .LBB1_10-.Ltmp1, $4  }
0x10: {  	s13 =	simm.s32 @!p0 $0x2  }
0x11: {  	s15 =	sadd.s32 $0x1, s11;
	_ =	swait.ge @!p0 [sflag:s13], $0x4000  }
0x12: {  	s12 =	smov.u32 s10;
	s9 =	sadd.s32 $0x4000, s9;
	[sflag:s13] =	ssyncset.done @!p0 $0x0  }
0x13: {  	s11 =	smov.u32 s15;
	s10 =	smov.u32 s14;
	[sflag:s13] =	ssyncadd.s32 @!p0 $0xFFFFC000  }
.LBB1_1:
0x14: {  	p0 =	sge.u32 s11, s6  }
0x15: {  	s13 =	sxor.u32 @!p0 $0xFFFFFFFF, s11  }
0x16: {  	s31 =	sadd.s32 $0xFFFFFFFF, s11;
	s14 =	sshll.u32 @!p0 s10, $0xA;
	s13 =	sshll.u32 @!p0 s13, $0xE  }
0x17: {  	s15 =	simm.s32 @!p0 $0x0;
	s14 =	sadd.s32 @!p0 s3, s14;
	s13 =	sand.u32 @!p0 $0x4000, s13  }
0x18: {  	[tilespmem:s13], [sflag:$0x1] =	stream.linear.gather @!p0 [hbm4b:s14+s15], $0x4000, $0x38;
	[tilespmem:$0x10000] =	vst v63  }
0x19: {  	p0 =	sge.u32 s31, s6  }
.Ltmp2:
0x1a: {  	_ = 	snop;
	(pc) =	sbr.rel @p0 .LBB1_9-.Ltmp2, $1  }
0x1b: {  	_ =	sdelay $0x3  }
0x1c: {  	s13 =	sshll.u32 s9, $0x2  }
0x1d: {  	_ =	swait.ge [sflag:s5], $0x4000;
	s14 =	sshll.u32 s11, $0xE;
	s18 =	simm.s32 $0x0  }
0x1e: {  	p1 =	por $0x1, $0x1;
	s13 =	sand.u32 $0x10000, s13;
	[sflag:s5] =	ssyncset.done $0x0  }
0x1f: {  	s15 =	sand.u32 $0x4000, s14;
	s13 =	sshrl.u32 s13, $0x2;
	[sflag:s5] =	ssyncadd.s32 $0xFFFFC000  }
0x20: {  	s14 =	sor.u32 $0x8000, s15;
	s16 =	sor.u32 $0x8000, s13;
	s17 =	sadd.s32 $0x8400, s13  }
.LBB1_3:
0x21: {  	s19 =	sshll.u32 s18, $0x2  }
0x22: {  	s19 =	sshrl.u32 s19, $0x2  }
0x23: {  	v0 =	vmov s19;
	_ =	sdelay $0x2  }
0x24: {  	p0 =	por p1, p1;
	p1 =	por $0x0, $0x0;
	s20 =	simm.s32 $0x0  }
0x25: {  	s21 =	smov.u32 s13;
	s22 =	simm.s32 $0x0;
	s19 =	smov.u32 s16  }
.LBB1_4:
0x26: {  	_ =	sdelay $0x3  }
0x27: {  	v2 =	vld.idx.msk [tilespmem:v0+s21+$0x10 ss:$0x1], $0xffff  }
0x28: {  	v3 =	vld.idx.msk [tilespmem:v0+s21+$0x270 ss:$0x1], $0xffff  }
0x29: {  	s23 =	sshll.u32 s22, $0xA;
	v5 =	vld.idx.msk [tilespmem:v0+s21+$0x20 ss:$0x1], $0xffff  }
0x2a: {  	v8 =	vld.idx.msk [tilespmem:v0+s21+$0x30 ss:$0x1], $0xffff;
	s23 =	sadd.s32 s18, s23  }
0x2b: {  	v9 =	vld.idx.msk [tilespmem:v0+s21+$0x40 ss:$0x1], $0xffff;
	v1 =	vmov s23  }
0x2c: {  	s30 =	simm.s32 $0x0;
	v10 =	vld.idx.msk [tilespmem:v0+s21+$0x50 ss:$0x1], $0xffff  }
0x2d: {  	v11 =	vld.idx.msk [tilespmem:v0+s21+$0x60 ss:$0x1], $0xffff;
	s24 =	sand.u32 $0x100, s30  }
0x2e: {  	v12 =	vld.idx.msk [tilespmem:v0+s21+$0x70 ss:$0x1], $0xffff;
	s23 =	sand.u32 $0x80, s30;
	s24 =	sadd.s32 s24, s15;
	[tilespmem:v0+s19+$0x470 ss:$0x1] =	vst.idx.msk $0xffff, v3  }
0x2f: {  	v7 =	vld.idx.msk [tilespmem:v0+s21+$0x210 ss:$0x1], $0xffff;
	s23 =	sadd.s32 s23, s24;
	s24 =	simm.s32 $0x1;
	[tilespmem:v0+s19+$0x10 ss:$0x1] =	vst.idx.msk $0xffff, v2  }
0x30: {  	s31 =	sshll.u32 s20, $0x2;
	s24 =	simm.s32 @!p1 $0x0;
	[tilespmem:v0+s19+$0x20 ss:$0x1] =	vst.idx.msk $0xffff, v5;
	v4 =	vld.idx.msk [tilespmem:v1+s23+$0x200 ss:$0x1], $0xffff  }
0x31: {  	v6 =	vld.idx.msk [tilespmem:v0+s21+$0x220 ss:$0x1], $0xffff;
	s24 =	sshll.u32 s24, $0x9;
	[tilespmem:v0+s19+$0x30 ss:$0x1] =	vst.idx.msk $0xffff, v8;
	s23 =	sand.u32 $0xFFFFFC00, s31  }
0x32: {  	v3 =	vld.idx.msk [tilespmem:v0+s21+$0x230 ss:$0x1], $0xffff;
	[tilespmem:v0+s19+$0x40 ss:$0x1] =	vst.idx.msk $0xffff, v9;
	s23 =	sor.u32 s24, s23  }
0x33: {  	[tilespmem:v0+s19+$0x50 ss:$0x1] =	vst.idx.msk $0xffff, v10;
	v5 =	vld.idx.msk [tilespmem:v0+s21+$0x250 ss:$0x1], $0xffff;
	s23 =	sshrl.u32 s23, $0x2  }
0x34: {  	[tilespmem:v0+s19+$0x60 ss:$0x1] =	vst.idx.msk $0xffff, v11;
	v2 =	vld.idx.msk [tilespmem:v0+s21+$0x260 ss:$0x1], $0xffff;
	s23 =	sadd.s32 s23, s17  }
0x35: {  	s27 =	simm.s32 $0x80;
	s26 =	simm.s32 $0x100;
	[tilespmem:v0+s23+$0x0 ss:$0x1] =	vst.idx.msk $0xffff, v4;
	v4 =	vld.idx.msk [tilespmem:v0+s21+$0x240 ss:$0x1], $0xffff  }
0x36: {  	s25 =	smov.u32 s19;
	s28 =	sand.u32 $0x100, s27;
	v8 =	vld.idx.msk [tilespmem:v0+s21+$0x0 ss:$0x1], $0xffff;
	[tilespmem:v0+s19+$0x70 ss:$0x1] =	vst.idx.msk $0xffff, v12;
	s24 =	sadd.s32 $0x80, s21  }
.LBB1_5:
0x37: {  	p2 =	sne.s32 s26, $0x180;
	v9 =	vld.idx.msk [tilespmem:v0+s24+$0x10 ss:$0x1], $0xffff;
	s27 =	sand.u32 $0x80, s27;
	s28 =	sadd.s32 s28, s15;
	[tilespmem:v0+s25+$0x410 ss:$0x1] =	vst.idx.msk $0xffff, v7  }
0x38: {  	s28 =	sadd.s32 s27, s28;
	v7 =	vld.idx.msk [tilespmem:v0+s24+$0x270 ss:$0x1], $0xffff;
	[tilespmem:v0+s25+$0x420 ss:$0x1] =	vst.idx.msk $0xffff, v6;
	s27 =	smov.u32 s26  }
0x39: {  	v6 =	vld.idx.msk [tilespmem:v1+s28+$0x200 ss:$0x1], $0xffff;
	[tilespmem:v0+s25+$0x430 ss:$0x1] =	vst.idx.msk $0xffff, v3  }
0x3a: {  	v3 =	vld.idx.msk [tilespmem:v0+s24+$0x20 ss:$0x1], $0xffff;
	[tilespmem:v0+s25+$0x440 ss:$0x1] =	vst.idx.msk $0xffff, v4  }
0x3b: {  	v4 =	vld.idx.msk [tilespmem:v0+s24+$0x30 ss:$0x1], $0xffff;
	[tilespmem:v0+s25+$0x450 ss:$0x1] =	vst.idx.msk $0xffff, v5  }
0x3c: {  	v5 =	vld.idx.msk [tilespmem:v0+s24+$0x40 ss:$0x1], $0xffff;
	[tilespmem:v0+s25+$0x0 ss:$0x1] =	vst.idx.msk $0xffff, v8  }
0x3d: {  	v8 =	vld.idx.msk [tilespmem:v0+s24+$0x50 ss:$0x1], $0xffff;
	[tilespmem:v0+s25+$0x460 ss:$0x1] =	vst.idx.msk $0xffff, v2;
	s25 =	sadd.s32 $0x800, s25  }
0x3e: {  	s23 =	sadd.s32 $0x800, s23;
	v2 =	vld.idx.msk [tilespmem:v0+s24+$0x60 ss:$0x1], $0xffff;
	[tilespmem:v0+s25+$0x470 ss:$0x1] =	vst.idx.msk $0xffff, v7  }
0x3f: {  	v10 =	vld.idx.msk [tilespmem:v0+s24+$0x70 ss:$0x1], $0xffff;
	[tilespmem:v0+s23+$0x0 ss:$0x1] =	vst.idx.msk $0xffff, v6  }
0x40: {  	[tilespmem:v0+s25+$0x10 ss:$0x1] =	vst.idx.msk $0xffff, v9;
	v7 =	vld.idx.msk [tilespmem:v0+s24+$0x210 ss:$0x1], $0xffff  }
0x41: {  	[tilespmem:v0+s25+$0x20 ss:$0x1] =	vst.idx.msk $0xffff, v3;
	v6 =	vld.idx.msk [tilespmem:v0+s24+$0x220 ss:$0x1], $0xffff  }
.Ltmp3:
0x42: {  	[tilespmem:v0+s25+$0x30 ss:$0x1] =	vst.idx.msk $0xffff, v4;
	v3 =	vld.idx.msk [tilespmem:v0+s24+$0x230 ss:$0x1], $0xffff;
	(pc) =	sbr.rel @p2 .LBB1_5-.Ltmp3, $4  }
0x43: {  	[tilespmem:v0+s25+$0x40 ss:$0x1] =	vst.idx.msk $0xffff, v5;
	v4 =	vld.idx.msk [tilespmem:v0+s24+$0x240 ss:$0x1], $0xffff  }
0x44: {  	[tilespmem:v0+s25+$0x50 ss:$0x1] =	vst.idx.msk $0xffff, v8;
	v5 =	vld.idx.msk [tilespmem:v0+s24+$0x250 ss:$0x1], $0xffff  }
0x45: {  	[tilespmem:v0+s25+$0x60 ss:$0x1] =	vst.idx.msk $0xffff, v2;
	v2 =	vld.idx.msk [tilespmem:v0+s24+$0x260 ss:$0x1], $0xffff  }
0x46: {  	s26 =	sadd.s32 $0x80, s26;
	s28 =	sand.u32 $0x100, s27;
	v8 =	vld.idx.msk [tilespmem:v0+s24+$0x0 ss:$0x1], $0xffff;
	[tilespmem:v0+s25+$0x70 ss:$0x1] =	vst.idx.msk $0xffff, v10;
	s24 =	sadd.s32 $0x80, s24  }
0x47: {  	_ =	sdelay $0x3  }
0x48: {  	[tilespmem:v0+s25+$0x410 ss:$0x1] =	vst.idx.msk $0xffff, v7  }
0x49: {  	[tilespmem:v0+s25+$0x420 ss:$0x1] =	vst.idx.msk $0xffff, v6  }
0x4a: {  	v56 =	vld.idx.msk [tilespmem:v0+s24+$0x270 ss:$0x1], $0xffff;
	[tilespmem:v0+s25+$0x430 ss:$0x1] =	vst.idx.msk $0xffff, v3  }
0x4b: {  	v3 =	vld.idx.msk [tilespmem:v0+s24+$0x10 ss:$0x1], $0xffff;
	[tilespmem:v0+s25+$0x440 ss:$0x1] =	vst.idx.msk $0xffff, v4  }
0x4c: {  	v57 =	vld.idx.msk [tilespmem:v0+s24+$0x20 ss:$0x1], $0xffff;
	[tilespmem:v0+s25+$0x450 ss:$0x1] =	vst.idx.msk $0xffff, v5  }
0x4d: {  	s26 =	sand.u32 $0x80, s27;
	s30 =	sadd.s32 s28, s15;
	v58 =	vld.idx.msk [tilespmem:v0+s24+$0x30 ss:$0x1], $0xffff;
	[tilespmem:v0+s25+$0x460 ss:$0x1] =	vst.idx.msk $0xffff, v2  }
0x4e: {  	s31 =	sadd.s32 $0x800, s25;
	v59 =	vld.idx.msk [tilespmem:v0+s24+$0x50 ss:$0x1], $0xffff;
	s26 =	sadd.s32 s26, s30;
	[tilespmem:v0+s25+$0x0 ss:$0x1] =	vst.idx.msk $0xffff, v8  }
0x4f: {  	v1 =	vld.idx.msk [tilespmem:v1+s26+$0x200 ss:$0x1], $0xffff;
	[tilespmem:v0+s31+$0x470 ss:$0x1] =	vst.idx.msk $0xffff, v56  }
0x50: {  	v60 =	vld.idx.msk [tilespmem:v0+s24+$0x210 ss:$0x1], $0xffff;
	[tilespmem:v0+s31+$0x10 ss:$0x1] =	vst.idx.msk $0xffff, v3  }
0x51: {  	v61 =	vld.idx.msk [tilespmem:v0+s24+$0x220 ss:$0x1], $0xffff;
	[tilespmem:v0+s31+$0x20 ss:$0x1] =	vst.idx.msk $0xffff, v57  }
0x52: {  	v2 =	vld.idx.msk [tilespmem:v0+s24+$0x40 ss:$0x1], $0xffff;
	[tilespmem:v0+s31+$0x30 ss:$0x1] =	vst.idx.msk $0xffff, v58  }
0x53: {  	s23 =	sadd.s32 $0x800, s23;
	v3 =	vld.idx.msk [tilespmem:v0+s24+$0x70 ss:$0x1], $0xffff;
	[tilespmem:v0+s31+$0x50 ss:$0x1] =	vst.idx.msk $0xffff, v59  }
0x54: {  	[tilespmem:v0+s23+$0x0 ss:$0x1] =	vst.idx.msk $0xffff, v1;
	v1 =	vld.idx.msk [tilespmem:v0+s24+$0x60 ss:$0x1], $0xffff  }
0x55: {  	v62 =	vld.idx.msk [tilespmem:v0+s24+$0x240 ss:$0x1], $0xffff;
	[tilespmem:v0+s31+$0x410 ss:$0x1] =	vst.idx.msk $0xffff, v60  }
0x56: {  	v63 =	vld.idx.msk [tilespmem:v0+s24+$0x260 ss:$0x1], $0xffff;
	[tilespmem:v0+s31+$0x420 ss:$0x1] =	vst.idx.msk $0xffff, v61  }
0x57: {  	[tilespmem:v0+s31+$0x40 ss:$0x1] =	vst.idx.msk $0xffff, v2;
	v2 =	vld.idx.msk [tilespmem:v0+s24+$0x230 ss:$0x1], $0xffff  }
0x58: {  	s22 =	sadd.s32 $0x1, s22;
	[tilespmem:v0+s31+$0x70 ss:$0x1] =	vst.idx.msk $0xffff, v3;
	v3 =	vld.idx.msk [tilespmem:v0+s24+$0x0 ss:$0x1], $0xffff  }
0x59: {  	p2 =	sne.s32 s22, $0x8;
	[tilespmem:v0+s31+$0x60 ss:$0x1] =	vst.idx.msk $0xffff, v1;
	v1 =	vld.idx.msk [tilespmem:v0+s24+$0x250 ss:$0x1], $0xffff  }
.Ltmp4:
0x5a: {  	[tilespmem:v0+s31+$0x440 ss:$0x1] =	vst.idx.msk $0xffff, v62;
	(pc) =	sbr.rel @p2 .LBB1_4-.Ltmp4, $4  }
0x5b: {  	[tilespmem:v0+s31+$0x460 ss:$0x1] =	vst.idx.msk $0xffff, v63  }
0x5c: {  	[tilespmem:v0+s31+$0x430 ss:$0x1] =	vst.idx.msk $0xffff, v2  }
0x5d: {  	s21 =	sadd.s32 $0x400, s21;
	[tilespmem:v0+s31+$0x0 ss:$0x1] =	vst.idx.msk $0xffff, v3  }
0x5e: {  	s20 =	sadd.s32 $0x80, s20;
	p1 =	por !p1, !p1;
	s19 =	sadd.s32 $0x80, s19;
	[tilespmem:v0+s31+$0x450 ss:$0x1] =	vst.idx.msk $0xffff, v1  }
.Ltmp5:
0x5f: {  	(pc) =	sbr.rel @p0 .LBB1_3-.Ltmp5, $2  }
0x60: {  	_ =	sdelay $0x2  }
0x61: {  	s18 =	simm.s32 $0x2000;
	p1 =	por $0x0, $0x0  }
.Ltmp6:
0x62: {  	(pc) =	sbr.rel .LBB1_9-.Ltmp6, $4  }
0x63: {  	_ = 	snop  }
0x64: {  	s12 =	sshll.u32 s12, $0xA  }
0x65: {  	s12 =	sadd.s32 s4, s12  }
0x66: {  	[hbm4b:s12+s8] =	stream.linear.scatter [tilespmem:s14], [sflag:$0x2], $0x4000, $0x38;
	[tilespmem:$0x10000] =	vst v63  }
.LBB1_10:
0x67: {  	_ =	sfence.sel $0x180000  }
0x68: {  	s2 =	simm.s32 $0x1;
	[bflag:$0x0] =	sbarrier.arrive $0xFFFF  }
0x69: {  	s31 =	simm.s32 $0x2;
	[sflag:s2] =	ssyncpa.u1 $0x1  }
0x6a: {  	[sflag:s31] =	ssyncpa.u1 $0x1  }
0x6b: {  	p0 =	sne.s32 s0, $0x0;
	_ =	strace $0x9000004D  }
0x6c: {  	s0 =	sadd.s32 @!p0 $0x100000, s1;
	[bflag:$0x2] =	sbarrier.arrive $0xFFFF  }
0x6d: {  	[sflag:s0] =	ssyncadd.tile.s32 @!p0 $0x1;
	_ =	shalt  }
.Lfunc_end1:
_tile_overlayer_lowered:
.L_overlay_start_2:
0x6e: {  	(tag) =	ssettag $0x2  }
0x6f: {  	s0 =	rddreg [dreg:$0x0];
	s2 =	stileid.u32  }
0x70: {  	s1 =	rddreg [dreg:$0x1];
	p0 =	sne.s32 s2, $0x0  }
0x71: {  	s3 =	rddreg [dreg:$0x2];
	[bflag:$0x3] =	sbarrier.arrive $0xFFFF;
	s2 =	simm.s32 @!p0 $0x1C01  }
0x72: {  	[timem:s3], [sflag:s2] =	dma.local @!p0 [hbm:s0], s1  }
0x73: {  	s0 =	simm.s32 @!p0 $0x1  }
0x74: {  	_ =	swait.ge @!p0 [sflag:s0], s1  }
0x75: {  	s1 =	ssub.s32 @!p0 $0x0, s1;
	[sflag:s0] =	ssyncset.done @!p0 $0x0  }
0x76: {  	[sflag:s0] =	ssyncadd.s32 @!p0 s1  }
0x77: {  	[bflag:$0x3] =	sbarrier.arrive $0xFFFF  }
0x78: {  	_ =	shalt  }

// kernel: sparse-core-data-format-call.cloned.1.call-start
scs
called_computation.2_lowered:
.L_overlay_start_0:
0x0: {  	s2 =	sld [smem:$0x3FD9]  }
0x1: {  	s3 =	sld [smem:$0x3FFE];
	_ =	sdelay $0x1  }
0x2: {  	s1 =	srdreg.scid  }
0x3: {  	s0 =	sand.u32 $0x1, s1  }
0x4: {  	s18 =	sshll.u32 s0, $0xA;
	s2 =	sadd.s32 s3, s2  }
0x5: {  	s2 =	sadd.s32 s2, s18  }
0x6: {  	[smem:$0x3FB3] =	sst s2  }
0x7: {  	_ = 	snop  }
0x8: {  	(tm) =	ssettm $0x1  }
0x9: {  	s19 =	sld [smem:$0x3FFB];
	_ =	sdelay $0x3  }
0xa: {  	_ =	strace s19  }
0xb: {  	s2 =	sld [smem:$0x3FFC];
	_ =	sdelay $0x3  }
0xc: {  	_ =	strace s2  }
0xd: {  	s2 =	sld [smem:$0x3FFD];
	_ =	sdelay $0x3  }
0xe: {  	_ =	strace s2  }
0xf: {  	_ =	strace $0x8FFFFFFF  }
0x10: {  	s20 =	sld [smem:$0x3FDB];
	_ =	sdelay $0x1  }
0x11: {  	s21 =	simm.s32 $_scs_section_size  }
0x12: {  	s4 =	simm.s32 $_size__tile_overlayer_lowered;
	s5 =	simm.s32 $_tile_overlayer_lowered  }
0x13: {  	s6 =	simm.s32 $0x1BFF;
	s22 =	sshll.u32 s5, $0x1;
	s3 =	sadd.s32 s21, s20  }
0x14: {  	s23 =	simm.s32 $0x0;
	s4 =	sshll.u32 s4, $0x1;
	s5 =	sadd.s32 s22, s3  }
0x15: {  	[timem:s23], [sflag:s6] =	dma.local [hbm:s5], s4  }
0x16: {  	_ =	swait.ge [sflag:s6], s4  }
0x17: {  	s4 =	ssub.s32 $0x0, s4;
	[sflag:s6] =	ssyncset.done $0x0  }
0x18: {  	[sflag:s6] =	ssyncadd.s32 s4;
	_ =	sdelay $0x1  }
0x19: {  	s24 =	simm.s32 $0x1B8B  }
0x1a: {  	_ =	swait.ge [sflag:s24], $0x1  }
0x1b: {  	[sflag:s24] =	ssyncset.done $0x0  }
0x1c: {  	[sflag:s24] =	ssyncadd.s32 $0xFFFFFFFF  }
0x1d: {  	s4 =	sld [smem:$0x0]  }
0x1e: {  	s5 =	sand.u32 $0xFFFFFFFE, s1  }
0x1f: {  	p0 =	sne.s32 s1, s5  }
0x20: {  	s5 =	sshll.u32 @p0 s5, $0xE  }
0x21: {  	s5 =	sadd.s32 @p0 $0x11B8D, s5;
	s6 =	sshll.u32 @p0 s4, $0x11  }
0x22: {  	s5 =	sor.u32 @p0 s6, s5  }
0x23: {  	[sflag:s5] =	ssyncadd.remote.s32 @p0 $0x1;
	_ =	sdelay $0x1  }
0x24: {  	s5 =	simm.s32 @p0 $0x1B8D  }
0x25: {  	_ =	swait.eq @p0 [sflag:s5], $0x1  }
0x26: {  	[sflag:s5] =	ssyncadd.s32 @p0 $0xFFFFFFFF  }
0x27: {  	s6 =	sshll.u32 @!p0 s1, $0xE  }
0x28: {  	s6 =	sor.u32 @!p0 $0x4000, s6;
	s5 =	simm.s32 @!p0 $0x1B8D  }
0x29: {  	s4 =	sshll.u32 @!p0 s4, $0x11;
	s6 =	sadd.s32 @!p0 $0x11B8D, s6;
	_ =	swait.eq @!p0 [sflag:s5], $0x1  }
0x2a: {  	s4 =	sor.u32 @!p0 s4, s6;
	[sflag:s5] =	ssyncadd.s32 @!p0 $0xFFFFFFFF  }
0x2b: {  	s26 =	simm.s32 $0x1B8E;
	s25 =	sld [smem:$0x3FFE];
	[sflag:s4] =	ssyncadd.remote.s32 @!p0 $0x1  }
0x2c: {  	s27 =	simm.s32 $execute0_lowered;
	[smem:$0x3FD2] =	sst s26  }
0x2d: {  	s5 =	sshll.u32 s27, $0x1;
	_ =	strace $0x80000055;
	[dreg:$0x1] =	wrdreg $0xFFFFFFFF  }
0x2e: {  	s28 =	simm.s32 $_size_execute0_lowered;
	s3 =	sadd.s32 s3, s5;
	[dreg:$0x0] =	wrdreg $0x0  }
0x2f: {  	s5 =	sshll.u32 s28, $0x1;
	[dreg:$0x2] =	wrdreg s3  }
0x30: {  	[dreg:$0x3] =	wrdreg s5  }
0x31: {  	[dreg:$0x4] =	wrdreg $0xC0  }
0x32: {  	_ =	task [dreg:s23], $0x5FFFF  }
0x33: {  	[dreg:$0x1] =	wrdreg $0xFFFFFFFF  }
0x34: {  	[dreg:$0x0] =	wrdreg $0x60  }
0x35: {  	[dreg:$0x2] =	wrdreg s25  }
0x36: {  	[dreg:$0x3] =	wrdreg $0xA  }
0x37: {  	_ =	task.clear_ibuf [dreg:s23], $0x4FFFF;
	_ =	strace $0x90000055  }
0x38: {  	s29 =	simm.s32 $0xA;
	_ =	strace $0x80000057  }
0x39: {  	_ =	swait.ge [sflag:s29], $0x1  }
0x3a: {  	[sflag:s29] =	ssyncadd.s32 $0xFFFFFFFF  }
0x3b: {  	_ =	strace $0x90000057  }
0x3c: {  	_ =	sfence  }
0x3d: {  	s30 =	sld [smem:$0x0];
	_ =	sdelay $0x2  }
0x3e: {  	s31 =	sshll.u32 s1, $0xD;
	s1 =	sshrl.u32 s1, $0x2  }
0x3f: {  	s4 =	sand.u32 $0x4000, s31;
	s1 =	sadd.s32 s1, s30  }
0x40: {  	s0 =	sor.u32 s4, s0;
	s1 =	sshll.u32 s1, $0x11  }
0x41: {  	s0 =	sor.u32 s1, s0  }
0x42: {  	s0 =	sadd.s32 $0x8F2B, s0  }
0x43: {  	[sflag:s0] =	ssyncadd.remote.s32 $0x1  }
0x44: {  	_ =	sfence.sel $0xFFFF  }
0x45: {  	[dreg:$0x0] =	wrdreg $0xFFFFFFFF;
	(pc) =	sbr.abs _section_cstart, $3  }
0x46: {  	[dreg:$0x1] =	wrdreg $0xFFFFFFFF  }
0x47: {  	_ =	task.clear_ibuf [dreg:s23], $0x2FFFF;
	_ =	strace $0x9FFFFFFF  }
0x48: {  	(tm) =	ssettm $0x7FFFFFFF  }
0x49: {  	_ =	shalt  }
tec
execute0_lowered:
.L_overlay_start_1:
0x0: {  	(tag) =	ssettag $0x1  }
0x1: {  	s0 =	srdreg.scid  }
0x2: {  	s1 =	sshll.u32 s0, $0x4  }
0x3: {  	s4 =	rddreg [dreg:$0x0];
	s0 =	stileid.u32;
	s1 =	sand.u32 $0x10, s1  }
0x4: {  	s7 =	simm.s32 $0x1;
	s8 =	simm.s32 $0x2;
	s2 =	sor.u32 s0, s1  }
0x5: {  	s9 =	simm.s32 $0x0;
	s12 =	simm.s32 $0x0;
	s2 =	sshll.u32 s2, $0x1  }
0x6: {  	s11 =	simm.s32 $0x0;
	s3 =	sadd.s32 $0x9BAA00, s4;
	s6 =	ssub.s32 $0x5400, s2  }
.Ltmp0:
0x7: {  	s4 =	sadd.s32 $0x1EBAA00, s4;
	s5 =	sand.u32 $0x3E, s6;
	(pc) =	sbr.rel .LBB1_1-.Ltmp0, $4  }
0x8: {  	s1 =	rddreg [dreg:$0x1];
	_ =	strace $0x80000056;
	p0 =	sne.s32 s5, $0x0  }
0x9: {  	s6 =	sshrl.u32 s6, $0x6;
	s5 =	simm.s32 $0x1;
	s7 =	simm.s32 @!p0 $0x0  }
0xa: {  	s10 =	smov.u32 s2;
	[sflag:s5] =	ssyncpa.u1 $0x0;
	s6 =	sadd.s32 s7, s6  }
0xb: {  	[sflag:s8] =	ssyncpa.u1 $0x0;
	s8 =	simm.s32 $0x0;
	s7 =	sadd.s32 $0x1, s6  }
.LBB1_9:
0xc: {  	s14 =	sadd.s32 $0x40, s10  }
0xd: {  	p1 =	sgt.s32 s14, $0x53FF  }
0xe: {  	s14 =	smov.u32 @p1 s2;
	p1 =	sne.s32 s11, s7  }
.Ltmp1:
0xf: {  	p0 =	slt.u32 s11, $0x2;
	(pc) =	sbr.rel @!p1 .LBB1_10-.Ltmp1, $4  }
0x10: {  	s13 =	simm.s32 @!p0 $0x2  }
0x11: {  	s15 =	sadd.s32 $0x1, s11;
	_ =	swait.ge @!p0 [sflag:s13], $0x4000  }
0x12: {  	s12 =	smov.u32 s10;
	s9 =	sadd.s32 $0x4000, s9;
	[sflag:s13] =	ssyncset.done @!p0 $0x0  }
0x13: {  	s11 =	smov.u32 s15;
	s10 =	smov.u32 s14;
	[sflag:s13] =	ssyncadd.s32 @!p0 $0xFFFFC000  }
.LBB1_1:
0x14: {  	p0 =	sge.u32 s11, s6  }
0x15: {  	s13 =	sxor.u32 @!p0 $0xFFFFFFFF, s11  }
0x16: {  	s31 =	sadd.s32 $0xFFFFFFFF, s11;
	s14 =	sshll.u32 @!p0 s10, $0xA;
	s13 =	sshll.u32 @!p0 s13, $0xE  }
0x17: {  	s15 =	simm.s32 @!p0 $0x0;
	s14 =	sadd.s32 @!p0 s3, s14;
	s13 =	sand.u32 @!p0 $0x4000, s13  }
0x18: {  	[tilespmem:s13], [sflag:$0x1] =	stream.linear.gather @!p0 [hbm4b:s14+s15], $0x4000, $0x38;
	[tilespmem:$0x10000] =	vst v63  }
0x19: {  	p0 =	sge.u32 s31, s6  }
.Ltmp2:
0x1a: {  	_ = 	snop;
	(pc) =	sbr.rel @p0 .LBB1_9-.Ltmp2, $1  }
0x1b: {  	_ =	sdelay $0x3  }
0x1c: {  	s13 =	sshll.u32 s9, $0x2  }
0x1d: {  	_ =	swait.ge [sflag:s5], $0x4000;
	s14 =	sshll.u32 s11, $0xE;
	s18 =	simm.s32 $0x0  }
0x1e: {  	p1 =	por $0x1, $0x1;
	s13 =	sand.u32 $0x10000, s13;
	[sflag:s5] =	ssyncset.done $0x0  }
0x1f: {  	s15 =	sand.u32 $0x4000, s14;
	s13 =	sshrl.u32 s13, $0x2;
	[sflag:s5] =	ssyncadd.s32 $0xFFFFC000  }
0x20: {  	s14 =	sor.u32 $0x8000, s15;
	s16 =	sor.u32 $0x8000, s13;
	s17 =	sadd.s32 $0x8400, s13  }
.LBB1_3:
0x21: {  	s19 =	sshll.u32 s18, $0x2  }
0x22: {  	s19 =	sshrl.u32 s19, $0x2  }
0x23: {  	v0 =	vmov s19;
	_ =	sdelay $0x2  }
0x24: {  	p0 =	por p1, p1;
	p1 =	por $0x0, $0x0;
	s20 =	simm.s32 $0x0  }
0x25: {  	s21 =	smov.u32 s13;
	s22 =	simm.s32 $0x0;
	s19 =	smov.u32 s16  }
.LBB1_4:
0x26: {  	_ =	sdelay $0x3  }
0x27: {  	v2 =	vld.idx.msk [tilespmem:v0+s21+$0x10 ss:$0x1], $0xffff  }
0x28: {  	v3 =	vld.idx.msk [tilespmem:v0+s21+$0x270 ss:$0x1], $0xffff  }
0x29: {  	s23 =	sshll.u32 s22, $0xA;
	v5 =	vld.idx.msk [tilespmem:v0+s21+$0x20 ss:$0x1], $0xffff  }
0x2a: {  	v8 =	vld.idx.msk [tilespmem:v0+s21+$0x30 ss:$0x1], $0xffff;
	s23 =	sadd.s32 s18, s23  }
0x2b: {  	v9 =	vld.idx.msk [tilespmem:v0+s21+$0x40 ss:$0x1], $0xffff;
	v1 =	vmov s23  }
0x2c: {  	s30 =	simm.s32 $0x0;
	v10 =	vld.idx.msk [tilespmem:v0+s21+$0x50 ss:$0x1], $0xffff  }
0x2d: {  	v11 =	vld.idx.msk [tilespmem:v0+s21+$0x60 ss:$0x1], $0xffff;
	s24 =	sand.u32 $0x100, s30  }
0x2e: {  	v12 =	vld.idx.msk [tilespmem:v0+s21+$0x70 ss:$0x1], $0xffff;
	s23 =	sand.u32 $0x80, s30;
	s24 =	sadd.s32 s24, s15;
	[tilespmem:v0+s19+$0x470 ss:$0x1] =	vst.idx.msk $0xffff, v3  }
0x2f: {  	v7 =	vld.idx.msk [tilespmem:v0+s21+$0x210 ss:$0x1], $0xffff;
	s23 =	sadd.s32 s23, s24;
	s24 =	simm.s32 $0x1;
	[tilespmem:v0+s19+$0x10 ss:$0x1] =	vst.idx.msk $0xffff, v2  }
0x30: {  	s31 =	sshll.u32 s20, $0x2;
	s24 =	simm.s32 @!p1 $0x0;
	[tilespmem:v0+s19+$0x20 ss:$0x1] =	vst.idx.msk $0xffff, v5;
	v4 =	vld.idx.msk [tilespmem:v1+s23+$0x200 ss:$0x1], $0xffff  }
0x31: {  	v6 =	vld.idx.msk [tilespmem:v0+s21+$0x220 ss:$0x1], $0xffff;
	s24 =	sshll.u32 s24, $0x9;
	[tilespmem:v0+s19+$0x30 ss:$0x1] =	vst.idx.msk $0xffff, v8;
	s23 =	sand.u32 $0xFFFFFC00, s31  }
0x32: {  	v3 =	vld.idx.msk [tilespmem:v0+s21+$0x230 ss:$0x1], $0xffff;
	[tilespmem:v0+s19+$0x40 ss:$0x1] =	vst.idx.msk $0xffff, v9;
	s23 =	sor.u32 s24, s23  }
0x33: {  	[tilespmem:v0+s19+$0x50 ss:$0x1] =	vst.idx.msk $0xffff, v10;
	v5 =	vld.idx.msk [tilespmem:v0+s21+$0x250 ss:$0x1], $0xffff;
	s23 =	sshrl.u32 s23, $0x2  }
0x34: {  	[tilespmem:v0+s19+$0x60 ss:$0x1] =	vst.idx.msk $0xffff, v11;
	v2 =	vld.idx.msk [tilespmem:v0+s21+$0x260 ss:$0x1], $0xffff;
	s23 =	sadd.s32 s23, s17  }
0x35: {  	s27 =	simm.s32 $0x80;
	s26 =	simm.s32 $0x100;
	[tilespmem:v0+s23+$0x0 ss:$0x1] =	vst.idx.msk $0xffff, v4;
	v4 =	vld.idx.msk [tilespmem:v0+s21+$0x240 ss:$0x1], $0xffff  }
0x36: {  	s25 =	smov.u32 s19;
	s28 =	sand.u32 $0x100, s27;
	v8 =	vld.idx.msk [tilespmem:v0+s21+$0x0 ss:$0x1], $0xffff;
	[tilespmem:v0+s19+$0x70 ss:$0x1] =	vst.idx.msk $0xffff, v12;
	s24 =	sadd.s32 $0x80, s21  }
.LBB1_5:
0x37: {  	p2 =	sne.s32 s26, $0x180;
	v9 =	vld.idx.msk [tilespmem:v0+s24+$0x10 ss:$0x1], $0xffff;
	s27 =	sand.u32 $0x80, s27;
	s28 =	sadd.s32 s28, s15;
	[tilespmem:v0+s25+$0x410 ss:$0x1] =	vst.idx.msk $0xffff, v7  }
0x38: {  	s28 =	sadd.s32 s27, s28;
	v7 =	vld.idx.msk [tilespmem:v0+s24+$0x270 ss:$0x1], $0xffff;
	[tilespmem:v0+s25+$0x420 ss:$0x1] =	vst.idx.msk $0xffff, v6;
	s27 =	smov.u32 s26  }
0x39: {  	v6 =	vld.idx.msk [tilespmem:v1+s28+$0x200 ss:$0x1], $0xffff;
	[tilespmem:v0+s25+$0x430 ss:$0x1] =	vst.idx.msk $0xffff, v3  }
0x3a: {  	v3 =	vld.idx.msk [tilespmem:v0+s24+$0x20 ss:$0x1], $0xffff;
	[tilespmem:v0+s25+$0x440 ss:$0x1] =	vst.idx.msk $0xffff, v4  }
0x3b: {  	v4 =	vld.idx.msk [tilespmem:v0+s24+$0x30 ss:$0x1], $0xffff;
	[tilespmem:v0+s25+$0x450 ss:$0x1] =	vst.idx.msk $0xffff, v5  }
0x3c: {  	v5 =	vld.idx.msk [tilespmem:v0+s24+$0x40 ss:$0x1], $0xffff;
	[tilespmem:v0+s25+$0x0 ss:$0x1] =	vst.idx.msk $0xffff, v8  }
0x3d: {  	v8 =	vld.idx.msk [tilespmem:v0+s24+$0x50 ss:$0x1], $0xffff;
	[tilespmem:v0+s25+$0x460 ss:$0x1] =	vst.idx.msk $0xffff, v2;
	s25 =	sadd.s32 $0x800, s25  }
0x3e: {  	s23 =	sadd.s32 $0x800, s23;
	v2 =	vld.idx.msk [tilespmem:v0+s24+$0x60 ss:$0x1], $0xffff;
	[tilespmem:v0+s25+$0x470 ss:$0x1] =	vst.idx.msk $0xffff, v7  }
0x3f: {  	v10 =	vld.idx.msk [tilespmem:v0+s24+$0x70 ss:$0x1], $0xffff;
	[tilespmem:v0+s23+$0x0 ss:$0x1] =	vst.idx.msk $0xffff, v6  }
0x40: {  	[tilespmem:v0+s25+$0x10 ss:$0x1] =	vst.idx.msk $0xffff, v9;
	v7 =	vld.idx.msk [tilespmem:v0+s24+$0x210 ss:$0x1], $0xffff  }
0x41: {  	[tilespmem:v0+s25+$0x20 ss:$0x1] =	vst.idx.msk $0xffff, v3;
	v6 =	vld.idx.msk [tilespmem:v0+s24+$0x220 ss:$0x1], $0xffff  }
.Ltmp3:
0x42: {  	[tilespmem:v0+s25+$0x30 ss:$0x1] =	vst.idx.msk $0xffff, v4;
	v3 =	vld.idx.msk [tilespmem:v0+s24+$0x230 ss:$0x1], $0xffff;
	(pc) =	sbr.rel @p2 .LBB1_5-.Ltmp3, $4  }
0x43: {  	[tilespmem:v0+s25+$0x40 ss:$0x1] =	vst.idx.msk $0xffff, v5;
	v4 =	vld.idx.msk [tilespmem:v0+s24+$0x240 ss:$0x1], $0xffff  }
0x44: {  	[tilespmem:v0+s25+$0x50 ss:$0x1] =	vst.idx.msk $0xffff, v8;
	v5 =	vld.idx.msk [tilespmem:v0+s24+$0x250 ss:$0x1], $0xffff  }
0x45: {  	[tilespmem:v0+s25+$0x60 ss:$0x1] =	vst.idx.msk $0xffff, v2;
	v2 =	vld.idx.msk [tilespmem:v0+s24+$0x260 ss:$0x1], $0xffff  }
0x46: {  	s26 =	sadd.s32 $0x80, s26;
	s28 =	sand.u32 $0x100, s27;
	v8 =	vld.idx.msk [tilespmem:v0+s24+$0x0 ss:$0x1], $0xffff;
	[tilespmem:v0+s25+$0x70 ss:$0x1] =	vst.idx.msk $0xffff, v10;
	s24 =	sadd.s32 $0x80, s24  }
0x47: {  	_ =	sdelay $0x3  }
0x48: {  	[tilespmem:v0+s25+$0x410 ss:$0x1] =	vst.idx.msk $0xffff, v7  }
0x49: {  	[tilespmem:v0+s25+$0x420 ss:$0x1] =	vst.idx.msk $0xffff, v6  }
0x4a: {  	v56 =	vld.idx.msk [tilespmem:v0+s24+$0x270 ss:$0x1], $0xffff;
	[tilespmem:v0+s25+$0x430 ss:$0x1] =	vst.idx.msk $0xffff, v3  }
0x4b: {  	v3 =	vld.idx.msk [tilespmem:v0+s24+$0x10 ss:$0x1], $0xffff;
	[tilespmem:v0+s25+$0x440 ss:$0x1] =	vst.idx.msk $0xffff, v4  }
0x4c: {  	v57 =	vld.idx.msk [tilespmem:v0+s24+$0x20 ss:$0x1], $0xffff;
	[tilespmem:v0+s25+$0x450 ss:$0x1] =	vst.idx.msk $0xffff, v5  }
0x4d: {  	s26 =	sand.u32 $0x80, s27;
	s30 =	sadd.s32 s28, s15;
	v58 =	vld.idx.msk [tilespmem:v0+s24+$0x30 ss:$0x1], $0xffff;
	[tilespmem:v0+s25+$0x460 ss:$0x1] =	vst.idx.msk $0xffff, v2  }
0x4e: {  	s31 =	sadd.s32 $0x800, s25;
	v59 =	vld.idx.msk [tilespmem:v0+s24+$0x50 ss:$0x1], $0xffff;
	s26 =	sadd.s32 s26, s30;
	[tilespmem:v0+s25+$0x0 ss:$0x1] =	vst.idx.msk $0xffff, v8  }
0x4f: {  	v1 =	vld.idx.msk [tilespmem:v1+s26+$0x200 ss:$0x1], $0xffff;
	[tilespmem:v0+s31+$0x470 ss:$0x1] =	vst.idx.msk $0xffff, v56  }
0x50: {  	v60 =	vld.idx.msk [tilespmem:v0+s24+$0x210 ss:$0x1], $0xffff;
	[tilespmem:v0+s31+$0x10 ss:$0x1] =	vst.idx.msk $0xffff, v3  }
0x51: {  	v61 =	vld.idx.msk [tilespmem:v0+s24+$0x220 ss:$0x1], $0xffff;
	[tilespmem:v0+s31+$0x20 ss:$0x1] =	vst.idx.msk $0xffff, v57  }
0x52: {  	v2 =	vld.idx.msk [tilespmem:v0+s24+$0x40 ss:$0x1], $0xffff;
	[tilespmem:v0+s31+$0x30 ss:$0x1] =	vst.idx.msk $0xffff, v58  }
0x53: {  	s23 =	sadd.s32 $0x800, s23;
	v3 =	vld.idx.msk [tilespmem:v0+s24+$0x70 ss:$0x1], $0xffff;
	[tilespmem:v0+s31+$0x50 ss:$0x1] =	vst.idx.msk $0xffff, v59  }
0x54: {  	[tilespmem:v0+s23+$0x0 ss:$0x1] =	vst.idx.msk $0xffff, v1;
	v1 =	vld.idx.msk [tilespmem:v0+s24+$0x60 ss:$0x1], $0xffff  }
0x55: {  	v62 =	vld.idx.msk [tilespmem:v0+s24+$0x240 ss:$0x1], $0xffff;
	[tilespmem:v0+s31+$0x410 ss:$0x1] =	vst.idx.msk $0xffff, v60  }
0x56: {  	v63 =	vld.idx.msk [tilespmem:v0+s24+$0x260 ss:$0x1], $0xffff;
	[tilespmem:v0+s31+$0x420 ss:$0x1] =	vst.idx.msk $0xffff, v61  }
0x57: {  	[tilespmem:v0+s31+$0x40 ss:$0x1] =	vst.idx.msk $0xffff, v2;
	v2 =	vld.idx.msk [tilespmem:v0+s24+$0x230 ss:$0x1], $0xffff  }
0x58: {  	s22 =	sadd.s32 $0x1, s22;
	[tilespmem:v0+s31+$0x70 ss:$0x1] =	vst.idx.msk $0xffff, v3;
	v3 =	vld.idx.msk [tilespmem:v0+s24+$0x0 ss:$0x1], $0xffff  }
0x59: {  	p2 =	sne.s32 s22, $0x8;
	[tilespmem:v0+s31+$0x60 ss:$0x1] =	vst.idx.msk $0xffff, v1;
	v1 =	vld.idx.msk [tilespmem:v0+s24+$0x250 ss:$0x1], $0xffff  }
.Ltmp4:
0x5a: {  	[tilespmem:v0+s31+$0x440 ss:$0x1] =	vst.idx.msk $0xffff, v62;
	(pc) =	sbr.rel @p2 .LBB1_4-.Ltmp4, $4  }
0x5b: {  	[tilespmem:v0+s31+$0x460 ss:$0x1] =	vst.idx.msk $0xffff, v63  }
0x5c: {  	[tilespmem:v0+s31+$0x430 ss:$0x1] =	vst.idx.msk $0xffff, v2  }
0x5d: {  	s21 =	sadd.s32 $0x400, s21;
	[tilespmem:v0+s31+$0x0 ss:$0x1] =	vst.idx.msk $0xffff, v3  }
0x5e: {  	s20 =	sadd.s32 $0x80, s20;
	p1 =	por !p1, !p1;
	s19 =	sadd.s32 $0x80, s19;
	[tilespmem:v0+s31+$0x450 ss:$0x1] =	vst.idx.msk $0xffff, v1  }
.Ltmp5:
0x5f: {  	(pc) =	sbr.rel @p0 .LBB1_3-.Ltmp5, $2  }
0x60: {  	_ =	sdelay $0x2  }
0x61: {  	s18 =	simm.s32 $0x2000;
	p1 =	por $0x0, $0x0  }
.Ltmp6:
0x62: {  	(pc) =	sbr.rel .LBB1_9-.Ltmp6, $4  }
0x63: {  	_ = 	snop  }
0x64: {  	s12 =	sshll.u32 s12, $0xA  }
0x65: {  	s12 =	sadd.s32 s4, s12  }
0x66: {  	[hbm4b:s12+s8] =	stream.linear.scatter [tilespmem:s14], [sflag:$0x2], $0x4000, $0x38;
	[tilespmem:$0x10000] =	vst v63  }
.LBB1_10:
0x67: {  	_ =	sfence.sel $0x180000  }
0x68: {  	s2 =	simm.s32 $0x1;
	[bflag:$0x0] =	sbarrier.arrive $0xFFFF  }
0x69: {  	s31 =	simm.s32 $0x2;
	[sflag:s2] =	ssyncpa.u1 $0x1  }
0x6a: {  	[sflag:s31] =	ssyncpa.u1 $0x1  }
0x6b: {  	p0 =	sne.s32 s0, $0x0;
	_ =	strace $0x90000056  }
0x6c: {  	s0 =	sadd.s32 @!p0 $0x100000, s1;
	[bflag:$0x2] =	sbarrier.arrive $0xFFFF  }
0x6d: {  	[sflag:s0] =	ssyncadd.tile.s32 @!p0 $0x1;
	_ =	shalt  }
.Lfunc_end1:
_tile_overlayer_lowered:
.L_overlay_start_2:
0x6e: {  	(tag) =	ssettag $0x2  }
0x6f: {  	s0 =	rddreg [dreg:$0x0];
	s2 =	stileid.u32  }
0x70: {  	s1 =	rddreg [dreg:$0x1];
	p0 =	sne.s32 s2, $0x0  }
0x71: {  	s3 =	rddreg [dreg:$0x2];
	[bflag:$0x3] =	sbarrier.arrive $0xFFFF;
	s2 =	simm.s32 @!p0 $0x1C01  }
0x72: {  	[timem:s3], [sflag:s2] =	dma.local @!p0 [hbm:s0], s1  }
0x73: {  	s0 =	simm.s32 @!p0 $0x1  }
0x74: {  	_ =	swait.ge @!p0 [sflag:s0], s1  }
0x75: {  	s1 =	ssub.s32 @!p0 $0x0, s1;
	[sflag:s0] =	ssyncset.done @!p0 $0x0  }
0x76: {  	[sflag:s0] =	ssyncadd.s32 @!p0 s1  }
0x77: {  	[bflag:$0x3] =	sbarrier.arrive $0xFFFF  }
0x78: {  	_ =	shalt  }

</sc_bundles>
